<compile_context>
chip_gen: v7x
topology: tpu7x:2x2x1
jax: 0.10.2.dev20260603
libtpu: 0.0.44.dev20260713+nightly
codegen_flags: <defaults>
</compile_context>

<pallas_src>
import functools

import jax
import jax.numpy as jnp
from jax import lax
from jax.experimental import pallas as pl
from jax.experimental.pallas import tpu as pltpu
from jax.experimental.pallas import tpu_sc as plsc

N = 10000
D = 128
K = 5000
NPAD = 10240
KPAD = 5120
KCOL = 5008
IB = 1024
NB = NPAD // IB
RBK = KPAD // IB

RB = 4
NBATCH = K // RB
NW = 32
NT = -(-NBATCH // NW)
NREM = NBATCH - (NT - 1) * NW
CCHUNKS = KCOL // 16


def _rank_body(srow_ref, scol_ref, out_ref):
    for ib in range(NB):
        s_i = scol_ref[pl.ds(ib * IB, IB), :]
        acc = jnp.zeros((IB, 1), jnp.float32)
        for jb in range(NB):
            s_j = srow_ref[:, pl.ds(jb * IB, IB)]
            if jb < ib:
                beats = s_j >= s_i
            elif jb > ib:
                beats = s_j > s_i
            else:
                ii = ib * IB + lax.broadcasted_iota(jnp.int32, (IB, 1), 0)
                jj = jb * IB + lax.broadcasted_iota(jnp.int32, (1, IB), 1)
                beats = (s_j > s_i) | ((s_j == s_i) & (jj < ii))
            acc = acc + jnp.sum(beats.astype(jnp.float32), axis=1, keepdims=True)
        out_ref[pl.ds(ib * IB, IB), :] = acc


def _extract_body(rcol_ref, scol_ref, idx_ref, val_ref):
    rb = pl.program_id(0)
    rr = (rb * IB + lax.broadcasted_iota(jnp.int32, (1, IB), 1)).astype(jnp.float32)
    iacc = jnp.zeros((1, IB), jnp.float32)
    vacc = jnp.zeros((1, IB), jnp.float32)
    for jb in range(NB):
        ranks = rcol_ref[pl.ds(jb * IB, IB), :]
        svals = scol_ref[pl.ds(jb * IB, IB), :]
        ii = (jb * IB + lax.broadcasted_iota(jnp.int32, (IB, 1), 0)).astype(jnp.float32)
        m = ranks == rr
        iacc = iacc + jnp.sum(jnp.where(m, ii, 0.0), axis=0, keepdims=True)
        vacc = vacc + jnp.sum(jnp.where(m, svals, 0.0), axis=0, keepdims=True)
    idx_ref[:, pl.ds(rb * IB, IB)] = iacc.astype(jnp.int32)
    val_ref[:, pl.ds(rb * IB, IB)] = vacc


def _topk_pallas(s_pad):
    s_row = s_pad.reshape(1, NPAD)
    s_col = s_pad.reshape(NPAD, 1)
    whole = lambda shape: pl.BlockSpec(shape, lambda i: (0,) * len(shape))
    ranks_col = pl.pallas_call(
        _rank_body,
        grid=(1,),
        in_specs=[whole((1, NPAD)), whole((NPAD, 1))],
        out_specs=whole((NPAD, 1)),
        out_shape=jax.ShapeDtypeStruct((NPAD, 1), jnp.float32),
    )(s_row, s_col)
    idx_row, val_row = pl.pallas_call(
        _extract_body,
        grid=(RBK,),
        in_specs=[whole((NPAD, 1)), whole((NPAD, 1))],
        out_specs=[whole((1, KPAD)), whole((1, KPAD))],
        out_shape=[
            jax.ShapeDtypeStruct((1, KPAD), jnp.int32),
            jax.ShapeDtypeStruct((1, KPAD), jnp.float32),
        ],
    )(ranks_col, s_col)
    return idx_row.reshape(KPAD), val_row.reshape(KPAD)


def _sc_gather_body(a_hbm, x_hbm, colidx_hbm, idx8_hbm, vals16_hbm,
                    a2_hbm, newx_hbm,
                    row0, row1, xb0, xb1, out_buf, colidx, myidx,
                    vvals, newx_buf, sem_a, sem_x):
    w = lax.axis_index("s") * 2 + lax.axis_index("c")
    nt = jnp.where(w < NREM, NT, NT - 1)
    pltpu.sync_copy(colidx_hbm, colidx)
    pltpu.sync_copy(idx8_hbm.at[w], myidx)
    pltpu.sync_copy(vals16_hbm.at[w], vvals)

    def ridx(t):
        return myidx.at[pl.ds(pl.multiple_of(t * 8, 8), RB)]

    def start_batch(t, rows_dst, xb_dst):
        pltpu.async_copy(a_hbm.at[ridx(t)], rows_dst, sem_a)
        pltpu.async_copy(x_hbm.at[ridx(t)], xb_dst, sem_x)

    def wait_batch(t, rows_dst, xb_dst):
        pltpu.make_async_copy(a_hbm.at[ridx(t)], rows_dst, sem_a).wait()
        pltpu.make_async_copy(x_hbm.at[ridx(t)], xb_dst, sem_x).wait()

    start_batch(0, row0, xb0)

    def outer(tt, carry):
        for b in range(2):
            t = 2 * tt + b
            rows, xb = (row0, xb0) if b == 0 else (row1, xb1)
            rows_n, xb_n = (row1, xb1) if b == 0 else (row0, xb0)

            @pl.when(t < nt)
            def _step():
                wait_batch(t, rows, xb)

                @pl.when(t + 1 < nt)
                def _start_next():
                    start_batch(t + 1, rows_n, xb_n)

                for r in range(RB):
                    rsplat = jnp.full((16,), r, jnp.int32)

                    @plsc.parallel_loop(0, CCHUNKS, 1, unroll=8)
                    def col(cc):
                        off = pl.multiple_of(cc * 16, 16)
                        cv = colidx[pl.ds(off, 16)]
                        out_buf[pl.ds(r * KCOL + off, 16)] = plsc.load_gather(
                            rows, [rsplat, cv])
                    voff = pl.multiple_of((t * RB + r) * 16, 16)
                    vv = vvals[pl.ds(voff, 16)]
                    for ch in range(D // 16):
                        newx_buf[pl.ds(r * D + ch * 16, 16)] = (
                            xb[r, pl.ds(ch * 16, 16)] * vv)

                base = RB * (w + NW * t)
                for r in range(RB):
                    pltpu.sync_copy(out_buf.at[pl.ds(r * KCOL, K)],
                                    a2_hbm.at[base + r])
                    pltpu.sync_copy(newx_buf.at[pl.ds(r * D, D)],
                                    newx_hbm.at[base + r])

        return carry

    lax.fori_loop(0, NT // 2, outer, 0)


@functools.cache
def _sc_gather_kernel():
    return functools.partial(
        pl.kernel,
        mesh=plsc.VectorSubcoreMesh(core_axis_name="c", subcore_axis_name="s"),
        compiler_params=pltpu.CompilerParams(
            needs_layout_passes=False, use_tc_tiling_on_sc=False),
        out_type=[
            jax.ShapeDtypeStruct((K, K), jnp.float32),
            jax.ShapeDtypeStruct((K, D), jnp.float32),
        ],
        scratch_types=[
            pltpu.VMEM((RB, N), jnp.float32),
            pltpu.VMEM((RB, N), jnp.float32),
            pltpu.VMEM((RB, D), jnp.float32),
            pltpu.VMEM((RB, D), jnp.float32),
            pltpu.VMEM((RB * KCOL,), jnp.float32),
            pltpu.VMEM((KCOL,), jnp.int32),
            pltpu.VMEM((NT * 8,), jnp.int32),
            pltpu.VMEM((NT * RB * 16,), jnp.float32),
            pltpu.VMEM((RB * D,), jnp.float32),
            pltpu.SemaphoreType.DMA,
            pltpu.SemaphoreType.DMA,
        ],
    )(_sc_gather_body)


def kernel(A, X, W):
    scores = X @ W.T
    w_norm = jnp.linalg.norm(W, ord=2, axis=-1)
    scores = scores / w_norm
    scores = jnp.squeeze(scores)
    scores = jax.nn.sigmoid(scores)

    s_pad = jnp.concatenate([scores, jnp.full((NPAD - N,), -1.0, jnp.float32)])
    idx_pad, vals_pad = _topk_pallas(s_pad)
    idx = idx_pad[:K]
    values = vals_pad[:K]

    colidx = idx_pad[:KCOL]
    idx_b = jnp.pad(idx.reshape(NBATCH, RB), ((0, NT * NW - NBATCH), (0, 0)))
    idx4 = idx_b.reshape(NT, NW, RB).transpose(1, 0, 2)
    idx8 = jnp.pad(idx4, ((0, 0), (0, 0), (0, 8 - RB))).reshape(NW, NT * 8)
    vals_b = jnp.pad(values.reshape(NBATCH, RB), ((0, NT * NW - NBATCH), (0, 0)))
    vals16 = jnp.broadcast_to(
        vals_b.reshape(NT, NW, RB).transpose(1, 0, 2)[..., None], (NW, NT, RB, 16)
    ).reshape(NW, NT * RB * 16)

    A2, new_X = _sc_gather_kernel()(A, X, colidx, idx8, vals16)
    return (A2, new_X, idx, scores, W)

# --- scband reference (transcript-rebuilt; emitter-appended) ---
"""Pipeline reference for scband-graph-pool-10110353015351 (READ-ONLY COPY).

The authoritative reference and input builder live on the scoring server;
editing this copy changes nothing except your own understanding.
"""

import jax, jax.numpy as jnp
import numpy as np

K_RATIO = 0.5
IN_DIM = 128
N_NODES = 10000

def setup_inputs(seed: int = 0) -> dict:
    key = jax.random.key(seed)
    kA, kX, kW = jax.random.split(key, 3)
    A = jax.random.uniform(kA, (N_NODES, N_NODES), dtype=jnp.float32)
    X = jax.random.normal(kX, (N_NODES, IN_DIM), dtype=jnp.float32)
    bound = 1.0 / np.sqrt(IN_DIM)
    W = jax.random.uniform(kW, (1, IN_DIM), minval=-bound, maxval=bound, dtype=jnp.float32)
    return {"A": A, "X": X, "W": W}

def reference(A, X, W):
    # scores = Linear(in_dim -> 1, no bias)
    scores = X @ W.T  # [N, 1]
    w_norm = jnp.linalg.norm(W, ord=2, axis=-1)  # [1]
    scores = scores / w_norm
    scores = jnp.squeeze(scores)  # [N]
    scores = jax.nn.sigmoid(scores)
    num_nodes = A.shape[0]
    k = int(K_RATIO * num_nodes)
    values, idx = jax.lax.top_k(scores, k)
    new_X = X[idx, :]
    values = values[:, None]
    new_X = new_X * values
    A2 = A[idx, :]
    A2 = A2[:, idx]
    return (A2, new_X, idx, scores, W)

if __name__ == "__main__":
    import jax
    _d = setup_inputs()
    print(jax.jit(kernel)(*tuple(_d.values())))

</pallas_src>

<mosaic_0001>
#map = affine_map<(d0, d1) -> (0, 0)>
#map1 = affine_map<(d0, d1) -> (0)>
module attributes {stable_mosaic.version = 14 : i64} {
  func.func @_sc_gather_body(%arg0: i32, %arg1: i32, %arg2: memref<10000x10000xf32, #tpu.memory_space<hbm>>, %arg3: memref<10000x128xf32, #tpu.memory_space<hbm>>, %arg4: memref<5008xi32, #tpu.memory_space<hbm>>, %arg5: memref<32x320xi32, #tpu.memory_space<hbm>>, %arg6: memref<32x2560xf32, #tpu.memory_space<hbm>>, %arg7: memref<5000x5000xf32, #tpu.memory_space<hbm>>, %arg8: memref<5000x128xf32, #tpu.memory_space<hbm>>, %arg9: memref<4x10000xf32, #tpu.memory_space<vmem>>, %arg10: memref<4x10000xf32, #tpu.memory_space<vmem>>, %arg11: memref<4x128xf32, #tpu.memory_space<vmem>>, %arg12: memref<4x128xf32, #tpu.memory_space<vmem>>, %arg13: memref<20032xf32, #tpu.memory_space<vmem>>, %arg14: memref<5008xi32, #tpu.memory_space<vmem>>, %arg15: memref<320xi32, #tpu.memory_space<vmem>>, %arg16: memref<2560xf32, #tpu.memory_space<vmem>>, %arg17: memref<512xf32, #tpu.memory_space<vmem>>, %arg18: memref<!tpu.dma_semaphore, #tpu.memory_space<semaphore_mem>>, %arg19: memref<!tpu.dma_semaphore, #tpu.memory_space<semaphore_mem>>) attributes {dimension_semantics = [#tpu.dimension_semantics<core_parallel>, #tpu.dimension_semantics<subcore_parallel>], iteration_bounds = array<i64: 2, 16>, scalar_prefetch = 0 : i64, scratch_operands = 11 : i64, tpu.core_type = #tpu.core_type<sc_vector_subcore>, window_params = [{transform_indices = #map}, {transform_indices = #map}, {transform_indices = #map1}, {transform_indices = #map}, {transform_indices = #map}, {transform_indices = #map}, {transform_indices = #map}]} {
    %mul3A = arith.constant 2 : i32
    %mul3A_0 = arith.muli %arg1, %mul3A : i32
    %add3A = arith.addi %mul3A_0, %arg0 : i32
    %lt3A = arith.constant 2 : i32
    %lt3A_1 = arith.cmpi slt, %add3A, %lt3A : i32
    %jit3A = arith.constant 40 : i32
    %jit3A_2 = arith.constant 39 : i32
    %select_n3A = arith.select %lt3A_1, %jit3A, %jit3A_2 : i32
    "tpu.region"() ({
      %run_scoped3A = tpu.sem_alloc : memref<!tpu.dma_semaphore, #tpu.memory_space<semaphore_mem>>
      tpu.enqueue_dma source(%arg4 : memref<5008xi32, #tpu.memory_space<hbm>>) target(%arg14 : memref<5008xi32, #tpu.memory_space<vmem>>) target_semaphore(%run_scoped3A : memref<!tpu.dma_semaphore, #tpu.memory_space<semaphore_mem>>)
      tpu.wait_dma2 semaphore(%run_scoped3A : memref<!tpu.dma_semaphore, #tpu.memory_space<semaphore_mem>>) src(%arg4 : memref<5008xi32, #tpu.memory_space<hbm>>) dst(%arg14 : memref<5008xi32, #tpu.memory_space<vmem>>)
      tpu.yield
    }) : () -> ()
    "tpu.region"() ({
      %run_scoped3A = tpu.sem_alloc : memref<!tpu.dma_semaphore, #tpu.memory_space<semaphore_mem>>
      %dma_start3A_18 = arith.constant 0 : i32
      %dma_start3A_19 = tpu.memref_slice %arg5[%add3A, %dma_start3A_18] : memref<32x320xi32, #tpu.memory_space<hbm>> -> memref<1x320xi32, #tpu.memory_space<hbm>>
      %dma_start3A_20 = tpu.memref_squeeze %dma_start3A_19 : memref<1x320xi32, #tpu.memory_space<hbm>> -> memref<320xi32, #tpu.memory_space<hbm>>
      %dma_start3A_21 = arith.constant 0 : i32
      %dma_start3A_22 = tpu.memref_slice %arg5[%add3A, %dma_start3A_21] : memref<32x320xi32, #tpu.memory_space<hbm>> -> memref<1x320xi32, #tpu.memory_space<hbm>>
      %dma_start3A_23 = tpu.memref_squeeze %dma_start3A_22 : memref<1x320xi32, #tpu.memory_space<hbm>> -> memref<320xi32, #tpu.memory_space<hbm>>
      tpu.enqueue_dma source(%dma_start3A_23 : memref<320xi32, #tpu.memory_space<hbm>>) target(%arg15 : memref<320xi32, #tpu.memory_space<vmem>>) target_semaphore(%run_scoped3A : memref<!tpu.dma_semaphore, #tpu.memory_space<semaphore_mem>>)
      %dma_wait3A = arith.constant 0 : i32
      %dma_wait3A_24 = tpu.memref_slice %arg5[%add3A, %dma_wait3A] : memref<32x320xi32, #tpu.memory_space<hbm>> -> memref<1x320xi32, #tpu.memory_space<hbm>>
      %dma_wait3A_25 = tpu.memref_squeeze %dma_wait3A_24 : memref<1x320xi32, #tpu.memory_space<hbm>> -> memref<320xi32, #tpu.memory_space<hbm>>
      %dma_wait3A_26 = arith.constant 0 : i32
      %dma_wait3A_27 = tpu.memref_slice %arg5[%add3A, %dma_wait3A_26] : memref<32x320xi32, #tpu.memory_space<hbm>> -> memref<1x320xi32, #tpu.memory_space<hbm>>
      %dma_wait3A_28 = tpu.memref_squeeze %dma_wait3A_27 : memref<1x320xi32, #tpu.memory_space<hbm>> -> memref<320xi32, #tpu.memory_space<hbm>>
      tpu.wait_dma2 semaphore(%run_scoped3A : memref<!tpu.dma_semaphore, #tpu.memory_space<semaphore_mem>>) src(%dma_wait3A_28 : memref<320xi32, #tpu.memory_space<hbm>>) dst(%arg15 : memref<320xi32, #tpu.memory_space<vmem>>)
      tpu.yield
    }) : () -> ()
    "tpu.region"() ({
      %run_scoped3A = tpu.sem_alloc : memref<!tpu.dma_semaphore, #tpu.memory_space<semaphore_mem>>
      %dma_start3A_18 = arith.constant 0 : i32
      %dma_start3A_19 = tpu.memref_slice %arg6[%add3A, %dma_start3A_18] : memref<32x2560xf32, #tpu.memory_space<hbm>> -> memref<1x2560xf32, #tpu.memory_space<hbm>>
      %dma_start3A_20 = tpu.memref_squeeze %dma_start3A_19 : memref<1x2560xf32, #tpu.memory_space<hbm>> -> memref<2560xf32, #tpu.memory_space<hbm>>
      %dma_start3A_21 = arith.constant 0 : i32
      %dma_start3A_22 = tpu.memref_slice %arg6[%add3A, %dma_start3A_21] : memref<32x2560xf32, #tpu.memory_space<hbm>> -> memref<1x2560xf32, #tpu.memory_space<hbm>>
      %dma_start3A_23 = tpu.memref_squeeze %dma_start3A_22 : memref<1x2560xf32, #tpu.memory_space<hbm>> -> memref<2560xf32, #tpu.memory_space<hbm>>
      tpu.enqueue_dma source(%dma_start3A_23 : memref<2560xf32, #tpu.memory_space<hbm>>) target(%arg16 : memref<2560xf32, #tpu.memory_space<vmem>>) target_semaphore(%run_scoped3A : memref<!tpu.dma_semaphore, #tpu.memory_space<semaphore_mem>>)
      %dma_wait3A = arith.constant 0 : i32
      %dma_wait3A_24 = tpu.memref_slice %arg6[%add3A, %dma_wait3A] : memref<32x2560xf32, #tpu.memory_space<hbm>> -> memref<1x2560xf32, #tpu.memory_space<hbm>>
      %dma_wait3A_25 = tpu.memref_squeeze %dma_wait3A_24 : memref<1x2560xf32, #tpu.memory_space<hbm>> -> memref<2560xf32, #tpu.memory_space<hbm>>
      %dma_wait3A_26 = arith.constant 0 : i32
      %dma_wait3A_27 = tpu.memref_slice %arg6[%add3A, %dma_wait3A_26] : memref<32x2560xf32, #tpu.memory_space<hbm>> -> memref<1x2560xf32, #tpu.memory_space<hbm>>
      %dma_wait3A_28 = tpu.memref_squeeze %dma_wait3A_27 : memref<1x2560xf32, #tpu.memory_space<hbm>> -> memref<2560xf32, #tpu.memory_space<hbm>>
      tpu.wait_dma2 semaphore(%run_scoped3A : memref<!tpu.dma_semaphore, #tpu.memory_space<semaphore_mem>>) src(%dma_wait3A_28 : memref<2560xf32, #tpu.memory_space<hbm>>) dst(%arg16 : memref<2560xf32, #tpu.memory_space<vmem>>)
      tpu.yield
    }) : () -> ()
    %multiple_of3A = arith.constant 0 : i32
    %multiple_of3A_3 = tpu.assume_multiple %multiple_of3A, 8 : i32
    %dma_start3A = tpu.memref_slice %arg15[%multiple_of3A_3] : memref<320xi32, #tpu.memory_space<vmem>> -> memref<4xi32, #tpu.memory_space<vmem>>
    %dma_start3A_4 = arith.constant 0 : i32
    %dma_start3A_5 = arith.constant 0 : i32
    %dma_start3A_6 = tpu.memref_slice %arg2[%dma_start3A_4, %dma_start3A_5] : memref<10000x10000xf32, #tpu.memory_space<hbm>> -> memref<10000x10000xf32, #tpu.memory_space<hbm>>
    tpu.enqueue_indirect_dma source(%dma_start3A_6 : memref<10000x10000xf32, #tpu.memory_space<hbm>>) target(%arg9 : memref<4x10000xf32, #tpu.memory_space<vmem>>) offsets(%dma_start3A : memref<4xi32, #tpu.memory_space<vmem>>) semaphore(%arg18 : memref<!tpu.dma_semaphore, #tpu.memory_space<semaphore_mem>>)
    %multiple_of3A_7 = arith.constant 0 : i32
    %multiple_of3A_8 = tpu.assume_multiple %multiple_of3A_7, 8 : i32
    %dma_start3A_9 = tpu.memref_slice %arg15[%multiple_of3A_8] : memref<320xi32, #tpu.memory_space<vmem>> -> memref<4xi32, #tpu.memory_space<vmem>>
    %dma_start3A_10 = arith.constant 0 : i32
    %dma_start3A_11 = arith.constant 0 : i32
    %dma_start3A_12 = tpu.memref_slice %arg3[%dma_start3A_10, %dma_start3A_11] : memref<10000x128xf32, #tpu.memory_space<hbm>> -> memref<10000x128xf32, #tpu.memory_space<hbm>>
    tpu.enqueue_indirect_dma source(%dma_start3A_12 : memref<10000x128xf32, #tpu.memory_space<hbm>>) target(%arg11 : memref<4x128xf32, #tpu.memory_space<vmem>>) offsets(%dma_start3A_9 : memref<4xi32, #tpu.memory_space<vmem>>) semaphore(%arg19 : memref<!tpu.dma_semaphore, #tpu.memory_space<semaphore_mem>>)
    %scan3A = arith.constant 0 : i32
    %scan3A_13 = arith.constant 0 : i32
    %scan3A_14 = arith.constant 20 : i32
    %scan3A_15 = arith.addi %scan3A_13, %scan3A_14 : i32
    %scan3A_16 = arith.constant 1 : i32
    scf.for %scan3A_18 = %scan3A_13 to %scan3A_15 step %scan3A_16  : i32 {
      %mul3A_19 = arith.constant 2 : i32
      %mul3A_20 = arith.muli %mul3A_19, %scan3A_18 : i32
      %add3A_21 = arith.constant 0 : i32
      %add3A_22 = arith.addi %mul3A_20, %add3A_21 : i32
      %lt3A_23 = arith.cmpi slt, %add3A_22, %select_n3A : i32
      %convert_element_type3A = arith.extui %lt3A_23 : i1 to i32
      %cond3A = arith.constant 0 : i32
      %cond3A_24 = arith.cmpi ne, %convert_element_type3A, %cond3A : i32
      scf.if %cond3A_24 {
        %mul3A_33 = arith.constant 8 : i32
        %mul3A_34 = arith.muli %add3A_22, %mul3A_33 : i32
        %multiple_of3A_35 = tpu.assume_multiple %mul3A_34, 8 : i32
        %dma_wait3A = tpu.memref_slice %arg15[%multiple_of3A_35] : memref<320xi32, #tpu.memory_space<vmem>> -> memref<4xi32, #tpu.memory_space<vmem>>
        %dma_wait3A_36 = arith.constant 0 : i32
        %dma_wait3A_37 = arith.constant 0 : i32
        %dma_wait3A_38 = tpu.memref_slice %arg2[%dma_wait3A_36, %dma_wait3A_37] : memref<10000x10000xf32, #tpu.memory_space<hbm>> -> memref<10000x10000xf32, #tpu.memory_space<hbm>>
        tpu.wait_indirect_dma semaphore(%arg18 : memref<!tpu.dma_semaphore, #tpu.memory_space<semaphore_mem>>) src(%dma_wait3A_38 : memref<10000x10000xf32, #tpu.memory_space<hbm>>) dst(%arg9 : memref<4x10000xf32, #tpu.memory_space<vmem>>)
        %mul3A_39 = arith.constant 8 : i32
        %mul3A_40 = arith.muli %add3A_22, %mul3A_39 : i32
        %multiple_of3A_41 = tpu.assume_multiple %mul3A_40, 8 : i32
        %dma_wait3A_42 = tpu.memref_slice %arg15[%multiple_of3A_41] : memref<320xi32, #tpu.memory_space<vmem>> -> memref<4xi32, #tpu.memory_space<vmem>>
        %dma_wait3A_43 = arith.constant 0 : i32
        %dma_wait3A_44 = arith.constant 0 : i32
        %dma_wait3A_45 = tpu.memref_slice %arg3[%dma_wait3A_43, %dma_wait3A_44] : memref<10000x128xf32, #tpu.memory_space<hbm>> -> memref<10000x128xf32, #tpu.memory_space<hbm>>
        tpu.wait_indirect_dma semaphore(%arg19 : memref<!tpu.dma_semaphore, #tpu.memory_space<semaphore_mem>>) src(%dma_wait3A_45 : memref<10000x128xf32, #tpu.memory_space<hbm>>) dst(%arg11 : memref<4x128xf32, #tpu.memory_space<vmem>>)
        %add3A_46 = arith.constant 1 : i32
        %add3A_47 = arith.addi %add3A_22, %add3A_46 : i32
        %lt3A_48 = arith.cmpi slt, %add3A_47, %select_n3A : i32
        %convert_element_type3A_49 = arith.extui %lt3A_48 : i1 to i32
        %cond3A_50 = arith.constant 0 : i32
        %cond3A_51 = arith.cmpi ne, %convert_element_type3A_49, %cond3A_50 : i32
        scf.if %cond3A_51 {
          %add3A_349 = arith.constant 1 : i32
          %add3A_350 = arith.addi %add3A_22, %add3A_349 : i32
          %mul3A_351 = arith.constant 8 : i32
          %mul3A_352 = arith.muli %add3A_350, %mul3A_351 : i32
          %multiple_of3A_353 = tpu.assume_multiple %mul3A_352, 8 : i32
          %dma_start3A_354 = tpu.memref_slice %arg15[%multiple_of3A_353] : memref<320xi32, #tpu.memory_space<vmem>> -> memref<4xi32, #tpu.memory_space<vmem>>
          %dma_start3A_355 = arith.constant 0 : i32
          %dma_start3A_356 = arith.constant 0 : i32
          %dma_start3A_357 = tpu.memref_slice %arg2[%dma_start3A_355, %dma_start3A_356] : memref<10000x10000xf32, #tpu.memory_space<hbm>> -> memref<10000x10000xf32, #tpu.memory_space<hbm>>
          tpu.enqueue_indirect_dma source(%dma_start3A_357 : memref<10000x10000xf32, #tpu.memory_space<hbm>>) target(%arg10 : memref<4x10000xf32, #tpu.memory_space<vmem>>) offsets(%dma_start3A_354 : memref<4xi32, #tpu.memory_space<vmem>>) semaphore(%arg18 : memref<!tpu.dma_semaphore, #tpu.memory_space<semaphore_mem>>)
          %mul3A_358 = arith.constant 8 : i32
          %mul3A_359 = arith.muli %add3A_350, %mul3A_358 : i32
          %multiple_of3A_360 = tpu.assume_multiple %mul3A_359, 8 : i32
          %dma_start3A_361 = tpu.memref_slice %arg15[%multiple_of3A_360] : memref<320xi32, #tpu.memory_space<vmem>> -> memref<4xi32, #tpu.memory_space<vmem>>
          %dma_start3A_362 = arith.constant 0 : i32
          %dma_start3A_363 = arith.constant 0 : i32
          %dma_start3A_364 = tpu.memref_slice %arg3[%dma_start3A_362, %dma_start3A_363] : memref<10000x128xf32, #tpu.memory_space<hbm>> -> memref<10000x128xf32, #tpu.memory_space<hbm>>
          tpu.enqueue_indirect_dma source(%dma_start3A_364 : memref<10000x128xf32, #tpu.memory_space<hbm>>) target(%arg12 : memref<4x128xf32, #tpu.memory_space<vmem>>) offsets(%dma_start3A_361 : memref<4xi32, #tpu.memory_space<vmem>>) semaphore(%arg19 : memref<!tpu.dma_semaphore, #tpu.memory_space<semaphore_mem>>)
        } else {
        }
        %broadcast_in_dim3A = arith.constant 0 : i32
        %broadcast_in_dim3A_52 = vector.broadcast %broadcast_in_dim3A : i32 to vector<16xi32>
        %parallel_loop3A = arith.constant 0 : i32
        %parallel_loop3A_53 = arith.constant 313 : i32
        %parallel_loop3A_54 = arith.constant 1 : i32
        scf.for %parallel_loop3A_349 = %parallel_loop3A to %parallel_loop3A_53 step %parallel_loop3A_54  : i32 {
          %parallel_loop3A_350 = arith.constant 16 : i32
          %parallel_loop3A_351 = arith.muli %parallel_loop3A_349, %parallel_loop3A_350 : i32
          %parallel_loop3A_352 = tpu.assume_multiple %parallel_loop3A_351, 16 : i32
          %parallel_loop3A_353 = arith.index_cast %parallel_loop3A_352 : i32 to index
          %parallel_loop3A_354 = tpu.vector_load %arg14[%parallel_loop3A_353] {strides = array<i32>} : memref<5008xi32, #tpu.memory_space<vmem>>, vector<16xi32>,
          %parallel_loop3A_355 = tpu.vector_load_idx %arg9[%broadcast_in_dim3A_52, %parallel_loop3A_354] : memref<4x10000xf32, #tpu.memory_space<vmem>>[vector<16xi32>, vector<16xi32>], vector<16xf32>,
          %parallel_loop3A_356 = arith.constant 0 : i32
          %parallel_loop3A_357 = arith.addi %parallel_loop3A_356, %parallel_loop3A_352 : i32
          %parallel_loop3A_358 = arith.index_cast %parallel_loop3A_357 : i32 to index
          %parallel_loop3A_359 = tpu.vector_load %arg13[%parallel_loop3A_358] {strides = array<i32>} : memref<20032xf32, #tpu.memory_space<vmem>>, vector<16xf32>,
          tpu.vector_store %arg13[%parallel_loop3A_358], %parallel_loop3A_355 {strides = array<i32>} : memref<20032xf32, #tpu.memory_space<vmem>>, vector<16xf32>,
        } {sc.loop_unroll_factor = 8 : i64, sc.parallel_access}
        %mul3A_55 = arith.constant 4 : i32
        %mul3A_56 = arith.muli %add3A_22, %mul3A_55 : i32
        %add3A_57 = arith.constant 0 : i32
        %add3A_58 = arith.addi %mul3A_56, %add3A_57 : i32
        %mul3A_59 = arith.constant 16 : i32
        %mul3A_60 = arith.muli %add3A_58, %mul3A_59 : i32
        %multiple_of3A_61 = tpu.assume_multiple %mul3A_60, 16 : i32
        %get3A = arith.index_cast %multiple_of3A_61 : i32 to index
        %get3A_62 = tpu.vector_load %arg16[%get3A] {strides = array<i32>} : memref<2560xf32, #tpu.memory_space<vmem>>, vector<16xf32>,
        %get3A_63 = arith.constant 0 : i32
        %get3A_64 = arith.index_cast %get3A_63 : i32 to index
        %get3A_65 = arith.constant 0 : index
        %get3A_66 = tpu.vector_load %arg11[%get3A_64, %get3A_65] {strides = array<i32>} : memref<4x128xf32, #tpu.memory_space<vmem>>, vector<16xf32>,
        %mul3A_67 = arith.mulf %get3A_66, %get3A_62 : vector<16xf32>
        %swap3A = arith.constant 0 : index
        %swap3A_68 = tpu.vector_load %arg17[%swap3A] {strides = array<i32>} : memref<512xf32, #tpu.memory_space<vmem>>, vector<16xf32>,
        tpu.vector_store %arg17[%swap3A], %mul3A_67 {strides = array<i32>} : memref<512xf32, #tpu.memory_space<vmem>>, vector<16xf32>,
        %get3A_69 = arith.constant 0 : i32
        %get3A_70 = arith.index_cast %get3A_69 : i32 to index
        %get3A_71 = arith.constant 16 : index
        %get3A_72 = tpu.vector_load %arg11[%get3A_70, %get3A_71] {strides = array<i32>} : memref<4x128xf32, #tpu.memory_space<vmem>>, vector<16xf32>,
        %mul3A_73 = arith.mulf %get3A_72, %get3A_62 : vector<16xf32>
        %swap3A_74 = arith.constant 16 : index
        %swap3A_75 = tpu.vector_load %arg17[%swap3A_74] {strides = array<i32>} : memref<512xf32, #tpu.memory_space<vmem>>, vector<16xf32>,
        tpu.vector_store %arg17[%swap3A_74], %mul3A_73 {strides = array<i32>} : memref<512xf32, #tpu.memory_space<vmem>>, vector<16xf32>,
        %get3A_76 = arith.constant 0 : i32
        %get3A_77 = arith.index_cast %get3A_76 : i32 to index
        %get3A_78 = arith.constant 32 : index
        %get3A_79 = tpu.vector_load %arg11[%get3A_77, %get3A_78] {strides = array<i32>} : memref<4x128xf32, #tpu.memory_space<vmem>>, vector<16xf32>,
        %mul3A_80 = arith.mulf %get3A_79, %get3A_62 : vector<16xf32>
        %swap3A_81 = arith.constant 32 : index
        %swap3A_82 = tpu.vector_load %arg17[%swap3A_81] {strides = array<i32>} : memref<512xf32, #tpu.memory_space<vmem>>, vector<16xf32>,
        tpu.vector_store %arg17[%swap3A_81], %mul3A_80 {strides = array<i32>} : memref<512xf32, #tpu.memory_space<vmem>>, vector<16xf32>,
        %get3A_83 = arith.constant 0 : i32
        %get3A_84 = arith.index_cast %get3A_83 : i32 to index
        %get3A_85 = arith.constant 48 : index
        %get3A_86 = tpu.vector_load %arg11[%get3A_84, %get3A_85] {strides = array<i32>} : memref<4x128xf32, #tpu.memory_space<vmem>>, vector<16xf32>,
        %mul3A_87 = arith.mulf %get3A_86, %get3A_62 : vector<16xf32>
        %swap3A_88 = arith.constant 48 : index
        %swap3A_89 = tpu.vector_load %arg17[%swap3A_88] {strides = array<i32>} : memref<512xf32, #tpu.memory_space<vmem>>, vector<16xf32>,
        tpu.vector_store %arg17[%swap3A_88], %mul3A_87 {strides = array<i32>} : memref<512xf32, #tpu.memory_space<vmem>>, vector<16xf32>,
        %get3A_90 = arith.constant 0 : i32
        %get3A_91 = arith.index_cast %get3A_90 : i32 to index
        %get3A_92 = arith.constant 64 : index
        %get3A_93 = tpu.vector_load %arg11[%get3A_91, %get3A_92] {strides = array<i32>} : memref<4x128xf32, #tpu.memory_space<vmem>>, vector<16xf32>,
        %mul3A_94 = arith.mulf %get3A_93, %get3A_62 : vector<16xf32>
        %swap3A_95 = arith.constant 64 : index
        %swap3A_96 = tpu.vector_load %arg17[%swap3A_95] {strides = array<i32>} : memref<512xf32, #tpu.memory_space<vmem>>, vector<16xf32>,
        tpu.vector_store %arg17[%swap3A_95], %mul3A_94 {strides = array<i32>} : memref<512xf32, #tpu.memory_space<vmem>>, vector<16xf32>,
        %get3A_97 = arith.constant 0 : i32
        %get3A_98 = arith.index_cast %get3A_97 : i32 to index
        %get3A_99 = arith.constant 80 : index
        %get3A_100 = tpu.vector_load %arg11[%get3A_98, %get3A_99] {strides = array<i32>} : memref<4x128xf32, #tpu.memory_space<vmem>>, vector<16xf32>,
        %mul3A_101 = arith.mulf %get3A_100, %get3A_62 : vector<16xf32>
        %swap3A_102 = arith.constant 80 : index
        %swap3A_103 = tpu.vector_load %arg17[%swap3A_102] {strides = array<i32>} : memref<512xf32, #tpu.memory_space<vmem>>, vector<16xf32>,
        tpu.vector_store %arg17[%swap3A_102], %mul3A_101 {strides = array<i32>} : memref<512xf32, #tpu.memory_space<vmem>>, vector<16xf32>,
        %get3A_104 = arith.constant 0 : i32
        %get3A_105 = arith.index_cast %get3A_104 : i32 to index
        %get3A_106 = arith.constant 96 : index
        %get3A_107 = tpu.vector_load %arg11[%get3A_105, %get3A_106] {strides = array<i32>} : memref<4x128xf32, #tpu.memory_space<vmem>>, vector<16xf32>,
        %mul3A_108 = arith.mulf %get3A_107, %get3A_62 : vector<16xf32>
        %swap3A_109 = arith.constant 96 : index
        %swap3A_110 = tpu.vector_load %arg17[%swap3A_109] {strides = array<i32>} : memref<512xf32, #tpu.memory_space<vmem>>, vector<16xf32>,
        tpu.vector_store %arg17[%swap3A_109], %mul3A_108 {strides = array<i32>} : memref<512xf32, #tpu.memory_space<vmem>>, vector<16xf32>,
        %get3A_111 = arith.constant 0 : i32
        %get3A_112 = arith.index_cast %get3A_111 : i32 to index
        %get3A_113 = arith.constant 112 : index
        %get3A_114 = tpu.vector_load %arg11[%get3A_112, %get3A_113] {strides = array<i32>} : memref<4x128xf32, #tpu.memory_space<vmem>>, vector<16xf32>,
        %mul3A_115 = arith.mulf %get3A_114, %get3A_62 : vector<16xf32>
        %swap3A_116 = arith.constant 112 : index
        %swap3A_117 = tpu.vector_load %arg17[%swap3A_116] {strides = array<i32>} : memref<512xf32, #tpu.memory_space<vmem>>, vector<16xf32>,
        tpu.vector_store %arg17[%swap3A_116], %mul3A_115 {strides = array<i32>} : memref<512xf32, #tpu.memory_space<vmem>>, vector<16xf32>,
        %broadcast_in_dim3A_118 = arith.constant 1 : i32
        %broadcast_in_dim3A_119 = vector.broadcast %broadcast_in_dim3A_118 : i32 to vector<16xi32>
        %parallel_loop3A_120 = arith.constant 0 : i32
        %parallel_loop3A_121 = arith.constant 313 : i32
        %parallel_loop3A_122 = arith.constant 1 : i32
        scf.for %parallel_loop3A_349 = %parallel_loop3A_120 to %parallel_loop3A_121 step %parallel_loop3A_122  : i32 {
          %parallel_loop3A_350 = arith.constant 16 : i32
          %parallel_loop3A_351 = arith.muli %parallel_loop3A_349, %parallel_loop3A_350 : i32
          %parallel_loop3A_352 = tpu.assume_multiple %parallel_loop3A_351, 16 : i32
          %parallel_loop3A_353 = arith.index_cast %parallel_loop3A_352 : i32 to index
          %parallel_loop3A_354 = tpu.vector_load %arg14[%parallel_loop3A_353] {strides = array<i32>} : memref<5008xi32, #tpu.memory_space<vmem>>, vector<16xi32>,
          %parallel_loop3A_355 = tpu.vector_load_idx %arg9[%broadcast_in_dim3A_119, %parallel_loop3A_354] : memref<4x10000xf32, #tpu.memory_space<vmem>>[vector<16xi32>, vector<16xi32>], vector<16xf32>,
          %parallel_loop3A_356 = arith.constant 5008 : i32
          %parallel_loop3A_357 = arith.addi %parallel_loop3A_356, %parallel_loop3A_352 : i32
          %parallel_loop3A_358 = arith.index_cast %parallel_loop3A_357 : i32 to index
          %parallel_loop3A_359 = tpu.vector_load %arg13[%parallel_loop3A_358] {strides = array<i32>} : memref<20032xf32, #tpu.memory_space<vmem>>, vector<16xf32>,
          tpu.vector_store %arg13[%parallel_loop3A_358], %parallel_loop3A_355 {strides = array<i32>} : memref<20032xf32, #tpu.memory_space<vmem>>, vector<16xf32>,
        } {sc.loop_unroll_factor = 8 : i64, sc.parallel_access}
        %mul3A_123 = arith.constant 4 : i32
        %mul3A_124 = arith.muli %add3A_22, %mul3A_123 : i32
        %add3A_125 = arith.constant 1 : i32
        %add3A_126 = arith.addi %mul3A_124, %add3A_125 : i32
        %mul3A_127 = arith.constant 16 : i32
        %mul3A_128 = arith.muli %add3A_126, %mul3A_127 : i32
        %multiple_of3A_129 = tpu.assume_multiple %mul3A_128, 16 : i32
        %get3A_130 = arith.index_cast %multiple_of3A_129 : i32 to index
        %get3A_131 = tpu.vector_load %arg16[%get3A_130] {strides = array<i32>} : memref<2560xf32, #tpu.memory_space<vmem>>, vector<16xf32>,
        %get3A_132 = arith.constant 1 : i32
        %get3A_133 = arith.index_cast %get3A_132 : i32 to index
        %get3A_134 = arith.constant 0 : index
        %get3A_135 = tpu.vector_load %arg11[%get3A_133, %get3A_134] {strides = array<i32>} : memref<4x128xf32, #tpu.memory_space<vmem>>, vector<16xf32>,
        %mul3A_136 = arith.mulf %get3A_135, %get3A_131 : vector<16xf32>
        %swap3A_137 = arith.constant 128 : index
        %swap3A_138 = tpu.vector_load %arg17[%swap3A_137] {strides = array<i32>} : memref<512xf32, #tpu.memory_space<vmem>>, vector<16xf32>,
        tpu.vector_store %arg17[%swap3A_137], %mul3A_136 {strides = array<i32>} : memref<512xf32, #tpu.memory_space<vmem>>, vector<16xf32>,
        %get3A_139 = arith.constant 1 : i32
        %get3A_140 = arith.index_cast %get3A_139 : i32 to index
        %get3A_141 = arith.constant 16 : index
        %get3A_142 = tpu.vector_load %arg11[%get3A_140, %get3A_141] {strides = array<i32>} : memref<4x128xf32, #tpu.memory_space<vmem>>, vector<16xf32>,
        %mul3A_143 = arith.mulf %get3A_142, %get3A_131 : vector<16xf32>
        %swap3A_144 = arith.constant 144 : index
        %swap3A_145 = tpu.vector_load %arg17[%swap3A_144] {strides = array<i32>} : memref<512xf32, #tpu.memory_space<vmem>>, vector<16xf32>,
        tpu.vector_store %arg17[%swap3A_144], %mul3A_143 {strides = array<i32>} : memref<512xf32, #tpu.memory_space<vmem>>, vector<16xf32>,
        %get3A_146 = arith.constant 1 : i32
        %get3A_147 = arith.index_cast %get3A_146 : i32 to index
        %get3A_148 = arith.constant 32 : index
        %get3A_149 = tpu.vector_load %arg11[%get3A_147, %get3A_148] {strides = array<i32>} : memref<4x128xf32, #tpu.memory_space<vmem>>, vector<16xf32>,
        %mul3A_150 = arith.mulf %get3A_149, %get3A_131 : vector<16xf32>
        %swap3A_151 = arith.constant 160 : index
        %swap3A_152 = tpu.vector_load %arg17[%swap3A_151] {strides = array<i32>} : memref<512xf32, #tpu.memory_space<vmem>>, vector<16xf32>,
        tpu.vector_store %arg17[%swap3A_151], %mul3A_150 {strides = array<i32>} : memref<512xf32, #tpu.memory_space<vmem>>, vector<16xf32>,
        %get3A_153 = arith.constant 1 : i32
        %get3A_154 = arith.index_cast %get3A_153 : i32 to index
        %get3A_155 = arith.constant 48 : index
        %get3A_156 = tpu.vector_load %arg11[%get3A_154, %get3A_155] {strides = array<i32>} : memref<4x128xf32, #tpu.memory_space<vmem>>, vector<16xf32>,
        %mul3A_157 = arith.mulf %get3A_156, %get3A_131 : vector<16xf32>
        %swap3A_158 = arith.constant 176 : index
        %swap3A_159 = tpu.vector_load %arg17[%swap3A_158] {strides = array<i32>} : memref<512xf32, #tpu.memory_space<vmem>>, vector<16xf32>,
        tpu.vector_store %arg17[%swap3A_158], %mul3A_157 {strides = array<i32>} : memref<512xf32, #tpu.memory_space<vmem>>, vector<16xf32>,
        %get3A_160 = arith.constant 1 : i32
        %get3A_161 = arith.index_cast %get3A_160 : i32 to index
        %get3A_162 = arith.constant 64 : index
        %get3A_163 = tpu.vector_load %arg11[%get3A_161, %get3A_162] {strides = array<i32>} : memref<4x128xf32, #tpu.memory_space<vmem>>, vector<16xf32>,
        %mul3A_164 = arith.mulf %get3A_163, %get3A_131 : vector<16xf32>
        %swap3A_165 = arith.constant 192 : index
        %swap3A_166 = tpu.vector_load %arg17[%swap3A_165] {strides = array<i32>} : memref<512xf32, #tpu.memory_space<vmem>>, vector<16xf32>,
        tpu.vector_store %arg17[%swap3A_165], %mul3A_164 {strides = array<i32>} : memref<512xf32, #tpu.memory_space<vmem>>, vector<16xf32>,
        %get3A_167 = arith.constant 1 : i32
        %get3A_168 = arith.index_cast %get3A_167 : i32 to index
        %get3A_169 = arith.constant 80 : index
        %get3A_170 = tpu.vector_load %arg11[%get3A_168, %get3A_169] {strides = array<i32>} : memref<4x128xf32, #tpu.memory_space<vmem>>, vector<16xf32>,
        %mul3A_171 = arith.mulf %get3A_170, %get3A_131 : vector<16xf32>
        %swap3A_172 = arith.constant 208 : index
        %swap3A_173 = tpu.vector_load %arg17[%swap3A_172] {strides = array<i32>} : memref<512xf32, #tpu.memory_space<vmem>>, vector<16xf32>,
        tpu.vector_store %arg17[%swap3A_172], %mul3A_171 {strides = array<i32>} : memref<512xf32, #tpu.memory_space<vmem>>, vector<16xf32>,
        %get3A_174 = arith.constant 1 : i32
        %get3A_175 = arith.index_cast %get3A_174 : i32 to index
        %get3A_176 = arith.constant 96 : index
        %get3A_177 = tpu.vector_load %arg11[%get3A_175, %get3A_176] {strides = array<i32>} : memref<4x128xf32, #tpu.memory_space<vmem>>, vector<16xf32>,
        %mul3A_178 = arith.mulf %get3A_177, %get3A_131 : vector<16xf32>
        %swap3A_179 = arith.constant 224 : index
        %swap3A_180 = tpu.vector_load %arg17[%swap3A_179] {strides = array<i32>} : memref<512xf32, #tpu.memory_space<vmem>>, vector<16xf32>,
        tpu.vector_store %arg17[%swap3A_179], %mul3A_178 {strides = array<i32>} : memref<512xf32, #tpu.memory_space<vmem>>, vector<16xf32>,
        %get3A_181 = arith.constant 1 : i32
        %get3A_182 = arith.index_cast %get3A_181 : i32 to index
        %get3A_183 = arith.constant 112 : index
        %get3A_184 = tpu.vector_load %arg11[%get3A_182, %get3A_183] {strides = array<i32>} : memref<4x128xf32, #tpu.memory_space<vmem>>, vector<16xf32>,
        %mul3A_185 = arith.mulf %get3A_184, %get3A_131 : vector<16xf32>
        %swap3A_186 = arith.constant 240 : index
        %swap3A_187 = tpu.vector_load %arg17[%swap3A_186] {strides = array<i32>} : memref<512xf32, #tpu.memory_space<vmem>>, vector<16xf32>,
        tpu.vector_store %arg17[%swap3A_186], %mul3A_185 {strides = array<i32>} : memref<512xf32, #tpu.memory_space<vmem>>, vector<16xf32>,
        %broadcast_in_dim3A_188 = arith.constant 2 : i32
        %broadcast_in_dim3A_189 = vector.broadcast %broadcast_in_dim3A_188 : i32 to vector<16xi32>
        %parallel_loop3A_190 = arith.constant 0 : i32
        %parallel_loop3A_191 = arith.constant 313 : i32
        %parallel_loop3A_192 = arith.constant 1 : i32
        scf.for %parallel_loop3A_349 = %parallel_loop3A_190 to %parallel_loop3A_191 step %parallel_loop3A_192  : i32 {
          %parallel_loop3A_350 = arith.constant 16 : i32
          %parallel_loop3A_351 = arith.muli %parallel_loop3A_349, %parallel_loop3A_350 : i32
          %parallel_loop3A_352 = tpu.assume_multiple %parallel_loop3A_351, 16 : i32
          %parallel_loop3A_353 = arith.index_cast %parallel_loop3A_352 : i32 to index
          %parallel_loop3A_354 = tpu.vector_load %arg14[%parallel_loop3A_353] {strides = array<i32>} : memref<5008xi32, #tpu.memory_space<vmem>>, vector<16xi32>,
          %parallel_loop3A_355 = tpu.vector_load_idx %arg9[%broadcast_in_dim3A_189, %parallel_loop3A_354] : memref<4x10000xf32, #tpu.memory_space<vmem>>[vector<16xi32>, vector<16xi32>], vector<16xf32>,
          %parallel_loop3A_356 = arith.constant 10016 : i32
          %parallel_loop3A_357 = arith.addi %parallel_loop3A_356, %parallel_loop3A_352 : i32
          %parallel_loop3A_358 = arith.index_cast %parallel_loop3A_357 : i32 to index
          %parallel_loop3A_359 = tpu.vector_load %arg13[%parallel_loop3A_358] {strides = array<i32>} : memref<20032xf32, #tpu.memory_space<vmem>>, vector<16xf32>,
          tpu.vector_store %arg13[%parallel_loop3A_358], %parallel_loop3A_355 {strides = array<i32>} : memref<20032xf32, #tpu.memory_space<vmem>>, vector<16xf32>,
        } {sc.loop_unroll_factor = 8 : i64, sc.parallel_access}
        %mul3A_193 = arith.constant 4 : i32
        %mul3A_194 = arith.muli %add3A_22, %mul3A_193 : i32
        %add3A_195 = arith.constant 2 : i32
        %add3A_196 = arith.addi %mul3A_194, %add3A_195 : i32
        %mul3A_197 = arith.constant 16 : i32
        %mul3A_198 = arith.muli %add3A_196, %mul3A_197 : i32
        %multiple_of3A_199 = tpu.assume_multiple %mul3A_198, 16 : i32
        %get3A_200 = arith.index_cast %multiple_of3A_199 : i32 to index
        %get3A_201 = tpu.vector_load %arg16[%get3A_200] {strides = array<i32>} : memref<2560xf32, #tpu.memory_space<vmem>>, vector<16xf32>,
        %get3A_202 = arith.constant 2 : i32
        %get3A_203 = arith.index_cast %get3A_202 : i32 to index
        %get3A_204 = arith.constant 0 : index
        %get3A_205 = tpu.vector_load %arg11[%get3A_203, %get3A_204] {strides = array<i32>} : memref<4x128xf32, #tpu.memory_space<vmem>>, vector<16xf32>,
        %mul3A_206 = arith.mulf %get3A_205, %get3A_201 : vector<16xf32>
        %swap3A_207 = arith.constant 256 : index
        %swap3A_208 = tpu.vector_load %arg17[%swap3A_207] {strides = array<i32>} : memref<512xf32, #tpu.memory_space<vmem>>, vector<16xf32>,
        tpu.vector_store %arg17[%swap3A_207], %mul3A_206 {strides = array<i32>} : memref<512xf32, #tpu.memory_space<vmem>>, vector<16xf32>,
        %get3A_209 = arith.constant 2 : i32
        %get3A_210 = arith.index_cast %get3A_209 : i32 to index
        %get3A_211 = arith.constant 16 : index
        %get3A_212 = tpu.vector_load %arg11[%get3A_210, %get3A_211] {strides = array<i32>} : memref<4x128xf32, #tpu.memory_space<vmem>>, vector<16xf32>,
        %mul3A_213 = arith.mulf %get3A_212, %get3A_201 : vector<16xf32>
        %swap3A_214 = arith.constant 272 : index
        %swap3A_215 = tpu.vector_load %arg17[%swap3A_214] {strides = array<i32>} : memref<512xf32, #tpu.memory_space<vmem>>, vector<16xf32>,
        tpu.vector_store %arg17[%swap3A_214], %mul3A_213 {strides = array<i32>} : memref<512xf32, #tpu.memory_space<vmem>>, vector<16xf32>,
        %get3A_216 = arith.constant 2 : i32
        %get3A_217 = arith.index_cast %get3A_216 : i32 to index
        %get3A_218 = arith.constant 32 : index
        %get3A_219 = tpu.vector_load %arg11[%get3A_217, %get3A_218] {strides = array<i32>} : memref<4x128xf32, #tpu.memory_space<vmem>>, vector<16xf32>,
        %mul3A_220 = arith.mulf %get3A_219, %get3A_201 : vector<16xf32>
        %swap3A_221 = arith.constant 288 : index
        %swap3A_222 = tpu.vector_load %arg17[%swap3A_221] {strides = array<i32>} : memref<512xf32, #tpu.memory_space<vmem>>, vector<16xf32>,
        tpu.vector_store %arg17[%swap3A_221], %mul3A_220 {strides = array<i32>} : memref<512xf32, #tpu.memory_space<vmem>>, vector<16xf32>,
        %get3A_223 = arith.constant 2 : i32
        %get3A_224 = arith.index_cast %get3A_223 : i32 to index
        %get3A_225 = arith.constant 48 : index
        %get3A_226 = tpu.vector_load %arg11[%get3A_224, %get3A_225] {strides = array<i32>} : memref<4x128xf32, #tpu.memory_space<vmem>>, vector<16xf32>,
        %mul3A_227 = arith.mulf %get3A_226, %get3A_201 : vector<16xf32>
        %swap3A_228 = arith.constant 304 : index
        %swap3A_229 = tpu.vector_load %arg17[%swap3A_228] {strides = array<i32>} : memref<512xf32, #tpu.memory_space<vmem>>, vector<16xf32>,
        tpu.vector_store %arg17[%swap3A_228], %mul3A_227 {strides = array<i32>} : memref<512xf32, #tpu.memory_space<vmem>>, vector<16xf32>,
        %get3A_230 = arith.constant 2 : i32
        %get3A_231 = arith.index_cast %get3A_230 : i32 to index
        %get3A_232 = arith.constant 64 : index
        %get3A_233 = tpu.vector_load %arg11[%get3A_231, %get3A_232] {strides = array<i32>} : memref<4x128xf32, #tpu.memory_space<vmem>>, vector<16xf32>,
        %mul3A_234 = arith.mulf %get3A_233, %get3A_201 : vector<16xf32>
        %swap3A_235 = arith.constant 320 : index
        %swap3A_236 = tpu.vector_load %arg17[%swap3A_235] {strides = array<i32>} : memref<512xf32, #tpu.memory_space<vmem>>, vector<16xf32>,
        tpu.vector_store %arg17[%swap3A_235], %mul3A_234 {strides = array<i32>} : memref<512xf32, #tpu.memory_space<vmem>>, vector<16xf32>,
        %get3A_237 = arith.constant 2 : i32
        %get3A_238 = arith.index_cast %get3A_237 : i32 to index
        %get3A_239 = arith.constant 80 : index
        %get3A_240 = tpu.vector_load %arg11[%get3A_238, %get3A_239] {strides = array<i32>} : memref<4x128xf32, #tpu.memory_space<vmem>>, vector<16xf32>,
        %mul3A_241 = arith.mulf %get3A_240, %get3A_201 : vector<16xf32>
        %swap3A_242 = arith.constant 336 : index
        %swap3A_243 = tpu.vector_load %arg17[%swap3A_242] {strides = array<i32>} : memref<512xf32, #tpu.memory_space<vmem>>, vector<16xf32>,
        tpu.vector_store %arg17[%swap3A_242], %mul3A_241 {strides = array<i32>} : memref<512xf32, #tpu.memory_space<vmem>>, vector<16xf32>,
        %get3A_244 = arith.constant 2 : i32
        %get3A_245 = arith.index_cast %get3A_244 : i32 to index
        %get3A_246 = arith.constant 96 : index
        %get3A_247 = tpu.vector_load %arg11[%get3A_245, %get3A_246] {strides = array<i32>} : memref<4x128xf32, #tpu.memory_space<vmem>>, vector<16xf32>,
        %mul3A_248 = arith.mulf %get3A_247, %get3A_201 : vector<16xf32>
        %swap3A_249 = arith.constant 352 : index
        %swap3A_250 = tpu.vector_load %arg17[%swap3A_249] {strides = array<i32>} : memref<512xf32, #tpu.memory_space<vmem>>, vector<16xf32>,
        tpu.vector_store %arg17[%swap3A_249], %mul3A_248 {strides = array<i32>} : memref<512xf32, #tpu.memory_space<vmem>>, vector<16xf32>,
        %get3A_251 = arith.constant 2 : i32
        %get3A_252 = arith.index_cast %get3A_251 : i32 to index
        %get3A_253 = arith.constant 112 : index
        %get3A_254 = tpu.vector_load %arg11[%get3A_252, %get3A_253] {strides = array<i32>} : memref<4x128xf32, #tpu.memory_space<vmem>>, vector<16xf32>,
        %mul3A_255 = arith.mulf %get3A_254, %get3A_201 : vector<16xf32>
        %swap3A_256 = arith.constant 368 : index
        %swap3A_257 = tpu.vector_load %arg17[%swap3A_256] {strides = array<i32>} : memref<512xf32, #tpu.memory_space<vmem>>, vector<16xf32>,
        tpu.vector_store %arg17[%swap3A_256], %mul3A_255 {strides = array<i32>} : memref<512xf32, #tpu.memory_space<vmem>>, vector<16xf32>,
        %broadcast_in_dim3A_258 = arith.constant 3 : i32
        %broadcast_in_dim3A_259 = vector.broadcast %broadcast_in_dim3A_258 : i32 to vector<16xi32>
        %parallel_loop3A_260 = arith.constant 0 : i32
        %parallel_loop3A_261 = arith.constant 313 : i32
        %parallel_loop3A_262 = arith.constant 1 : i32
        scf.for %parallel_loop3A_349 = %parallel_loop3A_260 to %parallel_loop3A_261 step %parallel_loop3A_262  : i32 {
          %parallel_loop3A_350 = arith.constant 16 : i32
          %parallel_loop3A_351 = arith.muli %parallel_loop3A_349, %parallel_loop3A_350 : i32
          %parallel_loop3A_352 = tpu.assume_multiple %parallel_loop3A_351, 16 : i32
          %parallel_loop3A_353 = arith.index_cast %parallel_loop3A_352 : i32 to index
          %parallel_loop3A_354 = tpu.vector_load %arg14[%parallel_loop3A_353] {strides = array<i32>} : memref<5008xi32, #tpu.memory_space<vmem>>, vector<16xi32>,
          %parallel_loop3A_355 = tpu.vector_load_idx %arg9[%broadcast_in_dim3A_259, %parallel_loop3A_354] : memref<4x10000xf32, #tpu.memory_space<vmem>>[vector<16xi32>, vector<16xi32>], vector<16xf32>,
          %parallel_loop3A_356 = arith.constant 15024 : i32
          %parallel_loop3A_357 = arith.addi %parallel_loop3A_356, %parallel_loop3A_352 : i32
          %parallel_loop3A_358 = arith.index_cast %parallel_loop3A_357 : i32 to index
          %parallel_loop3A_359 = tpu.vector_load %arg13[%parallel_loop3A_358] {strides = array<i32>} : memref<20032xf32, #tpu.memory_space<vmem>>, vector<16xf32>,
          tpu.vector_store %arg13[%parallel_loop3A_358], %parallel_loop3A_355 {strides = array<i32>} : memref<20032xf32, #tpu.memory_space<vmem>>, vector<16xf32>,
        } {sc.loop_unroll_factor = 8 : i64, sc.parallel_access}
        %mul3A_263 = arith.constant 4 : i32
        %mul3A_264 = arith.muli %add3A_22, %mul3A_263 : i32
        %add3A_265 = arith.constant 3 : i32
        %add3A_266 = arith.addi %mul3A_264, %add3A_265 : i32
        %mul3A_267 = arith.constant 16 : i32
        %mul3A_268 = arith.muli %add3A_266, %mul3A_267 : i32
        %multiple_of3A_269 = tpu.assume_multiple %mul3A_268, 16 : i32
        %get3A_270 = arith.index_cast %multiple_of3A_269 : i32 to index
        %get3A_271 = tpu.vector_load %arg16[%get3A_270] {strides = array<i32>} : memref<2560xf32, #tpu.memory_space<vmem>>, vector<16xf32>,
        %get3A_272 = arith.constant 3 : i32
        %get3A_273 = arith.index_cast %get3A_272 : i32 to index
        %get3A_274 = arith.constant 0 : index
        %get3A_275 = tpu.vector_load %arg11[%get3A_273, %get3A_274] {strides = array<i32>} : memref<4x128xf32, #tpu.memory_space<vmem>>, vector<16xf32>,
        %mul3A_276 = arith.mulf %get3A_275, %get3A_271 : vector<16xf32>
        %swap3A_277 = arith.constant 384 : index
        %swap3A_278 = tpu.vector_load %arg17[%swap3A_277] {strides = array<i32>} : memref<512xf32, #tpu.memory_space<vmem>>, vector<16xf32>,
        tpu.vector_store %arg17[%swap3A_277], %mul3A_276 {strides = array<i32>} : memref<512xf32, #tpu.memory_space<vmem>>, vector<16xf32>,
        %get3A_279 = arith.constant 3 : i32
        %get3A_280 = arith.index_cast %get3A_279 : i32 to index
        %get3A_281 = arith.constant 16 : index
        %get3A_282 = tpu.vector_load %arg11[%get3A_280, %get3A_281] {strides = array<i32>} : memref<4x128xf32, #tpu.memory_space<vmem>>, vector<16xf32>,
        %mul3A_283 = arith.mulf %get3A_282, %get3A_271 : vector<16xf32>
        %swap3A_284 = arith.constant 400 : index
        %swap3A_285 = tpu.vector_load %arg17[%swap3A_284] {strides = array<i32>} : memref<512xf32, #tpu.memory_space<vmem>>, vector<16xf32>,
        tpu.vector_store %arg17[%swap3A_284], %mul3A_283 {strides = array<i32>} : memref<512xf32, #tpu.memory_space<vmem>>, vector<16xf32>,
        %get3A_286 = arith.constant 3 : i32
        %get3A_287 = arith.index_cast %get3A_286 : i32 to index
        %get3A_288 = arith.constant 32 : index
        %get3A_289 = tpu.vector_load %arg11[%get3A_287, %get3A_288] {strides = array<i32>} : memref<4x128xf32, #tpu.memory_space<vmem>>, vector<16xf32>,
        %mul3A_290 = arith.mulf %get3A_289, %get3A_271 : vector<16xf32>
        %swap3A_291 = arith.constant 416 : index
        %swap3A_292 = tpu.vector_load %arg17[%swap3A_291] {strides = array<i32>} : memref<512xf32, #tpu.memory_space<vmem>>, vector<16xf32>,
        tpu.vector_store %arg17[%swap3A_291], %mul3A_290 {strides = array<i32>} : memref<512xf32, #tpu.memory_space<vmem>>, vector<16xf32>,
        %get3A_293 = arith.constant 3 : i32
        %get3A_294 = arith.index_cast %get3A_293 : i32 to index
        %get3A_295 = arith.constant 48 : index
        %get3A_296 = tpu.vector_load %arg11[%get3A_294, %get3A_295] {strides = array<i32>} : memref<4x128xf32, #tpu.memory_space<vmem>>, vector<16xf32>,
        %mul3A_297 = arith.mulf %get3A_296, %get3A_271 : vector<16xf32>
        %swap3A_298 = arith.constant 432 : index
        %swap3A_299 = tpu.vector_load %arg17[%swap3A_298] {strides = array<i32>} : memref<512xf32, #tpu.memory_space<vmem>>, vector<16xf32>,
        tpu.vector_store %arg17[%swap3A_298], %mul3A_297 {strides = array<i32>} : memref<512xf32, #tpu.memory_space<vmem>>, vector<16xf32>,
        %get3A_300 = arith.constant 3 : i32
        %get3A_301 = arith.index_cast %get3A_300 : i32 to index
        %get3A_302 = arith.constant 64 : index
        %get3A_303 = tpu.vector_load %arg11[%get3A_301, %get3A_302] {strides = array<i32>} : memref<4x128xf32, #tpu.memory_space<vmem>>, vector<16xf32>,
        %mul3A_304 = arith.mulf %get3A_303, %get3A_271 : vector<16xf32>
        %swap3A_305 = arith.constant 448 : index
        %swap3A_306 = tpu.vector_load %arg17[%swap3A_305] {strides = array<i32>} : memref<512xf32, #tpu.memory_space<vmem>>, vector<16xf32>,
        tpu.vector_store %arg17[%swap3A_305], %mul3A_304 {strides = array<i32>} : memref<512xf32, #tpu.memory_space<vmem>>, vector<16xf32>,
        %get3A_307 = arith.constant 3 : i32
        %get3A_308 = arith.index_cast %get3A_307 : i32 to index
        %get3A_309 = arith.constant 80 : index
        %get3A_310 = tpu.vector_load %arg11[%get3A_308, %get3A_309] {strides = array<i32>} : memref<4x128xf32, #tpu.memory_space<vmem>>, vector<16xf32>,
        %mul3A_311 = arith.mulf %get3A_310, %get3A_271 : vector<16xf32>
        %swap3A_312 = arith.constant 464 : index
        %swap3A_313 = tpu.vector_load %arg17[%swap3A_312] {strides = array<i32>} : memref<512xf32, #tpu.memory_space<vmem>>, vector<16xf32>,
        tpu.vector_store %arg17[%swap3A_312], %mul3A_311 {strides = array<i32>} : memref<512xf32, #tpu.memory_space<vmem>>, vector<16xf32>,
        %get3A_314 = arith.constant 3 : i32
        %get3A_315 = arith.index_cast %get3A_314 : i32 to index
        %get3A_316 = arith.constant 96 : index
        %get3A_317 = tpu.vector_load %arg11[%get3A_315, %get3A_316] {strides = array<i32>} : memref<4x128xf32, #tpu.memory_space<vmem>>, vector<16xf32>,
        %mul3A_318 = arith.mulf %get3A_317, %get3A_271 : vector<16xf32>
        %swap3A_319 = arith.constant 480 : index
        %swap3A_320 = tpu.vector_load %arg17[%swap3A_319] {strides = array<i32>} : memref<512xf32, #tpu.memory_space<vmem>>, vector<16xf32>,
        tpu.vector_store %arg17[%swap3A_319], %mul3A_318 {strides = array<i32>} : memref<512xf32, #tpu.memory_space<vmem>>, vector<16xf32>,
        %get3A_321 = arith.constant 3 : i32
        %get3A_322 = arith.index_cast %get3A_321 : i32 to index
        %get3A_323 = arith.constant 112 : index
        %get3A_324 = tpu.vector_load %arg11[%get3A_322, %get3A_323] {strides = array<i32>} : memref<4x128xf32, #tpu.memory_space<vmem>>, vector<16xf32>,
        %mul3A_325 = arith.mulf %get3A_324, %get3A_271 : vector<16xf32>
        %swap3A_326 = arith.constant 496 : index
        %swap3A_327 = tpu.vector_load %arg17[%swap3A_326] {strides = array<i32>} : memref<512xf32, #tpu.memory_space<vmem>>, vector<16xf32>,
        tpu.vector_store %arg17[%swap3A_326], %mul3A_325 {strides = array<i32>} : memref<512xf32, #tpu.memory_space<vmem>>, vector<16xf32>,
        %mul3A_328 = arith.constant 32 : i32
        %mul3A_329 = arith.muli %mul3A_328, %add3A_22 : i32
        %add3A_330 = arith.addi %add3A, %mul3A_329 : i32
        %mul3A_331 = arith.constant 4 : i32
        %mul3A_332 = arith.muli %mul3A_331, %add3A_330 : i32
        %add3A_333 = arith.constant 0 : i32
        %add3A_334 = arith.addi %mul3A_332, %add3A_333 : i32
        "tpu.region"() ({
          %run_scoped3A = tpu.sem_alloc : memref<!tpu.dma_semaphore, #tpu.memory_space<semaphore_mem>>
          %dma_start3A_349 = arith.constant 0 : i32
          %dma_start3A_350 = tpu.memref_slice %arg13[%dma_start3A_349] : memref<20032xf32, #tpu.memory_space<vmem>> -> memref<5000xf32, #tpu.memory_space<vmem>>
          %dma_start3A_351 = arith.constant 0 : i32
          %dma_start3A_352 = tpu.memref_slice %arg7[%add3A_334, %dma_start3A_351] : memref<5000x5000xf32, #tpu.memory_space<hbm>> -> memref<1x5000xf32, #tpu.memory_space<hbm>>
          %dma_start3A_353 = tpu.memref_squeeze %dma_start3A_352 : memref<1x5000xf32, #tpu.memory_space<hbm>> -> memref<5000xf32, #tpu.memory_space<hbm>>
          %dma_start3A_354 = arith.constant 0 : i32
          %dma_start3A_355 = tpu.memref_slice %arg7[%add3A_334, %dma_start3A_354] : memref<5000x5000xf32, #tpu.memory_space<hbm>> -> memref<1x5000xf32, #tpu.memory_space<hbm>>
          %dma_start3A_356 = tpu.memref_squeeze %dma_start3A_355 : memref<1x5000xf32, #tpu.memory_space<hbm>> -> memref<5000xf32, #tpu.memory_space<hbm>>
          %dma_start3A_357 = arith.constant 0 : i32
          %dma_start3A_358 = tpu.memref_slice %arg13[%dma_start3A_357] : memref<20032xf32, #tpu.memory_space<vmem>> -> memref<5000xf32, #tpu.memory_space<vmem>>
          tpu.enqueue_dma source(%dma_start3A_358 : memref<5000xf32, #tpu.memory_space<vmem>>) target(%dma_start3A_356 : memref<5000xf32, #tpu.memory_space<hbm>>) target_semaphore(%run_scoped3A : memref<!tpu.dma_semaphore, #tpu.memory_space<semaphore_mem>>)
          %dma_wait3A_359 = arith.constant 0 : i32
          %dma_wait3A_360 = tpu.memref_slice %arg13[%dma_wait3A_359] : memref<20032xf32, #tpu.memory_space<vmem>> -> memref<5000xf32, #tpu.memory_space<vmem>>
          %dma_wait3A_361 = arith.constant 0 : i32
          %dma_wait3A_362 = tpu.memref_slice %arg7[%add3A_334, %dma_wait3A_361] : memref<5000x5000xf32, #tpu.memory_space<hbm>> -> memref<1x5000xf32, #tpu.memory_space<hbm>>
          %dma_wait3A_363 = tpu.memref_squeeze %dma_wait3A_362 : memref<1x5000xf32, #tpu.memory_space<hbm>> -> memref<5000xf32, #tpu.memory_space<hbm>>
          %dma_wait3A_364 = arith.constant 0 : i32
          %dma_wait3A_365 = tpu.memref_slice %arg7[%add3A_334, %dma_wait3A_364] : memref<5000x5000xf32, #tpu.memory_space<hbm>> -> memref<1x5000xf32, #tpu.memory_space<hbm>>
          %dma_wait3A_366 = tpu.memref_squeeze %dma_wait3A_365 : memref<1x5000xf32, #tpu.memory_space<hbm>> -> memref<5000xf32, #tpu.memory_space<hbm>>
          %dma_wait3A_367 = arith.constant 0 : i32
          %dma_wait3A_368 = tpu.memref_slice %arg13[%dma_wait3A_367] : memref<20032xf32, #tpu.memory_space<vmem>> -> memref<5000xf32, #tpu.memory_space<vmem>>
          tpu.wait_dma2 semaphore(%run_scoped3A : memref<!tpu.dma_semaphore, #tpu.memory_space<semaphore_mem>>) src(%dma_wait3A_368 : memref<5000xf32, #tpu.memory_space<vmem>>) dst(%dma_wait3A_366 : memref<5000xf32, #tpu.memory_space<hbm>>)
          tpu.yield
        }) : () -> ()
        %add3A_335 = arith.constant 0 : i32
        %add3A_336 = arith.addi %mul3A_332, %add3A_335 : i32
        "tpu.region"() ({
          %run_scoped3A = tpu.sem_alloc : memref<!tpu.dma_semaphore, #tpu.memory_space<semaphore_mem>>
          %dma_start3A_349 = arith.constant 0 : i32
          %dma_start3A_350 = tpu.memref_slice %arg17[%dma_start3A_349] : memref<512xf32, #tpu.memory_space<vmem>> -> memref<128xf32, #tpu.memory_space<vmem>>
          %dma_start3A_351 = arith.constant 0 : i32
          %dma_start3A_352 = tpu.memref_slice %arg8[%add3A_336, %dma_start3A_351] : memref<5000x128xf32, #tpu.memory_space<hbm>> -> memref<1x128xf32, #tpu.memory_space<hbm>>
          %dma_start3A_353 = tpu.memref_squeeze %dma_start3A_352 : memref<1x128xf32, #tpu.memory_space<hbm>> -> memref<128xf32, #tpu.memory_space<hbm>>
          %dma_start3A_354 = arith.constant 0 : i32
          %dma_start3A_355 = tpu.memref_slice %arg8[%add3A_336, %dma_start3A_354] : memref<5000x128xf32, #tpu.memory_space<hbm>> -> memref<1x128xf32, #tpu.memory_space<hbm>>
          %dma_start3A_356 = tpu.memref_squeeze %dma_start3A_355 : memref<1x128xf32, #tpu.memory_space<hbm>> -> memref<128xf32, #tpu.memory_space<hbm>>
          %dma_start3A_357 = arith.constant 0 : i32
          %dma_start3A_358 = tpu.memref_slice %arg17[%dma_start3A_357] : memref<512xf32, #tpu.memory_space<vmem>> -> memref<128xf32, #tpu.memory_space<vmem>>
          tpu.enqueue_dma source(%dma_start3A_358 : memref<128xf32, #tpu.memory_space<vmem>>) target(%dma_start3A_356 : memref<128xf32, #tpu.memory_space<hbm>>) target_semaphore(%run_scoped3A : memref<!tpu.dma_semaphore, #tpu.memory_space<semaphore_mem>>)
          %dma_wait3A_359 = arith.constant 0 : i32
          %dma_wait3A_360 = tpu.memref_slice %arg17[%dma_wait3A_359] : memref<512xf32, #tpu.memory_space<vmem>> -> memref<128xf32, #tpu.memory_space<vmem>>
          %dma_wait3A_361 = arith.constant 0 : i32
          %dma_wait3A_362 = tpu.memref_slice %arg8[%add3A_336, %dma_wait3A_361] : memref<5000x128xf32, #tpu.memory_space<hbm>> -> memref<1x128xf32, #tpu.memory_space<hbm>>
          %dma_wait3A_363 = tpu.memref_squeeze %dma_wait3A_362 : memref<1x128xf32, #tpu.memory_space<hbm>> -> memref<128xf32, #tpu.memory_space<hbm>>
          %dma_wait3A_364 = arith.constant 0 : i32
          %dma_wait3A_365 = tpu.memref_slice %arg8[%add3A_336, %dma_wait3A_364] : memref<5000x128xf32, #tpu.memory_space<hbm>> -> memref<1x128xf32, #tpu.memory_space<hbm>>
          %dma_wait3A_366 = tpu.memref_squeeze %dma_wait3A_365 : memref<1x128xf32, #tpu.memory_space<hbm>> -> memref<128xf32, #tpu.memory_space<hbm>>
          %dma_wait3A_367 = arith.constant 0 : i32
          %dma_wait3A_368 = tpu.memref_slice %arg17[%dma_wait3A_367] : memref<512xf32, #tpu.memory_space<vmem>> -> memref<128xf32, #tpu.memory_space<vmem>>
          tpu.wait_dma2 semaphore(%run_scoped3A : memref<!tpu.dma_semaphore, #tpu.memory_space<semaphore_mem>>) src(%dma_wait3A_368 : memref<128xf32, #tpu.memory_space<vmem>>) dst(%dma_wait3A_366 : memref<128xf32, #tpu.memory_space<hbm>>)
          tpu.yield
        }) : () -> ()
        %add3A_337 = arith.constant 1 : i32
        %add3A_338 = arith.addi %mul3A_332, %add3A_337 : i32
        "tpu.region"() ({
          %run_scoped3A = tpu.sem_alloc : memref<!tpu.dma_semaphore, #tpu.memory_space<semaphore_mem>>
          %dma_start3A_349 = arith.constant 5008 : i32
          %dma_start3A_350 = tpu.memref_slice %arg13[%dma_start3A_349] : memref<20032xf32, #tpu.memory_space<vmem>> -> memref<5000xf32, #tpu.memory_space<vmem>>
          %dma_start3A_351 = arith.constant 0 : i32
          %dma_start3A_352 = tpu.memref_slice %arg7[%add3A_338, %dma_start3A_351] : memref<5000x5000xf32, #tpu.memory_space<hbm>> -> memref<1x5000xf32, #tpu.memory_space<hbm>>
          %dma_start3A_353 = tpu.memref_squeeze %dma_start3A_352 : memref<1x5000xf32, #tpu.memory_space<hbm>> -> memref<5000xf32, #tpu.memory_space<hbm>>
          %dma_start3A_354 = arith.constant 0 : i32
          %dma_start3A_355 = tpu.memref_slice %arg7[%add3A_338, %dma_start3A_354] : memref<5000x5000xf32, #tpu.memory_space<hbm>> -> memref<1x5000xf32, #tpu.memory_space<hbm>>
          %dma_start3A_356 = tpu.memref_squeeze %dma_start3A_355 : memref<1x5000xf32, #tpu.memory_space<hbm>> -> memref<5000xf32, #tpu.memory_space<hbm>>
          %dma_start3A_357 = arith.constant 5008 : i32
          %dma_start3A_358 = tpu.memref_slice %arg13[%dma_start3A_357] : memref<20032xf32, #tpu.memory_space<vmem>> -> memref<5000xf32, #tpu.memory_space<vmem>>
          tpu.enqueue_dma source(%dma_start3A_358 : memref<5000xf32, #tpu.memory_space<vmem>>) target(%dma_start3A_356 : memref<5000xf32, #tpu.memory_space<hbm>>) target_semaphore(%run_scoped3A : memref<!tpu.dma_semaphore, #tpu.memory_space<semaphore_mem>>)
          %dma_wait3A_359 = arith.constant 5008 : i32
          %dma_wait3A_360 = tpu.memref_slice %arg13[%dma_wait3A_359] : memref<20032xf32, #tpu.memory_space<vmem>> -> memref<5000xf32, #tpu.memory_space<vmem>>
          %dma_wait3A_361 = arith.constant 0 : i32
          %dma_wait3A_362 = tpu.memref_slice %arg7[%add3A_338, %dma_wait3A_361] : memref<5000x5000xf32, #tpu.memory_space<hbm>> -> memref<1x5000xf32, #tpu.memory_space<hbm>>
          %dma_wait3A_363 = tpu.memref_squeeze %dma_wait3A_362 : memref<1x5000xf32, #tpu.memory_space<hbm>> -> memref<5000xf32, #tpu.memory_space<hbm>>
          %dma_wait3A_364 = arith.constant 0 : i32
          %dma_wait3A_365 = tpu.memref_slice %arg7[%add3A_338, %dma_wait3A_364] : memref<5000x5000xf32, #tpu.memory_space<hbm>> -> memref<1x5000xf32, #tpu.memory_space<hbm>>
          %dma_wait3A_366 = tpu.memref_squeeze %dma_wait3A_365 : memref<1x5000xf32, #tpu.memory_space<hbm>> -> memref<5000xf32, #tpu.memory_space<hbm>>
          %dma_wait3A_367 = arith.constant 5008 : i32
          %dma_wait3A_368 = tpu.memref_slice %arg13[%dma_wait3A_367] : memref<20032xf32, #tpu.memory_space<vmem>> -> memref<5000xf32, #tpu.memory_space<vmem>>
          tpu.wait_dma2 semaphore(%run_scoped3A : memref<!tpu.dma_semaphore, #tpu.memory_space<semaphore_mem>>) src(%dma_wait3A_368 : memref<5000xf32, #tpu.memory_space<vmem>>) dst(%dma_wait3A_366 : memref<5000xf32, #tpu.memory_space<hbm>>)
          tpu.yield
        }) : () -> ()
        %add3A_339 = arith.constant 1 : i32
        %add3A_340 = arith.addi %mul3A_332, %add3A_339 : i32
        "tpu.region"() ({
          %run_scoped3A = tpu.sem_alloc : memref<!tpu.dma_semaphore, #tpu.memory_space<semaphore_mem>>
          %dma_start3A_349 = arith.constant 128 : i32
          %dma_start3A_350 = tpu.memref_slice %arg17[%dma_start3A_349] : memref<512xf32, #tpu.memory_space<vmem>> -> memref<128xf32, #tpu.memory_space<vmem>>
          %dma_start3A_351 = arith.constant 0 : i32
          %dma_start3A_352 = tpu.memref_slice %arg8[%add3A_340, %dma_start3A_351] : memref<5000x128xf32, #tpu.memory_space<hbm>> -> memref<1x128xf32, #tpu.memory_space<hbm>>
          %dma_start3A_353 = tpu.memref_squeeze %dma_start3A_352 : memref<1x128xf32, #tpu.memory_space<hbm>> -> memref<128xf32, #tpu.memory_space<hbm>>
          %dma_start3A_354 = arith.constant 0 : i32
          %dma_start3A_355 = tpu.memref_slice %arg8[%add3A_340, %dma_start3A_354] : memref<5000x128xf32, #tpu.memory_space<hbm>> -> memref<1x128xf32, #tpu.memory_space<hbm>>
          %dma_start3A_356 = tpu.memref_squeeze %dma_start3A_355 : memref<1x128xf32, #tpu.memory_space<hbm>> -> memref<128xf32, #tpu.memory_space<hbm>>
          %dma_start3A_357 = arith.constant 128 : i32
          %dma_start3A_358 = tpu.memref_slice %arg17[%dma_start3A_357] : memref<512xf32, #tpu.memory_space<vmem>> -> memref<128xf32, #tpu.memory_space<vmem>>
          tpu.enqueue_dma source(%dma_start3A_358 : memref<128xf32, #tpu.memory_space<vmem>>) target(%dma_start3A_356 : memref<128xf32, #tpu.memory_space<hbm>>) target_semaphore(%run_scoped3A : memref<!tpu.dma_semaphore, #tpu.memory_space<semaphore_mem>>)
          %dma_wait3A_359 = arith.constant 128 : i32
          %dma_wait3A_360 = tpu.memref_slice %arg17[%dma_wait3A_359] : memref<512xf32, #tpu.memory_space<vmem>> -> memref<128xf32, #tpu.memory_space<vmem>>
          %dma_wait3A_361 = arith.constant 0 : i32
          %dma_wait3A_362 = tpu.memref_slice %arg8[%add3A_340, %dma_wait3A_361] : memref<5000x128xf32, #tpu.memory_space<hbm>> -> memref<1x128xf32, #tpu.memory_space<hbm>>
          %dma_wait3A_363 = tpu.memref_squeeze %dma_wait3A_362 : memref<1x128xf32, #tpu.memory_space<hbm>> -> memref<128xf32, #tpu.memory_space<hbm>>
          %dma_wait3A_364 = arith.constant 0 : i32
          %dma_wait3A_365 = tpu.memref_slice %arg8[%add3A_340, %dma_wait3A_364] : memref<5000x128xf32, #tpu.memory_space<hbm>> -> memref<1x128xf32, #tpu.memory_space<hbm>>
          %dma_wait3A_366 = tpu.memref_squeeze %dma_wait3A_365 : memref<1x128xf32, #tpu.memory_space<hbm>> -> memref<128xf32, #tpu.memory_space<hbm>>
          %dma_wait3A_367 = arith.constant 128 : i32
          %dma_wait3A_368 = tpu.memref_slice %arg17[%dma_wait3A_367] : memref<512xf32, #tpu.memory_space<vmem>> -> memref<128xf32, #tpu.memory_space<vmem>>
          tpu.wait_dma2 semaphore(%run_scoped3A : memref<!tpu.dma_semaphore, #tpu.memory_space<semaphore_mem>>) src(%dma_wait3A_368 : memref<128xf32, #tpu.memory_space<vmem>>) dst(%dma_wait3A_366 : memref<128xf32, #tpu.memory_space<hbm>>)
          tpu.yield
        }) : () -> ()
        %add3A_341 = arith.constant 2 : i32
        %add3A_342 = arith.addi %mul3A_332, %add3A_341 : i32
        "tpu.region"() ({
          %run_scoped3A = tpu.sem_alloc : memref<!tpu.dma_semaphore, #tpu.memory_space<semaphore_mem>>
          %dma_start3A_349 = arith.constant 10016 : i32
          %dma_start3A_350 = tpu.memref_slice %arg13[%dma_start3A_349] : memref<20032xf32, #tpu.memory_space<vmem>> -> memref<5000xf32, #tpu.memory_space<vmem>>
          %dma_start3A_351 = arith.constant 0 : i32
          %dma_start3A_352 = tpu.memref_slice %arg7[%add3A_342, %dma_start3A_351] : memref<5000x5000xf32, #tpu.memory_space<hbm>> -> memref<1x5000xf32, #tpu.memory_space<hbm>>
          %dma_start3A_353 = tpu.memref_squeeze %dma_start3A_352 : memref<1x5000xf32, #tpu.memory_space<hbm>> -> memref<5000xf32, #tpu.memory_space<hbm>>
          %dma_start3A_354 = arith.constant 0 : i32
          %dma_start3A_355 = tpu.memref_slice %arg7[%add3A_342, %dma_start3A_354] : memref<5000x5000xf32, #tpu.memory_space<hbm>> -> memref<1x5000xf32, #tpu.memory_space<hbm>>
          %dma_start3A_356 = tpu.memref_squeeze %dma_start3A_355 : memref<1x5000xf32, #tpu.memory_space<hbm>> -> memref<5000xf32, #tpu.memory_space<hbm>>
          %dma_start3A_357 = arith.constant 10016 : i32
          %dma_start3A_358 = tpu.memref_slice %arg13[%dma_start3A_357] : memref<20032xf32, #tpu.memory_space<vmem>> -> memref<5000xf32, #tpu.memory_space<vmem>>
          tpu.enqueue_dma source(%dma_start3A_358 : memref<5000xf32, #tpu.memory_space<vmem>>) target(%dma_start3A_356 : memref<5000xf32, #tpu.memory_space<hbm>>) target_semaphore(%run_scoped3A : memref<!tpu.dma_semaphore, #tpu.memory_space<semaphore_mem>>)
          %dma_wait3A_359 = arith.constant 10016 : i32
          %dma_wait3A_360 = tpu.memref_slice %arg13[%dma_wait3A_359] : memref<20032xf32, #tpu.memory_space<vmem>> -> memref<5000xf32, #tpu.memory_space<vmem>>
          %dma_wait3A_361 = arith.constant 0 : i32
          %dma_wait3A_362 = tpu.memref_slice %arg7[%add3A_342, %dma_wait3A_361] : memref<5000x5000xf32, #tpu.memory_space<hbm>> -> memref<1x5000xf32, #tpu.memory_space<hbm>>
          %dma_wait3A_363 = tpu.memref_squeeze %dma_wait3A_362 : memref<1x5000xf32, #tpu.memory_space<hbm>> -> memref<5000xf32, #tpu.memory_space<hbm>>
          %dma_wait3A_364 = arith.constant 0 : i32
          %dma_wait3A_365 = tpu.memref_slice %arg7[%add3A_342, %dma_wait3A_364] : memref<5000x5000xf32, #tpu.memory_space<hbm>> -> memref<1x5000xf32, #tpu.memory_space<hbm>>
          %dma_wait3A_366 = tpu.memref_squeeze %dma_wait3A_365 : memref<1x5000xf32, #tpu.memory_space<hbm>> -> memref<5000xf32, #tpu.memory_space<hbm>>
          %dma_wait3A_367 = arith.constant 10016 : i32
          %dma_wait3A_368 = tpu.memref_slice %arg13[%dma_wait3A_367] : memref<20032xf32, #tpu.memory_space<vmem>> -> memref<5000xf32, #tpu.memory_space<vmem>>
          tpu.wait_dma2 semaphore(%run_scoped3A : memref<!tpu.dma_semaphore, #tpu.memory_space<semaphore_mem>>) src(%dma_wait3A_368 : memref<5000xf32, #tpu.memory_space<vmem>>) dst(%dma_wait3A_366 : memref<5000xf32, #tpu.memory_space<hbm>>)
          tpu.yield
        }) : () -> ()
        %add3A_343 = arith.constant 2 : i32
        %add3A_344 = arith.addi %mul3A_332, %add3A_343 : i32
        "tpu.region"() ({
          %run_scoped3A = tpu.sem_alloc : memref<!tpu.dma_semaphore, #tpu.memory_space<semaphore_mem>>
          %dma_start3A_349 = arith.constant 256 : i32
          %dma_start3A_350 = tpu.memref_slice %arg17[%dma_start3A_349] : memref<512xf32, #tpu.memory_space<vmem>> -> memref<128xf32, #tpu.memory_space<vmem>>
          %dma_start3A_351 = arith.constant 0 : i32
          %dma_start3A_352 = tpu.memref_slice %arg8[%add3A_344, %dma_start3A_351] : memref<5000x128xf32, #tpu.memory_space<hbm>> -> memref<1x128xf32, #tpu.memory_space<hbm>>
          %dma_start3A_353 = tpu.memref_squeeze %dma_start3A_352 : memref<1x128xf32, #tpu.memory_space<hbm>> -> memref<128xf32, #tpu.memory_space<hbm>>
          %dma_start3A_354 = arith.constant 0 : i32
          %dma_start3A_355 = tpu.memref_slice %arg8[%add3A_344, %dma_start3A_354] : memref<5000x128xf32, #tpu.memory_space<hbm>> -> memref<1x128xf32, #tpu.memory_space<hbm>>
          %dma_start3A_356 = tpu.memref_squeeze %dma_start3A_355 : memref<1x128xf32, #tpu.memory_space<hbm>> -> memref<128xf32, #tpu.memory_space<hbm>>
          %dma_start3A_357 = arith.constant 256 : i32
          %dma_start3A_358 = tpu.memref_slice %arg17[%dma_start3A_357] : memref<512xf32, #tpu.memory_space<vmem>> -> memref<128xf32, #tpu.memory_space<vmem>>
          tpu.enqueue_dma source(%dma_start3A_358 : memref<128xf32, #tpu.memory_space<vmem>>) target(%dma_start3A_356 : memref<128xf32, #tpu.memory_space<hbm>>) target_semaphore(%run_scoped3A : memref<!tpu.dma_semaphore, #tpu.memory_space<semaphore_mem>>)
          %dma_wait3A_359 = arith.constant 256 : i32
          %dma_wait3A_360 = tpu.memref_slice %arg17[%dma_wait3A_359] : memref<512xf32, #tpu.memory_space<vmem>> -> memref<128xf32, #tpu.memory_space<vmem>>
          %dma_wait3A_361 = arith.constant 0 : i32
          %dma_wait3A_362 = tpu.memref_slice %arg8[%add3A_344, %dma_wait3A_361] : memref<5000x128xf32, #tpu.memory_space<hbm>> -> memref<1x128xf32, #tpu.memory_space<hbm>>
          %dma_wait3A_363 = tpu.memref_squeeze %dma_wait3A_362 : memref<1x128xf32, #tpu.memory_space<hbm>> -> memref<128xf32, #tpu.memory_space<hbm>>
          %dma_wait3A_364 = arith.constant 0 : i32
          %dma_wait3A_365 = tpu.memref_slice %arg8[%add3A_344, %dma_wait3A_364] : memref<5000x128xf32, #tpu.memory_space<hbm>> -> memref<1x128xf32, #tpu.memory_space<hbm>>
          %dma_wait3A_366 = tpu.memref_squeeze %dma_wait3A_365 : memref<1x128xf32, #tpu.memory_space<hbm>> -> memref<128xf32, #tpu.memory_space<hbm>>
          %dma_wait3A_367 = arith.constant 256 : i32
          %dma_wait3A_368 = tpu.memref_slice %arg17[%dma_wait3A_367] : memref<512xf32, #tpu.memory_space<vmem>> -> memref<128xf32, #tpu.memory_space<vmem>>
          tpu.wait_dma2 semaphore(%run_scoped3A : memref<!tpu.dma_semaphore, #tpu.memory_space<semaphore_mem>>) src(%dma_wait3A_368 : memref<128xf32, #tpu.memory_space<vmem>>) dst(%dma_wait3A_366 : memref<128xf32, #tpu.memory_space<hbm>>)
          tpu.yield
        }) : () -> ()
        %add3A_345 = arith.constant 3 : i32
        %add3A_346 = arith.addi %mul3A_332, %add3A_345 : i32
        "tpu.region"() ({
          %run_scoped3A = tpu.sem_alloc : memref<!tpu.dma_semaphore, #tpu.memory_space<semaphore_mem>>
          %dma_start3A_349 = arith.constant 15024 : i32
          %dma_start3A_350 = tpu.memref_slice %arg13[%dma_start3A_349] : memref<20032xf32, #tpu.memory_space<vmem>> -> memref<5000xf32, #tpu.memory_space<vmem>>
          %dma_start3A_351 = arith.constant 0 : i32
          %dma_start3A_352 = tpu.memref_slice %arg7[%add3A_346, %dma_start3A_351] : memref<5000x5000xf32, #tpu.memory_space<hbm>> -> memref<1x5000xf32, #tpu.memory_space<hbm>>
          %dma_start3A_353 = tpu.memref_squeeze %dma_start3A_352 : memref<1x5000xf32, #tpu.memory_space<hbm>> -> memref<5000xf32, #tpu.memory_space<hbm>>
          %dma_start3A_354 = arith.constant 0 : i32
          %dma_start3A_355 = tpu.memref_slice %arg7[%add3A_346, %dma_start3A_354] : memref<5000x5000xf32, #tpu.memory_space<hbm>> -> memref<1x5000xf32, #tpu.memory_space<hbm>>
          %dma_start3A_356 = tpu.memref_squeeze %dma_start3A_355 : memref<1x5000xf32, #tpu.memory_space<hbm>> -> memref<5000xf32, #tpu.memory_space<hbm>>
          %dma_start3A_357 = arith.constant 15024 : i32
          %dma_start3A_358 = tpu.memref_slice %arg13[%dma_start3A_357] : memref<20032xf32, #tpu.memory_space<vmem>> -> memref<5000xf32, #tpu.memory_space<vmem>>
          tpu.enqueue_dma source(%dma_start3A_358 : memref<5000xf32, #tpu.memory_space<vmem>>) target(%dma_start3A_356 : memref<5000xf32, #tpu.memory_space<hbm>>) target_semaphore(%run_scoped3A : memref<!tpu.dma_semaphore, #tpu.memory_space<semaphore_mem>>)
          %dma_wait3A_359 = arith.constant 15024 : i32
          %dma_wait3A_360 = tpu.memref_slice %arg13[%dma_wait3A_359] : memref<20032xf32, #tpu.memory_space<vmem>> -> memref<5000xf32, #tpu.memory_space<vmem>>
          %dma_wait3A_361 = arith.constant 0 : i32
          %dma_wait3A_362 = tpu.memref_slice %arg7[%add3A_346, %dma_wait3A_361] : memref<5000x5000xf32, #tpu.memory_space<hbm>> -> memref<1x5000xf32, #tpu.memory_space<hbm>>
          %dma_wait3A_363 = tpu.memref_squeeze %dma_wait3A_362 : memref<1x5000xf32, #tpu.memory_space<hbm>> -> memref<5000xf32, #tpu.memory_space<hbm>>
          %dma_wait3A_364 = arith.constant 0 : i32
          %dma_wait3A_365 = tpu.memref_slice %arg7[%add3A_346, %dma_wait3A_364] : memref<5000x5000xf32, #tpu.memory_space<hbm>> -> memref<1x5000xf32, #tpu.memory_space<hbm>>
          %dma_wait3A_366 = tpu.memref_squeeze %dma_wait3A_365 : memref<1x5000xf32, #tpu.memory_space<hbm>> -> memref<5000xf32, #tpu.memory_space<hbm>>
          %dma_wait3A_367 = arith.constant 15024 : i32
          %dma_wait3A_368 = tpu.memref_slice %arg13[%dma_wait3A_367] : memref<20032xf32, #tpu.memory_space<vmem>> -> memref<5000xf32, #tpu.memory_space<vmem>>
          tpu.wait_dma2 semaphore(%run_scoped3A : memref<!tpu.dma_semaphore, #tpu.memory_space<semaphore_mem>>) src(%dma_wait3A_368 : memref<5000xf32, #tpu.memory_space<vmem>>) dst(%dma_wait3A_366 : memref<5000xf32, #tpu.memory_space<hbm>>)
          tpu.yield
        }) : () -> ()
        %add3A_347 = arith.constant 3 : i32
        %add3A_348 = arith.addi %mul3A_332, %add3A_347 : i32
        "tpu.region"() ({
          %run_scoped3A = tpu.sem_alloc : memref<!tpu.dma_semaphore, #tpu.memory_space<semaphore_mem>>
          %dma_start3A_349 = arith.constant 384 : i32
          %dma_start3A_350 = tpu.memref_slice %arg17[%dma_start3A_349] : memref<512xf32, #tpu.memory_space<vmem>> -> memref<128xf32, #tpu.memory_space<vmem>>
          %dma_start3A_351 = arith.constant 0 : i32
          %dma_start3A_352 = tpu.memref_slice %arg8[%add3A_348, %dma_start3A_351] : memref<5000x128xf32, #tpu.memory_space<hbm>> -> memref<1x128xf32, #tpu.memory_space<hbm>>
          %dma_start3A_353 = tpu.memref_squeeze %dma_start3A_352 : memref<1x128xf32, #tpu.memory_space<hbm>> -> memref<128xf32, #tpu.memory_space<hbm>>
          %dma_start3A_354 = arith.constant 0 : i32
          %dma_start3A_355 = tpu.memref_slice %arg8[%add3A_348, %dma_start3A_354] : memref<5000x128xf32, #tpu.memory_space<hbm>> -> memref<1x128xf32, #tpu.memory_space<hbm>>
          %dma_start3A_356 = tpu.memref_squeeze %dma_start3A_355 : memref<1x128xf32, #tpu.memory_space<hbm>> -> memref<128xf32, #tpu.memory_space<hbm>>
          %dma_start3A_357 = arith.constant 384 : i32
          %dma_start3A_358 = tpu.memref_slice %arg17[%dma_start3A_357] : memref<512xf32, #tpu.memory_space<vmem>> -> memref<128xf32, #tpu.memory_space<vmem>>
          tpu.enqueue_dma source(%dma_start3A_358 : memref<128xf32, #tpu.memory_space<vmem>>) target(%dma_start3A_356 : memref<128xf32, #tpu.memory_space<hbm>>) target_semaphore(%run_scoped3A : memref<!tpu.dma_semaphore, #tpu.memory_space<semaphore_mem>>)
          %dma_wait3A_359 = arith.constant 384 : i32
          %dma_wait3A_360 = tpu.memref_slice %arg17[%dma_wait3A_359] : memref<512xf32, #tpu.memory_space<vmem>> -> memref<128xf32, #tpu.memory_space<vmem>>
          %dma_wait3A_361 = arith.constant 0 : i32
          %dma_wait3A_362 = tpu.memref_slice %arg8[%add3A_348, %dma_wait3A_361] : memref<5000x128xf32, #tpu.memory_space<hbm>> -> memref<1x128xf32, #tpu.memory_space<hbm>>
          %dma_wait3A_363 = tpu.memref_squeeze %dma_wait3A_362 : memref<1x128xf32, #tpu.memory_space<hbm>> -> memref<128xf32, #tpu.memory_space<hbm>>
          %dma_wait3A_364 = arith.constant 0 : i32
          %dma_wait3A_365 = tpu.memref_slice %arg8[%add3A_348, %dma_wait3A_364] : memref<5000x128xf32, #tpu.memory_space<hbm>> -> memref<1x128xf32, #tpu.memory_space<hbm>>
          %dma_wait3A_366 = tpu.memref_squeeze %dma_wait3A_365 : memref<1x128xf32, #tpu.memory_space<hbm>> -> memref<128xf32, #tpu.memory_space<hbm>>
          %dma_wait3A_367 = arith.constant 384 : i32
          %dma_wait3A_368 = tpu.memref_slice %arg17[%dma_wait3A_367] : memref<512xf32, #tpu.memory_space<vmem>> -> memref<128xf32, #tpu.memory_space<vmem>>
          tpu.wait_dma2 semaphore(%run_scoped3A : memref<!tpu.dma_semaphore, #tpu.memory_space<semaphore_mem>>) src(%dma_wait3A_368 : memref<128xf32, #tpu.memory_space<vmem>>) dst(%dma_wait3A_366 : memref<128xf32, #tpu.memory_space<hbm>>)
          tpu.yield
        }) : () -> ()
      } else {
      }
      %mul3A_25 = arith.constant 2 : i32
      %mul3A_26 = arith.muli %mul3A_25, %scan3A_18 : i32
      %add3A_27 = arith.constant 1 : i32
      %add3A_28 = arith.addi %mul3A_26, %add3A_27 : i32
      %lt3A_29 = arith.cmpi slt, %add3A_28, %select_n3A : i32
      %convert_element_type3A_30 = arith.extui %lt3A_29 : i1 to i32
      %cond3A_31 = arith.constant 0 : i32
      %cond3A_32 = arith.cmpi ne, %convert_element_type3A_30, %cond3A_31 : i32
      scf.if %cond3A_32 {
        %mul3A_33 = arith.constant 8 : i32
        %mul3A_34 = arith.muli %add3A_28, %mul3A_33 : i32
        %multiple_of3A_35 = tpu.assume_multiple %mul3A_34, 8 : i32
        %dma_wait3A = tpu.memref_slice %arg15[%multiple_of3A_35] : memref<320xi32, #tpu.memory_space<vmem>> -> memref<4xi32, #tpu.memory_space<vmem>>
        %dma_wait3A_36 = arith.constant 0 : i32
        %dma_wait3A_37 = arith.constant 0 : i32
        %dma_wait3A_38 = tpu.memref_slice %arg2[%dma_wait3A_36, %dma_wait3A_37] : memref<10000x10000xf32, #tpu.memory_space<hbm>> -> memref<10000x10000xf32, #tpu.memory_space<hbm>>
        tpu.wait_indirect_dma semaphore(%arg18 : memref<!tpu.dma_semaphore, #tpu.memory_space<semaphore_mem>>) src(%dma_wait3A_38 : memref<10000x10000xf32, #tpu.memory_space<hbm>>) dst(%arg10 : memref<4x10000xf32, #tpu.memory_space<vmem>>)
        %mul3A_39 = arith.constant 8 : i32
        %mul3A_40 = arith.muli %add3A_28, %mul3A_39 : i32
        %multiple_of3A_41 = tpu.assume_multiple %mul3A_40, 8 : i32
        %dma_wait3A_42 = tpu.memref_slice %arg15[%multiple_of3A_41] : memref<320xi32, #tpu.memory_space<vmem>> -> memref<4xi32, #tpu.memory_space<vmem>>
        %dma_wait3A_43 = arith.constant 0 : i32
        %dma_wait3A_44 = arith.constant 0 : i32
        %dma_wait3A_45 = tpu.memref_slice %arg3[%dma_wait3A_43, %dma_wait3A_44] : memref<10000x128xf32, #tpu.memory_space<hbm>> -> memref<10000x128xf32, #tpu.memory_space<hbm>>
        tpu.wait_indirect_dma semaphore(%arg19 : memref<!tpu.dma_semaphore, #tpu.memory_space<semaphore_mem>>) src(%dma_wait3A_45 : memref<10000x128xf32, #tpu.memory_space<hbm>>) dst(%arg12 : memref<4x128xf32, #tpu.memory_space<vmem>>)
        %add3A_46 = arith.constant 1 : i32
        %add3A_47 = arith.addi %add3A_28, %add3A_46 : i32
        %lt3A_48 = arith.cmpi slt, %add3A_47, %select_n3A : i32
        %convert_element_type3A_49 = arith.extui %lt3A_48 : i1 to i32
        %cond3A_50 = arith.constant 0 : i32
        %cond3A_51 = arith.cmpi ne, %convert_element_type3A_49, %cond3A_50 : i32
        scf.if %cond3A_51 {
          %add3A_349 = arith.constant 1 : i32
          %add3A_350 = arith.addi %add3A_28, %add3A_349 : i32
          %mul3A_351 = arith.constant 8 : i32
          %mul3A_352 = arith.muli %add3A_350, %mul3A_351 : i32
          %multiple_of3A_353 = tpu.assume_multiple %mul3A_352, 8 : i32
          %dma_start3A_354 = tpu.memref_slice %arg15[%multiple_of3A_353] : memref<320xi32, #tpu.memory_space<vmem>> -> memref<4xi32, #tpu.memory_space<vmem>>
          %dma_start3A_355 = arith.constant 0 : i32
          %dma_start3A_356 = arith.constant 0 : i32
          %dma_start3A_357 = tpu.memref_slice %arg2[%dma_start3A_355, %dma_start3A_356] : memref<10000x10000xf32, #tpu.memory_space<hbm>> -> memref<10000x10000xf32, #tpu.memory_space<hbm>>
          tpu.enqueue_indirect_dma source(%dma_start3A_357 : memref<10000x10000xf32, #tpu.memory_space<hbm>>) target(%arg9 : memref<4x10000xf32, #tpu.memory_space<vmem>>) offsets(%dma_start3A_354 : memref<4xi32, #tpu.memory_space<vmem>>) semaphore(%arg18 : memref<!tpu.dma_semaphore, #tpu.memory_space<semaphore_mem>>)
          %mul3A_358 = arith.constant 8 : i32
          %mul3A_359 = arith.muli %add3A_350, %mul3A_358 : i32
          %multiple_of3A_360 = tpu.assume_multiple %mul3A_359, 8 : i32
          %dma_start3A_361 = tpu.memref_slice %arg15[%multiple_of3A_360] : memref<320xi32, #tpu.memory_space<vmem>> -> memref<4xi32, #tpu.memory_space<vmem>>
          %dma_start3A_362 = arith.constant 0 : i32
          %dma_start3A_363 = arith.constant 0 : i32
          %dma_start3A_364 = tpu.memref_slice %arg3[%dma_start3A_362, %dma_start3A_363] : memref<10000x128xf32, #tpu.memory_space<hbm>> -> memref<10000x128xf32, #tpu.memory_space<hbm>>
          tpu.enqueue_indirect_dma source(%dma_start3A_364 : memref<10000x128xf32, #tpu.memory_space<hbm>>) target(%arg11 : memref<4x128xf32, #tpu.memory_space<vmem>>) offsets(%dma_start3A_361 : memref<4xi32, #tpu.memory_space<vmem>>) semaphore(%arg19 : memref<!tpu.dma_semaphore, #tpu.memory_space<semaphore_mem>>)
        } else {
        }
        %broadcast_in_dim3A = arith.constant 0 : i32
        %broadcast_in_dim3A_52 = vector.broadcast %broadcast_in_dim3A : i32 to vector<16xi32>
        %parallel_loop3A = arith.constant 0 : i32
        %parallel_loop3A_53 = arith.constant 313 : i32
        %parallel_loop3A_54 = arith.constant 1 : i32
        scf.for %parallel_loop3A_349 = %parallel_loop3A to %parallel_loop3A_53 step %parallel_loop3A_54  : i32 {
          %parallel_loop3A_350 = arith.constant 16 : i32
          %parallel_loop3A_351 = arith.muli %parallel_loop3A_349, %parallel_loop3A_350 : i32
          %parallel_loop3A_352 = tpu.assume_multiple %parallel_loop3A_351, 16 : i32
          %parallel_loop3A_353 = arith.index_cast %parallel_loop3A_352 : i32 to index
          %parallel_loop3A_354 = tpu.vector_load %arg14[%parallel_loop3A_353] {strides = array<i32>} : memref<5008xi32, #tpu.memory_space<vmem>>, vector<16xi32>,
          %parallel_loop3A_355 = tpu.vector_load_idx %arg10[%broadcast_in_dim3A_52, %parallel_loop3A_354] : memref<4x10000xf32, #tpu.memory_space<vmem>>[vector<16xi32>, vector<16xi32>], vector<16xf32>,
          %parallel_loop3A_356 = arith.constant 0 : i32
          %parallel_loop3A_357 = arith.addi %parallel_loop3A_356, %parallel_loop3A_352 : i32
          %parallel_loop3A_358 = arith.index_cast %parallel_loop3A_357 : i32 to index
          %parallel_loop3A_359 = tpu.vector_load %arg13[%parallel_loop3A_358] {strides = array<i32>} : memref<20032xf32, #tpu.memory_space<vmem>>, vector<16xf32>,
          tpu.vector_store %arg13[%parallel_loop3A_358], %parallel_loop3A_355 {strides = array<i32>} : memref<20032xf32, #tpu.memory_space<vmem>>, vector<16xf32>,
        } {sc.loop_unroll_factor = 8 : i64, sc.parallel_access}
        %mul3A_55 = arith.constant 4 : i32
        %mul3A_56 = arith.muli %add3A_28, %mul3A_55 : i32
        %add3A_57 = arith.constant 0 : i32
        %add3A_58 = arith.addi %mul3A_56, %add3A_57 : i32
        %mul3A_59 = arith.constant 16 : i32
        %mul3A_60 = arith.muli %add3A_58, %mul3A_59 : i32
        %multiple_of3A_61 = tpu.assume_multiple %mul3A_60, 16 : i32
        %get3A = arith.index_cast %multiple_of3A_61 : i32 to index
        %get3A_62 = tpu.vector_load %arg16[%get3A] {strides = array<i32>} : memref<2560xf32, #tpu.memory_space<vmem>>, vector<16xf32>,
        %get3A_63 = arith.constant 0 : i32
        %get3A_64 = arith.index_cast %get3A_63 : i32 to index
        %get3A_65 = arith.constant 0 : index
        %get3A_66 = tpu.vector_load %arg12[%get3A_64, %get3A_65] {strides = array<i32>} : memref<4x128xf32, #tpu.memory_space<vmem>>, vector<16xf32>,
        %mul3A_67 = arith.mulf %get3A_66, %get3A_62 : vector<16xf32>
        %swap3A = arith.constant 0 : index
        %swap3A_68 = tpu.vector_load %arg17[%swap3A] {strides = array<i32>} : memref<512xf32, #tpu.memory_space<vmem>>, vector<16xf32>,
        tpu.vector_store %arg17[%swap3A], %mul3A_67 {strides = array<i32>} : memref<512xf32, #tpu.memory_space<vmem>>, vector<16xf32>,
        %get3A_69 = arith.constant 0 : i32
        %get3A_70 = arith.index_cast %get3A_69 : i32 to index
        %get3A_71 = arith.constant 16 : index
        %get3A_72 = tpu.vector_load %arg12[%get3A_70, %get3A_71] {strides = array<i32>} : memref<4x128xf32, #tpu.memory_space<vmem>>, vector<16xf32>,
        %mul3A_73 = arith.mulf %get3A_72, %get3A_62 : vector<16xf32>
        %swap3A_74 = arith.constant 16 : index
        %swap3A_75 = tpu.vector_load %arg17[%swap3A_74] {strides = array<i32>} : memref<512xf32, #tpu.memory_space<vmem>>, vector<16xf32>,
        tpu.vector_store %arg17[%swap3A_74], %mul3A_73 {strides = array<i32>} : memref<512xf32, #tpu.memory_space<vmem>>, vector<16xf32>,
        %get3A_76 = arith.constant 0 : i32
        %get3A_77 = arith.index_cast %get3A_76 : i32 to index
        %get3A_78 = arith.constant 32 : index
        %get3A_79 = tpu.vector_load %arg12[%get3A_77, %get3A_78] {strides = array<i32>} : memref<4x128xf32, #tpu.memory_space<vmem>>, vector<16xf32>,
        %mul3A_80 = arith.mulf %get3A_79, %get3A_62 : vector<16xf32>
        %swap3A_81 = arith.constant 32 : index
        %swap3A_82 = tpu.vector_load %arg17[%swap3A_81] {strides = array<i32>} : memref<512xf32, #tpu.memory_space<vmem>>, vector<16xf32>,
        tpu.vector_store %arg17[%swap3A_81], %mul3A_80 {strides = array<i32>} : memref<512xf32, #tpu.memory_space<vmem>>, vector<16xf32>,
        %get3A_83 = arith.constant 0 : i32
        %get3A_84 = arith.index_cast %get3A_83 : i32 to index
        %get3A_85 = arith.constant 48 : index
        %get3A_86 = tpu.vector_load %arg12[%get3A_84, %get3A_85] {strides = array<i32>} : memref<4x128xf32, #tpu.memory_space<vmem>>, vector<16xf32>,
        %mul3A_87 = arith.mulf %get3A_86, %get3A_62 : vector<16xf32>
        %swap3A_88 = arith.constant 48 : index
        %swap3A_89 = tpu.vector_load %arg17[%swap3A_88] {strides = array<i32>} : memref<512xf32, #tpu.memory_space<vmem>>, vector<16xf32>,
        tpu.vector_store %arg17[%swap3A_88], %mul3A_87 {strides = array<i32>} : memref<512xf32, #tpu.memory_space<vmem>>, vector<16xf32>,
        %get3A_90 = arith.constant 0 : i32
        %get3A_91 = arith.index_cast %get3A_90 : i32 to index
        %get3A_92 = arith.constant 64 : index
        %get3A_93 = tpu.vector_load %arg12[%get3A_91, %get3A_92] {strides = array<i32>} : memref<4x128xf32, #tpu.memory_space<vmem>>, vector<16xf32>,
        %mul3A_94 = arith.mulf %get3A_93, %get3A_62 : vector<16xf32>
        %swap3A_95 = arith.constant 64 : index
        %swap3A_96 = tpu.vector_load %arg17[%swap3A_95] {strides = array<i32>} : memref<512xf32, #tpu.memory_space<vmem>>, vector<16xf32>,
        tpu.vector_store %arg17[%swap3A_95], %mul3A_94 {strides = array<i32>} : memref<512xf32, #tpu.memory_space<vmem>>, vector<16xf32>,
        %get3A_97 = arith.constant 0 : i32
        %get3A_98 = arith.index_cast %get3A_97 : i32 to index
        %get3A_99 = arith.constant 80 : index
        %get3A_100 = tpu.vector_load %arg12[%get3A_98, %get3A_99] {strides = array<i32>} : memref<4x128xf32, #tpu.memory_space<vmem>>, vector<16xf32>,
        %mul3A_101 = arith.mulf %get3A_100, %get3A_62 : vector<16xf32>
        %swap3A_102 = arith.constant 80 : index
        %swap3A_103 = tpu.vector_load %arg17[%swap3A_102] {strides = array<i32>} : memref<512xf32, #tpu.memory_space<vmem>>, vector<16xf32>,
        tpu.vector_store %arg17[%swap3A_102], %mul3A_101 {strides = array<i32>} : memref<512xf32, #tpu.memory_space<vmem>>, vector<16xf32>,
        %get3A_104 = arith.constant 0 : i32
        %get3A_105 = arith.index_cast %get3A_104 : i32 to index
        %get3A_106 = arith.constant 96 : index
        %get3A_107 = tpu.vector_load %arg12[%get3A_105, %get3A_106] {strides = array<i32>} : memref<4x128xf32, #tpu.memory_space<vmem>>, vector<16xf32>,
        %mul3A_108 = arith.mulf %get3A_107, %get3A_62 : vector<16xf32>
        %swap3A_109 = arith.constant 96 : index
        %swap3A_110 = tpu.vector_load %arg17[%swap3A_109] {strides = array<i32>} : memref<512xf32, #tpu.memory_space<vmem>>, vector<16xf32>,
        tpu.vector_store %arg17[%swap3A_109], %mul3A_108 {strides = array<i32>} : memref<512xf32, #tpu.memory_space<vmem>>, vector<16xf32>,
        %get3A_111 = arith.constant 0 : i32
        %get3A_112 = arith.index_cast %get3A_111 : i32 to index
        %get3A_113 = arith.constant 112 : index
        %get3A_114 = tpu.vector_load %arg12[%get3A_112, %get3A_113] {strides = array<i32>} : memref<4x128xf32, #tpu.memory_space<vmem>>, vector<16xf32>,
        %mul3A_115 = arith.mulf %get3A_114, %get3A_62 : vector<16xf32>
        %swap3A_116 = arith.constant 112 : index
        %swap3A_117 = tpu.vector_load %arg17[%swap3A_116] {strides = array<i32>} : memref<512xf32, #tpu.memory_space<vmem>>, vector<16xf32>,
        tpu.vector_store %arg17[%swap3A_116], %mul3A_115 {strides = array<i32>} : memref<512xf32, #tpu.memory_space<vmem>>, vector<16xf32>,
        %broadcast_in_dim3A_118 = arith.constant 1 : i32
        %broadcast_in_dim3A_119 = vector.broadcast %broadcast_in_dim3A_118 : i32 to vector<16xi32>
        %parallel_loop3A_120 = arith.constant 0 : i32
        %parallel_loop3A_121 = arith.constant 313 : i32
        %parallel_loop3A_122 = arith.constant 1 : i32
        scf.for %parallel_loop3A_349 = %parallel_loop3A_120 to %parallel_loop3A_121 step %parallel_loop3A_122  : i32 {
          %parallel_loop3A_350 = arith.constant 16 : i32
          %parallel_loop3A_351 = arith.muli %parallel_loop3A_349, %parallel_loop3A_350 : i32
          %parallel_loop3A_352 = tpu.assume_multiple %parallel_loop3A_351, 16 : i32
          %parallel_loop3A_353 = arith.index_cast %parallel_loop3A_352 : i32 to index
          %parallel_loop3A_354 = tpu.vector_load %arg14[%parallel_loop3A_353] {strides = array<i32>} : memref<5008xi32, #tpu.memory_space<vmem>>, vector<16xi32>,
          %parallel_loop3A_355 = tpu.vector_load_idx %arg10[%broadcast_in_dim3A_119, %parallel_loop3A_354] : memref<4x10000xf32, #tpu.memory_space<vmem>>[vector<16xi32>, vector<16xi32>], vector<16xf32>,
          %parallel_loop3A_356 = arith.constant 5008 : i32
          %parallel_loop3A_357 = arith.addi %parallel_loop3A_356, %parallel_loop3A_352 : i32
          %parallel_loop3A_358 = arith.index_cast %parallel_loop3A_357 : i32 to index
          %parallel_loop3A_359 = tpu.vector_load %arg13[%parallel_loop3A_358] {strides = array<i32>} : memref<20032xf32, #tpu.memory_space<vmem>>, vector<16xf32>,
          tpu.vector_store %arg13[%parallel_loop3A_358], %parallel_loop3A_355 {strides = array<i32>} : memref<20032xf32, #tpu.memory_space<vmem>>, vector<16xf32>,
        } {sc.loop_unroll_factor = 8 : i64, sc.parallel_access}
        %mul3A_123 = arith.constant 4 : i32
        %mul3A_124 = arith.muli %add3A_28, %mul3A_123 : i32
        %add3A_125 = arith.constant 1 : i32
        %add3A_126 = arith.addi %mul3A_124, %add3A_125 : i32
        %mul3A_127 = arith.constant 16 : i32
        %mul3A_128 = arith.muli %add3A_126, %mul3A_127 : i32
        %multiple_of3A_129 = tpu.assume_multiple %mul3A_128, 16 : i32
        %get3A_130 = arith.index_cast %multiple_of3A_129 : i32 to index
        %get3A_131 = tpu.vector_load %arg16[%get3A_130] {strides = array<i32>} : memref<2560xf32, #tpu.memory_space<vmem>>, vector<16xf32>,
        %get3A_132 = arith.constant 1 : i32
        %get3A_133 = arith.index_cast %get3A_132 : i32 to index
        %get3A_134 = arith.constant 0 : index
        %get3A_135 = tpu.vector_load %arg12[%get3A_133, %get3A_134] {strides = array<i32>} : memref<4x128xf32, #tpu.memory_space<vmem>>, vector<16xf32>,
        %mul3A_136 = arith.mulf %get3A_135, %get3A_131 : vector<16xf32>
        %swap3A_137 = arith.constant 128 : index
        %swap3A_138 = tpu.vector_load %arg17[%swap3A_137] {strides = array<i32>} : memref<512xf32, #tpu.memory_space<vmem>>, vector<16xf32>,
        tpu.vector_store %arg17[%swap3A_137], %mul3A_136 {strides = array<i32>} : memref<512xf32, #tpu.memory_space<vmem>>, vector<16xf32>,
        %get3A_139 = arith.constant 1 : i32
        %get3A_140 = arith.index_cast %get3A_139 : i32 to index
        %get3A_141 = arith.constant 16 : index
        %get3A_142 = tpu.vector_load %arg12[%get3A_140, %get3A_141] {strides = array<i32>} : memref<4x128xf32, #tpu.memory_space<vmem>>, vector<16xf32>,
        %mul3A_143 = arith.mulf %get3A_142, %get3A_131 : vector<16xf32>
        %swap3A_144 = arith.constant 144 : index
        %swap3A_145 = tpu.vector_load %arg17[%swap3A_144] {strides = array<i32>} : memref<512xf32, #tpu.memory_space<vmem>>, vector<16xf32>,
        tpu.vector_store %arg17[%swap3A_144], %mul3A_143 {strides = array<i32>} : memref<512xf32, #tpu.memory_space<vmem>>, vector<16xf32>,
        %get3A_146 = arith.constant 1 : i32
        %get3A_147 = arith.index_cast %get3A_146 : i32 to index
        %get3A_148 = arith.constant 32 : index
        %get3A_149 = tpu.vector_load %arg12[%get3A_147, %get3A_148] {strides = array<i32>} : memref<4x128xf32, #tpu.memory_space<vmem>>, vector<16xf32>,
        %mul3A_150 = arith.mulf %get3A_149, %get3A_131 : vector<16xf32>
        %swap3A_151 = arith.constant 160 : index
        %swap3A_152 = tpu.vector_load %arg17[%swap3A_151] {strides = array<i32>} : memref<512xf32, #tpu.memory_space<vmem>>, vector<16xf32>,
        tpu.vector_store %arg17[%swap3A_151], %mul3A_150 {strides = array<i32>} : memref<512xf32, #tpu.memory_space<vmem>>, vector<16xf32>,
        %get3A_153 = arith.constant 1 : i32
        %get3A_154 = arith.index_cast %get3A_153 : i32 to index
        %get3A_155 = arith.constant 48 : index
        %get3A_156 = tpu.vector_load %arg12[%get3A_154, %get3A_155] {strides = array<i32>} : memref<4x128xf32, #tpu.memory_space<vmem>>, vector<16xf32>,
        %mul3A_157 = arith.mulf %get3A_156, %get3A_131 : vector<16xf32>
        %swap3A_158 = arith.constant 176 : index
        %swap3A_159 = tpu.vector_load %arg17[%swap3A_158] {strides = array<i32>} : memref<512xf32, #tpu.memory_space<vmem>>, vector<16xf32>,
        tpu.vector_store %arg17[%swap3A_158], %mul3A_157 {strides = array<i32>} : memref<512xf32, #tpu.memory_space<vmem>>, vector<16xf32>,
        %get3A_160 = arith.constant 1 : i32
        %get3A_161 = arith.index_cast %get3A_160 : i32 to index
        %get3A_162 = arith.constant 64 : index
        %get3A_163 = tpu.vector_load %arg12[%get3A_161, %get3A_162] {strides = array<i32>} : memref<4x128xf32, #tpu.memory_space<vmem>>, vector<16xf32>,
        %mul3A_164 = arith.mulf %get3A_163, %get3A_131 : vector<16xf32>
        %swap3A_165 = arith.constant 192 : index
        %swap3A_166 = tpu.vector_load %arg17[%swap3A_165] {strides = array<i32>} : memref<512xf32, #tpu.memory_space<vmem>>, vector<16xf32>,
        tpu.vector_store %arg17[%swap3A_165], %mul3A_164 {strides = array<i32>} : memref<512xf32, #tpu.memory_space<vmem>>, vector<16xf32>,
        %get3A_167 = arith.constant 1 : i32
        %get3A_168 = arith.index_cast %get3A_167 : i32 to index
        %get3A_169 = arith.constant 80 : index
        %get3A_170 = tpu.vector_load %arg12[%get3A_168, %get3A_169] {strides = array<i32>} : memref<4x128xf32, #tpu.memory_space<vmem>>, vector<16xf32>,
        %mul3A_171 = arith.mulf %get3A_170, %get3A_131 : vector<16xf32>
        %swap3A_172 = arith.constant 208 : index
        %swap3A_173 = tpu.vector_load %arg17[%swap3A_172] {strides = array<i32>} : memref<512xf32, #tpu.memory_space<vmem>>, vector<16xf32>,
        tpu.vector_store %arg17[%swap3A_172], %mul3A_171 {strides = array<i32>} : memref<512xf32, #tpu.memory_space<vmem>>, vector<16xf32>,
        %get3A_174 = arith.constant 1 : i32
        %get3A_175 = arith.index_cast %get3A_174 : i32 to index
        %get3A_176 = arith.constant 96 : index
        %get3A_177 = tpu.vector_load %arg12[%get3A_175, %get3A_176] {strides = array<i32>} : memref<4x128xf32, #tpu.memory_space<vmem>>, vector<16xf32>,
        %mul3A_178 = arith.mulf %get3A_177, %get3A_131 : vector<16xf32>
        %swap3A_179 = arith.constant 224 : index
        %swap3A_180 = tpu.vector_load %arg17[%swap3A_179] {strides = array<i32>} : memref<512xf32, #tpu.memory_space<vmem>>, vector<16xf32>,
        tpu.vector_store %arg17[%swap3A_179], %mul3A_178 {strides = array<i32>} : memref<512xf32, #tpu.memory_space<vmem>>, vector<16xf32>,
        %get3A_181 = arith.constant 1 : i32
        %get3A_182 = arith.index_cast %get3A_181 : i32 to index
        %get3A_183 = arith.constant 112 : index
        %get3A_184 = tpu.vector_load %arg12[%get3A_182, %get3A_183] {strides = array<i32>} : memref<4x128xf32, #tpu.memory_space<vmem>>, vector<16xf32>,
        %mul3A_185 = arith.mulf %get3A_184, %get3A_131 : vector<16xf32>
        %swap3A_186 = arith.constant 240 : index
        %swap3A_187 = tpu.vector_load %arg17[%swap3A_186] {strides = array<i32>} : memref<512xf32, #tpu.memory_space<vmem>>, vector<16xf32>,
        tpu.vector_store %arg17[%swap3A_186], %mul3A_185 {strides = array<i32>} : memref<512xf32, #tpu.memory_space<vmem>>, vector<16xf32>,
        %broadcast_in_dim3A_188 = arith.constant 2 : i32
        %broadcast_in_dim3A_189 = vector.broadcast %broadcast_in_dim3A_188 : i32 to vector<16xi32>
        %parallel_loop3A_190 = arith.constant 0 : i32
        %parallel_loop3A_191 = arith.constant 313 : i32
        %parallel_loop3A_192 = arith.constant 1 : i32
        scf.for %parallel_loop3A_349 = %parallel_loop3A_190 to %parallel_loop3A_191 step %parallel_loop3A_192  : i32 {
          %parallel_loop3A_350 = arith.constant 16 : i32
          %parallel_loop3A_351 = arith.muli %parallel_loop3A_349, %parallel_loop3A_350 : i32
          %parallel_loop3A_352 = tpu.assume_multiple %parallel_loop3A_351, 16 : i32
          %parallel_loop3A_353 = arith.index_cast %parallel_loop3A_352 : i32 to index
          %parallel_loop3A_354 = tpu.vector_load %arg14[%parallel_loop3A_353] {strides = array<i32>} : memref<5008xi32, #tpu.memory_space<vmem>>, vector<16xi32>,
          %parallel_loop3A_355 = tpu.vector_load_idx %arg10[%broadcast_in_dim3A_189, %parallel_loop3A_354] : memref<4x10000xf32, #tpu.memory_space<vmem>>[vector<16xi32>, vector<16xi32>], vector<16xf32>,
          %parallel_loop3A_356 = arith.constant 10016 : i32
          %parallel_loop3A_357 = arith.addi %parallel_loop3A_356, %parallel_loop3A_352 : i32
          %parallel_loop3A_358 = arith.index_cast %parallel_loop3A_357 : i32 to index
          %parallel_loop3A_359 = tpu.vector_load %arg13[%parallel_loop3A_358] {strides = array<i32>} : memref<20032xf32, #tpu.memory_space<vmem>>, vector<16xf32>,
          tpu.vector_store %arg13[%parallel_loop3A_358], %parallel_loop3A_355 {strides = array<i32>} : memref<20032xf32, #tpu.memory_space<vmem>>, vector<16xf32>,
        } {sc.loop_unroll_factor = 8 : i64, sc.parallel_access}
        %mul3A_193 = arith.constant 4 : i32
        %mul3A_194 = arith.muli %add3A_28, %mul3A_193 : i32
        %add3A_195 = arith.constant 2 : i32
        %add3A_196 = arith.addi %mul3A_194, %add3A_195 : i32
        %mul3A_197 = arith.constant 16 : i32
        %mul3A_198 = arith.muli %add3A_196, %mul3A_197 : i32
        %multiple_of3A_199 = tpu.assume_multiple %mul3A_198, 16 : i32
        %get3A_200 = arith.index_cast %multiple_of3A_199 : i32 to index
        %get3A_201 = tpu.vector_load %arg16[%get3A_200] {strides = array<i32>} : memref<2560xf32, #tpu.memory_space<vmem>>, vector<16xf32>,
        %get3A_202 = arith.constant 2 : i32
        %get3A_203 = arith.index_cast %get3A_202 : i32 to index
        %get3A_204 = arith.constant 0 : index
        %get3A_205 = tpu.vector_load %arg12[%get3A_203, %get3A_204] {strides = array<i32>} : memref<4x128xf32, #tpu.memory_space<vmem>>, vector<16xf32>,
        %mul3A_206 = arith.mulf %get3A_205, %get3A_201 : vector<16xf32>
        %swap3A_207 = arith.constant 256 : index
        %swap3A_208 = tpu.vector_load %arg17[%swap3A_207] {strides = array<i32>} : memref<512xf32, #tpu.memory_space<vmem>>, vector<16xf32>,
        tpu.vector_store %arg17[%swap3A_207], %mul3A_206 {strides = array<i32>} : memref<512xf32, #tpu.memory_space<vmem>>, vector<16xf32>,
        %get3A_209 = arith.constant 2 : i32
        %get3A_210 = arith.index_cast %get3A_209 : i32 to index
        %get3A_211 = arith.constant 16 : index
        %get3A_212 = tpu.vector_load %arg12[%get3A_210, %get3A_211] {strides = array<i32>} : memref<4x128xf32, #tpu.memory_space<vmem>>, vector<16xf32>,
        %mul3A_213 = arith.mulf %get3A_212, %get3A_201 : vector<16xf32>
        %swap3A_214 = arith.constant 272 : index
        %swap3A_215 = tpu.vector_load %arg17[%swap3A_214] {strides = array<i32>} : memref<512xf32, #tpu.memory_space<vmem>>, vector<16xf32>,
        tpu.vector_store %arg17[%swap3A_214], %mul3A_213 {strides = array<i32>} : memref<512xf32, #tpu.memory_space<vmem>>, vector<16xf32>,
        %get3A_216 = arith.constant 2 : i32
        %get3A_217 = arith.index_cast %get3A_216 : i32 to index
        %get3A_218 = arith.constant 32 : index
        %get3A_219 = tpu.vector_load %arg12[%get3A_217, %get3A_218] {strides = array<i32>} : memref<4x128xf32, #tpu.memory_space<vmem>>, vector<16xf32>,
        %mul3A_220 = arith.mulf %get3A_219, %get3A_201 : vector<16xf32>
        %swap3A_221 = arith.constant 288 : index
        %swap3A_222 = tpu.vector_load %arg17[%swap3A_221] {strides = array<i32>} : memref<512xf32, #tpu.memory_space<vmem>>, vector<16xf32>,
        tpu.vector_store %arg17[%swap3A_221], %mul3A_220 {strides = array<i32>} : memref<512xf32, #tpu.memory_space<vmem>>, vector<16xf32>,
        %get3A_223 = arith.constant 2 : i32
        %get3A_224 = arith.index_cast %get3A_223 : i32 to index
        %get3A_225 = arith.constant 48 : index
        %get3A_226 = tpu.vector_load %arg12[%get3A_224, %get3A_225] {strides = array<i32>} : memref<4x128xf32, #tpu.memory_space<vmem>>, vector<16xf32>,
        %mul3A_227 = arith.mulf %get3A_226, %get3A_201 : vector<16xf32>
        %swap3A_228 = arith.constant 304 : index
        %swap3A_229 = tpu.vector_load %arg17[%swap3A_228] {strides = array<i32>} : memref<512xf32, #tpu.memory_space<vmem>>, vector<16xf32>,
        tpu.vector_store %arg17[%swap3A_228], %mul3A_227 {strides = array<i32>} : memref<512xf32, #tpu.memory_space<vmem>>, vector<16xf32>,
        %get3A_230 = arith.constant 2 : i32
        %get3A_231 = arith.index_cast %get3A_230 : i32 to index
        %get3A_232 = arith.constant 64 : index
        %get3A_233 = tpu.vector_load %arg12[%get3A_231, %get3A_232] {strides = array<i32>} : memref<4x128xf32, #tpu.memory_space<vmem>>, vector<16xf32>,
        %mul3A_234 = arith.mulf %get3A_233, %get3A_201 : vector<16xf32>
        %swap3A_235 = arith.constant 320 : index
        %swap3A_236 = tpu.vector_load %arg17[%swap3A_235] {strides = array<i32>} : memref<512xf32, #tpu.memory_space<vmem>>, vector<16xf32>,
        tpu.vector_store %arg17[%swap3A_235], %mul3A_234 {strides = array<i32>} : memref<512xf32, #tpu.memory_space<vmem>>, vector<16xf32>,
        %get3A_237 = arith.constant 2 : i32
        %get3A_238 = arith.index_cast %get3A_237 : i32 to index
        %get3A_239 = arith.constant 80 : index
        %get3A_240 = tpu.vector_load %arg12[%get3A_238, %get3A_239] {strides = array<i32>} : memref<4x128xf32, #tpu.memory_space<vmem>>, vector<16xf32>,
        %mul3A_241 = arith.mulf %get3A_240, %get3A_201 : vector<16xf32>
        %swap3A_242 = arith.constant 336 : index
        %swap3A_243 = tpu.vector_load %arg17[%swap3A_242] {strides = array<i32>} : memref<512xf32, #tpu.memory_space<vmem>>, vector<16xf32>,
        tpu.vector_store %arg17[%swap3A_242], %mul3A_241 {strides = array<i32>} : memref<512xf32, #tpu.memory_space<vmem>>, vector<16xf32>,
        %get3A_244 = arith.constant 2 : i32
        %get3A_245 = arith.index_cast %get3A_244 : i32 to index
        %get3A_246 = arith.constant 96 : index
        %get3A_247 = tpu.vector_load %arg12[%get3A_245, %get3A_246] {strides = array<i32>} : memref<4x128xf32, #tpu.memory_space<vmem>>, vector<16xf32>,
        %mul3A_248 = arith.mulf %get3A_247, %get3A_201 : vector<16xf32>
        %swap3A_249 = arith.constant 352 : index
        %swap3A_250 = tpu.vector_load %arg17[%swap3A_249] {strides = array<i32>} : memref<512xf32, #tpu.memory_space<vmem>>, vector<16xf32>,
        tpu.vector_store %arg17[%swap3A_249], %mul3A_248 {strides = array<i32>} : memref<512xf32, #tpu.memory_space<vmem>>, vector<16xf32>,
        %get3A_251 = arith.constant 2 : i32
        %get3A_252 = arith.index_cast %get3A_251 : i32 to index
        %get3A_253 = arith.constant 112 : index
        %get3A_254 = tpu.vector_load %arg12[%get3A_252, %get3A_253] {strides = array<i32>} : memref<4x128xf32, #tpu.memory_space<vmem>>, vector<16xf32>,
        %mul3A_255 = arith.mulf %get3A_254, %get3A_201 : vector<16xf32>
        %swap3A_256 = arith.constant 368 : index
        %swap3A_257 = tpu.vector_load %arg17[%swap3A_256] {strides = array<i32>} : memref<512xf32, #tpu.memory_space<vmem>>, vector<16xf32>,
        tpu.vector_store %arg17[%swap3A_256], %mul3A_255 {strides = array<i32>} : memref<512xf32, #tpu.memory_space<vmem>>, vector<16xf32>,
        %broadcast_in_dim3A_258 = arith.constant 3 : i32
        %broadcast_in_dim3A_259 = vector.broadcast %broadcast_in_dim3A_258 : i32 to vector<16xi32>
        %parallel_loop3A_260 = arith.constant 0 : i32
        %parallel_loop3A_261 = arith.constant 313 : i32
        %parallel_loop3A_262 = arith.constant 1 : i32
        scf.for %parallel_loop3A_349 = %parallel_loop3A_260 to %parallel_loop3A_261 step %parallel_loop3A_262  : i32 {
          %parallel_loop3A_350 = arith.constant 16 : i32
          %parallel_loop3A_351 = arith.muli %parallel_loop3A_349, %parallel_loop3A_350 : i32
          %parallel_loop3A_352 = tpu.assume_multiple %parallel_loop3A_351, 16 : i32
          %parallel_loop3A_353 = arith.index_cast %parallel_loop3A_352 : i32 to index
          %parallel_loop3A_354 = tpu.vector_load %arg14[%parallel_loop3A_353] {strides = array<i32>} : memref<5008xi32, #tpu.memory_space<vmem>>, vector<16xi32>,
          %parallel_loop3A_355 = tpu.vector_load_idx %arg10[%broadcast_in_dim3A_259, %parallel_loop3A_354] : memref<4x10000xf32, #tpu.memory_space<vmem>>[vector<16xi32>, vector<16xi32>], vector<16xf32>,
          %parallel_loop3A_356 = arith.constant 15024 : i32
          %parallel_loop3A_357 = arith.addi %parallel_loop3A_356, %parallel_loop3A_352 : i32
          %parallel_loop3A_358 = arith.index_cast %parallel_loop3A_357 : i32 to index
          %parallel_loop3A_359 = tpu.vector_load %arg13[%parallel_loop3A_358] {strides = array<i32>} : memref<20032xf32, #tpu.memory_space<vmem>>, vector<16xf32>,
          tpu.vector_store %arg13[%parallel_loop3A_358], %parallel_loop3A_355 {strides = array<i32>} : memref<20032xf32, #tpu.memory_space<vmem>>, vector<16xf32>,
        } {sc.loop_unroll_factor = 8 : i64, sc.parallel_access}
        %mul3A_263 = arith.constant 4 : i32
        %mul3A_264 = arith.muli %add3A_28, %mul3A_263 : i32
        %add3A_265 = arith.constant 3 : i32
        %add3A_266 = arith.addi %mul3A_264, %add3A_265 : i32
        %mul3A_267 = arith.constant 16 : i32
        %mul3A_268 = arith.muli %add3A_266, %mul3A_267 : i32
        %multiple_of3A_269 = tpu.assume_multiple %mul3A_268, 16 : i32
        %get3A_270 = arith.index_cast %multiple_of3A_269 : i32 to index
        %get3A_271 = tpu.vector_load %arg16[%get3A_270] {strides = array<i32>} : memref<2560xf32, #tpu.memory_space<vmem>>, vector<16xf32>,
        %get3A_272 = arith.constant 3 : i32
        %get3A_273 = arith.index_cast %get3A_272 : i32 to index
        %get3A_274 = arith.constant 0 : index
        %get3A_275 = tpu.vector_load %arg12[%get3A_273, %get3A_274] {strides = array<i32>} : memref<4x128xf32, #tpu.memory_space<vmem>>, vector<16xf32>,
        %mul3A_276 = arith.mulf %get3A_275, %get3A_271 : vector<16xf32>
        %swap3A_277 = arith.constant 384 : index
        %swap3A_278 = tpu.vector_load %arg17[%swap3A_277] {strides = array<i32>} : memref<512xf32, #tpu.memory_space<vmem>>, vector<16xf32>,
        tpu.vector_store %arg17[%swap3A_277], %mul3A_276 {strides = array<i32>} : memref<512xf32, #tpu.memory_space<vmem>>, vector<16xf32>,
        %get3A_279 = arith.constant 3 : i32
        %get3A_280 = arith.index_cast %get3A_279 : i32 to index
        %get3A_281 = arith.constant 16 : index
        %get3A_282 = tpu.vector_load %arg12[%get3A_280, %get3A_281] {strides = array<i32>} : memref<4x128xf32, #tpu.memory_space<vmem>>, vector<16xf32>,
        %mul3A_283 = arith.mulf %get3A_282, %get3A_271 : vector<16xf32>
        %swap3A_284 = arith.constant 400 : index
        %swap3A_285 = tpu.vector_load %arg17[%swap3A_284] {strides = array<i32>} : memref<512xf32, #tpu.memory_space<vmem>>, vector<16xf32>,
        tpu.vector_store %arg17[%swap3A_284], %mul3A_283 {strides = array<i32>} : memref<512xf32, #tpu.memory_space<vmem>>, vector<16xf32>,
        %get3A_286 = arith.constant 3 : i32
        %get3A_287 = arith.index_cast %get3A_286 : i32 to index
        %get3A_288 = arith.constant 32 : index
        %get3A_289 = tpu.vector_load %arg12[%get3A_287, %get3A_288] {strides = array<i32>} : memref<4x128xf32, #tpu.memory_space<vmem>>, vector<16xf32>,
        %mul3A_290 = arith.mulf %get3A_289, %get3A_271 : vector<16xf32>
        %swap3A_291 = arith.constant 416 : index
        %swap3A_292 = tpu.vector_load %arg17[%swap3A_291] {strides = array<i32>} : memref<512xf32, #tpu.memory_space<vmem>>, vector<16xf32>,
        tpu.vector_store %arg17[%swap3A_291], %mul3A_290 {strides = array<i32>} : memref<512xf32, #tpu.memory_space<vmem>>, vector<16xf32>,
        %get3A_293 = arith.constant 3 : i32
        %get3A_294 = arith.index_cast %get3A_293 : i32 to index
        %get3A_295 = arith.constant 48 : index
        %get3A_296 = tpu.vector_load %arg12[%get3A_294, %get3A_295] {strides = array<i32>} : memref<4x128xf32, #tpu.memory_space<vmem>>, vector<16xf32>,
        %mul3A_297 = arith.mulf %get3A_296, %get3A_271 : vector<16xf32>
        %swap3A_298 = arith.constant 432 : index
        %swap3A_299 = tpu.vector_load %arg17[%swap3A_298] {strides = array<i32>} : memref<512xf32, #tpu.memory_space<vmem>>, vector<16xf32>,
        tpu.vector_store %arg17[%swap3A_298], %mul3A_297 {strides = array<i32>} : memref<512xf32, #tpu.memory_space<vmem>>, vector<16xf32>,
        %get3A_300 = arith.constant 3 : i32
        %get3A_301 = arith.index_cast %get3A_300 : i32 to index
        %get3A_302 = arith.constant 64 : index
        %get3A_303 = tpu.vector_load %arg12[%get3A_301, %get3A_302] {strides = array<i32>} : memref<4x128xf32, #tpu.memory_space<vmem>>, vector<16xf32>,
        %mul3A_304 = arith.mulf %get3A_303, %get3A_271 : vector<16xf32>
        %swap3A_305 = arith.constant 448 : index
        %swap3A_306 = tpu.vector_load %arg17[%swap3A_305] {strides = array<i32>} : memref<512xf32, #tpu.memory_space<vmem>>, vector<16xf32>,
        tpu.vector_store %arg17[%swap3A_305], %mul3A_304 {strides = array<i32>} : memref<512xf32, #tpu.memory_space<vmem>>, vector<16xf32>,
        %get3A_307 = arith.constant 3 : i32
        %get3A_308 = arith.index_cast %get3A_307 : i32 to index
        %get3A_309 = arith.constant 80 : index
        %get3A_310 = tpu.vector_load %arg12[%get3A_308, %get3A_309] {strides = array<i32>} : memref<4x128xf32, #tpu.memory_space<vmem>>, vector<16xf32>,
        %mul3A_311 = arith.mulf %get3A_310, %get3A_271 : vector<16xf32>
        %swap3A_312 = arith.constant 464 : index
        %swap3A_313 = tpu.vector_load %arg17[%swap3A_312] {strides = array<i32>} : memref<512xf32, #tpu.memory_space<vmem>>, vector<16xf32>,
        tpu.vector_store %arg17[%swap3A_312], %mul3A_311 {strides = array<i32>} : memref<512xf32, #tpu.memory_space<vmem>>, vector<16xf32>,
        %get3A_314 = arith.constant 3 : i32
        %get3A_315 = arith.index_cast %get3A_314 : i32 to index
        %get3A_316 = arith.constant 96 : index
        %get3A_317 = tpu.vector_load %arg12[%get3A_315, %get3A_316] {strides = array<i32>} : memref<4x128xf32, #tpu.memory_space<vmem>>, vector<16xf32>,
        %mul3A_318 = arith.mulf %get3A_317, %get3A_271 : vector<16xf32>
        %swap3A_319 = arith.constant 480 : index
        %swap3A_320 = tpu.vector_load %arg17[%swap3A_319] {strides = array<i32>} : memref<512xf32, #tpu.memory_space<vmem>>, vector<16xf32>,
        tpu.vector_store %arg17[%swap3A_319], %mul3A_318 {strides = array<i32>} : memref<512xf32, #tpu.memory_space<vmem>>, vector<16xf32>,
        %get3A_321 = arith.constant 3 : i32
        %get3A_322 = arith.index_cast %get3A_321 : i32 to index
        %get3A_323 = arith.constant 112 : index
        %get3A_324 = tpu.vector_load %arg12[%get3A_322, %get3A_323] {strides = array<i32>} : memref<4x128xf32, #tpu.memory_space<vmem>>, vector<16xf32>,
        %mul3A_325 = arith.mulf %get3A_324, %get3A_271 : vector<16xf32>
        %swap3A_326 = arith.constant 496 : index
        %swap3A_327 = tpu.vector_load %arg17[%swap3A_326] {strides = array<i32>} : memref<512xf32, #tpu.memory_space<vmem>>, vector<16xf32>,
        tpu.vector_store %arg17[%swap3A_326], %mul3A_325 {strides = array<i32>} : memref<512xf32, #tpu.memory_space<vmem>>, vector<16xf32>,
        %mul3A_328 = arith.constant 32 : i32
        %mul3A_329 = arith.muli %mul3A_328, %add3A_28 : i32
        %add3A_330 = arith.addi %add3A, %mul3A_329 : i32
        %mul3A_331 = arith.constant 4 : i32
        %mul3A_332 = arith.muli %mul3A_331, %add3A_330 : i32
        %add3A_333 = arith.constant 0 : i32
        %add3A_334 = arith.addi %mul3A_332, %add3A_333 : i32
        "tpu.region"() ({
          %run_scoped3A = tpu.sem_alloc : memref<!tpu.dma_semaphore, #tpu.memory_space<semaphore_mem>>
          %dma_start3A_349 = arith.constant 0 : i32
          %dma_start3A_350 = tpu.memref_slice %arg13[%dma_start3A_349] : memref<20032xf32, #tpu.memory_space<vmem>> -> memref<5000xf32, #tpu.memory_space<vmem>>
          %dma_start3A_351 = arith.constant 0 : i32
          %dma_start3A_352 = tpu.memref_slice %arg7[%add3A_334, %dma_start3A_351] : memref<5000x5000xf32, #tpu.memory_space<hbm>> -> memref<1x5000xf32, #tpu.memory_space<hbm>>
          %dma_start3A_353 = tpu.memref_squeeze %dma_start3A_352 : memref<1x5000xf32, #tpu.memory_space<hbm>> -> memref<5000xf32, #tpu.memory_space<hbm>>
          %dma_start3A_354 = arith.constant 0 : i32
          %dma_start3A_355 = tpu.memref_slice %arg7[%add3A_334, %dma_start3A_354] : memref<5000x5000xf32, #tpu.memory_space<hbm>> -> memref<1x5000xf32, #tpu.memory_space<hbm>>
          %dma_start3A_356 = tpu.memref_squeeze %dma_start3A_355 : memref<1x5000xf32, #tpu.memory_space<hbm>> -> memref<5000xf32, #tpu.memory_space<hbm>>
          %dma_start3A_357 = arith.constant 0 : i32
          %dma_start3A_358 = tpu.memref_slice %arg13[%dma_start3A_357] : memref<20032xf32, #tpu.memory_space<vmem>> -> memref<5000xf32, #tpu.memory_space<vmem>>
          tpu.enqueue_dma source(%dma_start3A_358 : memref<5000xf32, #tpu.memory_space<vmem>>) target(%dma_start3A_356 : memref<5000xf32, #tpu.memory_space<hbm>>) target_semaphore(%run_scoped3A : memref<!tpu.dma_semaphore, #tpu.memory_space<semaphore_mem>>)
          %dma_wait3A_359 = arith.constant 0 : i32
          %dma_wait3A_360 = tpu.memref_slice %arg13[%dma_wait3A_359] : memref<20032xf32, #tpu.memory_space<vmem>> -> memref<5000xf32, #tpu.memory_space<vmem>>
          %dma_wait3A_361 = arith.constant 0 : i32
          %dma_wait3A_362 = tpu.memref_slice %arg7[%add3A_334, %dma_wait3A_361] : memref<5000x5000xf32, #tpu.memory_space<hbm>> -> memref<1x5000xf32, #tpu.memory_space<hbm>>
          %dma_wait3A_363 = tpu.memref_squeeze %dma_wait3A_362 : memref<1x5000xf32, #tpu.memory_space<hbm>> -> memref<5000xf32, #tpu.memory_space<hbm>>
          %dma_wait3A_364 = arith.constant 0 : i32
          %dma_wait3A_365 = tpu.memref_slice %arg7[%add3A_334, %dma_wait3A_364] : memref<5000x5000xf32, #tpu.memory_space<hbm>> -> memref<1x5000xf32, #tpu.memory_space<hbm>>
          %dma_wait3A_366 = tpu.memref_squeeze %dma_wait3A_365 : memref<1x5000xf32, #tpu.memory_space<hbm>> -> memref<5000xf32, #tpu.memory_space<hbm>>
          %dma_wait3A_367 = arith.constant 0 : i32
          %dma_wait3A_368 = tpu.memref_slice %arg13[%dma_wait3A_367] : memref<20032xf32, #tpu.memory_space<vmem>> -> memref<5000xf32, #tpu.memory_space<vmem>>
          tpu.wait_dma2 semaphore(%run_scoped3A : memref<!tpu.dma_semaphore, #tpu.memory_space<semaphore_mem>>) src(%dma_wait3A_368 : memref<5000xf32, #tpu.memory_space<vmem>>) dst(%dma_wait3A_366 : memref<5000xf32, #tpu.memory_space<hbm>>)
          tpu.yield
        }) : () -> ()
        %add3A_335 = arith.constant 0 : i32
        %add3A_336 = arith.addi %mul3A_332, %add3A_335 : i32
        "tpu.region"() ({
          %run_scoped3A = tpu.sem_alloc : memref<!tpu.dma_semaphore, #tpu.memory_space<semaphore_mem>>
          %dma_start3A_349 = arith.constant 0 : i32
          %dma_start3A_350 = tpu.memref_slice %arg17[%dma_start3A_349] : memref<512xf32, #tpu.memory_space<vmem>> -> memref<128xf32, #tpu.memory_space<vmem>>
          %dma_start3A_351 = arith.constant 0 : i32
          %dma_start3A_352 = tpu.memref_slice %arg8[%add3A_336, %dma_start3A_351] : memref<5000x128xf32, #tpu.memory_space<hbm>> -> memref<1x128xf32, #tpu.memory_space<hbm>>
          %dma_start3A_353 = tpu.memref_squeeze %dma_start3A_352 : memref<1x128xf32, #tpu.memory_space<hbm>> -> memref<128xf32, #tpu.memory_space<hbm>>
          %dma_start3A_354 = arith.constant 0 : i32
          %dma_start3A_355 = tpu.memref_slice %arg8[%add3A_336, %dma_start3A_354] : memref<5000x128xf32, #tpu.memory_space<hbm>> -> memref<1x128xf32, #tpu.memory_space<hbm>>
          %dma_start3A_356 = tpu.memref_squeeze %dma_start3A_355 : memref<1x128xf32, #tpu.memory_space<hbm>> -> memref<128xf32, #tpu.memory_space<hbm>>
          %dma_start3A_357 = arith.constant 0 : i32
          %dma_start3A_358 = tpu.memref_slice %arg17[%dma_start3A_357] : memref<512xf32, #tpu.memory_space<vmem>> -> memref<128xf32, #tpu.memory_space<vmem>>
          tpu.enqueue_dma source(%dma_start3A_358 : memref<128xf32, #tpu.memory_space<vmem>>) target(%dma_start3A_356 : memref<128xf32, #tpu.memory_space<hbm>>) target_semaphore(%run_scoped3A : memref<!tpu.dma_semaphore, #tpu.memory_space<semaphore_mem>>)
          %dma_wait3A_359 = arith.constant 0 : i32
          %dma_wait3A_360 = tpu.memref_slice %arg17[%dma_wait3A_359] : memref<512xf32, #tpu.memory_space<vmem>> -> memref<128xf32, #tpu.memory_space<vmem>>
          %dma_wait3A_361 = arith.constant 0 : i32
          %dma_wait3A_362 = tpu.memref_slice %arg8[%add3A_336, %dma_wait3A_361] : memref<5000x128xf32, #tpu.memory_space<hbm>> -> memref<1x128xf32, #tpu.memory_space<hbm>>
          %dma_wait3A_363 = tpu.memref_squeeze %dma_wait3A_362 : memref<1x128xf32, #tpu.memory_space<hbm>> -> memref<128xf32, #tpu.memory_space<hbm>>
          %dma_wait3A_364 = arith.constant 0 : i32
          %dma_wait3A_365 = tpu.memref_slice %arg8[%add3A_336, %dma_wait3A_364] : memref<5000x128xf32, #tpu.memory_space<hbm>> -> memref<1x128xf32, #tpu.memory_space<hbm>>
          %dma_wait3A_366 = tpu.memref_squeeze %dma_wait3A_365 : memref<1x128xf32, #tpu.memory_space<hbm>> -> memref<128xf32, #tpu.memory_space<hbm>>
          %dma_wait3A_367 = arith.constant 0 : i32
          %dma_wait3A_368 = tpu.memref_slice %arg17[%dma_wait3A_367] : memref<512xf32, #tpu.memory_space<vmem>> -> memref<128xf32, #tpu.memory_space<vmem>>
          tpu.wait_dma2 semaphore(%run_scoped3A : memref<!tpu.dma_semaphore, #tpu.memory_space<semaphore_mem>>) src(%dma_wait3A_368 : memref<128xf32, #tpu.memory_space<vmem>>) dst(%dma_wait3A_366 : memref<128xf32, #tpu.memory_space<hbm>>)
          tpu.yield
        }) : () -> ()
        %add3A_337 = arith.constant 1 : i32
        %add3A_338 = arith.addi %mul3A_332, %add3A_337 : i32
        "tpu.region"() ({
          %run_scoped3A = tpu.sem_alloc : memref<!tpu.dma_semaphore, #tpu.memory_space<semaphore_mem>>
          %dma_start3A_349 = arith.constant 5008 : i32
          %dma_start3A_350 = tpu.memref_slice %arg13[%dma_start3A_349] : memref<20032xf32, #tpu.memory_space<vmem>> -> memref<5000xf32, #tpu.memory_space<vmem>>
          %dma_start3A_351 = arith.constant 0 : i32
          %dma_start3A_352 = tpu.memref_slice %arg7[%add3A_338, %dma_start3A_351] : memref<5000x5000xf32, #tpu.memory_space<hbm>> -> memref<1x5000xf32, #tpu.memory_space<hbm>>
          %dma_start3A_353 = tpu.memref_squeeze %dma_start3A_352 : memref<1x5000xf32, #tpu.memory_space<hbm>> -> memref<5000xf32, #tpu.memory_space<hbm>>
          %dma_start3A_354 = arith.constant 0 : i32
          %dma_start3A_355 = tpu.memref_slice %arg7[%add3A_338, %dma_start3A_354] : memref<5000x5000xf32, #tpu.memory_space<hbm>> -> memref<1x5000xf32, #tpu.memory_space<hbm>>
          %dma_start3A_356 = tpu.memref_squeeze %dma_start3A_355 : memref<1x5000xf32, #tpu.memory_space<hbm>> -> memref<5000xf32, #tpu.memory_space<hbm>>
          %dma_start3A_357 = arith.constant 5008 : i32
          %dma_start3A_358 = tpu.memref_slice %arg13[%dma_start3A_357] : memref<20032xf32, #tpu.memory_space<vmem>> -> memref<5000xf32, #tpu.memory_space<vmem>>
          tpu.enqueue_dma source(%dma_start3A_358 : memref<5000xf32, #tpu.memory_space<vmem>>) target(%dma_start3A_356 : memref<5000xf32, #tpu.memory_space<hbm>>) target_semaphore(%run_scoped3A : memref<!tpu.dma_semaphore, #tpu.memory_space<semaphore_mem>>)
          %dma_wait3A_359 = arith.constant 5008 : i32
          %dma_wait3A_360 = tpu.memref_slice %arg13[%dma_wait3A_359] : memref<20032xf32, #tpu.memory_space<vmem>> -> memref<5000xf32, #tpu.memory_space<vmem>>
          %dma_wait3A_361 = arith.constant 0 : i32
          %dma_wait3A_362 = tpu.memref_slice %arg7[%add3A_338, %dma_wait3A_361] : memref<5000x5000xf32, #tpu.memory_space<hbm>> -> memref<1x5000xf32, #tpu.memory_space<hbm>>
          %dma_wait3A_363 = tpu.memref_squeeze %dma_wait3A_362 : memref<1x5000xf32, #tpu.memory_space<hbm>> -> memref<5000xf32, #tpu.memory_space<hbm>>
          %dma_wait3A_364 = arith.constant 0 : i32
          %dma_wait3A_365 = tpu.memref_slice %arg7[%add3A_338, %dma_wait3A_364] : memref<5000x5000xf32, #tpu.memory_space<hbm>> -> memref<1x5000xf32, #tpu.memory_space<hbm>>
          %dma_wait3A_366 = tpu.memref_squeeze %dma_wait3A_365 : memref<1x5000xf32, #tpu.memory_space<hbm>> -> memref<5000xf32, #tpu.memory_space<hbm>>
          %dma_wait3A_367 = arith.constant 5008 : i32
          %dma_wait3A_368 = tpu.memref_slice %arg13[%dma_wait3A_367] : memref<20032xf32, #tpu.memory_space<vmem>> -> memref<5000xf32, #tpu.memory_space<vmem>>
          tpu.wait_dma2 semaphore(%run_scoped3A : memref<!tpu.dma_semaphore, #tpu.memory_space<semaphore_mem>>) src(%dma_wait3A_368 : memref<5000xf32, #tpu.memory_space<vmem>>) dst(%dma_wait3A_366 : memref<5000xf32, #tpu.memory_space<hbm>>)
          tpu.yield
        }) : () -> ()
        %add3A_339 = arith.constant 1 : i32
        %add3A_340 = arith.addi %mul3A_332, %add3A_339 : i32
        "tpu.region"() ({
          %run_scoped3A = tpu.sem_alloc : memref<!tpu.dma_semaphore, #tpu.memory_space<semaphore_mem>>
          %dma_start3A_349 = arith.constant 128 : i32
          %dma_start3A_350 = tpu.memref_slice %arg17[%dma_start3A_349] : memref<512xf32, #tpu.memory_space<vmem>> -> memref<128xf32, #tpu.memory_space<vmem>>
          %dma_start3A_351 = arith.constant 0 : i32
          %dma_start3A_352 = tpu.memref_slice %arg8[%add3A_340, %dma_start3A_351] : memref<5000x128xf32, #tpu.memory_space<hbm>> -> memref<1x128xf32, #tpu.memory_space<hbm>>
          %dma_start3A_353 = tpu.memref_squeeze %dma_start3A_352 : memref<1x128xf32, #tpu.memory_space<hbm>> -> memref<128xf32, #tpu.memory_space<hbm>>
          %dma_start3A_354 = arith.constant 0 : i32
          %dma_start3A_355 = tpu.memref_slice %arg8[%add3A_340, %dma_start3A_354] : memref<5000x128xf32, #tpu.memory_space<hbm>> -> memref<1x128xf32, #tpu.memory_space<hbm>>
          %dma_start3A_356 = tpu.memref_squeeze %dma_start3A_355 : memref<1x128xf32, #tpu.memory_space<hbm>> -> memref<128xf32, #tpu.memory_space<hbm>>
          %dma_start3A_357 = arith.constant 128 : i32
          %dma_start3A_358 = tpu.memref_slice %arg17[%dma_start3A_357] : memref<512xf32, #tpu.memory_space<vmem>> -> memref<128xf32, #tpu.memory_space<vmem>>
          tpu.enqueue_dma source(%dma_start3A_358 : memref<128xf32, #tpu.memory_space<vmem>>) target(%dma_start3A_356 : memref<128xf32, #tpu.memory_space<hbm>>) target_semaphore(%run_scoped3A : memref<!tpu.dma_semaphore, #tpu.memory_space<semaphore_mem>>)
          %dma_wait3A_359 = arith.constant 128 : i32
          %dma_wait3A_360 = tpu.memref_slice %arg17[%dma_wait3A_359] : memref<512xf32, #tpu.memory_space<vmem>> -> memref<128xf32, #tpu.memory_space<vmem>>
          %dma_wait3A_361 = arith.constant 0 : i32
          %dma_wait3A_362 = tpu.memref_slice %arg8[%add3A_340, %dma_wait3A_361] : memref<5000x128xf32, #tpu.memory_space<hbm>> -> memref<1x128xf32, #tpu.memory_space<hbm>>
          %dma_wait3A_363 = tpu.memref_squeeze %dma_wait3A_362 : memref<1x128xf32, #tpu.memory_space<hbm>> -> memref<128xf32, #tpu.memory_space<hbm>>
          %dma_wait3A_364 = arith.constant 0 : i32
          %dma_wait3A_365 = tpu.memref_slice %arg8[%add3A_340, %dma_wait3A_364] : memref<5000x128xf32, #tpu.memory_space<hbm>> -> memref<1x128xf32, #tpu.memory_space<hbm>>
          %dma_wait3A_366 = tpu.memref_squeeze %dma_wait3A_365 : memref<1x128xf32, #tpu.memory_space<hbm>> -> memref<128xf32, #tpu.memory_space<hbm>>
          %dma_wait3A_367 = arith.constant 128 : i32
          %dma_wait3A_368 = tpu.memref_slice %arg17[%dma_wait3A_367] : memref<512xf32, #tpu.memory_space<vmem>> -> memref<128xf32, #tpu.memory_space<vmem>>
          tpu.wait_dma2 semaphore(%run_scoped3A : memref<!tpu.dma_semaphore, #tpu.memory_space<semaphore_mem>>) src(%dma_wait3A_368 : memref<128xf32, #tpu.memory_space<vmem>>) dst(%dma_wait3A_366 : memref<128xf32, #tpu.memory_space<hbm>>)
          tpu.yield
        }) : () -> ()
        %add3A_341 = arith.constant 2 : i32
        %add3A_342 = arith.addi %mul3A_332, %add3A_341 : i32
        "tpu.region"() ({
          %run_scoped3A = tpu.sem_alloc : memref<!tpu.dma_semaphore, #tpu.memory_space<semaphore_mem>>
          %dma_start3A_349 = arith.constant 10016 : i32
          %dma_start3A_350 = tpu.memref_slice %arg13[%dma_start3A_349] : memref<20032xf32, #tpu.memory_space<vmem>> -> memref<5000xf32, #tpu.memory_space<vmem>>
          %dma_start3A_351 = arith.constant 0 : i32
          %dma_start3A_352 = tpu.memref_slice %arg7[%add3A_342, %dma_start3A_351] : memref<5000x5000xf32, #tpu.memory_space<hbm>> -> memref<1x5000xf32, #tpu.memory_space<hbm>>
          %dma_start3A_353 = tpu.memref_squeeze %dma_start3A_352 : memref<1x5000xf32, #tpu.memory_space<hbm>> -> memref<5000xf32, #tpu.memory_space<hbm>>
          %dma_start3A_354 = arith.constant 0 : i32
          %dma_start3A_355 = tpu.memref_slice %arg7[%add3A_342, %dma_start3A_354] : memref<5000x5000xf32, #tpu.memory_space<hbm>> -> memref<1x5000xf32, #tpu.memory_space<hbm>>
          %dma_start3A_356 = tpu.memref_squeeze %dma_start3A_355 : memref<1x5000xf32, #tpu.memory_space<hbm>> -> memref<5000xf32, #tpu.memory_space<hbm>>
          %dma_start3A_357 = arith.constant 10016 : i32
          %dma_start3A_358 = tpu.memref_slice %arg13[%dma_start3A_357] : memref<20032xf32, #tpu.memory_space<vmem>> -> memref<5000xf32, #tpu.memory_space<vmem>>
          tpu.enqueue_dma source(%dma_start3A_358 : memref<5000xf32, #tpu.memory_space<vmem>>) target(%dma_start3A_356 : memref<5000xf32, #tpu.memory_space<hbm>>) target_semaphore(%run_scoped3A : memref<!tpu.dma_semaphore, #tpu.memory_space<semaphore_mem>>)
          %dma_wait3A_359 = arith.constant 10016 : i32
          %dma_wait3A_360 = tpu.memref_slice %arg13[%dma_wait3A_359] : memref<20032xf32, #tpu.memory_space<vmem>> -> memref<5000xf32, #tpu.memory_space<vmem>>
          %dma_wait3A_361 = arith.constant 0 : i32
          %dma_wait3A_362 = tpu.memref_slice %arg7[%add3A_342, %dma_wait3A_361] : memref<5000x5000xf32, #tpu.memory_space<hbm>> -> memref<1x5000xf32, #tpu.memory_space<hbm>>
          %dma_wait3A_363 = tpu.memref_squeeze %dma_wait3A_362 : memref<1x5000xf32, #tpu.memory_space<hbm>> -> memref<5000xf32, #tpu.memory_space<hbm>>
          %dma_wait3A_364 = arith.constant 0 : i32
          %dma_wait3A_365 = tpu.memref_slice %arg7[%add3A_342, %dma_wait3A_364] : memref<5000x5000xf32, #tpu.memory_space<hbm>> -> memref<1x5000xf32, #tpu.memory_space<hbm>>
          %dma_wait3A_366 = tpu.memref_squeeze %dma_wait3A_365 : memref<1x5000xf32, #tpu.memory_space<hbm>> -> memref<5000xf32, #tpu.memory_space<hbm>>
          %dma_wait3A_367 = arith.constant 10016 : i32
          %dma_wait3A_368 = tpu.memref_slice %arg13[%dma_wait3A_367] : memref<20032xf32, #tpu.memory_space<vmem>> -> memref<5000xf32, #tpu.memory_space<vmem>>
          tpu.wait_dma2 semaphore(%run_scoped3A : memref<!tpu.dma_semaphore, #tpu.memory_space<semaphore_mem>>) src(%dma_wait3A_368 : memref<5000xf32, #tpu.memory_space<vmem>>) dst(%dma_wait3A_366 : memref<5000xf32, #tpu.memory_space<hbm>>)
          tpu.yield
        }) : () -> ()
        %add3A_343 = arith.constant 2 : i32
        %add3A_344 = arith.addi %mul3A_332, %add3A_343 : i32
        "tpu.region"() ({
          %run_scoped3A = tpu.sem_alloc : memref<!tpu.dma_semaphore, #tpu.memory_space<semaphore_mem>>
          %dma_start3A_349 = arith.constant 256 : i32
          %dma_start3A_350 = tpu.memref_slice %arg17[%dma_start3A_349] : memref<512xf32, #tpu.memory_space<vmem>> -> memref<128xf32, #tpu.memory_space<vmem>>
          %dma_start3A_351 = arith.constant 0 : i32
          %dma_start3A_352 = tpu.memref_slice %arg8[%add3A_344, %dma_start3A_351] : memref<5000x128xf32, #tpu.memory_space<hbm>> -> memref<1x128xf32, #tpu.memory_space<hbm>>
          %dma_start3A_353 = tpu.memref_squeeze %dma_start3A_352 : memref<1x128xf32, #tpu.memory_space<hbm>> -> memref<128xf32, #tpu.memory_space<hbm>>
          %dma_start3A_354 = arith.constant 0 : i32
          %dma_start3A_355 = tpu.memref_slice %arg8[%add3A_344, %dma_start3A_354] : memref<5000x128xf32, #tpu.memory_space<hbm>> -> memref<1x128xf32, #tpu.memory_space<hbm>>
          %dma_start3A_356 = tpu.memref_squeeze %dma_start3A_355 : memref<1x128xf32, #tpu.memory_space<hbm>> -> memref<128xf32, #tpu.memory_space<hbm>>
          %dma_start3A_357 = arith.constant 256 : i32
          %dma_start3A_358 = tpu.memref_slice %arg17[%dma_start3A_357] : memref<512xf32, #tpu.memory_space<vmem>> -> memref<128xf32, #tpu.memory_space<vmem>>
          tpu.enqueue_dma source(%dma_start3A_358 : memref<128xf32, #tpu.memory_space<vmem>>) target(%dma_start3A_356 : memref<128xf32, #tpu.memory_space<hbm>>) target_semaphore(%run_scoped3A : memref<!tpu.dma_semaphore, #tpu.memory_space<semaphore_mem>>)
          %dma_wait3A_359 = arith.constant 256 : i32
          %dma_wait3A_360 = tpu.memref_slice %arg17[%dma_wait3A_359] : memref<512xf32, #tpu.memory_space<vmem>> -> memref<128xf32, #tpu.memory_space<vmem>>
          %dma_wait3A_361 = arith.constant 0 : i32
          %dma_wait3A_362 = tpu.memref_slice %arg8[%add3A_344, %dma_wait3A_361] : memref<5000x128xf32, #tpu.memory_space<hbm>> -> memref<1x128xf32, #tpu.memory_space<hbm>>
          %dma_wait3A_363 = tpu.memref_squeeze %dma_wait3A_362 : memref<1x128xf32, #tpu.memory_space<hbm>> -> memref<128xf32, #tpu.memory_space<hbm>>
          %dma_wait3A_364 = arith.constant 0 : i32
          %dma_wait3A_365 = tpu.memref_slice %arg8[%add3A_344, %dma_wait3A_364] : memref<5000x128xf32, #tpu.memory_space<hbm>> -> memref<1x128xf32, #tpu.memory_space<hbm>>
          %dma_wait3A_366 = tpu.memref_squeeze %dma_wait3A_365 : memref<1x128xf32, #tpu.memory_space<hbm>> -> memref<128xf32, #tpu.memory_space<hbm>>
          %dma_wait3A_367 = arith.constant 256 : i32
          %dma_wait3A_368 = tpu.memref_slice %arg17[%dma_wait3A_367] : memref<512xf32, #tpu.memory_space<vmem>> -> memref<128xf32, #tpu.memory_space<vmem>>
          tpu.wait_dma2 semaphore(%run_scoped3A : memref<!tpu.dma_semaphore, #tpu.memory_space<semaphore_mem>>) src(%dma_wait3A_368 : memref<128xf32, #tpu.memory_space<vmem>>) dst(%dma_wait3A_366 : memref<128xf32, #tpu.memory_space<hbm>>)
          tpu.yield
        }) : () -> ()
        %add3A_345 = arith.constant 3 : i32
        %add3A_346 = arith.addi %mul3A_332, %add3A_345 : i32
        "tpu.region"() ({
          %run_scoped3A = tpu.sem_alloc : memref<!tpu.dma_semaphore, #tpu.memory_space<semaphore_mem>>
          %dma_start3A_349 = arith.constant 15024 : i32
          %dma_start3A_350 = tpu.memref_slice %arg13[%dma_start3A_349] : memref<20032xf32, #tpu.memory_space<vmem>> -> memref<5000xf32, #tpu.memory_space<vmem>>
          %dma_start3A_351 = arith.constant 0 : i32
          %dma_start3A_352 = tpu.memref_slice %arg7[%add3A_346, %dma_start3A_351] : memref<5000x5000xf32, #tpu.memory_space<hbm>> -> memref<1x5000xf32, #tpu.memory_space<hbm>>
          %dma_start3A_353 = tpu.memref_squeeze %dma_start3A_352 : memref<1x5000xf32, #tpu.memory_space<hbm>> -> memref<5000xf32, #tpu.memory_space<hbm>>
          %dma_start3A_354 = arith.constant 0 : i32
          %dma_start3A_355 = tpu.memref_slice %arg7[%add3A_346, %dma_start3A_354] : memref<5000x5000xf32, #tpu.memory_space<hbm>> -> memref<1x5000xf32, #tpu.memory_space<hbm>>
          %dma_start3A_356 = tpu.memref_squeeze %dma_start3A_355 : memref<1x5000xf32, #tpu.memory_space<hbm>> -> memref<5000xf32, #tpu.memory_space<hbm>>
          %dma_start3A_357 = arith.constant 15024 : i32
          %dma_start3A_358 = tpu.memref_slice %arg13[%dma_start3A_357] : memref<20032xf32, #tpu.memory_space<vmem>> -> memref<5000xf32, #tpu.memory_space<vmem>>
          tpu.enqueue_dma source(%dma_start3A_358 : memref<5000xf32, #tpu.memory_space<vmem>>) target(%dma_start3A_356 : memref<5000xf32, #tpu.memory_space<hbm>>) target_semaphore(%run_scoped3A : memref<!tpu.dma_semaphore, #tpu.memory_space<semaphore_mem>>)
          %dma_wait3A_359 = arith.constant 15024 : i32
          %dma_wait3A_360 = tpu.memref_slice %arg13[%dma_wait3A_359] : memref<20032xf32, #tpu.memory_space<vmem>> -> memref<5000xf32, #tpu.memory_space<vmem>>
          %dma_wait3A_361 = arith.constant 0 : i32
          %dma_wait3A_362 = tpu.memref_slice %arg7[%add3A_346, %dma_wait3A_361] : memref<5000x5000xf32, #tpu.memory_space<hbm>> -> memref<1x5000xf32, #tpu.memory_space<hbm>>
          %dma_wait3A_363 = tpu.memref_squeeze %dma_wait3A_362 : memref<1x5000xf32, #tpu.memory_space<hbm>> -> memref<5000xf32, #tpu.memory_space<hbm>>
          %dma_wait3A_364 = arith.constant 0 : i32
          %dma_wait3A_365 = tpu.memref_slice %arg7[%add3A_346, %dma_wait3A_364] : memref<5000x5000xf32, #tpu.memory_space<hbm>> -> memref<1x5000xf32, #tpu.memory_space<hbm>>
          %dma_wait3A_366 = tpu.memref_squeeze %dma_wait3A_365 : memref<1x5000xf32, #tpu.memory_space<hbm>> -> memref<5000xf32, #tpu.memory_space<hbm>>
          %dma_wait3A_367 = arith.constant 15024 : i32
          %dma_wait3A_368 = tpu.memref_slice %arg13[%dma_wait3A_367] : memref<20032xf32, #tpu.memory_space<vmem>> -> memref<5000xf32, #tpu.memory_space<vmem>>
          tpu.wait_dma2 semaphore(%run_scoped3A : memref<!tpu.dma_semaphore, #tpu.memory_space<semaphore_mem>>) src(%dma_wait3A_368 : memref<5000xf32, #tpu.memory_space<vmem>>) dst(%dma_wait3A_366 : memref<5000xf32, #tpu.memory_space<hbm>>)
          tpu.yield
        }) : () -> ()
        %add3A_347 = arith.constant 3 : i32
        %add3A_348 = arith.addi %mul3A_332, %add3A_347 : i32
        "tpu.region"() ({
          %run_scoped3A = tpu.sem_alloc : memref<!tpu.dma_semaphore, #tpu.memory_space<semaphore_mem>>
          %dma_start3A_349 = arith.constant 384 : i32
          %dma_start3A_350 = tpu.memref_slice %arg17[%dma_start3A_349] : memref<512xf32, #tpu.memory_space<vmem>> -> memref<128xf32, #tpu.memory_space<vmem>>
          %dma_start3A_351 = arith.constant 0 : i32
          %dma_start3A_352 = tpu.memref_slice %arg8[%add3A_348, %dma_start3A_351] : memref<5000x128xf32, #tpu.memory_space<hbm>> -> memref<1x128xf32, #tpu.memory_space<hbm>>
          %dma_start3A_353 = tpu.memref_squeeze %dma_start3A_352 : memref<1x128xf32, #tpu.memory_space<hbm>> -> memref<128xf32, #tpu.memory_space<hbm>>
          %dma_start3A_354 = arith.constant 0 : i32
          %dma_start3A_355 = tpu.memref_slice %arg8[%add3A_348, %dma_start3A_354] : memref<5000x128xf32, #tpu.memory_space<hbm>> -> memref<1x128xf32, #tpu.memory_space<hbm>>
          %dma_start3A_356 = tpu.memref_squeeze %dma_start3A_355 : memref<1x128xf32, #tpu.memory_space<hbm>> -> memref<128xf32, #tpu.memory_space<hbm>>
          %dma_start3A_357 = arith.constant 384 : i32
          %dma_start3A_358 = tpu.memref_slice %arg17[%dma_start3A_357] : memref<512xf32, #tpu.memory_space<vmem>> -> memref<128xf32, #tpu.memory_space<vmem>>
          tpu.enqueue_dma source(%dma_start3A_358 : memref<128xf32, #tpu.memory_space<vmem>>) target(%dma_start3A_356 : memref<128xf32, #tpu.memory_space<hbm>>) target_semaphore(%run_scoped3A : memref<!tpu.dma_semaphore, #tpu.memory_space<semaphore_mem>>)
          %dma_wait3A_359 = arith.constant 384 : i32
          %dma_wait3A_360 = tpu.memref_slice %arg17[%dma_wait3A_359] : memref<512xf32, #tpu.memory_space<vmem>> -> memref<128xf32, #tpu.memory_space<vmem>>
          %dma_wait3A_361 = arith.constant 0 : i32
          %dma_wait3A_362 = tpu.memref_slice %arg8[%add3A_348, %dma_wait3A_361] : memref<5000x128xf32, #tpu.memory_space<hbm>> -> memref<1x128xf32, #tpu.memory_space<hbm>>
          %dma_wait3A_363 = tpu.memref_squeeze %dma_wait3A_362 : memref<1x128xf32, #tpu.memory_space<hbm>> -> memref<128xf32, #tpu.memory_space<hbm>>
          %dma_wait3A_364 = arith.constant 0 : i32
          %dma_wait3A_365 = tpu.memref_slice %arg8[%add3A_348, %dma_wait3A_364] : memref<5000x128xf32, #tpu.memory_space<hbm>> -> memref<1x128xf32, #tpu.memory_space<hbm>>
          %dma_wait3A_366 = tpu.memref_squeeze %dma_wait3A_365 : memref<1x128xf32, #tpu.memory_space<hbm>> -> memref<128xf32, #tpu.memory_space<hbm>>
          %dma_wait3A_367 = arith.constant 384 : i32
          %dma_wait3A_368 = tpu.memref_slice %arg17[%dma_wait3A_367] : memref<512xf32, #tpu.memory_space<vmem>> -> memref<128xf32, #tpu.memory_space<vmem>>
          tpu.wait_dma2 semaphore(%run_scoped3A : memref<!tpu.dma_semaphore, #tpu.memory_space<semaphore_mem>>) src(%dma_wait3A_368 : memref<128xf32, #tpu.memory_space<vmem>>) dst(%dma_wait3A_366 : memref<128xf32, #tpu.memory_space<hbm>>)
          tpu.yield
        }) : () -> ()
      } else {
      }
    }
    %scan3A_17 = arith.constant 20 : i32
    return
  }
}

module attributes {stable_mosaic.version = 14 : i64} {
  func.func @_rank_body(%arg0: i32, %arg1: memref<1x10240xf32, #tpu.memory_space<vmem>>, %arg2: memref<10240x1xf32, #tpu.memory_space<vmem>>, %arg3: memref<10240x1xf32, #tpu.memory_space<vmem>>) attributes {dimension_semantics = [#tpu.dimension_semantics<arbitrary>], iteration_bounds = array<i64: 1>, scalar_prefetch = 0 : i64, scratch_operands = 0 : i64, tpu.core_type = #tpu.core_type<tc>, window_params = [{pipeline_mode = #tpu.pipeline_mode<synchronous>, transform_indices = @transform_0, window_bounds = array<i64: 1, 10240>}, {pipeline_mode = #tpu.pipeline_mode<synchronous>, transform_indices = @transform_1, window_bounds = array<i64: 10240, 1>}, {pipeline_mode = #tpu.pipeline_mode<synchronous>, transform_indices = @transform_2, window_bounds = array<i64: 10240, 1>}]} {
    %get3A = arith.constant 0 : index
    %get3A_0 = arith.constant 0 : index
    %get3A_1 = vector.load %arg2[%get3A, %get3A_0] : memref<10240x1xf32, #tpu.memory_space<vmem>>, vector<1024x1xf32>
    %broadcast_in_dim3A = arith.constant 0.000000e+00 : f32
    %broadcast_in_dim3A_2 = vector.broadcast %broadcast_in_dim3A : f32 to vector<1024x1xf32>
    %get3A_3 = arith.constant 0 : index
    %get3A_4 = arith.constant 0 : index
    %get3A_5 = vector.load %arg1[%get3A_3, %get3A_4] : memref<1x10240xf32, #tpu.memory_space<vmem>>, vector<1x1024xf32>
    %iota3A = tpu.iota {dimensions = array<i32: 0>} : vector<1024x1xi32>
    %add3A = arith.constant 0 : i32
    %add3A_6 = vector.broadcast %add3A : i32 to vector<1024x1xi32>
    %add3A_7 = arith.addi %add3A_6, %iota3A : vector<1024x1xi32>
    %iota3A_8 = tpu.iota {dimensions = array<i32: 1>} : vector<1x1024xi32>
    %add3A_9 = arith.constant 0 : i32
    %add3A_10 = vector.broadcast %add3A_9 : i32 to vector<1x1024xi32>
    %add3A_11 = arith.addi %add3A_10, %iota3A_8 : vector<1x1024xi32>
    %gt3A = vector.broadcast %get3A_5 : vector<1x1024xf32> to vector<1024x1024xf32>
    %gt3A_12 = vector.broadcast %get3A_1 : vector<1024x1xf32> to vector<1024x1024xf32>
    %gt3A_13 = arith.cmpf ogt, %gt3A, %gt3A_12 : vector<1024x1024xf32>
    %eq3A = vector.broadcast %get3A_5 : vector<1x1024xf32> to vector<1024x1024xf32>
    %eq3A_14 = vector.broadcast %get3A_1 : vector<1024x1xf32> to vector<1024x1024xf32>
    %eq3A_15 = arith.cmpf oeq, %eq3A, %eq3A_14 : vector<1024x1024xf32>
    %lt3A = vector.broadcast %add3A_11 : vector<1x1024xi32> to vector<1024x1024xi32>
    %lt3A_16 = vector.broadcast %add3A_7 : vector<1024x1xi32> to vector<1024x1024xi32>
    %lt3A_17 = arith.cmpi slt, %lt3A, %lt3A_16 : vector<1024x1024xi32>
    %and3A = arith.andi %eq3A_15, %lt3A_17 : vector<1024x1024xi1>
    %or3A = arith.ori %gt3A_13, %and3A : vector<1024x1024xi1>
    %convert_element_type3A = arith.extui %or3A : vector<1024x1024xi1> to vector<1024x1024xi32>
    %convert_element_type3A_18 = arith.sitofp %convert_element_type3A : vector<1024x1024xi32> to vector<1024x1024xf32>
    %reduce_sum3A = arith.constant dense<0.000000e+00> : vector<1024xf32>
    %reduce_sum3A_19 = vector.multi_reduction <add>, %convert_element_type3A_18, %reduce_sum3A [1] : vector<1024x1024xf32> to vector<1024xf32>
    %broadcast_in_dim3A_20 = vector.shape_cast %reduce_sum3A_19 : vector<1024xf32> to vector<1024x1xf32>
    %add3A_21 = arith.addf %broadcast_in_dim3A_2, %broadcast_in_dim3A_20 : vector<1024x1xf32>
    %get3A_22 = arith.constant 0 : index
    %get3A_23 = arith.constant 1024 : index
    %get3A_24 = vector.load %arg1[%get3A_22, %get3A_23] : memref<1x10240xf32, #tpu.memory_space<vmem>>, vector<1x1024xf32>
    %gt3A_25 = vector.broadcast %get3A_24 : vector<1x1024xf32> to vector<1024x1024xf32>
    %gt3A_26 = vector.broadcast %get3A_1 : vector<1024x1xf32> to vector<1024x1024xf32>
    %gt3A_27 = arith.cmpf ogt, %gt3A_25, %gt3A_26 : vector<1024x1024xf32>
    %convert_element_type3A_28 = arith.extui %gt3A_27 : vector<1024x1024xi1> to vector<1024x1024xi32>
    %convert_element_type3A_29 = arith.sitofp %convert_element_type3A_28 : vector<1024x1024xi32> to vector<1024x1024xf32>
    %reduce_sum3A_30 = arith.constant dense<0.000000e+00> : vector<1024xf32>
    %reduce_sum3A_31 = vector.multi_reduction <add>, %convert_element_type3A_29, %reduce_sum3A_30 [1] : vector<1024x1024xf32> to vector<1024xf32>
    %broadcast_in_dim3A_32 = vector.shape_cast %reduce_sum3A_31 : vector<1024xf32> to vector<1024x1xf32>
    %add3A_33 = arith.addf %add3A_21, %broadcast_in_dim3A_32 : vector<1024x1xf32>
    %get3A_34 = arith.constant 0 : index
    %get3A_35 = arith.constant 2048 : index
    %get3A_36 = vector.load %arg1[%get3A_34, %get3A_35] : memref<1x10240xf32, #tpu.memory_space<vmem>>, vector<1x1024xf32>
    %gt3A_37 = vector.broadcast %get3A_36 : vector<1x1024xf32> to vector<1024x1024xf32>
    %gt3A_38 = vector.broadcast %get3A_1 : vector<1024x1xf32> to vector<1024x1024xf32>
    %gt3A_39 = arith.cmpf ogt, %gt3A_37, %gt3A_38 : vector<1024x1024xf32>
    %convert_element_type3A_40 = arith.extui %gt3A_39 : vector<1024x1024xi1> to vector<1024x1024xi32>
    %convert_element_type3A_41 = arith.sitofp %convert_element_type3A_40 : vector<1024x1024xi32> to vector<1024x1024xf32>
    %reduce_sum3A_42 = arith.constant dense<0.000000e+00> : vector<1024xf32>
    %reduce_sum3A_43 = vector.multi_reduction <add>, %convert_element_type3A_41, %reduce_sum3A_42 [1] : vector<1024x1024xf32> to vector<1024xf32>
    %broadcast_in_dim3A_44 = vector.shape_cast %reduce_sum3A_43 : vector<1024xf32> to vector<1024x1xf32>
    %add3A_45 = arith.addf %add3A_33, %broadcast_in_dim3A_44 : vector<1024x1xf32>
    %get3A_46 = arith.constant 0 : index
    %get3A_47 = arith.constant 3072 : index
    %get3A_48 = vector.load %arg1[%get3A_46, %get3A_47] : memref<1x10240xf32, #tpu.memory_space<vmem>>, vector<1x1024xf32>
    %gt3A_49 = vector.broadcast %get3A_48 : vector<1x1024xf32> to vector<1024x1024xf32>
    %gt3A_50 = vector.broadcast %get3A_1 : vector<1024x1xf32> to vector<1024x1024xf32>
    %gt3A_51 = arith.cmpf ogt, %gt3A_49, %gt3A_50 : vector<1024x1024xf32>
    %convert_element_type3A_52 = arith.extui %gt3A_51 : vector<1024x1024xi1> to vector<1024x1024xi32>
    %convert_element_type3A_53 = arith.sitofp %convert_element_type3A_52 : vector<1024x1024xi32> to vector<1024x1024xf32>
    %reduce_sum3A_54 = arith.constant dense<0.000000e+00> : vector<1024xf32>
    %reduce_sum3A_55 = vector.multi_reduction <add>, %convert_element_type3A_53, %reduce_sum3A_54 [1] : vector<1024x1024xf32> to vector<1024xf32>
    %broadcast_in_dim3A_56 = vector.shape_cast %reduce_sum3A_55 : vector<1024xf32> to vector<1024x1xf32>
    %add3A_57 = arith.addf %add3A_45, %broadcast_in_dim3A_56 : vector<1024x1xf32>
    %get3A_58 = arith.constant 0 : index
    %get3A_59 = arith.constant 4096 : index
    %get3A_60 = vector.load %arg1[%get3A_58, %get3A_59] : memref<1x10240xf32, #tpu.memory_space<vmem>>, vector<1x1024xf32>
    %gt3A_61 = vector.broadcast %get3A_60 : vector<1x1024xf32> to vector<1024x1024xf32>
    %gt3A_62 = vector.broadcast %get3A_1 : vector<1024x1xf32> to vector<1024x1024xf32>
    %gt3A_63 = arith.cmpf ogt, %gt3A_61, %gt3A_62 : vector<1024x1024xf32>
    %convert_element_type3A_64 = arith.extui %gt3A_63 : vector<1024x1024xi1> to vector<1024x1024xi32>
    %convert_element_type3A_65 = arith.sitofp %convert_element_type3A_64 : vector<1024x1024xi32> to vector<1024x1024xf32>
    %reduce_sum3A_66 = arith.constant dense<0.000000e+00> : vector<1024xf32>
    %reduce_sum3A_67 = vector.multi_reduction <add>, %convert_element_type3A_65, %reduce_sum3A_66 [1] : vector<1024x1024xf32> to vector<1024xf32>
    %broadcast_in_dim3A_68 = vector.shape_cast %reduce_sum3A_67 : vector<1024xf32> to vector<1024x1xf32>
    %add3A_69 = arith.addf %add3A_57, %broadcast_in_dim3A_68 : vector<1024x1xf32>
    %get3A_70 = arith.constant 0 : index
    %get3A_71 = arith.constant 5120 : index
    %get3A_72 = vector.load %arg1[%get3A_70, %get3A_71] : memref<1x10240xf32, #tpu.memory_space<vmem>>, vector<1x1024xf32>
    %gt3A_73 = vector.broadcast %get3A_72 : vector<1x1024xf32> to vector<1024x1024xf32>
    %gt3A_74 = vector.broadcast %get3A_1 : vector<1024x1xf32> to vector<1024x1024xf32>
    %gt3A_75 = arith.cmpf ogt, %gt3A_73, %gt3A_74 : vector<1024x1024xf32>
    %convert_element_type3A_76 = arith.extui %gt3A_75 : vector<1024x1024xi1> to vector<1024x1024xi32>
    %convert_element_type3A_77 = arith.sitofp %convert_element_type3A_76 : vector<1024x1024xi32> to vector<1024x1024xf32>
    %reduce_sum3A_78 = arith.constant dense<0.000000e+00> : vector<1024xf32>
    %reduce_sum3A_79 = vector.multi_reduction <add>, %convert_element_type3A_77, %reduce_sum3A_78 [1] : vector<1024x1024xf32> to vector<1024xf32>
    %broadcast_in_dim3A_80 = vector.shape_cast %reduce_sum3A_79 : vector<1024xf32> to vector<1024x1xf32>
    %add3A_81 = arith.addf %add3A_69, %broadcast_in_dim3A_80 : vector<1024x1xf32>
    %get3A_82 = arith.constant 0 : index
    %get3A_83 = arith.constant 6144 : index
    %get3A_84 = vector.load %arg1[%get3A_82, %get3A_83] : memref<1x10240xf32, #tpu.memory_space<vmem>>, vector<1x1024xf32>
    %gt3A_85 = vector.broadcast %get3A_84 : vector<1x1024xf32> to vector<1024x1024xf32>
    %gt3A_86 = vector.broadcast %get3A_1 : vector<1024x1xf32> to vector<1024x1024xf32>
    %gt3A_87 = arith.cmpf ogt, %gt3A_85, %gt3A_86 : vector<1024x1024xf32>
    %convert_element_type3A_88 = arith.extui %gt3A_87 : vector<1024x1024xi1> to vector<1024x1024xi32>
    %convert_element_type3A_89 = arith.sitofp %convert_element_type3A_88 : vector<1024x1024xi32> to vector<1024x1024xf32>
    %reduce_sum3A_90 = arith.constant dense<0.000000e+00> : vector<1024xf32>
    %reduce_sum3A_91 = vector.multi_reduction <add>, %convert_element_type3A_89, %reduce_sum3A_90 [1] : vector<1024x1024xf32> to vector<1024xf32>
    %broadcast_in_dim3A_92 = vector.shape_cast %reduce_sum3A_91 : vector<1024xf32> to vector<1024x1xf32>
    %add3A_93 = arith.addf %add3A_81, %broadcast_in_dim3A_92 : vector<1024x1xf32>
    %get3A_94 = arith.constant 0 : index
    %get3A_95 = arith.constant 7168 : index
    %get3A_96 = vector.load %arg1[%get3A_94, %get3A_95] : memref<1x10240xf32, #tpu.memory_space<vmem>>, vector<1x1024xf32>
    %gt3A_97 = vector.broadcast %get3A_96 : vector<1x1024xf32> to vector<1024x1024xf32>
    %gt3A_98 = vector.broadcast %get3A_1 : vector<1024x1xf32> to vector<1024x1024xf32>
    %gt3A_99 = arith.cmpf ogt, %gt3A_97, %gt3A_98 : vector<1024x1024xf32>
    %convert_element_type3A_100 = arith.extui %gt3A_99 : vector<1024x1024xi1> to vector<1024x1024xi32>
    %convert_element_type3A_101 = arith.sitofp %convert_element_type3A_100 : vector<1024x1024xi32> to vector<1024x1024xf32>
    %reduce_sum3A_102 = arith.constant dense<0.000000e+00> : vector<1024xf32>
    %reduce_sum3A_103 = vector.multi_reduction <add>, %convert_element_type3A_101, %reduce_sum3A_102 [1] : vector<1024x1024xf32> to vector<1024xf32>
    %broadcast_in_dim3A_104 = vector.shape_cast %reduce_sum3A_103 : vector<1024xf32> to vector<1024x1xf32>
    %add3A_105 = arith.addf %add3A_93, %broadcast_in_dim3A_104 : vector<1024x1xf32>
    %get3A_106 = arith.constant 0 : index
    %get3A_107 = arith.constant 8192 : index
    %get3A_108 = vector.load %arg1[%get3A_106, %get3A_107] : memref<1x10240xf32, #tpu.memory_space<vmem>>, vector<1x1024xf32>
    %gt3A_109 = vector.broadcast %get3A_108 : vector<1x1024xf32> to vector<1024x1024xf32>
    %gt3A_110 = vector.broadcast %get3A_1 : vector<1024x1xf32> to vector<1024x1024xf32>
    %gt3A_111 = arith.cmpf ogt, %gt3A_109, %gt3A_110 : vector<1024x1024xf32>
    %convert_element_type3A_112 = arith.extui %gt3A_111 : vector<1024x1024xi1> to vector<1024x1024xi32>
    %convert_element_type3A_113 = arith.sitofp %convert_element_type3A_112 : vector<1024x1024xi32> to vector<1024x1024xf32>
    %reduce_sum3A_114 = arith.constant dense<0.000000e+00> : vector<1024xf32>
    %reduce_sum3A_115 = vector.multi_reduction <add>, %convert_element_type3A_113, %reduce_sum3A_114 [1] : vector<1024x1024xf32> to vector<1024xf32>
    %broadcast_in_dim3A_116 = vector.shape_cast %reduce_sum3A_115 : vector<1024xf32> to vector<1024x1xf32>
    %add3A_117 = arith.addf %add3A_105, %broadcast_in_dim3A_116 : vector<1024x1xf32>
    %get3A_118 = arith.constant 0 : index
    %get3A_119 = arith.constant 9216 : index
    %get3A_120 = vector.load %arg1[%get3A_118, %get3A_119] : memref<1x10240xf32, #tpu.memory_space<vmem>>, vector<1x1024xf32>
    %gt3A_121 = vector.broadcast %get3A_120 : vector<1x1024xf32> to vector<1024x1024xf32>
    %gt3A_122 = vector.broadcast %get3A_1 : vector<1024x1xf32> to vector<1024x1024xf32>
    %gt3A_123 = arith.cmpf ogt, %gt3A_121, %gt3A_122 : vector<1024x1024xf32>
    %convert_element_type3A_124 = arith.extui %gt3A_123 : vector<1024x1024xi1> to vector<1024x1024xi32>
    %convert_element_type3A_125 = arith.sitofp %convert_element_type3A_124 : vector<1024x1024xi32> to vector<1024x1024xf32>
    %reduce_sum3A_126 = arith.constant dense<0.000000e+00> : vector<1024xf32>
    %reduce_sum3A_127 = vector.multi_reduction <add>, %convert_element_type3A_125, %reduce_sum3A_126 [1] : vector<1024x1024xf32> to vector<1024xf32>
    %broadcast_in_dim3A_128 = vector.shape_cast %reduce_sum3A_127 : vector<1024xf32> to vector<1024x1xf32>
    %add3A_129 = arith.addf %add3A_117, %broadcast_in_dim3A_128 : vector<1024x1xf32>
    %swap3A = arith.constant 0 : index
    %swap3A_130 = arith.constant 0 : index
    %swap3A_131 = vector.load %arg3[%swap3A, %swap3A_130] : memref<10240x1xf32, #tpu.memory_space<vmem>>, vector<1024x1xf32>
    tpu.vector_store %arg3[%swap3A, %swap3A_130], %add3A_129 {strides = array<i32>} : memref<10240x1xf32, #tpu.memory_space<vmem>>, vector<1024x1xf32>,
    %get3A_132 = arith.constant 1024 : index
    %get3A_133 = arith.constant 0 : index
    %get3A_134 = vector.load %arg2[%get3A_132, %get3A_133] : memref<10240x1xf32, #tpu.memory_space<vmem>>, vector<1024x1xf32>
    %broadcast_in_dim3A_135 = arith.constant 0.000000e+00 : f32
    %broadcast_in_dim3A_136 = vector.broadcast %broadcast_in_dim3A_135 : f32 to vector<1024x1xf32>
    %get3A_137 = arith.constant 0 : index
    %get3A_138 = arith.constant 0 : index
    %get3A_139 = vector.load %arg1[%get3A_137, %get3A_138] : memref<1x10240xf32, #tpu.memory_space<vmem>>, vector<1x1024xf32>
    %ge3A = vector.broadcast %get3A_139 : vector<1x1024xf32> to vector<1024x1024xf32>
    %ge3A_140 = vector.broadcast %get3A_134 : vector<1024x1xf32> to vector<1024x1024xf32>
    %ge3A_141 = arith.cmpf oge, %ge3A, %ge3A_140 : vector<1024x1024xf32>
    %convert_element_type3A_142 = arith.extui %ge3A_141 : vector<1024x1024xi1> to vector<1024x1024xi32>
    %convert_element_type3A_143 = arith.sitofp %convert_element_type3A_142 : vector<1024x1024xi32> to vector<1024x1024xf32>
    %reduce_sum3A_144 = arith.constant dense<0.000000e+00> : vector<1024xf32>
    %reduce_sum3A_145 = vector.multi_reduction <add>, %convert_element_type3A_143, %reduce_sum3A_144 [1] : vector<1024x1024xf32> to vector<1024xf32>
    %broadcast_in_dim3A_146 = vector.shape_cast %reduce_sum3A_145 : vector<1024xf32> to vector<1024x1xf32>
    %add3A_147 = arith.addf %broadcast_in_dim3A_136, %broadcast_in_dim3A_146 : vector<1024x1xf32>
    %get3A_148 = arith.constant 0 : index
    %get3A_149 = arith.constant 1024 : index
    %get3A_150 = vector.load %arg1[%get3A_148, %get3A_149] : memref<1x10240xf32, #tpu.memory_space<vmem>>, vector<1x1024xf32>
    %iota3A_151 = tpu.iota {dimensions = array<i32: 0>} : vector<1024x1xi32>
    %add3A_152 = arith.constant 1024 : i32
    %add3A_153 = vector.broadcast %add3A_152 : i32 to vector<1024x1xi32>
    %add3A_154 = arith.addi %add3A_153, %iota3A_151 : vector<1024x1xi32>
    %iota3A_155 = tpu.iota {dimensions = array<i32: 1>} : vector<1x1024xi32>
    %add3A_156 = arith.constant 1024 : i32
    %add3A_157 = vector.broadcast %add3A_156 : i32 to vector<1x1024xi32>
    %add3A_158 = arith.addi %add3A_157, %iota3A_155 : vector<1x1024xi32>
    %gt3A_159 = vector.broadcast %get3A_150 : vector<1x1024xf32> to vector<1024x1024xf32>
    %gt3A_160 = vector.broadcast %get3A_134 : vector<1024x1xf32> to vector<1024x1024xf32>
    %gt3A_161 = arith.cmpf ogt, %gt3A_159, %gt3A_160 : vector<1024x1024xf32>
    %eq3A_162 = vector.broadcast %get3A_150 : vector<1x1024xf32> to vector<1024x1024xf32>
    %eq3A_163 = vector.broadcast %get3A_134 : vector<1024x1xf32> to vector<1024x1024xf32>
    %eq3A_164 = arith.cmpf oeq, %eq3A_162, %eq3A_163 : vector<1024x1024xf32>
    %lt3A_165 = vector.broadcast %add3A_158 : vector<1x1024xi32> to vector<1024x1024xi32>
    %lt3A_166 = vector.broadcast %add3A_154 : vector<1024x1xi32> to vector<1024x1024xi32>
    %lt3A_167 = arith.cmpi slt, %lt3A_165, %lt3A_166 : vector<1024x1024xi32>
    %and3A_168 = arith.andi %eq3A_164, %lt3A_167 : vector<1024x1024xi1>
    %or3A_169 = arith.ori %gt3A_161, %and3A_168 : vector<1024x1024xi1>
    %convert_element_type3A_170 = arith.extui %or3A_169 : vector<1024x1024xi1> to vector<1024x1024xi32>
    %convert_element_type3A_171 = arith.sitofp %convert_element_type3A_170 : vector<1024x1024xi32> to vector<1024x1024xf32>
    %reduce_sum3A_172 = arith.constant dense<0.000000e+00> : vector<1024xf32>
    %reduce_sum3A_173 = vector.multi_reduction <add>, %convert_element_type3A_171, %reduce_sum3A_172 [1] : vector<1024x1024xf32> to vector<1024xf32>
    %broadcast_in_dim3A_174 = vector.shape_cast %reduce_sum3A_173 : vector<1024xf32> to vector<1024x1xf32>
    %add3A_175 = arith.addf %add3A_147, %broadcast_in_dim3A_174 : vector<1024x1xf32>
    %get3A_176 = arith.constant 0 : index
    %get3A_177 = arith.constant 2048 : index
    %get3A_178 = vector.load %arg1[%get3A_176, %get3A_177] : memref<1x10240xf32, #tpu.memory_space<vmem>>, vector<1x1024xf32>
    %gt3A_179 = vector.broadcast %get3A_178 : vector<1x1024xf32> to vector<1024x1024xf32>
    %gt3A_180 = vector.broadcast %get3A_134 : vector<1024x1xf32> to vector<1024x1024xf32>
    %gt3A_181 = arith.cmpf ogt, %gt3A_179, %gt3A_180 : vector<1024x1024xf32>
    %convert_element_type3A_182 = arith.extui %gt3A_181 : vector<1024x1024xi1> to vector<1024x1024xi32>
    %convert_element_type3A_183 = arith.sitofp %convert_element_type3A_182 : vector<1024x1024xi32> to vector<1024x1024xf32>
    %reduce_sum3A_184 = arith.constant dense<0.000000e+00> : vector<1024xf32>
    %reduce_sum3A_185 = vector.multi_reduction <add>, %convert_element_type3A_183, %reduce_sum3A_184 [1] : vector<1024x1024xf32> to vector<1024xf32>
    %broadcast_in_dim3A_186 = vector.shape_cast %reduce_sum3A_185 : vector<1024xf32> to vector<1024x1xf32>
    %add3A_187 = arith.addf %add3A_175, %broadcast_in_dim3A_186 : vector<1024x1xf32>
    %get3A_188 = arith.constant 0 : index
    %get3A_189 = arith.constant 3072 : index
    %get3A_190 = vector.load %arg1[%get3A_188, %get3A_189] : memref<1x10240xf32, #tpu.memory_space<vmem>>, vector<1x1024xf32>
    %gt3A_191 = vector.broadcast %get3A_190 : vector<1x1024xf32> to vector<1024x1024xf32>
    %gt3A_192 = vector.broadcast %get3A_134 : vector<1024x1xf32> to vector<1024x1024xf32>
    %gt3A_193 = arith.cmpf ogt, %gt3A_191, %gt3A_192 : vector<1024x1024xf32>
    %convert_element_type3A_194 = arith.extui %gt3A_193 : vector<1024x1024xi1> to vector<1024x1024xi32>
    %convert_element_type3A_195 = arith.sitofp %convert_element_type3A_194 : vector<1024x1024xi32> to vector<1024x1024xf32>
    %reduce_sum3A_196 = arith.constant dense<0.000000e+00> : vector<1024xf32>
    %reduce_sum3A_197 = vector.multi_reduction <add>, %convert_element_type3A_195, %reduce_sum3A_196 [1] : vector<1024x1024xf32> to vector<1024xf32>
    %broadcast_in_dim3A_198 = vector.shape_cast %reduce_sum3A_197 : vector<1024xf32> to vector<1024x1xf32>
    %add3A_199 = arith.addf %add3A_187, %broadcast_in_dim3A_198 : vector<1024x1xf32>
    %get3A_200 = arith.constant 0 : index
    %get3A_201 = arith.constant 4096 : index
    %get3A_202 = vector.load %arg1[%get3A_200, %get3A_201] : memref<1x10240xf32, #tpu.memory_space<vmem>>, vector<1x1024xf32>
    %gt3A_203 = vector.broadcast %get3A_202 : vector<1x1024xf32> to vector<1024x1024xf32>
    %gt3A_204 = vector.broadcast %get3A_134 : vector<1024x1xf32> to vector<1024x1024xf32>
    %gt3A_205 = arith.cmpf ogt, %gt3A_203, %gt3A_204 : vector<1024x1024xf32>
    %convert_element_type3A_206 = arith.extui %gt3A_205 : vector<1024x1024xi1> to vector<1024x1024xi32>
    %convert_element_type3A_207 = arith.sitofp %convert_element_type3A_206 : vector<1024x1024xi32> to vector<1024x1024xf32>
    %reduce_sum3A_208 = arith.constant dense<0.000000e+00> : vector<1024xf32>
    %reduce_sum3A_209 = vector.multi_reduction <add>, %convert_element_type3A_207, %reduce_sum3A_208 [1] : vector<1024x1024xf32> to vector<1024xf32>
    %broadcast_in_dim3A_210 = vector.shape_cast %reduce_sum3A_209 : vector<1024xf32> to vector<1024x1xf32>
    %add3A_211 = arith.addf %add3A_199, %broadcast_in_dim3A_210 : vector<1024x1xf32>
    %get3A_212 = arith.constant 0 : index
    %get3A_213 = arith.constant 5120 : index
    %get3A_214 = vector.load %arg1[%get3A_212, %get3A_213] : memref<1x10240xf32, #tpu.memory_space<vmem>>, vector<1x1024xf32>
    %gt3A_215 = vector.broadcast %get3A_214 : vector<1x1024xf32> to vector<1024x1024xf32>
    %gt3A_216 = vector.broadcast %get3A_134 : vector<1024x1xf32> to vector<1024x1024xf32>
    %gt3A_217 = arith.cmpf ogt, %gt3A_215, %gt3A_216 : vector<1024x1024xf32>
    %convert_element_type3A_218 = arith.extui %gt3A_217 : vector<1024x1024xi1> to vector<1024x1024xi32>
    %convert_element_type3A_219 = arith.sitofp %convert_element_type3A_218 : vector<1024x1024xi32> to vector<1024x1024xf32>
    %reduce_sum3A_220 = arith.constant dense<0.000000e+00> : vector<1024xf32>
    %reduce_sum3A_221 = vector.multi_reduction <add>, %convert_element_type3A_219, %reduce_sum3A_220 [1] : vector<1024x1024xf32> to vector<1024xf32>
    %broadcast_in_dim3A_222 = vector.shape_cast %reduce_sum3A_221 : vector<1024xf32> to vector<1024x1xf32>
    %add3A_223 = arith.addf %add3A_211, %broadcast_in_dim3A_222 : vector<1024x1xf32>
    %get3A_224 = arith.constant 0 : index
    %get3A_225 = arith.constant 6144 : index
    %get3A_226 = vector.load %arg1[%get3A_224, %get3A_225] : memref<1x10240xf32, #tpu.memory_space<vmem>>, vector<1x1024xf32>
    %gt3A_227 = vector.broadcast %get3A_226 : vector<1x1024xf32> to vector<1024x1024xf32>
    %gt3A_228 = vector.broadcast %get3A_134 : vector<1024x1xf32> to vector<1024x1024xf32>
    %gt3A_229 = arith.cmpf ogt, %gt3A_227, %gt3A_228 : vector<1024x1024xf32>
    %convert_element_type3A_230 = arith.extui %gt3A_229 : vector<1024x1024xi1> to vector<1024x1024xi32>
    %convert_element_type3A_231 = arith.sitofp %convert_element_type3A_230 : vector<1024x1024xi32> to vector<1024x1024xf32>
    %reduce_sum3A_232 = arith.constant dense<0.000000e+00> : vector<1024xf32>
    %reduce_sum3A_233 = vector.multi_reduction <add>, %convert_element_type3A_231, %reduce_sum3A_232 [1] : vector<1024x1024xf32> to vector<1024xf32>
    %broadcast_in_dim3A_234 = vector.shape_cast %reduce_sum3A_233 : vector<1024xf32> to vector<1024x1xf32>
    %add3A_235 = arith.addf %add3A_223, %broadcast_in_dim3A_234 : vector<1024x1xf32>
    %get3A_236 = arith.constant 0 : index
    %get3A_237 = arith.constant 7168 : index
    %get3A_238 = vector.load %arg1[%get3A_236, %get3A_237] : memref<1x10240xf32, #tpu.memory_space<vmem>>, vector<1x1024xf32>
    %gt3A_239 = vector.broadcast %get3A_238 : vector<1x1024xf32> to vector<1024x1024xf32>
    %gt3A_240 = vector.broadcast %get3A_134 : vector<1024x1xf32> to vector<1024x1024xf32>
    %gt3A_241 = arith.cmpf ogt, %gt3A_239, %gt3A_240 : vector<1024x1024xf32>
    %convert_element_type3A_242 = arith.extui %gt3A_241 : vector<1024x1024xi1> to vector<1024x1024xi32>
    %convert_element_type3A_243 = arith.sitofp %convert_element_type3A_242 : vector<1024x1024xi32> to vector<1024x1024xf32>
    %reduce_sum3A_244 = arith.constant dense<0.000000e+00> : vector<1024xf32>
    %reduce_sum3A_245 = vector.multi_reduction <add>, %convert_element_type3A_243, %reduce_sum3A_244 [1] : vector<1024x1024xf32> to vector<1024xf32>
    %broadcast_in_dim3A_246 = vector.shape_cast %reduce_sum3A_245 : vector<1024xf32> to vector<1024x1xf32>
    %add3A_247 = arith.addf %add3A_235, %broadcast_in_dim3A_246 : vector<1024x1xf32>
    %get3A_248 = arith.constant 0 : index
    %get3A_249 = arith.constant 8192 : index
    %get3A_250 = vector.load %arg1[%get3A_248, %get3A_249] : memref<1x10240xf32, #tpu.memory_space<vmem>>, vector<1x1024xf32>
    %gt3A_251 = vector.broadcast %get3A_250 : vector<1x1024xf32> to vector<1024x1024xf32>
    %gt3A_252 = vector.broadcast %get3A_134 : vector<1024x1xf32> to vector<1024x1024xf32>
    %gt3A_253 = arith.cmpf ogt, %gt3A_251, %gt3A_252 : vector<1024x1024xf32>
    %convert_element_type3A_254 = arith.extui %gt3A_253 : vector<1024x1024xi1> to vector<1024x1024xi32>
    %convert_element_type3A_255 = arith.sitofp %convert_element_type3A_254 : vector<1024x1024xi32> to vector<1024x1024xf32>
    %reduce_sum3A_256 = arith.constant dense<0.000000e+00> : vector<1024xf32>
    %reduce_sum3A_257 = vector.multi_reduction <add>, %convert_element_type3A_255, %reduce_sum3A_256 [1] : vector<1024x1024xf32> to vector<1024xf32>
    %broadcast_in_dim3A_258 = vector.shape_cast %reduce_sum3A_257 : vector<1024xf32> to vector<1024x1xf32>
    %add3A_259 = arith.addf %add3A_247, %broadcast_in_dim3A_258 : vector<1024x1xf32>
    %get3A_260 = arith.constant 0 : index
    %get3A_261 = arith.constant 9216 : index
    %get3A_262 = vector.load %arg1[%get3A_260, %get3A_261] : memref<1x10240xf32, #tpu.memory_space<vmem>>, vector<1x1024xf32>
    %gt3A_263 = vector.broadcast %get3A_262 : vector<1x1024xf32> to vector<1024x1024xf32>
    %gt3A_264 = vector.broadcast %get3A_134 : vector<1024x1xf32> to vector<1024x1024xf32>
    %gt3A_265 = arith.cmpf ogt, %gt3A_263, %gt3A_264 : vector<1024x1024xf32>
    %convert_element_type3A_266 = arith.extui %gt3A_265 : vector<1024x1024xi1> to vector<1024x1024xi32>
    %convert_element_type3A_267 = arith.sitofp %convert_element_type3A_266 : vector<1024x1024xi32> to vector<1024x1024xf32>
    %reduce_sum3A_268 = arith.constant dense<0.000000e+00> : vector<1024xf32>
    %reduce_sum3A_269 = vector.multi_reduction <add>, %convert_element_type3A_267, %reduce_sum3A_268 [1] : vector<1024x1024xf32> to vector<1024xf32>
    %broadcast_in_dim3A_270 = vector.shape_cast %reduce_sum3A_269 : vector<1024xf32> to vector<1024x1xf32>
    %add3A_271 = arith.addf %add3A_259, %broadcast_in_dim3A_270 : vector<1024x1xf32>
    %swap3A_272 = arith.constant 1024 : index
    %swap3A_273 = arith.constant 0 : index
    %swap3A_274 = vector.load %arg3[%swap3A_272, %swap3A_273] : memref<10240x1xf32, #tpu.memory_space<vmem>>, vector<1024x1xf32>
    tpu.vector_store %arg3[%swap3A_272, %swap3A_273], %add3A_271 {strides = array<i32>} : memref<10240x1xf32, #tpu.memory_space<vmem>>, vector<1024x1xf32>,
    %get3A_275 = arith.constant 2048 : index
    %get3A_276 = arith.constant 0 : index
    %get3A_277 = vector.load %arg2[%get3A_275, %get3A_276] : memref<10240x1xf32, #tpu.memory_space<vmem>>, vector<1024x1xf32>
    %broadcast_in_dim3A_278 = arith.constant 0.000000e+00 : f32
    %broadcast_in_dim3A_279 = vector.broadcast %broadcast_in_dim3A_278 : f32 to vector<1024x1xf32>
    %get3A_280 = arith.constant 0 : index
    %get3A_281 = arith.constant 0 : index
    %get3A_282 = vector.load %arg1[%get3A_280, %get3A_281] : memref<1x10240xf32, #tpu.memory_space<vmem>>, vector<1x1024xf32>
    %ge3A_283 = vector.broadcast %get3A_282 : vector<1x1024xf32> to vector<1024x1024xf32>
    %ge3A_284 = vector.broadcast %get3A_277 : vector<1024x1xf32> to vector<1024x1024xf32>
    %ge3A_285 = arith.cmpf oge, %ge3A_283, %ge3A_284 : vector<1024x1024xf32>
    %convert_element_type3A_286 = arith.extui %ge3A_285 : vector<1024x1024xi1> to vector<1024x1024xi32>
    %convert_element_type3A_287 = arith.sitofp %convert_element_type3A_286 : vector<1024x1024xi32> to vector<1024x1024xf32>
    %reduce_sum3A_288 = arith.constant dense<0.000000e+00> : vector<1024xf32>
    %reduce_sum3A_289 = vector.multi_reduction <add>, %convert_element_type3A_287, %reduce_sum3A_288 [1] : vector<1024x1024xf32> to vector<1024xf32>
    %broadcast_in_dim3A_290 = vector.shape_cast %reduce_sum3A_289 : vector<1024xf32> to vector<1024x1xf32>
    %add3A_291 = arith.addf %broadcast_in_dim3A_279, %broadcast_in_dim3A_290 : vector<1024x1xf32>
    %get3A_292 = arith.constant 0 : index
    %get3A_293 = arith.constant 1024 : index
    %get3A_294 = vector.load %arg1[%get3A_292, %get3A_293] : memref<1x10240xf32, #tpu.memory_space<vmem>>, vector<1x1024xf32>
    %ge3A_295 = vector.broadcast %get3A_294 : vector<1x1024xf32> to vector<1024x1024xf32>
    %ge3A_296 = vector.broadcast %get3A_277 : vector<1024x1xf32> to vector<1024x1024xf32>
    %ge3A_297 = arith.cmpf oge, %ge3A_295, %ge3A_296 : vector<1024x1024xf32>
    %convert_element_type3A_298 = arith.extui %ge3A_297 : vector<1024x1024xi1> to vector<1024x1024xi32>
    %convert_element_type3A_299 = arith.sitofp %convert_element_type3A_298 : vector<1024x1024xi32> to vector<1024x1024xf32>
    %reduce_sum3A_300 = arith.constant dense<0.000000e+00> : vector<1024xf32>
    %reduce_sum3A_301 = vector.multi_reduction <add>, %convert_element_type3A_299, %reduce_sum3A_300 [1] : vector<1024x1024xf32> to vector<1024xf32>
    %broadcast_in_dim3A_302 = vector.shape_cast %reduce_sum3A_301 : vector<1024xf32> to vector<1024x1xf32>
    %add3A_303 = arith.addf %add3A_291, %broadcast_in_dim3A_302 : vector<1024x1xf32>
    %get3A_304 = arith.constant 0 : index
    %get3A_305 = arith.constant 2048 : index
    %get3A_306 = vector.load %arg1[%get3A_304, %get3A_305] : memref<1x10240xf32, #tpu.memory_space<vmem>>, vector<1x1024xf32>
    %iota3A_307 = tpu.iota {dimensions = array<i32: 0>} : vector<1024x1xi32>
    %add3A_308 = arith.constant 2048 : i32
    %add3A_309 = vector.broadcast %add3A_308 : i32 to vector<1024x1xi32>
    %add3A_310 = arith.addi %add3A_309, %iota3A_307 : vector<1024x1xi32>
    %iota3A_311 = tpu.iota {dimensions = array<i32: 1>} : vector<1x1024xi32>
    %add3A_312 = arith.constant 2048 : i32
    %add3A_313 = vector.broadcast %add3A_312 : i32 to vector<1x1024xi32>
    %add3A_314 = arith.addi %add3A_313, %iota3A_311 : vector<1x1024xi32>
    %gt3A_315 = vector.broadcast %get3A_306 : vector<1x1024xf32> to vector<1024x1024xf32>
    %gt3A_316 = vector.broadcast %get3A_277 : vector<1024x1xf32> to vector<1024x1024xf32>
    %gt3A_317 = arith.cmpf ogt, %gt3A_315, %gt3A_316 : vector<1024x1024xf32>
    %eq3A_318 = vector.broadcast %get3A_306 : vector<1x1024xf32> to vector<1024x1024xf32>
    %eq3A_319 = vector.broadcast %get3A_277 : vector<1024x1xf32> to vector<1024x1024xf32>
    %eq3A_320 = arith.cmpf oeq, %eq3A_318, %eq3A_319 : vector<1024x1024xf32>
    %lt3A_321 = vector.broadcast %add3A_314 : vector<1x1024xi32> to vector<1024x1024xi32>
    %lt3A_322 = vector.broadcast %add3A_310 : vector<1024x1xi32> to vector<1024x1024xi32>
    %lt3A_323 = arith.cmpi slt, %lt3A_321, %lt3A_322 : vector<1024x1024xi32>
    %and3A_324 = arith.andi %eq3A_320, %lt3A_323 : vector<1024x1024xi1>
    %or3A_325 = arith.ori %gt3A_317, %and3A_324 : vector<1024x1024xi1>
    %convert_element_type3A_326 = arith.extui %or3A_325 : vector<1024x1024xi1> to vector<1024x1024xi32>
    %convert_element_type3A_327 = arith.sitofp %convert_element_type3A_326 : vector<1024x1024xi32> to vector<1024x1024xf32>
    %reduce_sum3A_328 = arith.constant dense<0.000000e+00> : vector<1024xf32>
    %reduce_sum3A_329 = vector.multi_reduction <add>, %convert_element_type3A_327, %reduce_sum3A_328 [1] : vector<1024x1024xf32> to vector<1024xf32>
    %broadcast_in_dim3A_330 = vector.shape_cast %reduce_sum3A_329 : vector<1024xf32> to vector<1024x1xf32>
    %add3A_331 = arith.addf %add3A_303, %broadcast_in_dim3A_330 : vector<1024x1xf32>
    %get3A_332 = arith.constant 0 : index
    %get3A_333 = arith.constant 3072 : index
    %get3A_334 = vector.load %arg1[%get3A_332, %get3A_333] : memref<1x10240xf32, #tpu.memory_space<vmem>>, vector<1x1024xf32>
    %gt3A_335 = vector.broadcast %get3A_334 : vector<1x1024xf32> to vector<1024x1024xf32>
    %gt3A_336 = vector.broadcast %get3A_277 : vector<1024x1xf32> to vector<1024x1024xf32>
    %gt3A_337 = arith.cmpf ogt, %gt3A_335, %gt3A_336 : vector<1024x1024xf32>
    %convert_element_type3A_338 = arith.extui %gt3A_337 : vector<1024x1024xi1> to vector<1024x1024xi32>
    %convert_element_type3A_339 = arith.sitofp %convert_element_type3A_338 : vector<1024x1024xi32> to vector<1024x1024xf32>
    %reduce_sum3A_340 = arith.constant dense<0.000000e+00> : vector<1024xf32>
    %reduce_sum3A_341 = vector.multi_reduction <add>, %convert_element_type3A_339, %reduce_sum3A_340 [1] : vector<1024x1024xf32> to vector<1024xf32>
    %broadcast_in_dim3A_342 = vector.shape_cast %reduce_sum3A_341 : vector<1024xf32> to vector<1024x1xf32>
    %add3A_343 = arith.addf %add3A_331, %broadcast_in_dim3A_342 : vector<1024x1xf32>
    %get3A_344 = arith.constant 0 : index
    %get3A_345 = arith.constant 4096 : index
    %get3A_346 = vector.load %arg1[%get3A_344, %get3A_345] : memref<1x10240xf32, #tpu.memory_space<vmem>>, vector<1x1024xf32>
    %gt3A_347 = vector.broadcast %get3A_346 : vector<1x1024xf32> to vector<1024x1024xf32>
    %gt3A_348 = vector.broadcast %get3A_277 : vector<1024x1xf32> to vector<1024x1024xf32>
    %gt3A_349 = arith.cmpf ogt, %gt3A_347, %gt3A_348 : vector<1024x1024xf32>
    %convert_element_type3A_350 = arith.extui %gt3A_349 : vector<1024x1024xi1> to vector<1024x1024xi32>
    %convert_element_type3A_351 = arith.sitofp %convert_element_type3A_350 : vector<1024x1024xi32> to vector<1024x1024xf32>
    %reduce_sum3A_352 = arith.constant dense<0.000000e+00> : vector<1024xf32>
    %reduce_sum3A_353 = vector.multi_reduction <add>, %convert_element_type3A_351, %reduce_sum3A_352 [1] : vector<1024x1024xf32> to vector<1024xf32>
    %broadcast_in_dim3A_354 = vector.shape_cast %reduce_sum3A_353 : vector<1024xf32> to vector<1024x1xf32>
    %add3A_355 = arith.addf %add3A_343, %broadcast_in_dim3A_354 : vector<1024x1xf32>
    %get3A_356 = arith.constant 0 : index
    %get3A_357 = arith.constant 5120 : index
    %get3A_358 = vector.load %arg1[%get3A_356, %get3A_357] : memref<1x10240xf32, #tpu.memory_space<vmem>>, vector<1x1024xf32>
    %gt3A_359 = vector.broadcast %get3A_358 : vector<1x1024xf32> to vector<1024x1024xf32>
    %gt3A_360 = vector.broadcast %get3A_277 : vector<1024x1xf32> to vector<1024x1024xf32>
    %gt3A_361 = arith.cmpf ogt, %gt3A_359, %gt3A_360 : vector<1024x1024xf32>
    %convert_element_type3A_362 = arith.extui %gt3A_361 : vector<1024x1024xi1> to vector<1024x1024xi32>
    %convert_element_type3A_363 = arith.sitofp %convert_element_type3A_362 : vector<1024x1024xi32> to vector<1024x1024xf32>
    %reduce_sum3A_364 = arith.constant dense<0.000000e+00> : vector<1024xf32>
    %reduce_sum3A_365 = vector.multi_reduction <add>, %convert_element_type3A_363, %reduce_sum3A_364 [1] : vector<1024x1024xf32> to vector<1024xf32>
    %broadcast_in_dim3A_366 = vector.shape_cast %reduce_sum3A_365 : vector<1024xf32> to vector<1024x1xf32>
    %add3A_367 = arith.addf %add3A_355, %broadcast_in_dim3A_366 : vector<1024x1xf32>
    %get3A_368 = arith.constant 0 : index
    %get3A_369 = arith.constant 6144 : index
    %get3A_370 = vector.load %arg1[%get3A_368, %get3A_369] : memref<1x10240xf32, #tpu.memory_space<vmem>>, vector<1x1024xf32>
    %gt3A_371 = vector.broadcast %get3A_370 : vector<1x1024xf32> to vector<1024x1024xf32>
    %gt3A_372 = vector.broadcast %get3A_277 : vector<1024x1xf32> to vector<1024x1024xf32>
    %gt3A_373 = arith.cmpf ogt, %gt3A_371, %gt3A_372 : vector<1024x1024xf32>
    %convert_element_type3A_374 = arith.extui %gt3A_373 : vector<1024x1024xi1> to vector<1024x1024xi32>
    %convert_element_type3A_375 = arith.sitofp %convert_element_type3A_374 : vector<1024x1024xi32> to vector<1024x1024xf32>
    %reduce_sum3A_376 = arith.constant dense<0.000000e+00> : vector<1024xf32>
    %reduce_sum3A_377 = vector.multi_reduction <add>, %convert_element_type3A_375, %reduce_sum3A_376 [1] : vector<1024x1024xf32> to vector<1024xf32>
    %broadcast_in_dim3A_378 = vector.shape_cast %reduce_sum3A_377 : vector<1024xf32> to vector<1024x1xf32>
    %add3A_379 = arith.addf %add3A_367, %broadcast_in_dim3A_378 : vector<1024x1xf32>
    %get3A_380 = arith.constant 0 : index
    %get3A_381 = arith.constant 7168 : index
    %get3A_382 = vector.load %arg1[%get3A_380, %get3A_381] : memref<1x10240xf32, #tpu.memory_space<vmem>>, vector<1x1024xf32>
    %gt3A_383 = vector.broadcast %get3A_382 : vector<1x1024xf32> to vector<1024x1024xf32>
    %gt3A_384 = vector.broadcast %get3A_277 : vector<1024x1xf32> to vector<1024x1024xf32>
    %gt3A_385 = arith.cmpf ogt, %gt3A_383, %gt3A_384 : vector<1024x1024xf32>
    %convert_element_type3A_386 = arith.extui %gt3A_385 : vector<1024x1024xi1> to vector<1024x1024xi32>
    %convert_element_type3A_387 = arith.sitofp %convert_element_type3A_386 : vector<1024x1024xi32> to vector<1024x1024xf32>
    %reduce_sum3A_388 = arith.constant dense<0.000000e+00> : vector<1024xf32>
    %reduce_sum3A_389 = vector.multi_reduction <add>, %convert_element_type3A_387, %reduce_sum3A_388 [1] : vector<1024x1024xf32> to vector<1024xf32>
    %broadcast_in_dim3A_390 = vector.shape_cast %reduce_sum3A_389 : vector<1024xf32> to vector<1024x1xf32>
    %add3A_391 = arith.addf %add3A_379, %broadcast_in_dim3A_390 : vector<1024x1xf32>
    %get3A_392 = arith.constant 0 : index
    %get3A_393 = arith.constant 8192 : index
    %get3A_394 = vector.load %arg1[%get3A_392, %get3A_393] : memref<1x10240xf32, #tpu.memory_space<vmem>>, vector<1x1024xf32>
    %gt3A_395 = vector.broadcast %get3A_394 : vector<1x1024xf32> to vector<1024x1024xf32>
    %gt3A_396 = vector.broadcast %get3A_277 : vector<1024x1xf32> to vector<1024x1024xf32>
    %gt3A_397 = arith.cmpf ogt, %gt3A_395, %gt3A_396 : vector<1024x1024xf32>
    %convert_element_type3A_398 = arith.extui %gt3A_397 : vector<1024x1024xi1> to vector<1024x1024xi32>
    %convert_element_type3A_399 = arith.sitofp %convert_element_type3A_398 : vector<1024x1024xi32> to vector<1024x1024xf32>
    %reduce_sum3A_400 = arith.constant dense<0.000000e+00> : vector<1024xf32>
    %reduce_sum3A_401 = vector.multi_reduction <add>, %convert_element_type3A_399, %reduce_sum3A_400 [1] : vector<1024x1024xf32> to vector<1024xf32>
    %broadcast_in_dim3A_402 = vector.shape_cast %reduce_sum3A_401 : vector<1024xf32> to vector<1024x1xf32>
    %add3A_403 = arith.addf %add3A_391, %broadcast_in_dim3A_402 : vector<1024x1xf32>
    %get3A_404 = arith.constant 0 : index
    %get3A_405 = arith.constant 9216 : index
    %get3A_406 = vector.load %arg1[%get3A_404, %get3A_405] : memref<1x10240xf32, #tpu.memory_space<vmem>>, vector<1x1024xf32>
    %gt3A_407 = vector.broadcast %get3A_406 : vector<1x1024xf32> to vector<1024x1024xf32>
    %gt3A_408 = vector.broadcast %get3A_277 : vector<1024x1xf32> to vector<1024x1024xf32>
    %gt3A_409 = arith.cmpf ogt, %gt3A_407, %gt3A_408 : vector<1024x1024xf32>
    %convert_element_type3A_410 = arith.extui %gt3A_409 : vector<1024x1024xi1> to vector<1024x1024xi32>
    %convert_element_type3A_411 = arith.sitofp %convert_element_type3A_410 : vector<1024x1024xi32> to vector<1024x1024xf32>
    %reduce_sum3A_412 = arith.constant dense<0.000000e+00> : vector<1024xf32>
    %reduce_sum3A_413 = vector.multi_reduction <add>, %convert_element_type3A_411, %reduce_sum3A_412 [1] : vector<1024x1024xf32> to vector<1024xf32>
    %broadcast_in_dim3A_414 = vector.shape_cast %reduce_sum3A_413 : vector<1024xf32> to vector<1024x1xf32>
    %add3A_415 = arith.addf %add3A_403, %broadcast_in_dim3A_414 : vector<1024x1xf32>
    %swap3A_416 = arith.constant 2048 : index
    %swap3A_417 = arith.constant 0 : index
    %swap3A_418 = vector.load %arg3[%swap3A_416, %swap3A_417] : memref<10240x1xf32, #tpu.memory_space<vmem>>, vector<1024x1xf32>
    tpu.vector_store %arg3[%swap3A_416, %swap3A_417], %add3A_415 {strides = array<i32>} : memref<10240x1xf32, #tpu.memory_space<vmem>>, vector<1024x1xf32>,
    %get3A_419 = arith.constant 3072 : index
    %get3A_420 = arith.constant 0 : index
    %get3A_421 = vector.load %arg2[%get3A_419, %get3A_420] : memref<10240x1xf32, #tpu.memory_space<vmem>>, vector<1024x1xf32>
    %broadcast_in_dim3A_422 = arith.constant 0.000000e+00 : f32
    %broadcast_in_dim3A_423 = vector.broadcast %broadcast_in_dim3A_422 : f32 to vector<1024x1xf32>
    %get3A_424 = arith.constant 0 : index
    %get3A_425 = arith.constant 0 : index
    %get3A_426 = vector.load %arg1[%get3A_424, %get3A_425] : memref<1x10240xf32, #tpu.memory_space<vmem>>, vector<1x1024xf32>
    %ge3A_427 = vector.broadcast %get3A_426 : vector<1x1024xf32> to vector<1024x1024xf32>
    %ge3A_428 = vector.broadcast %get3A_421 : vector<1024x1xf32> to vector<1024x1024xf32>
    %ge3A_429 = arith.cmpf oge, %ge3A_427, %ge3A_428 : vector<1024x1024xf32>
    %convert_element_type3A_430 = arith.extui %ge3A_429 : vector<1024x1024xi1> to vector<1024x1024xi32>
    %convert_element_type3A_431 = arith.sitofp %convert_element_type3A_430 : vector<1024x1024xi32> to vector<1024x1024xf32>
    %reduce_sum3A_432 = arith.constant dense<0.000000e+00> : vector<1024xf32>
    %reduce_sum3A_433 = vector.multi_reduction <add>, %convert_element_type3A_431, %reduce_sum3A_432 [1] : vector<1024x1024xf32> to vector<1024xf32>
    %broadcast_in_dim3A_434 = vector.shape_cast %reduce_sum3A_433 : vector<1024xf32> to vector<1024x1xf32>
    %add3A_435 = arith.addf %broadcast_in_dim3A_423, %broadcast_in_dim3A_434 : vector<1024x1xf32>
    %get3A_436 = arith.constant 0 : index
    %get3A_437 = arith.constant 1024 : index
    %get3A_438 = vector.load %arg1[%get3A_436, %get3A_437] : memref<1x10240xf32, #tpu.memory_space<vmem>>, vector<1x1024xf32>
    %ge3A_439 = vector.broadcast %get3A_438 : vector<1x1024xf32> to vector<1024x1024xf32>
    %ge3A_440 = vector.broadcast %get3A_421 : vector<1024x1xf32> to vector<1024x1024xf32>
    %ge3A_441 = arith.cmpf oge, %ge3A_439, %ge3A_440 : vector<1024x1024xf32>
    %convert_element_type3A_442 = arith.extui %ge3A_441 : vector<1024x1024xi1> to vector<1024x1024xi32>
    %convert_element_type3A_443 = arith.sitofp %convert_element_type3A_442 : vector<1024x1024xi32> to vector<1024x1024xf32>
    %reduce_sum3A_444 = arith.constant dense<0.000000e+00> : vector<1024xf32>
    %reduce_sum3A_445 = vector.multi_reduction <add>, %convert_element_type3A_443, %reduce_sum3A_444 [1] : vector<1024x1024xf32> to vector<1024xf32>
    %broadcast_in_dim3A_446 = vector.shape_cast %reduce_sum3A_445 : vector<1024xf32> to vector<1024x1xf32>
    %add3A_447 = arith.addf %add3A_435, %broadcast_in_dim3A_446 : vector<1024x1xf32>
    %get3A_448 = arith.constant 0 : index
    %get3A_449 = arith.constant 2048 : index
    %get3A_450 = vector.load %arg1[%get3A_448, %get3A_449] : memref<1x10240xf32, #tpu.memory_space<vmem>>, vector<1x1024xf32>
    %ge3A_451 = vector.broadcast %get3A_450 : vector<1x1024xf32> to vector<1024x1024xf32>
    %ge3A_452 = vector.broadcast %get3A_421 : vector<1024x1xf32> to vector<1024x1024xf32>
    %ge3A_453 = arith.cmpf oge, %ge3A_451, %ge3A_452 : vector<1024x1024xf32>
    %convert_element_type3A_454 = arith.extui %ge3A_453 : vector<1024x1024xi1> to vector<1024x1024xi32>
    %convert_element_type3A_455 = arith.sitofp %convert_element_type3A_454 : vector<1024x1024xi32> to vector<1024x1024xf32>
    %reduce_sum3A_456 = arith.constant dense<0.000000e+00> : vector<1024xf32>
    %reduce_sum3A_457 = vector.multi_reduction <add>, %convert_element_type3A_455, %reduce_sum3A_456 [1] : vector<1024x1024xf32> to vector<1024xf32>
    %broadcast_in_dim3A_458 = vector.shape_cast %reduce_sum3A_457 : vector<1024xf32> to vector<1024x1xf32>
    %add3A_459 = arith.addf %add3A_447, %broadcast_in_dim3A_458 : vector<1024x1xf32>
    %get3A_460 = arith.constant 0 : index
    %get3A_461 = arith.constant 3072 : index
    %get3A_462 = vector.load %arg1[%get3A_460, %get3A_461] : memref<1x10240xf32, #tpu.memory_space<vmem>>, vector<1x1024xf32>
    %iota3A_463 = tpu.iota {dimensions = array<i32: 0>} : vector<1024x1xi32>
    %add3A_464 = arith.constant 3072 : i32
    %add3A_465 = vector.broadcast %add3A_464 : i32 to vector<1024x1xi32>
    %add3A_466 = arith.addi %add3A_465, %iota3A_463 : vector<1024x1xi32>
    %iota3A_467 = tpu.iota {dimensions = array<i32: 1>} : vector<1x1024xi32>
    %add3A_468 = arith.constant 3072 : i32
    %add3A_469 = vector.broadcast %add3A_468 : i32 to vector<1x1024xi32>
    %add3A_470 = arith.addi %add3A_469, %iota3A_467 : vector<1x1024xi32>
    %gt3A_471 = vector.broadcast %get3A_462 : vector<1x1024xf32> to vector<1024x1024xf32>
    %gt3A_472 = vector.broadcast %get3A_421 : vector<1024x1xf32> to vector<1024x1024xf32>
    %gt3A_473 = arith.cmpf ogt, %gt3A_471, %gt3A_472 : vector<1024x1024xf32>
    %eq3A_474 = vector.broadcast %get3A_462 : vector<1x1024xf32> to vector<1024x1024xf32>
    %eq3A_475 = vector.broadcast %get3A_421 : vector<1024x1xf32> to vector<1024x1024xf32>
    %eq3A_476 = arith.cmpf oeq, %eq3A_474, %eq3A_475 : vector<1024x1024xf32>
    %lt3A_477 = vector.broadcast %add3A_470 : vector<1x1024xi32> to vector<1024x1024xi32>
    %lt3A_478 = vector.broadcast %add3A_466 : vector<1024x1xi32> to vector<1024x1024xi32>
    %lt3A_479 = arith.cmpi slt, %lt3A_477, %lt3A_478 : vector<1024x1024xi32>
    %and3A_480 = arith.andi %eq3A_476, %lt3A_479 : vector<1024x1024xi1>
    %or3A_481 = arith.ori %gt3A_473, %and3A_480 : vector<1024x1024xi1>
    %convert_element_type3A_482 = arith.extui %or3A_481 : vector<1024x1024xi1> to vector<1024x1024xi32>
    %convert_element_type3A_483 = arith.sitofp %convert_element_type3A_482 : vector<1024x1024xi32> to vector<1024x1024xf32>
    %reduce_sum3A_484 = arith.constant dense<0.000000e+00> : vector<1024xf32>
    %reduce_sum3A_485 = vector.multi_reduction <add>, %convert_element_type3A_483, %reduce_sum3A_484 [1] : vector<1024x1024xf32> to vector<1024xf32>
    %broadcast_in_dim3A_486 = vector.shape_cast %reduce_sum3A_485 : vector<1024xf32> to vector<1024x1xf32>
    %add3A_487 = arith.addf %add3A_459, %broadcast_in_dim3A_486 : vector<1024x1xf32>
    %get3A_488 = arith.constant 0 : index
    %get3A_489 = arith.constant 4096 : index
    %get3A_490 = vector.load %arg1[%get3A_488, %get3A_489] : memref<1x10240xf32, #tpu.memory_space<vmem>>, vector<1x1024xf32>
    %gt3A_491 = vector.broadcast %get3A_490 : vector<1x1024xf32> to vector<1024x1024xf32>
    %gt3A_492 = vector.broadcast %get3A_421 : vector<1024x1xf32> to vector<1024x1024xf32>
    %gt3A_493 = arith.cmpf ogt, %gt3A_491, %gt3A_492 : vector<1024x1024xf32>
    %convert_element_type3A_494 = arith.extui %gt3A_493 : vector<1024x1024xi1> to vector<1024x1024xi32>
    %convert_element_type3A_495 = arith.sitofp %convert_element_type3A_494 : vector<1024x1024xi32> to vector<1024x1024xf32>
    %reduce_sum3A_496 = arith.constant dense<0.000000e+00> : vector<1024xf32>
    %reduce_sum3A_497 = vector.multi_reduction <add>, %convert_element_type3A_495, %reduce_sum3A_496 [1] : vector<1024x1024xf32> to vector<1024xf32>
    %broadcast_in_dim3A_498 = vector.shape_cast %reduce_sum3A_497 : vector<1024xf32> to vector<1024x1xf32>
    %add3A_499 = arith.addf %add3A_487, %broadcast_in_dim3A_498 : vector<1024x1xf32>
    %get3A_500 = arith.constant 0 : index
    %get3A_501 = arith.constant 5120 : index
    %get3A_502 = vector.load %arg1[%get3A_500, %get3A_501] : memref<1x10240xf32, #tpu.memory_space<vmem>>, vector<1x1024xf32>
    %gt3A_503 = vector.broadcast %get3A_502 : vector<1x1024xf32> to vector<1024x1024xf32>
    %gt3A_504 = vector.broadcast %get3A_421 : vector<1024x1xf32> to vector<1024x1024xf32>
    %gt3A_505 = arith.cmpf ogt, %gt3A_503, %gt3A_504 : vector<1024x1024xf32>
    %convert_element_type3A_506 = arith.extui %gt3A_505 : vector<1024x1024xi1> to vector<1024x1024xi32>
    %convert_element_type3A_507 = arith.sitofp %convert_element_type3A_506 : vector<1024x1024xi32> to vector<1024x1024xf32>
    %reduce_sum3A_508 = arith.constant dense<0.000000e+00> : vector<1024xf32>
    %reduce_sum3A_509 = vector.multi_reduction <add>, %convert_element_type3A_507, %reduce_sum3A_508 [1] : vector<1024x1024xf32> to vector<1024xf32>
    %broadcast_in_dim3A_510 = vector.shape_cast %reduce_sum3A_509 : vector<1024xf32> to vector<1024x1xf32>
    %add3A_511 = arith.addf %add3A_499, %broadcast_in_dim3A_510 : vector<1024x1xf32>
    %get3A_512 = arith.constant 0 : index
    %get3A_513 = arith.constant 6144 : index
    %get3A_514 = vector.load %arg1[%get3A_512, %get3A_513] : memref<1x10240xf32, #tpu.memory_space<vmem>>, vector<1x1024xf32>
    %gt3A_515 = vector.broadcast %get3A_514 : vector<1x1024xf32> to vector<1024x1024xf32>
    %gt3A_516 = vector.broadcast %get3A_421 : vector<1024x1xf32> to vector<1024x1024xf32>
    %gt3A_517 = arith.cmpf ogt, %gt3A_515, %gt3A_516 : vector<1024x1024xf32>
    %convert_element_type3A_518 = arith.extui %gt3A_517 : vector<1024x1024xi1> to vector<1024x1024xi32>
    %convert_element_type3A_519 = arith.sitofp %convert_element_type3A_518 : vector<1024x1024xi32> to vector<1024x1024xf32>
    %reduce_sum3A_520 = arith.constant dense<0.000000e+00> : vector<1024xf32>
    %reduce_sum3A_521 = vector.multi_reduction <add>, %convert_element_type3A_519, %reduce_sum3A_520 [1] : vector<1024x1024xf32> to vector<1024xf32>
    %broadcast_in_dim3A_522 = vector.shape_cast %reduce_sum3A_521 : vector<1024xf32> to vector<1024x1xf32>
    %add3A_523 = arith.addf %add3A_511, %broadcast_in_dim3A_522 : vector<1024x1xf32>
    %get3A_524 = arith.constant 0 : index
    %get3A_525 = arith.constant 7168 : index
    %get3A_526 = vector.load %arg1[%get3A_524, %get3A_525] : memref<1x10240xf32, #tpu.memory_space<vmem>>, vector<1x1024xf32>
    %gt3A_527 = vector.broadcast %get3A_526 : vector<1x1024xf32> to vector<1024x1024xf32>
    %gt3A_528 = vector.broadcast %get3A_421 : vector<1024x1xf32> to vector<1024x1024xf32>
    %gt3A_529 = arith.cmpf ogt, %gt3A_527, %gt3A_528 : vector<1024x1024xf32>
    %convert_element_type3A_530 = arith.extui %gt3A_529 : vector<1024x1024xi1> to vector<1024x1024xi32>
    %convert_element_type3A_531 = arith.sitofp %convert_element_type3A_530 : vector<1024x1024xi32> to vector<1024x1024xf32>
    %reduce_sum3A_532 = arith.constant dense<0.000000e+00> : vector<1024xf32>
    %reduce_sum3A_533 = vector.multi_reduction <add>, %convert_element_type3A_531, %reduce_sum3A_532 [1] : vector<1024x1024xf32> to vector<1024xf32>
    %broadcast_in_dim3A_534 = vector.shape_cast %reduce_sum3A_533 : vector<1024xf32> to vector<1024x1xf32>
    %add3A_535 = arith.addf %add3A_523, %broadcast_in_dim3A_534 : vector<1024x1xf32>
    %get3A_536 = arith.constant 0 : index
    %get3A_537 = arith.constant 8192 : index
    %get3A_538 = vector.load %arg1[%get3A_536, %get3A_537] : memref<1x10240xf32, #tpu.memory_space<vmem>>, vector<1x1024xf32>
    %gt3A_539 = vector.broadcast %get3A_538 : vector<1x1024xf32> to vector<1024x1024xf32>
    %gt3A_540 = vector.broadcast %get3A_421 : vector<1024x1xf32> to vector<1024x1024xf32>
    %gt3A_541 = arith.cmpf ogt, %gt3A_539, %gt3A_540 : vector<1024x1024xf32>
    %convert_element_type3A_542 = arith.extui %gt3A_541 : vector<1024x1024xi1> to vector<1024x1024xi32>
    %convert_element_type3A_543 = arith.sitofp %convert_element_type3A_542 : vector<1024x1024xi32> to vector<1024x1024xf32>
    %reduce_sum3A_544 = arith.constant dense<0.000000e+00> : vector<1024xf32>
    %reduce_sum3A_545 = vector.multi_reduction <add>, %convert_element_type3A_543, %reduce_sum3A_544 [1] : vector<1024x1024xf32> to vector<1024xf32>
    %broadcast_in_dim3A_546 = vector.shape_cast %reduce_sum3A_545 : vector<1024xf32> to vector<1024x1xf32>
    %add3A_547 = arith.addf %add3A_535, %broadcast_in_dim3A_546 : vector<1024x1xf32>
    %get3A_548 = arith.constant 0 : index
    %get3A_549 = arith.constant 9216 : index
    %get3A_550 = vector.load %arg1[%get3A_548, %get3A_549] : memref<1x10240xf32, #tpu.memory_space<vmem>>, vector<1x1024xf32>
    %gt3A_551 = vector.broadcast %get3A_550 : vector<1x1024xf32> to vector<1024x1024xf32>
    %gt3A_552 = vector.broadcast %get3A_421 : vector<1024x1xf32> to vector<1024x1024xf32>
    %gt3A_553 = arith.cmpf ogt, %gt3A_551, %gt3A_552 : vector<1024x1024xf32>
    %convert_element_type3A_554 = arith.extui %gt3A_553 : vector<1024x1024xi1> to vector<1024x1024xi32>
    %convert_element_type3A_555 = arith.sitofp %convert_element_type3A_554 : vector<1024x1024xi32> to vector<1024x1024xf32>
    %reduce_sum3A_556 = arith.constant dense<0.000000e+00> : vector<1024xf32>
    %reduce_sum3A_557 = vector.multi_reduction <add>, %convert_element_type3A_555, %reduce_sum3A_556 [1] : vector<1024x1024xf32> to vector<1024xf32>
    %broadcast_in_dim3A_558 = vector.shape_cast %reduce_sum3A_557 : vector<1024xf32> to vector<1024x1xf32>
    %add3A_559 = arith.addf %add3A_547, %broadcast_in_dim3A_558 : vector<1024x1xf32>
    %swap3A_560 = arith.constant 3072 : index
    %swap3A_561 = arith.constant 0 : index
    %swap3A_562 = vector.load %arg3[%swap3A_560, %swap3A_561] : memref<10240x1xf32, #tpu.memory_space<vmem>>, vector<1024x1xf32>
    tpu.vector_store %arg3[%swap3A_560, %swap3A_561], %add3A_559 {strides = array<i32>} : memref<10240x1xf32, #tpu.memory_space<vmem>>, vector<1024x1xf32>,
    %get3A_563 = arith.constant 4096 : index
    %get3A_564 = arith.constant 0 : index
    %get3A_565 = vector.load %arg2[%get3A_563, %get3A_564] : memref<10240x1xf32, #tpu.memory_space<vmem>>, vector<1024x1xf32>
    %broadcast_in_dim3A_566 = arith.constant 0.000000e+00 : f32
    %broadcast_in_dim3A_567 = vector.broadcast %broadcast_in_dim3A_566 : f32 to vector<1024x1xf32>
    %get3A_568 = arith.constant 0 : index
    %get3A_569 = arith.constant 0 : index
    %get3A_570 = vector.load %arg1[%get3A_568, %get3A_569] : memref<1x10240xf32, #tpu.memory_space<vmem>>, vector<1x1024xf32>
    %ge3A_571 = vector.broadcast %get3A_570 : vector<1x1024xf32> to vector<1024x1024xf32>
    %ge3A_572 = vector.broadcast %get3A_565 : vector<1024x1xf32> to vector<1024x1024xf32>
    %ge3A_573 = arith.cmpf oge, %ge3A_571, %ge3A_572 : vector<1024x1024xf32>
    %convert_element_type3A_574 = arith.extui %ge3A_573 : vector<1024x1024xi1> to vector<1024x1024xi32>
    %convert_element_type3A_575 = arith.sitofp %convert_element_type3A_574 : vector<1024x1024xi32> to vector<1024x1024xf32>
    %reduce_sum3A_576 = arith.constant dense<0.000000e+00> : vector<1024xf32>
    %reduce_sum3A_577 = vector.multi_reduction <add>, %convert_element_type3A_575, %reduce_sum3A_576 [1] : vector<1024x1024xf32> to vector<1024xf32>
    %broadcast_in_dim3A_578 = vector.shape_cast %reduce_sum3A_577 : vector<1024xf32> to vector<1024x1xf32>
    %add3A_579 = arith.addf %broadcast_in_dim3A_567, %broadcast_in_dim3A_578 : vector<1024x1xf32>
    %get3A_580 = arith.constant 0 : index
    %get3A_581 = arith.constant 1024 : index
    %get3A_582 = vector.load %arg1[%get3A_580, %get3A_581] : memref<1x10240xf32, #tpu.memory_space<vmem>>, vector<1x1024xf32>
    %ge3A_583 = vector.broadcast %get3A_582 : vector<1x1024xf32> to vector<1024x1024xf32>
    %ge3A_584 = vector.broadcast %get3A_565 : vector<1024x1xf32> to vector<1024x1024xf32>
    %ge3A_585 = arith.cmpf oge, %ge3A_583, %ge3A_584 : vector<1024x1024xf32>
    %convert_element_type3A_586 = arith.extui %ge3A_585 : vector<1024x1024xi1> to vector<1024x1024xi32>
    %convert_element_type3A_587 = arith.sitofp %convert_element_type3A_586 : vector<1024x1024xi32> to vector<1024x1024xf32>
    %reduce_sum3A_588 = arith.constant dense<0.000000e+00> : vector<1024xf32>
    %reduce_sum3A_589 = vector.multi_reduction <add>, %convert_element_type3A_587, %reduce_sum3A_588 [1] : vector<1024x1024xf32> to vector<1024xf32>
    %broadcast_in_dim3A_590 = vector.shape_cast %reduce_sum3A_589 : vector<1024xf32> to vector<1024x1xf32>
    %add3A_591 = arith.addf %add3A_579, %broadcast_in_dim3A_590 : vector<1024x1xf32>
    %get3A_592 = arith.constant 0 : index
    %get3A_593 = arith.constant 2048 : index
    %get3A_594 = vector.load %arg1[%get3A_592, %get3A_593] : memref<1x10240xf32, #tpu.memory_space<vmem>>, vector<1x1024xf32>
    %ge3A_595 = vector.broadcast %get3A_594 : vector<1x1024xf32> to vector<1024x1024xf32>
    %ge3A_596 = vector.broadcast %get3A_565 : vector<1024x1xf32> to vector<1024x1024xf32>
    %ge3A_597 = arith.cmpf oge, %ge3A_595, %ge3A_596 : vector<1024x1024xf32>
    %convert_element_type3A_598 = arith.extui %ge3A_597 : vector<1024x1024xi1> to vector<1024x1024xi32>
    %convert_element_type3A_599 = arith.sitofp %convert_element_type3A_598 : vector<1024x1024xi32> to vector<1024x1024xf32>
    %reduce_sum3A_600 = arith.constant dense<0.000000e+00> : vector<1024xf32>
    %reduce_sum3A_601 = vector.multi_reduction <add>, %convert_element_type3A_599, %reduce_sum3A_600 [1] : vector<1024x1024xf32> to vector<1024xf32>
    %broadcast_in_dim3A_602 = vector.shape_cast %reduce_sum3A_601 : vector<1024xf32> to vector<1024x1xf32>
    %add3A_603 = arith.addf %add3A_591, %broadcast_in_dim3A_602 : vector<1024x1xf32>
    %get3A_604 = arith.constant 0 : index
    %get3A_605 = arith.constant 3072 : index
    %get3A_606 = vector.load %arg1[%get3A_604, %get3A_605] : memref<1x10240xf32, #tpu.memory_space<vmem>>, vector<1x1024xf32>
    %ge3A_607 = vector.broadcast %get3A_606 : vector<1x1024xf32> to vector<1024x1024xf32>
    %ge3A_608 = vector.broadcast %get3A_565 : vector<1024x1xf32> to vector<1024x1024xf32>
    %ge3A_609 = arith.cmpf oge, %ge3A_607, %ge3A_608 : vector<1024x1024xf32>
    %convert_element_type3A_610 = arith.extui %ge3A_609 : vector<1024x1024xi1> to vector<1024x1024xi32>
    %convert_element_type3A_611 = arith.sitofp %convert_element_type3A_610 : vector<1024x1024xi32> to vector<1024x1024xf32>
    %reduce_sum3A_612 = arith.constant dense<0.000000e+00> : vector<1024xf32>
    %reduce_sum3A_613 = vector.multi_reduction <add>, %convert_element_type3A_611, %reduce_sum3A_612 [1] : vector<1024x1024xf32> to vector<1024xf32>
    %broadcast_in_dim3A_614 = vector.shape_cast %reduce_sum3A_613 : vector<1024xf32> to vector<1024x1xf32>
    %add3A_615 = arith.addf %add3A_603, %broadcast_in_dim3A_614 : vector<1024x1xf32>
    %get3A_616 = arith.constant 0 : index
    %get3A_617 = arith.constant 4096 : index
    %get3A_618 = vector.load %arg1[%get3A_616, %get3A_617] : memref<1x10240xf32, #tpu.memory_space<vmem>>, vector<1x1024xf32>
    %iota3A_619 = tpu.iota {dimensions = array<i32: 0>} : vector<1024x1xi32>
    %add3A_620 = arith.constant 4096 : i32
    %add3A_621 = vector.broadcast %add3A_620 : i32 to vector<1024x1xi32>
    %add3A_622 = arith.addi %add3A_621, %iota3A_619 : vector<1024x1xi32>
    %iota3A_623 = tpu.iota {dimensions = array<i32: 1>} : vector<1x1024xi32>
    %add3A_624 = arith.constant 4096 : i32
    %add3A_625 = vector.broadcast %add3A_624 : i32 to vector<1x1024xi32>
    %add3A_626 = arith.addi %add3A_625, %iota3A_623 : vector<1x1024xi32>
    %gt3A_627 = vector.broadcast %get3A_618 : vector<1x1024xf32> to vector<1024x1024xf32>
    %gt3A_628 = vector.broadcast %get3A_565 : vector<1024x1xf32> to vector<1024x1024xf32>
    %gt3A_629 = arith.cmpf ogt, %gt3A_627, %gt3A_628 : vector<1024x1024xf32>
    %eq3A_630 = vector.broadcast %get3A_618 : vector<1x1024xf32> to vector<1024x1024xf32>
    %eq3A_631 = vector.broadcast %get3A_565 : vector<1024x1xf32> to vector<1024x1024xf32>
    %eq3A_632 = arith.cmpf oeq, %eq3A_630, %eq3A_631 : vector<1024x1024xf32>
    %lt3A_633 = vector.broadcast %add3A_626 : vector<1x1024xi32> to vector<1024x1024xi32>
    %lt3A_634 = vector.broadcast %add3A_622 : vector<1024x1xi32> to vector<1024x1024xi32>
    %lt3A_635 = arith.cmpi slt, %lt3A_633, %lt3A_634 : vector<1024x1024xi32>
    %and3A_636 = arith.andi %eq3A_632, %lt3A_635 : vector<1024x1024xi1>
    %or3A_637 = arith.ori %gt3A_629, %and3A_636 : vector<1024x1024xi1>
    %convert_element_type3A_638 = arith.extui %or3A_637 : vector<1024x1024xi1> to vector<1024x1024xi32>
    %convert_element_type3A_639 = arith.sitofp %convert_element_type3A_638 : vector<1024x1024xi32> to vector<1024x1024xf32>
    %reduce_sum3A_640 = arith.constant dense<0.000000e+00> : vector<1024xf32>
    %reduce_sum3A_641 = vector.multi_reduction <add>, %convert_element_type3A_639, %reduce_sum3A_640 [1] : vector<1024x1024xf32> to vector<1024xf32>
    %broadcast_in_dim3A_642 = vector.shape_cast %reduce_sum3A_641 : vector<1024xf32> to vector<1024x1xf32>
    %add3A_643 = arith.addf %add3A_615, %broadcast_in_dim3A_642 : vector<1024x1xf32>
    %get3A_644 = arith.constant 0 : index
    %get3A_645 = arith.constant 5120 : index
    %get3A_646 = vector.load %arg1[%get3A_644, %get3A_645] : memref<1x10240xf32, #tpu.memory_space<vmem>>, vector<1x1024xf32>
    %gt3A_647 = vector.broadcast %get3A_646 : vector<1x1024xf32> to vector<1024x1024xf32>
    %gt3A_648 = vector.broadcast %get3A_565 : vector<1024x1xf32> to vector<1024x1024xf32>
    %gt3A_649 = arith.cmpf ogt, %gt3A_647, %gt3A_648 : vector<1024x1024xf32>
    %convert_element_type3A_650 = arith.extui %gt3A_649 : vector<1024x1024xi1> to vector<1024x1024xi32>
    %convert_element_type3A_651 = arith.sitofp %convert_element_type3A_650 : vector<1024x1024xi32> to vector<1024x1024xf32>
    %reduce_sum3A_652 = arith.constant dense<0.000000e+00> : vector<1024xf32>
    %reduce_sum3A_653 = vector.multi_reduction <add>, %convert_element_type3A_651, %reduce_sum3A_652 [1] : vector<1024x1024xf32> to vector<1024xf32>
    %broadcast_in_dim3A_654 = vector.shape_cast %reduce_sum3A_653 : vector<1024xf32> to vector<1024x1xf32>
    %add3A_655 = arith.addf %add3A_643, %broadcast_in_dim3A_654 : vector<1024x1xf32>
    %get3A_656 = arith.constant 0 : index
    %get3A_657 = arith.constant 6144 : index
    %get3A_658 = vector.load %arg1[%get3A_656, %get3A_657] : memref<1x10240xf32, #tpu.memory_space<vmem>>, vector<1x1024xf32>
    %gt3A_659 = vector.broadcast %get3A_658 : vector<1x1024xf32> to vector<1024x1024xf32>
    %gt3A_660 = vector.broadcast %get3A_565 : vector<1024x1xf32> to vector<1024x1024xf32>
    %gt3A_661 = arith.cmpf ogt, %gt3A_659, %gt3A_660 : vector<1024x1024xf32>
    %convert_element_type3A_662 = arith.extui %gt3A_661 : vector<1024x1024xi1> to vector<1024x1024xi32>
    %convert_element_type3A_663 = arith.sitofp %convert_element_type3A_662 : vector<1024x1024xi32> to vector<1024x1024xf32>
    %reduce_sum3A_664 = arith.constant dense<0.000000e+00> : vector<1024xf32>
    %reduce_sum3A_665 = vector.multi_reduction <add>, %convert_element_type3A_663, %reduce_sum3A_664 [1] : vector<1024x1024xf32> to vector<1024xf32>
    %broadcast_in_dim3A_666 = vector.shape_cast %reduce_sum3A_665 : vector<1024xf32> to vector<1024x1xf32>
    %add3A_667 = arith.addf %add3A_655, %broadcast_in_dim3A_666 : vector<1024x1xf32>
    %get3A_668 = arith.constant 0 : index
    %get3A_669 = arith.constant 7168 : index
    %get3A_670 = vector.load %arg1[%get3A_668, %get3A_669] : memref<1x10240xf32, #tpu.memory_space<vmem>>, vector<1x1024xf32>
    %gt3A_671 = vector.broadcast %get3A_670 : vector<1x1024xf32> to vector<1024x1024xf32>
    %gt3A_672 = vector.broadcast %get3A_565 : vector<1024x1xf32> to vector<1024x1024xf32>
    %gt3A_673 = arith.cmpf ogt, %gt3A_671, %gt3A_672 : vector<1024x1024xf32>
    %convert_element_type3A_674 = arith.extui %gt3A_673 : vector<1024x1024xi1> to vector<1024x1024xi32>
    %convert_element_type3A_675 = arith.sitofp %convert_element_type3A_674 : vector<1024x1024xi32> to vector<1024x1024xf32>
    %reduce_sum3A_676 = arith.constant dense<0.000000e+00> : vector<1024xf32>
    %reduce_sum3A_677 = vector.multi_reduction <add>, %convert_element_type3A_675, %reduce_sum3A_676 [1] : vector<1024x1024xf32> to vector<1024xf32>
    %broadcast_in_dim3A_678 = vector.shape_cast %reduce_sum3A_677 : vector<1024xf32> to vector<1024x1xf32>
    %add3A_679 = arith.addf %add3A_667, %broadcast_in_dim3A_678 : vector<1024x1xf32>
    %get3A_680 = arith.constant 0 : index
    %get3A_681 = arith.constant 8192 : index
    %get3A_682 = vector.load %arg1[%get3A_680, %get3A_681] : memref<1x10240xf32, #tpu.memory_space<vmem>>, vector<1x1024xf32>
    %gt3A_683 = vector.broadcast %get3A_682 : vector<1x1024xf32> to vector<1024x1024xf32>
    %gt3A_684 = vector.broadcast %get3A_565 : vector<1024x1xf32> to vector<1024x1024xf32>
    %gt3A_685 = arith.cmpf ogt, %gt3A_683, %gt3A_684 : vector<1024x1024xf32>
    %convert_element_type3A_686 = arith.extui %gt3A_685 : vector<1024x1024xi1> to vector<1024x1024xi32>
    %convert_element_type3A_687 = arith.sitofp %convert_element_type3A_686 : vector<1024x1024xi32> to vector<1024x1024xf32>
    %reduce_sum3A_688 = arith.constant dense<0.000000e+00> : vector<1024xf32>
    %reduce_sum3A_689 = vector.multi_reduction <add>, %convert_element_type3A_687, %reduce_sum3A_688 [1] : vector<1024x1024xf32> to vector<1024xf32>
    %broadcast_in_dim3A_690 = vector.shape_cast %reduce_sum3A_689 : vector<1024xf32> to vector<1024x1xf32>
    %add3A_691 = arith.addf %add3A_679, %broadcast_in_dim3A_690 : vector<1024x1xf32>
    %get3A_692 = arith.constant 0 : index
    %get3A_693 = arith.constant 9216 : index
    %get3A_694 = vector.load %arg1[%get3A_692, %get3A_693] : memref<1x10240xf32, #tpu.memory_space<vmem>>, vector<1x1024xf32>
    %gt3A_695 = vector.broadcast %get3A_694 : vector<1x1024xf32> to vector<1024x1024xf32>
    %gt3A_696 = vector.broadcast %get3A_565 : vector<1024x1xf32> to vector<1024x1024xf32>
    %gt3A_697 = arith.cmpf ogt, %gt3A_695, %gt3A_696 : vector<1024x1024xf32>
    %convert_element_type3A_698 = arith.extui %gt3A_697 : vector<1024x1024xi1> to vector<1024x1024xi32>
    %convert_element_type3A_699 = arith.sitofp %convert_element_type3A_698 : vector<1024x1024xi32> to vector<1024x1024xf32>
    %reduce_sum3A_700 = arith.constant dense<0.000000e+00> : vector<1024xf32>
    %reduce_sum3A_701 = vector.multi_reduction <add>, %convert_element_type3A_699, %reduce_sum3A_700 [1] : vector<1024x1024xf32> to vector<1024xf32>
    %broadcast_in_dim3A_702 = vector.shape_cast %reduce_sum3A_701 : vector<1024xf32> to vector<1024x1xf32>
    %add3A_703 = arith.addf %add3A_691, %broadcast_in_dim3A_702 : vector<1024x1xf32>
    %swap3A_704 = arith.constant 4096 : index
    %swap3A_705 = arith.constant 0 : index
    %swap3A_706 = vector.load %arg3[%swap3A_704, %swap3A_705] : memref<10240x1xf32, #tpu.memory_space<vmem>>, vector<1024x1xf32>
    tpu.vector_store %arg3[%swap3A_704, %swap3A_705], %add3A_703 {strides = array<i32>} : memref<10240x1xf32, #tpu.memory_space<vmem>>, vector<1024x1xf32>,
    %get3A_707 = arith.constant 5120 : index
    %get3A_708 = arith.constant 0 : index
    %get3A_709 = vector.load %arg2[%get3A_707, %get3A_708] : memref<10240x1xf32, #tpu.memory_space<vmem>>, vector<1024x1xf32>
    %broadcast_in_dim3A_710 = arith.constant 0.000000e+00 : f32
    %broadcast_in_dim3A_711 = vector.broadcast %broadcast_in_dim3A_710 : f32 to vector<1024x1xf32>
    %get3A_712 = arith.constant 0 : index
    %get3A_713 = arith.constant 0 : index
    %get3A_714 = vector.load %arg1[%get3A_712, %get3A_713] : memref<1x10240xf32, #tpu.memory_space<vmem>>, vector<1x1024xf32>
    %ge3A_715 = vector.broadcast %get3A_714 : vector<1x1024xf32> to vector<1024x1024xf32>
    %ge3A_716 = vector.broadcast %get3A_709 : vector<1024x1xf32> to vector<1024x1024xf32>
    %ge3A_717 = arith.cmpf oge, %ge3A_715, %ge3A_716 : vector<1024x1024xf32>
    %convert_element_type3A_718 = arith.extui %ge3A_717 : vector<1024x1024xi1> to vector<1024x1024xi32>
    %convert_element_type3A_719 = arith.sitofp %convert_element_type3A_718 : vector<1024x1024xi32> to vector<1024x1024xf32>
    %reduce_sum3A_720 = arith.constant dense<0.000000e+00> : vector<1024xf32>
    %reduce_sum3A_721 = vector.multi_reduction <add>, %convert_element_type3A_719, %reduce_sum3A_720 [1] : vector<1024x1024xf32> to vector<1024xf32>
    %broadcast_in_dim3A_722 = vector.shape_cast %reduce_sum3A_721 : vector<1024xf32> to vector<1024x1xf32>
    %add3A_723 = arith.addf %broadcast_in_dim3A_711, %broadcast_in_dim3A_722 : vector<1024x1xf32>
    %get3A_724 = arith.constant 0 : index
    %get3A_725 = arith.constant 1024 : index
    %get3A_726 = vector.load %arg1[%get3A_724, %get3A_725] : memref<1x10240xf32, #tpu.memory_space<vmem>>, vector<1x1024xf32>
    %ge3A_727 = vector.broadcast %get3A_726 : vector<1x1024xf32> to vector<1024x1024xf32>
    %ge3A_728 = vector.broadcast %get3A_709 : vector<1024x1xf32> to vector<1024x1024xf32>
    %ge3A_729 = arith.cmpf oge, %ge3A_727, %ge3A_728 : vector<1024x1024xf32>
    %convert_element_type3A_730 = arith.extui %ge3A_729 : vector<1024x1024xi1> to vector<1024x1024xi32>
    %convert_element_type3A_731 = arith.sitofp %convert_element_type3A_730 : vector<1024x1024xi32> to vector<1024x1024xf32>
    %reduce_sum3A_732 = arith.constant dense<0.000000e+00> : vector<1024xf32>
    %reduce_sum3A_733 = vector.multi_reduction <add>, %convert_element_type3A_731, %reduce_sum3A_732 [1] : vector<1024x1024xf32> to vector<1024xf32>
    %broadcast_in_dim3A_734 = vector.shape_cast %reduce_sum3A_733 : vector<1024xf32> to vector<1024x1xf32>
    %add3A_735 = arith.addf %add3A_723, %broadcast_in_dim3A_734 : vector<1024x1xf32>
    %get3A_736 = arith.constant 0 : index
    %get3A_737 = arith.constant 2048 : index
    %get3A_738 = vector.load %arg1[%get3A_736, %get3A_737] : memref<1x10240xf32, #tpu.memory_space<vmem>>, vector<1x1024xf32>
    %ge3A_739 = vector.broadcast %get3A_738 : vector<1x1024xf32> to vector<1024x1024xf32>
    %ge3A_740 = vector.broadcast %get3A_709 : vector<1024x1xf32> to vector<1024x1024xf32>
    %ge3A_741 = arith.cmpf oge, %ge3A_739, %ge3A_740 : vector<1024x1024xf32>
    %convert_element_type3A_742 = arith.extui %ge3A_741 : vector<1024x1024xi1> to vector<1024x1024xi32>
    %convert_element_type3A_743 = arith.sitofp %convert_element_type3A_742 : vector<1024x1024xi32> to vector<1024x1024xf32>
    %reduce_sum3A_744 = arith.constant dense<0.000000e+00> : vector<1024xf32>
    %reduce_sum3A_745 = vector.multi_reduction <add>, %convert_element_type3A_743, %reduce_sum3A_744 [1] : vector<1024x1024xf32> to vector<1024xf32>
    %broadcast_in_dim3A_746 = vector.shape_cast %reduce_sum3A_745 : vector<1024xf32> to vector<1024x1xf32>
    %add3A_747 = arith.addf %add3A_735, %broadcast_in_dim3A_746 : vector<1024x1xf32>
    %get3A_748 = arith.constant 0 : index
    %get3A_749 = arith.constant 3072 : index
    %get3A_750 = vector.load %arg1[%get3A_748, %get3A_749] : memref<1x10240xf32, #tpu.memory_space<vmem>>, vector<1x1024xf32>
    %ge3A_751 = vector.broadcast %get3A_750 : vector<1x1024xf32> to vector<1024x1024xf32>
    %ge3A_752 = vector.broadcast %get3A_709 : vector<1024x1xf32> to vector<1024x1024xf32>
    %ge3A_753 = arith.cmpf oge, %ge3A_751, %ge3A_752 : vector<1024x1024xf32>
    %convert_element_type3A_754 = arith.extui %ge3A_753 : vector<1024x1024xi1> to vector<1024x1024xi32>
    %convert_element_type3A_755 = arith.sitofp %convert_element_type3A_754 : vector<1024x1024xi32> to vector<1024x1024xf32>
    %reduce_sum3A_756 = arith.constant dense<0.000000e+00> : vector<1024xf32>
    %reduce_sum3A_757 = vector.multi_reduction <add>, %convert_element_type3A_755, %reduce_sum3A_756 [1] : vector<1024x1024xf32> to vector<1024xf32>
    %broadcast_in_dim3A_758 = vector.shape_cast %reduce_sum3A_757 : vector<1024xf32> to vector<1024x1xf32>
    %add3A_759 = arith.addf %add3A_747, %broadcast_in_dim3A_758 : vector<1024x1xf32>
    %get3A_760 = arith.constant 0 : index
    %get3A_761 = arith.constant 4096 : index
    %get3A_762 = vector.load %arg1[%get3A_760, %get3A_761] : memref<1x10240xf32, #tpu.memory_space<vmem>>, vector<1x1024xf32>
    %ge3A_763 = vector.broadcast %get3A_762 : vector<1x1024xf32> to vector<1024x1024xf32>
    %ge3A_764 = vector.broadcast %get3A_709 : vector<1024x1xf32> to vector<1024x1024xf32>
    %ge3A_765 = arith.cmpf oge, %ge3A_763, %ge3A_764 : vector<1024x1024xf32>
    %convert_element_type3A_766 = arith.extui %ge3A_765 : vector<1024x1024xi1> to vector<1024x1024xi32>
    %convert_element_type3A_767 = arith.sitofp %convert_element_type3A_766 : vector<1024x1024xi32> to vector<1024x1024xf32>
    %reduce_sum3A_768 = arith.constant dense<0.000000e+00> : vector<1024xf32>
    %reduce_sum3A_769 = vector.multi_reduction <add>, %convert_element_type3A_767, %reduce_sum3A_768 [1] : vector<1024x1024xf32> to vector<1024xf32>
    %broadcast_in_dim3A_770 = vector.shape_cast %reduce_sum3A_769 : vector<1024xf32> to vector<1024x1xf32>
    %add3A_771 = arith.addf %add3A_759, %broadcast_in_dim3A_770 : vector<1024x1xf32>
    %get3A_772 = arith.constant 0 : index
    %get3A_773 = arith.constant 5120 : index
    %get3A_774 = vector.load %arg1[%get3A_772, %get3A_773] : memref<1x10240xf32, #tpu.memory_space<vmem>>, vector<1x1024xf32>
    %iota3A_775 = tpu.iota {dimensions = array<i32: 0>} : vector<1024x1xi32>
    %add3A_776 = arith.constant 5120 : i32
    %add3A_777 = vector.broadcast %add3A_776 : i32 to vector<1024x1xi32>
    %add3A_778 = arith.addi %add3A_777, %iota3A_775 : vector<1024x1xi32>
    %iota3A_779 = tpu.iota {dimensions = array<i32: 1>} : vector<1x1024xi32>
    %add3A_780 = arith.constant 5120 : i32
    %add3A_781 = vector.broadcast %add3A_780 : i32 to vector<1x1024xi32>
    %add3A_782 = arith.addi %add3A_781, %iota3A_779 : vector<1x1024xi32>
    %gt3A_783 = vector.broadcast %get3A_774 : vector<1x1024xf32> to vector<1024x1024xf32>
    %gt3A_784 = vector.broadcast %get3A_709 : vector<1024x1xf32> to vector<1024x1024xf32>
    %gt3A_785 = arith.cmpf ogt, %gt3A_783, %gt3A_784 : vector<1024x1024xf32>
    %eq3A_786 = vector.broadcast %get3A_774 : vector<1x1024xf32> to vector<1024x1024xf32>
    %eq3A_787 = vector.broadcast %get3A_709 : vector<1024x1xf32> to vector<1024x1024xf32>
    %eq3A_788 = arith.cmpf oeq, %eq3A_786, %eq3A_787 : vector<1024x1024xf32>
    %lt3A_789 = vector.broadcast %add3A_782 : vector<1x1024xi32> to vector<1024x1024xi32>
    %lt3A_790 = vector.broadcast %add3A_778 : vector<1024x1xi32> to vector<1024x1024xi32>
    %lt3A_791 = arith.cmpi slt, %lt3A_789, %lt3A_790 : vector<1024x1024xi32>
    %and3A_792 = arith.andi %eq3A_788, %lt3A_791 : vector<1024x1024xi1>
    %or3A_793 = arith.ori %gt3A_785, %and3A_792 : vector<1024x1024xi1>
    %convert_element_type3A_794 = arith.extui %or3A_793 : vector<1024x1024xi1> to vector<1024x1024xi32>
    %convert_element_type3A_795 = arith.sitofp %convert_element_type3A_794 : vector<1024x1024xi32> to vector<1024x1024xf32>
    %reduce_sum3A_796 = arith.constant dense<0.000000e+00> : vector<1024xf32>
    %reduce_sum3A_797 = vector.multi_reduction <add>, %convert_element_type3A_795, %reduce_sum3A_796 [1] : vector<1024x1024xf32> to vector<1024xf32>
    %broadcast_in_dim3A_798 = vector.shape_cast %reduce_sum3A_797 : vector<1024xf32> to vector<1024x1xf32>
    %add3A_799 = arith.addf %add3A_771, %broadcast_in_dim3A_798 : vector<1024x1xf32>
    %get3A_800 = arith.constant 0 : index
    %get3A_801 = arith.constant 6144 : index
    %get3A_802 = vector.load %arg1[%get3A_800, %get3A_801] : memref<1x10240xf32, #tpu.memory_space<vmem>>, vector<1x1024xf32>
    %gt3A_803 = vector.broadcast %get3A_802 : vector<1x1024xf32> to vector<1024x1024xf32>
    %gt3A_804 = vector.broadcast %get3A_709 : vector<1024x1xf32> to vector<1024x1024xf32>
    %gt3A_805 = arith.cmpf ogt, %gt3A_803, %gt3A_804 : vector<1024x1024xf32>
    %convert_element_type3A_806 = arith.extui %gt3A_805 : vector<1024x1024xi1> to vector<1024x1024xi32>
    %convert_element_type3A_807 = arith.sitofp %convert_element_type3A_806 : vector<1024x1024xi32> to vector<1024x1024xf32>
    %reduce_sum3A_808 = arith.constant dense<0.000000e+00> : vector<1024xf32>
    %reduce_sum3A_809 = vector.multi_reduction <add>, %convert_element_type3A_807, %reduce_sum3A_808 [1] : vector<1024x1024xf32> to vector<1024xf32>
    %broadcast_in_dim3A_810 = vector.shape_cast %reduce_sum3A_809 : vector<1024xf32> to vector<1024x1xf32>
    %add3A_811 = arith.addf %add3A_799, %broadcast_in_dim3A_810 : vector<1024x1xf32>
    %get3A_812 = arith.constant 0 : index
    %get3A_813 = arith.constant 7168 : index
    %get3A_814 = vector.load %arg1[%get3A_812, %get3A_813] : memref<1x10240xf32, #tpu.memory_space<vmem>>, vector<1x1024xf32>
    %gt3A_815 = vector.broadcast %get3A_814 : vector<1x1024xf32> to vector<1024x1024xf32>
    %gt3A_816 = vector.broadcast %get3A_709 : vector<1024x1xf32> to vector<1024x1024xf32>
    %gt3A_817 = arith.cmpf ogt, %gt3A_815, %gt3A_816 : vector<1024x1024xf32>
    %convert_element_type3A_818 = arith.extui %gt3A_817 : vector<1024x1024xi1> to vector<1024x1024xi32>
    %convert_element_type3A_819 = arith.sitofp %convert_element_type3A_818 : vector<1024x1024xi32> to vector<1024x1024xf32>
    %reduce_sum3A_820 = arith.constant dense<0.000000e+00> : vector<1024xf32>
    %reduce_sum3A_821 = vector.multi_reduction <add>, %convert_element_type3A_819, %reduce_sum3A_820 [1] : vector<1024x1024xf32> to vector<1024xf32>
    %broadcast_in_dim3A_822 = vector.shape_cast %reduce_sum3A_821 : vector<1024xf32> to vector<1024x1xf32>
    %add3A_823 = arith.addf %add3A_811, %broadcast_in_dim3A_822 : vector<1024x1xf32>
    %get3A_824 = arith.constant 0 : index
    %get3A_825 = arith.constant 8192 : index
    %get3A_826 = vector.load %arg1[%get3A_824, %get3A_825] : memref<1x10240xf32, #tpu.memory_space<vmem>>, vector<1x1024xf32>
    %gt3A_827 = vector.broadcast %get3A_826 : vector<1x1024xf32> to vector<1024x1024xf32>
    %gt3A_828 = vector.broadcast %get3A_709 : vector<1024x1xf32> to vector<1024x1024xf32>
    %gt3A_829 = arith.cmpf ogt, %gt3A_827, %gt3A_828 : vector<1024x1024xf32>
    %convert_element_type3A_830 = arith.extui %gt3A_829 : vector<1024x1024xi1> to vector<1024x1024xi32>
    %convert_element_type3A_831 = arith.sitofp %convert_element_type3A_830 : vector<1024x1024xi32> to vector<1024x1024xf32>
    %reduce_sum3A_832 = arith.constant dense<0.000000e+00> : vector<1024xf32>
    %reduce_sum3A_833 = vector.multi_reduction <add>, %convert_element_type3A_831, %reduce_sum3A_832 [1] : vector<1024x1024xf32> to vector<1024xf32>
    %broadcast_in_dim3A_834 = vector.shape_cast %reduce_sum3A_833 : vector<1024xf32> to vector<1024x1xf32>
    %add3A_835 = arith.addf %add3A_823, %broadcast_in_dim3A_834 : vector<1024x1xf32>
    %get3A_836 = arith.constant 0 : index
    %get3A_837 = arith.constant 9216 : index
    %get3A_838 = vector.load %arg1[%get3A_836, %get3A_837] : memref<1x10240xf32, #tpu.memory_space<vmem>>, vector<1x1024xf32>
    %gt3A_839 = vector.broadcast %get3A_838 : vector<1x1024xf32> to vector<1024x1024xf32>
    %gt3A_840 = vector.broadcast %get3A_709 : vector<1024x1xf32> to vector<1024x1024xf32>
    %gt3A_841 = arith.cmpf ogt, %gt3A_839, %gt3A_840 : vector<1024x1024xf32>
    %convert_element_type3A_842 = arith.extui %gt3A_841 : vector<1024x1024xi1> to vector<1024x1024xi32>
    %convert_element_type3A_843 = arith.sitofp %convert_element_type3A_842 : vector<1024x1024xi32> to vector<1024x1024xf32>
    %reduce_sum3A_844 = arith.constant dense<0.000000e+00> : vector<1024xf32>
    %reduce_sum3A_845 = vector.multi_reduction <add>, %convert_element_type3A_843, %reduce_sum3A_844 [1] : vector<1024x1024xf32> to vector<1024xf32>
    %broadcast_in_dim3A_846 = vector.shape_cast %reduce_sum3A_845 : vector<1024xf32> to vector<1024x1xf32>
    %add3A_847 = arith.addf %add3A_835, %broadcast_in_dim3A_846 : vector<1024x1xf32>
    %swap3A_848 = arith.constant 5120 : index
    %swap3A_849 = arith.constant 0 : index
    %swap3A_850 = vector.load %arg3[%swap3A_848, %swap3A_849] : memref<10240x1xf32, #tpu.memory_space<vmem>>, vector<1024x1xf32>
    tpu.vector_store %arg3[%swap3A_848, %swap3A_849], %add3A_847 {strides = array<i32>} : memref<10240x1xf32, #tpu.memory_space<vmem>>, vector<1024x1xf32>,
    %get3A_851 = arith.constant 6144 : index
    %get3A_852 = arith.constant 0 : index
    %get3A_853 = vector.load %arg2[%get3A_851, %get3A_852] : memref<10240x1xf32, #tpu.memory_space<vmem>>, vector<1024x1xf32>
    %broadcast_in_dim3A_854 = arith.constant 0.000000e+00 : f32
    %broadcast_in_dim3A_855 = vector.broadcast %broadcast_in_dim3A_854 : f32 to vector<1024x1xf32>
    %get3A_856 = arith.constant 0 : index
    %get3A_857 = arith.constant 0 : index
    %get3A_858 = vector.load %arg1[%get3A_856, %get3A_857] : memref<1x10240xf32, #tpu.memory_space<vmem>>, vector<1x1024xf32>
    %ge3A_859 = vector.broadcast %get3A_858 : vector<1x1024xf32> to vector<1024x1024xf32>
    %ge3A_860 = vector.broadcast %get3A_853 : vector<1024x1xf32> to vector<1024x1024xf32>
    %ge3A_861 = arith.cmpf oge, %ge3A_859, %ge3A_860 : vector<1024x1024xf32>
    %convert_element_type3A_862 = arith.extui %ge3A_861 : vector<1024x1024xi1> to vector<1024x1024xi32>
    %convert_element_type3A_863 = arith.sitofp %convert_element_type3A_862 : vector<1024x1024xi32> to vector<1024x1024xf32>
    %reduce_sum3A_864 = arith.constant dense<0.000000e+00> : vector<1024xf32>
    %reduce_sum3A_865 = vector.multi_reduction <add>, %convert_element_type3A_863, %reduce_sum3A_864 [1] : vector<1024x1024xf32> to vector<1024xf32>
    %broadcast_in_dim3A_866 = vector.shape_cast %reduce_sum3A_865 : vector<1024xf32> to vector<1024x1xf32>
    %add3A_867 = arith.addf %broadcast_in_dim3A_855, %broadcast_in_dim3A_866 : vector<1024x1xf32>
    %get3A_868 = arith.constant 0 : index
    %get3A_869 = arith.constant 1024 : index
    %get3A_870 = vector.load %arg1[%get3A_868, %get3A_869] : memref<1x10240xf32, #tpu.memory_space<vmem>>, vector<1x1024xf32>
    %ge3A_871 = vector.broadcast %get3A_870 : vector<1x1024xf32> to vector<1024x1024xf32>
    %ge3A_872 = vector.broadcast %get3A_853 : vector<1024x1xf32> to vector<1024x1024xf32>
    %ge3A_873 = arith.cmpf oge, %ge3A_871, %ge3A_872 : vector<1024x1024xf32>
    %convert_element_type3A_874 = arith.extui %ge3A_873 : vector<1024x1024xi1> to vector<1024x1024xi32>
    %convert_element_type3A_875 = arith.sitofp %convert_element_type3A_874 : vector<1024x1024xi32> to vector<1024x1024xf32>
    %reduce_sum3A_876 = arith.constant dense<0.000000e+00> : vector<1024xf32>
    %reduce_sum3A_877 = vector.multi_reduction <add>, %convert_element_type3A_875, %reduce_sum3A_876 [1] : vector<1024x1024xf32> to vector<1024xf32>
    %broadcast_in_dim3A_878 = vector.shape_cast %reduce_sum3A_877 : vector<1024xf32> to vector<1024x1xf32>
    %add3A_879 = arith.addf %add3A_867, %broadcast_in_dim3A_878 : vector<1024x1xf32>
    %get3A_880 = arith.constant 0 : index
    %get3A_881 = arith.constant 2048 : index
    %get3A_882 = vector.load %arg1[%get3A_880, %get3A_881] : memref<1x10240xf32, #tpu.memory_space<vmem>>, vector<1x1024xf32>
    %ge3A_883 = vector.broadcast %get3A_882 : vector<1x1024xf32> to vector<1024x1024xf32>
    %ge3A_884 = vector.broadcast %get3A_853 : vector<1024x1xf32> to vector<1024x1024xf32>
    %ge3A_885 = arith.cmpf oge, %ge3A_883, %ge3A_884 : vector<1024x1024xf32>
    %convert_element_type3A_886 = arith.extui %ge3A_885 : vector<1024x1024xi1> to vector<1024x1024xi32>
    %convert_element_type3A_887 = arith.sitofp %convert_element_type3A_886 : vector<1024x1024xi32> to vector<1024x1024xf32>
    %reduce_sum3A_888 = arith.constant dense<0.000000e+00> : vector<1024xf32>
    %reduce_sum3A_889 = vector.multi_reduction <add>, %convert_element_type3A_887, %reduce_sum3A_888 [1] : vector<1024x1024xf32> to vector<1024xf32>
    %broadcast_in_dim3A_890 = vector.shape_cast %reduce_sum3A_889 : vector<1024xf32> to vector<1024x1xf32>
    %add3A_891 = arith.addf %add3A_879, %broadcast_in_dim3A_890 : vector<1024x1xf32>
    %get3A_892 = arith.constant 0 : index
    %get3A_893 = arith.constant 3072 : index
    %get3A_894 = vector.load %arg1[%get3A_892, %get3A_893] : memref<1x10240xf32, #tpu.memory_space<vmem>>, vector<1x1024xf32>
    %ge3A_895 = vector.broadcast %get3A_894 : vector<1x1024xf32> to vector<1024x1024xf32>
    %ge3A_896 = vector.broadcast %get3A_853 : vector<1024x1xf32> to vector<1024x1024xf32>
    %ge3A_897 = arith.cmpf oge, %ge3A_895, %ge3A_896 : vector<1024x1024xf32>
    %convert_element_type3A_898 = arith.extui %ge3A_897 : vector<1024x1024xi1> to vector<1024x1024xi32>
    %convert_element_type3A_899 = arith.sitofp %convert_element_type3A_898 : vector<1024x1024xi32> to vector<1024x1024xf32>
    %reduce_sum3A_900 = arith.constant dense<0.000000e+00> : vector<1024xf32>
    %reduce_sum3A_901 = vector.multi_reduction <add>, %convert_element_type3A_899, %reduce_sum3A_900 [1] : vector<1024x1024xf32> to vector<1024xf32>
    %broadcast_in_dim3A_902 = vector.shape_cast %reduce_sum3A_901 : vector<1024xf32> to vector<1024x1xf32>
    %add3A_903 = arith.addf %add3A_891, %broadcast_in_dim3A_902 : vector<1024x1xf32>
    %get3A_904 = arith.constant 0 : index
    %get3A_905 = arith.constant 4096 : index
    %get3A_906 = vector.load %arg1[%get3A_904, %get3A_905] : memref<1x10240xf32, #tpu.memory_space<vmem>>, vector<1x1024xf32>
    %ge3A_907 = vector.broadcast %get3A_906 : vector<1x1024xf32> to vector<1024x1024xf32>
    %ge3A_908 = vector.broadcast %get3A_853 : vector<1024x1xf32> to vector<1024x1024xf32>
    %ge3A_909 = arith.cmpf oge, %ge3A_907, %ge3A_908 : vector<1024x1024xf32>
    %convert_element_type3A_910 = arith.extui %ge3A_909 : vector<1024x1024xi1> to vector<1024x1024xi32>
    %convert_element_type3A_911 = arith.sitofp %convert_element_type3A_910 : vector<1024x1024xi32> to vector<1024x1024xf32>
    %reduce_sum3A_912 = arith.constant dense<0.000000e+00> : vector<1024xf32>
    %reduce_sum3A_913 = vector.multi_reduction <add>, %convert_element_type3A_911, %reduce_sum3A_912 [1] : vector<1024x1024xf32> to vector<1024xf32>
    %broadcast_in_dim3A_914 = vector.shape_cast %reduce_sum3A_913 : vector<1024xf32> to vector<1024x1xf32>
    %add3A_915 = arith.addf %add3A_903, %broadcast_in_dim3A_914 : vector<1024x1xf32>
    %get3A_916 = arith.constant 0 : index
    %get3A_917 = arith.constant 5120 : index
    %get3A_918 = vector.load %arg1[%get3A_916, %get3A_917] : memref<1x10240xf32, #tpu.memory_space<vmem>>, vector<1x1024xf32>
    %ge3A_919 = vector.broadcast %get3A_918 : vector<1x1024xf32> to vector<1024x1024xf32>
    %ge3A_920 = vector.broadcast %get3A_853 : vector<1024x1xf32> to vector<1024x1024xf32>
    %ge3A_921 = arith.cmpf oge, %ge3A_919, %ge3A_920 : vector<1024x1024xf32>
    %convert_element_type3A_922 = arith.extui %ge3A_921 : vector<1024x1024xi1> to vector<1024x1024xi32>
    %convert_element_type3A_923 = arith.sitofp %convert_element_type3A_922 : vector<1024x1024xi32> to vector<1024x1024xf32>
    %reduce_sum3A_924 = arith.constant dense<0.000000e+00> : vector<1024xf32>
    %reduce_sum3A_925 = vector.multi_reduction <add>, %convert_element_type3A_923, %reduce_sum3A_924 [1] : vector<1024x1024xf32> to vector<1024xf32>
    %broadcast_in_dim3A_926 = vector.shape_cast %reduce_sum3A_925 : vector<1024xf32> to vector<1024x1xf32>
    %add3A_927 = arith.addf %add3A_915, %broadcast_in_dim3A_926 : vector<1024x1xf32>
    %get3A_928 = arith.constant 0 : index
    %get3A_929 = arith.constant 6144 : index
    %get3A_930 = vector.load %arg1[%get3A_928, %get3A_929] : memref<1x10240xf32, #tpu.memory_space<vmem>>, vector<1x1024xf32>
    %iota3A_931 = tpu.iota {dimensions = array<i32: 0>} : vector<1024x1xi32>
    %add3A_932 = arith.constant 6144 : i32
    %add3A_933 = vector.broadcast %add3A_932 : i32 to vector<1024x1xi32>
    %add3A_934 = arith.addi %add3A_933, %iota3A_931 : vector<1024x1xi32>
    %iota3A_935 = tpu.iota {dimensions = array<i32: 1>} : vector<1x1024xi32>
    %add3A_936 = arith.constant 6144 : i32
    %add3A_937 = vector.broadcast %add3A_936 : i32 to vector<1x1024xi32>
    %add3A_938 = arith.addi %add3A_937, %iota3A_935 : vector<1x1024xi32>
    %gt3A_939 = vector.broadcast %get3A_930 : vector<1x1024xf32> to vector<1024x1024xf32>
    %gt3A_940 = vector.broadcast %get3A_853 : vector<1024x1xf32> to vector<1024x1024xf32>
    %gt3A_941 = arith.cmpf ogt, %gt3A_939, %gt3A_940 : vector<1024x1024xf32>
    %eq3A_942 = vector.broadcast %get3A_930 : vector<1x1024xf32> to vector<1024x1024xf32>
    %eq3A_943 = vector.broadcast %get3A_853 : vector<1024x1xf32> to vector<1024x1024xf32>
    %eq3A_944 = arith.cmpf oeq, %eq3A_942, %eq3A_943 : vector<1024x1024xf32>
    %lt3A_945 = vector.broadcast %add3A_938 : vector<1x1024xi32> to vector<1024x1024xi32>
    %lt3A_946 = vector.broadcast %add3A_934 : vector<1024x1xi32> to vector<1024x1024xi32>
    %lt3A_947 = arith.cmpi slt, %lt3A_945, %lt3A_946 : vector<1024x1024xi32>
    %and3A_948 = arith.andi %eq3A_944, %lt3A_947 : vector<1024x1024xi1>
    %or3A_949 = arith.ori %gt3A_941, %and3A_948 : vector<1024x1024xi1>
    %convert_element_type3A_950 = arith.extui %or3A_949 : vector<1024x1024xi1> to vector<1024x1024xi32>
    %convert_element_type3A_951 = arith.sitofp %convert_element_type3A_950 : vector<1024x1024xi32> to vector<1024x1024xf32>
    %reduce_sum3A_952 = arith.constant dense<0.000000e+00> : vector<1024xf32>
    %reduce_sum3A_953 = vector.multi_reduction <add>, %convert_element_type3A_951, %reduce_sum3A_952 [1] : vector<1024x1024xf32> to vector<1024xf32>
    %broadcast_in_dim3A_954 = vector.shape_cast %reduce_sum3A_953 : vector<1024xf32> to vector<1024x1xf32>
    %add3A_955 = arith.addf %add3A_927, %broadcast_in_dim3A_954 : vector<1024x1xf32>
    %get3A_956 = arith.constant 0 : index
    %get3A_957 = arith.constant 7168 : index
    %get3A_958 = vector.load %arg1[%get3A_956, %get3A_957] : memref<1x10240xf32, #tpu.memory_space<vmem>>, vector<1x1024xf32>
    %gt3A_959 = vector.broadcast %get3A_958 : vector<1x1024xf32> to vector<1024x1024xf32>
    %gt3A_960 = vector.broadcast %get3A_853 : vector<1024x1xf32> to vector<1024x1024xf32>
    %gt3A_961 = arith.cmpf ogt, %gt3A_959, %gt3A_960 : vector<1024x1024xf32>
    %convert_element_type3A_962 = arith.extui %gt3A_961 : vector<1024x1024xi1> to vector<1024x1024xi32>
    %convert_element_type3A_963 = arith.sitofp %convert_element_type3A_962 : vector<1024x1024xi32> to vector<1024x1024xf32>
    %reduce_sum3A_964 = arith.constant dense<0.000000e+00> : vector<1024xf32>
    %reduce_sum3A_965 = vector.multi_reduction <add>, %convert_element_type3A_963, %reduce_sum3A_964 [1] : vector<1024x1024xf32> to vector<1024xf32>
    %broadcast_in_dim3A_966 = vector.shape_cast %reduce_sum3A_965 : vector<1024xf32> to vector<1024x1xf32>
    %add3A_967 = arith.addf %add3A_955, %broadcast_in_dim3A_966 : vector<1024x1xf32>
    %get3A_968 = arith.constant 0 : index
    %get3A_969 = arith.constant 8192 : index
    %get3A_970 = vector.load %arg1[%get3A_968, %get3A_969] : memref<1x10240xf32, #tpu.memory_space<vmem>>, vector<1x1024xf32>
    %gt3A_971 = vector.broadcast %get3A_970 : vector<1x1024xf32> to vector<1024x1024xf32>
    %gt3A_972 = vector.broadcast %get3A_853 : vector<1024x1xf32> to vector<1024x1024xf32>
    %gt3A_973 = arith.cmpf ogt, %gt3A_971, %gt3A_972 : vector<1024x1024xf32>
    %convert_element_type3A_974 = arith.extui %gt3A_973 : vector<1024x1024xi1> to vector<1024x1024xi32>
    %convert_element_type3A_975 = arith.sitofp %convert_element_type3A_974 : vector<1024x1024xi32> to vector<1024x1024xf32>
    %reduce_sum3A_976 = arith.constant dense<0.000000e+00> : vector<1024xf32>
    %reduce_sum3A_977 = vector.multi_reduction <add>, %convert_element_type3A_975, %reduce_sum3A_976 [1] : vector<1024x1024xf32> to vector<1024xf32>
    %broadcast_in_dim3A_978 = vector.shape_cast %reduce_sum3A_977 : vector<1024xf32> to vector<1024x1xf32>
    %add3A_979 = arith.addf %add3A_967, %broadcast_in_dim3A_978 : vector<1024x1xf32>
    %get3A_980 = arith.constant 0 : index
    %get3A_981 = arith.constant 9216 : index
    %get3A_982 = vector.load %arg1[%get3A_980, %get3A_981] : memref<1x10240xf32, #tpu.memory_space<vmem>>, vector<1x1024xf32>
    %gt3A_983 = vector.broadcast %get3A_982 : vector<1x1024xf32> to vector<1024x1024xf32>
    %gt3A_984 = vector.broadcast %get3A_853 : vector<1024x1xf32> to vector<1024x1024xf32>
    %gt3A_985 = arith.cmpf ogt, %gt3A_983, %gt3A_984 : vector<1024x1024xf32>
    %convert_element_type3A_986 = arith.extui %gt3A_985 : vector<1024x1024xi1> to vector<1024x1024xi32>
    %convert_element_type3A_987 = arith.sitofp %convert_element_type3A_986 : vector<1024x1024xi32> to vector<1024x1024xf32>
    %reduce_sum3A_988 = arith.constant dense<0.000000e+00> : vector<1024xf32>
    %reduce_sum3A_989 = vector.multi_reduction <add>, %convert_element_type3A_987, %reduce_sum3A_988 [1] : vector<1024x1024xf32> to vector<1024xf32>
    %broadcast_in_dim3A_990 = vector.shape_cast %reduce_sum3A_989 : vector<1024xf32> to vector<1024x1xf32>
    %add3A_991 = arith.addf %add3A_979, %broadcast_in_dim3A_990 : vector<1024x1xf32>
    %swap3A_992 = arith.constant 6144 : index
    %swap3A_993 = arith.constant 0 : index
    %swap3A_994 = vector.load %arg3[%swap3A_992, %swap3A_993] : memref<10240x1xf32, #tpu.memory_space<vmem>>, vector<1024x1xf32>
    tpu.vector_store %arg3[%swap3A_992, %swap3A_993], %add3A_991 {strides = array<i32>} : memref<10240x1xf32, #tpu.memory_space<vmem>>, vector<1024x1xf32>,
    %get3A_995 = arith.constant 7168 : index
    %get3A_996 = arith.constant 0 : index
    %get3A_997 = vector.load %arg2[%get3A_995, %get3A_996] : memref<10240x1xf32, #tpu.memory_space<vmem>>, vector<1024x1xf32>
    %broadcast_in_dim3A_998 = arith.constant 0.000000e+00 : f32
    %broadcast_in_dim3A_999 = vector.broadcast %broadcast_in_dim3A_998 : f32 to vector<1024x1xf32>
    %get3A_1000 = arith.constant 0 : index
    %get3A_1001 = arith.constant 0 : index
    %get3A_1002 = vector.load %arg1[%get3A_1000, %get3A_1001] : memref<1x10240xf32, #tpu.memory_space<vmem>>, vector<1x1024xf32>
    %ge3A_1003 = vector.broadcast %get3A_1002 : vector<1x1024xf32> to vector<1024x1024xf32>
    %ge3A_1004 = vector.broadcast %get3A_997 : vector<1024x1xf32> to vector<1024x1024xf32>
    %ge3A_1005 = arith.cmpf oge, %ge3A_1003, %ge3A_1004 : vector<1024x1024xf32>
    %convert_element_type3A_1006 = arith.extui %ge3A_1005 : vector<1024x1024xi1> to vector<1024x1024xi32>
    %convert_element_type3A_1007 = arith.sitofp %convert_element_type3A_1006 : vector<1024x1024xi32> to vector<1024x1024xf32>
    %reduce_sum3A_1008 = arith.constant dense<0.000000e+00> : vector<1024xf32>
    %reduce_sum3A_1009 = vector.multi_reduction <add>, %convert_element_type3A_1007, %reduce_sum3A_1008 [1] : vector<1024x1024xf32> to vector<1024xf32>
    %broadcast_in_dim3A_1010 = vector.shape_cast %reduce_sum3A_1009 : vector<1024xf32> to vector<1024x1xf32>
    %add3A_1011 = arith.addf %broadcast_in_dim3A_999, %broadcast_in_dim3A_1010 : vector<1024x1xf32>
    %get3A_1012 = arith.constant 0 : index
    %get3A_1013 = arith.constant 1024 : index
    %get3A_1014 = vector.load %arg1[%get3A_1012, %get3A_1013] : memref<1x10240xf32, #tpu.memory_space<vmem>>, vector<1x1024xf32>
    %ge3A_1015 = vector.broadcast %get3A_1014 : vector<1x1024xf32> to vector<1024x1024xf32>
    %ge3A_1016 = vector.broadcast %get3A_997 : vector<1024x1xf32> to vector<1024x1024xf32>
    %ge3A_1017 = arith.cmpf oge, %ge3A_1015, %ge3A_1016 : vector<1024x1024xf32>
    %convert_element_type3A_1018 = arith.extui %ge3A_1017 : vector<1024x1024xi1> to vector<1024x1024xi32>
    %convert_element_type3A_1019 = arith.sitofp %convert_element_type3A_1018 : vector<1024x1024xi32> to vector<1024x1024xf32>
    %reduce_sum3A_1020 = arith.constant dense<0.000000e+00> : vector<1024xf32>
    %reduce_sum3A_1021 = vector.multi_reduction <add>, %convert_element_type3A_1019, %reduce_sum3A_1020 [1] : vector<1024x1024xf32> to vector<1024xf32>
    %broadcast_in_dim3A_1022 = vector.shape_cast %reduce_sum3A_1021 : vector<1024xf32> to vector<1024x1xf32>
    %add3A_1023 = arith.addf %add3A_1011, %broadcast_in_dim3A_1022 : vector<1024x1xf32>
    %get3A_1024 = arith.constant 0 : index
    %get3A_1025 = arith.constant 2048 : index
    %get3A_1026 = vector.load %arg1[%get3A_1024, %get3A_1025] : memref<1x10240xf32, #tpu.memory_space<vmem>>, vector<1x1024xf32>
    %ge3A_1027 = vector.broadcast %get3A_1026 : vector<1x1024xf32> to vector<1024x1024xf32>
    %ge3A_1028 = vector.broadcast %get3A_997 : vector<1024x1xf32> to vector<1024x1024xf32>
    %ge3A_1029 = arith.cmpf oge, %ge3A_1027, %ge3A_1028 : vector<1024x1024xf32>
    %convert_element_type3A_1030 = arith.extui %ge3A_1029 : vector<1024x1024xi1> to vector<1024x1024xi32>
    %convert_element_type3A_1031 = arith.sitofp %convert_element_type3A_1030 : vector<1024x1024xi32> to vector<1024x1024xf32>
    %reduce_sum3A_1032 = arith.constant dense<0.000000e+00> : vector<1024xf32>
    %reduce_sum3A_1033 = vector.multi_reduction <add>, %convert_element_type3A_1031, %reduce_sum3A_1032 [1] : vector<1024x1024xf32> to vector<1024xf32>
    %broadcast_in_dim3A_1034 = vector.shape_cast %reduce_sum3A_1033 : vector<1024xf32> to vector<1024x1xf32>
    %add3A_1035 = arith.addf %add3A_1023, %broadcast_in_dim3A_1034 : vector<1024x1xf32>
    %get3A_1036 = arith.constant 0 : index
    %get3A_1037 = arith.constant 3072 : index
    %get3A_1038 = vector.load %arg1[%get3A_1036, %get3A_1037] : memref<1x10240xf32, #tpu.memory_space<vmem>>, vector<1x1024xf32>
    %ge3A_1039 = vector.broadcast %get3A_1038 : vector<1x1024xf32> to vector<1024x1024xf32>
    %ge3A_1040 = vector.broadcast %get3A_997 : vector<1024x1xf32> to vector<1024x1024xf32>
    %ge3A_1041 = arith.cmpf oge, %ge3A_1039, %ge3A_1040 : vector<1024x1024xf32>
    %convert_element_type3A_1042 = arith.extui %ge3A_1041 : vector<1024x1024xi1> to vector<1024x1024xi32>
    %convert_element_type3A_1043 = arith.sitofp %convert_element_type3A_1042 : vector<1024x1024xi32> to vector<1024x1024xf32>
    %reduce_sum3A_1044 = arith.constant dense<0.000000e+00> : vector<1024xf32>
    %reduce_sum3A_1045 = vector.multi_reduction <add>, %convert_element_type3A_1043, %reduce_sum3A_1044 [1] : vector<1024x1024xf32> to vector<1024xf32>
    %broadcast_in_dim3A_1046 = vector.shape_cast %reduce_sum3A_1045 : vector<1024xf32> to vector<1024x1xf32>
    %add3A_1047 = arith.addf %add3A_1035, %broadcast_in_dim3A_1046 : vector<1024x1xf32>
    %get3A_1048 = arith.constant 0 : index
    %get3A_1049 = arith.constant 4096 : index
    %get3A_1050 = vector.load %arg1[%get3A_1048, %get3A_1049] : memref<1x10240xf32, #tpu.memory_space<vmem>>, vector<1x1024xf32>
    %ge3A_1051 = vector.broadcast %get3A_1050 : vector<1x1024xf32> to vector<1024x1024xf32>
    %ge3A_1052 = vector.broadcast %get3A_997 : vector<1024x1xf32> to vector<1024x1024xf32>
    %ge3A_1053 = arith.cmpf oge, %ge3A_1051, %ge3A_1052 : vector<1024x1024xf32>
    %convert_element_type3A_1054 = arith.extui %ge3A_1053 : vector<1024x1024xi1> to vector<1024x1024xi32>
    %convert_element_type3A_1055 = arith.sitofp %convert_element_type3A_1054 : vector<1024x1024xi32> to vector<1024x1024xf32>
    %reduce_sum3A_1056 = arith.constant dense<0.000000e+00> : vector<1024xf32>
    %reduce_sum3A_1057 = vector.multi_reduction <add>, %convert_element_type3A_1055, %reduce_sum3A_1056 [1] : vector<1024x1024xf32> to vector<1024xf32>
    %broadcast_in_dim3A_1058 = vector.shape_cast %reduce_sum3A_1057 : vector<1024xf32> to vector<1024x1xf32>
    %add3A_1059 = arith.addf %add3A_1047, %broadcast_in_dim3A_1058 : vector<1024x1xf32>
    %get3A_1060 = arith.constant 0 : index
    %get3A_1061 = arith.constant 5120 : index
    %get3A_1062 = vector.load %arg1[%get3A_1060, %get3A_1061] : memref<1x10240xf32, #tpu.memory_space<vmem>>, vector<1x1024xf32>
    %ge3A_1063 = vector.broadcast %get3A_1062 : vector<1x1024xf32> to vector<1024x1024xf32>
    %ge3A_1064 = vector.broadcast %get3A_997 : vector<1024x1xf32> to vector<1024x1024xf32>
    %ge3A_1065 = arith.cmpf oge, %ge3A_1063, %ge3A_1064 : vector<1024x1024xf32>
    %convert_element_type3A_1066 = arith.extui %ge3A_1065 : vector<1024x1024xi1> to vector<1024x1024xi32>
    %convert_element_type3A_1067 = arith.sitofp %convert_element_type3A_1066 : vector<1024x1024xi32> to vector<1024x1024xf32>
    %reduce_sum3A_1068 = arith.constant dense<0.000000e+00> : vector<1024xf32>
    %reduce_sum3A_1069 = vector.multi_reduction <add>, %convert_element_type3A_1067, %reduce_sum3A_1068 [1] : vector<1024x1024xf32> to vector<1024xf32>
    %broadcast_in_dim3A_1070 = vector.shape_cast %reduce_sum3A_1069 : vector<1024xf32> to vector<1024x1xf32>
    %add3A_1071 = arith.addf %add3A_1059, %broadcast_in_dim3A_1070 : vector<1024x1xf32>
    %get3A_1072 = arith.constant 0 : index
    %get3A_1073 = arith.constant 6144 : index
    %get3A_1074 = vector.load %arg1[%get3A_1072, %get3A_1073] : memref<1x10240xf32, #tpu.memory_space<vmem>>, vector<1x1024xf32>
    %ge3A_1075 = vector.broadcast %get3A_1074 : vector<1x1024xf32> to vector<1024x1024xf32>
    %ge3A_1076 = vector.broadcast %get3A_997 : vector<1024x1xf32> to vector<1024x1024xf32>
    %ge3A_1077 = arith.cmpf oge, %ge3A_1075, %ge3A_1076 : vector<1024x1024xf32>
    %convert_element_type3A_1078 = arith.extui %ge3A_1077 : vector<1024x1024xi1> to vector<1024x1024xi32>
    %convert_element_type3A_1079 = arith.sitofp %convert_element_type3A_1078 : vector<1024x1024xi32> to vector<1024x1024xf32>
    %reduce_sum3A_1080 = arith.constant dense<0.000000e+00> : vector<1024xf32>
    %reduce_sum3A_1081 = vector.multi_reduction <add>, %convert_element_type3A_1079, %reduce_sum3A_1080 [1] : vector<1024x1024xf32> to vector<1024xf32>
    %broadcast_in_dim3A_1082 = vector.shape_cast %reduce_sum3A_1081 : vector<1024xf32> to vector<1024x1xf32>
    %add3A_1083 = arith.addf %add3A_1071, %broadcast_in_dim3A_1082 : vector<1024x1xf32>
    %get3A_1084 = arith.constant 0 : index
    %get3A_1085 = arith.constant 7168 : index
    %get3A_1086 = vector.load %arg1[%get3A_1084, %get3A_1085] : memref<1x10240xf32, #tpu.memory_space<vmem>>, vector<1x1024xf32>
    %iota3A_1087 = tpu.iota {dimensions = array<i32: 0>} : vector<1024x1xi32>
    %add3A_1088 = arith.constant 7168 : i32
    %add3A_1089 = vector.broadcast %add3A_1088 : i32 to vector<1024x1xi32>
    %add3A_1090 = arith.addi %add3A_1089, %iota3A_1087 : vector<1024x1xi32>
    %iota3A_1091 = tpu.iota {dimensions = array<i32: 1>} : vector<1x1024xi32>
    %add3A_1092 = arith.constant 7168 : i32
    %add3A_1093 = vector.broadcast %add3A_1092 : i32 to vector<1x1024xi32>
    %add3A_1094 = arith.addi %add3A_1093, %iota3A_1091 : vector<1x1024xi32>
    %gt3A_1095 = vector.broadcast %get3A_1086 : vector<1x1024xf32> to vector<1024x1024xf32>
    %gt3A_1096 = vector.broadcast %get3A_997 : vector<1024x1xf32> to vector<1024x1024xf32>
    %gt3A_1097 = arith.cmpf ogt, %gt3A_1095, %gt3A_1096 : vector<1024x1024xf32>
    %eq3A_1098 = vector.broadcast %get3A_1086 : vector<1x1024xf32> to vector<1024x1024xf32>
    %eq3A_1099 = vector.broadcast %get3A_997 : vector<1024x1xf32> to vector<1024x1024xf32>
    %eq3A_1100 = arith.cmpf oeq, %eq3A_1098, %eq3A_1099 : vector<1024x1024xf32>
    %lt3A_1101 = vector.broadcast %add3A_1094 : vector<1x1024xi32> to vector<1024x1024xi32>
    %lt3A_1102 = vector.broadcast %add3A_1090 : vector<1024x1xi32> to vector<1024x1024xi32>
    %lt3A_1103 = arith.cmpi slt, %lt3A_1101, %lt3A_1102 : vector<1024x1024xi32>
    %and3A_1104 = arith.andi %eq3A_1100, %lt3A_1103 : vector<1024x1024xi1>
    %or3A_1105 = arith.ori %gt3A_1097, %and3A_1104 : vector<1024x1024xi1>
    %convert_element_type3A_1106 = arith.extui %or3A_1105 : vector<1024x1024xi1> to vector<1024x1024xi32>
    %convert_element_type3A_1107 = arith.sitofp %convert_element_type3A_1106 : vector<1024x1024xi32> to vector<1024x1024xf32>
    %reduce_sum3A_1108 = arith.constant dense<0.000000e+00> : vector<1024xf32>
    %reduce_sum3A_1109 = vector.multi_reduction <add>, %convert_element_type3A_1107, %reduce_sum3A_1108 [1] : vector<1024x1024xf32> to vector<1024xf32>
    %broadcast_in_dim3A_1110 = vector.shape_cast %reduce_sum3A_1109 : vector<1024xf32> to vector<1024x1xf32>
    %add3A_1111 = arith.addf %add3A_1083, %broadcast_in_dim3A_1110 : vector<1024x1xf32>
    %get3A_1112 = arith.constant 0 : index
    %get3A_1113 = arith.constant 8192 : index
    %get3A_1114 = vector.load %arg1[%get3A_1112, %get3A_1113] : memref<1x10240xf32, #tpu.memory_space<vmem>>, vector<1x1024xf32>
    %gt3A_1115 = vector.broadcast %get3A_1114 : vector<1x1024xf32> to vector<1024x1024xf32>
    %gt3A_1116 = vector.broadcast %get3A_997 : vector<1024x1xf32> to vector<1024x1024xf32>
    %gt3A_1117 = arith.cmpf ogt, %gt3A_1115, %gt3A_1116 : vector<1024x1024xf32>
    %convert_element_type3A_1118 = arith.extui %gt3A_1117 : vector<1024x1024xi1> to vector<1024x1024xi32>
    %convert_element_type3A_1119 = arith.sitofp %convert_element_type3A_1118 : vector<1024x1024xi32> to vector<1024x1024xf32>
    %reduce_sum3A_1120 = arith.constant dense<0.000000e+00> : vector<1024xf32>
    %reduce_sum3A_1121 = vector.multi_reduction <add>, %convert_element_type3A_1119, %reduce_sum3A_1120 [1] : vector<1024x1024xf32> to vector<1024xf32>
    %broadcast_in_dim3A_1122 = vector.shape_cast %reduce_sum3A_1121 : vector<1024xf32> to vector<1024x1xf32>
    %add3A_1123 = arith.addf %add3A_1111, %broadcast_in_dim3A_1122 : vector<1024x1xf32>
    %get3A_1124 = arith.constant 0 : index
    %get3A_1125 = arith.constant 9216 : index
    %get3A_1126 = vector.load %arg1[%get3A_1124, %get3A_1125] : memref<1x10240xf32, #tpu.memory_space<vmem>>, vector<1x1024xf32>
    %gt3A_1127 = vector.broadcast %get3A_1126 : vector<1x1024xf32> to vector<1024x1024xf32>
    %gt3A_1128 = vector.broadcast %get3A_997 : vector<1024x1xf32> to vector<1024x1024xf32>
    %gt3A_1129 = arith.cmpf ogt, %gt3A_1127, %gt3A_1128 : vector<1024x1024xf32>
    %convert_element_type3A_1130 = arith.extui %gt3A_1129 : vector<1024x1024xi1> to vector<1024x1024xi32>
    %convert_element_type3A_1131 = arith.sitofp %convert_element_type3A_1130 : vector<1024x1024xi32> to vector<1024x1024xf32>
    %reduce_sum3A_1132 = arith.constant dense<0.000000e+00> : vector<1024xf32>
    %reduce_sum3A_1133 = vector.multi_reduction <add>, %convert_element_type3A_1131, %reduce_sum3A_1132 [1] : vector<1024x1024xf32> to vector<1024xf32>
    %broadcast_in_dim3A_1134 = vector.shape_cast %reduce_sum3A_1133 : vector<1024xf32> to vector<1024x1xf32>
    %add3A_1135 = arith.addf %add3A_1123, %broadcast_in_dim3A_1134 : vector<1024x1xf32>
    %swap3A_1136 = arith.constant 7168 : index
    %swap3A_1137 = arith.constant 0 : index
    %swap3A_1138 = vector.load %arg3[%swap3A_1136, %swap3A_1137] : memref<10240x1xf32, #tpu.memory_space<vmem>>, vector<1024x1xf32>
    tpu.vector_store %arg3[%swap3A_1136, %swap3A_1137], %add3A_1135 {strides = array<i32>} : memref<10240x1xf32, #tpu.memory_space<vmem>>, vector<1024x1xf32>,
    %get3A_1139 = arith.constant 8192 : index
    %get3A_1140 = arith.constant 0 : index
    %get3A_1141 = vector.load %arg2[%get3A_1139, %get3A_1140] : memref<10240x1xf32, #tpu.memory_space<vmem>>, vector<1024x1xf32>
    %broadcast_in_dim3A_1142 = arith.constant 0.000000e+00 : f32
    %broadcast_in_dim3A_1143 = vector.broadcast %broadcast_in_dim3A_1142 : f32 to vector<1024x1xf32>
    %get3A_1144 = arith.constant 0 : index
    %get3A_1145 = arith.constant 0 : index
    %get3A_1146 = vector.load %arg1[%get3A_1144, %get3A_1145] : memref<1x10240xf32, #tpu.memory_space<vmem>>, vector<1x1024xf32>
    %ge3A_1147 = vector.broadcast %get3A_1146 : vector<1x1024xf32> to vector<1024x1024xf32>
    %ge3A_1148 = vector.broadcast %get3A_1141 : vector<1024x1xf32> to vector<1024x1024xf32>
    %ge3A_1149 = arith.cmpf oge, %ge3A_1147, %ge3A_1148 : vector<1024x1024xf32>
    %convert_element_type3A_1150 = arith.extui %ge3A_1149 : vector<1024x1024xi1> to vector<1024x1024xi32>
    %convert_element_type3A_1151 = arith.sitofp %convert_element_type3A_1150 : vector<1024x1024xi32> to vector<1024x1024xf32>
    %reduce_sum3A_1152 = arith.constant dense<0.000000e+00> : vector<1024xf32>
    %reduce_sum3A_1153 = vector.multi_reduction <add>, %convert_element_type3A_1151, %reduce_sum3A_1152 [1] : vector<1024x1024xf32> to vector<1024xf32>
    %broadcast_in_dim3A_1154 = vector.shape_cast %reduce_sum3A_1153 : vector<1024xf32> to vector<1024x1xf32>
    %add3A_1155 = arith.addf %broadcast_in_dim3A_1143, %broadcast_in_dim3A_1154 : vector<1024x1xf32>
    %get3A_1156 = arith.constant 0 : index
    %get3A_1157 = arith.constant 1024 : index
    %get3A_1158 = vector.load %arg1[%get3A_1156, %get3A_1157] : memref<1x10240xf32, #tpu.memory_space<vmem>>, vector<1x1024xf32>
    %ge3A_1159 = vector.broadcast %get3A_1158 : vector<1x1024xf32> to vector<1024x1024xf32>
    %ge3A_1160 = vector.broadcast %get3A_1141 : vector<1024x1xf32> to vector<1024x1024xf32>
    %ge3A_1161 = arith.cmpf oge, %ge3A_1159, %ge3A_1160 : vector<1024x1024xf32>
    %convert_element_type3A_1162 = arith.extui %ge3A_1161 : vector<1024x1024xi1> to vector<1024x1024xi32>
    %convert_element_type3A_1163 = arith.sitofp %convert_element_type3A_1162 : vector<1024x1024xi32> to vector<1024x1024xf32>
    %reduce_sum3A_1164 = arith.constant dense<0.000000e+00> : vector<1024xf32>
    %reduce_sum3A_1165 = vector.multi_reduction <add>, %convert_element_type3A_1163, %reduce_sum3A_1164 [1] : vector<1024x1024xf32> to vector<1024xf32>
    %broadcast_in_dim3A_1166 = vector.shape_cast %reduce_sum3A_1165 : vector<1024xf32> to vector<1024x1xf32>
    %add3A_1167 = arith.addf %add3A_1155, %broadcast_in_dim3A_1166 : vector<1024x1xf32>
    %get3A_1168 = arith.constant 0 : index
    %get3A_1169 = arith.constant 2048 : index
    %get3A_1170 = vector.load %arg1[%get3A_1168, %get3A_1169] : memref<1x10240xf32, #tpu.memory_space<vmem>>, vector<1x1024xf32>
    %ge3A_1171 = vector.broadcast %get3A_1170 : vector<1x1024xf32> to vector<1024x1024xf32>
    %ge3A_1172 = vector.broadcast %get3A_1141 : vector<1024x1xf32> to vector<1024x1024xf32>
    %ge3A_1173 = arith.cmpf oge, %ge3A_1171, %ge3A_1172 : vector<1024x1024xf32>
    %convert_element_type3A_1174 = arith.extui %ge3A_1173 : vector<1024x1024xi1> to vector<1024x1024xi32>
    %convert_element_type3A_1175 = arith.sitofp %convert_element_type3A_1174 : vector<1024x1024xi32> to vector<1024x1024xf32>
    %reduce_sum3A_1176 = arith.constant dense<0.000000e+00> : vector<1024xf32>
    %reduce_sum3A_1177 = vector.multi_reduction <add>, %convert_element_type3A_1175, %reduce_sum3A_1176 [1] : vector<1024x1024xf32> to vector<1024xf32>
    %broadcast_in_dim3A_1178 = vector.shape_cast %reduce_sum3A_1177 : vector<1024xf32> to vector<1024x1xf32>
    %add3A_1179 = arith.addf %add3A_1167, %broadcast_in_dim3A_1178 : vector<1024x1xf32>
    %get3A_1180 = arith.constant 0 : index
    %get3A_1181 = arith.constant 3072 : index
    %get3A_1182 = vector.load %arg1[%get3A_1180, %get3A_1181] : memref<1x10240xf32, #tpu.memory_space<vmem>>, vector<1x1024xf32>
    %ge3A_1183 = vector.broadcast %get3A_1182 : vector<1x1024xf32> to vector<1024x1024xf32>
    %ge3A_1184 = vector.broadcast %get3A_1141 : vector<1024x1xf32> to vector<1024x1024xf32>
    %ge3A_1185 = arith.cmpf oge, %ge3A_1183, %ge3A_1184 : vector<1024x1024xf32>
    %convert_element_type3A_1186 = arith.extui %ge3A_1185 : vector<1024x1024xi1> to vector<1024x1024xi32>
    %convert_element_type3A_1187 = arith.sitofp %convert_element_type3A_1186 : vector<1024x1024xi32> to vector<1024x1024xf32>
    %reduce_sum3A_1188 = arith.constant dense<0.000000e+00> : vector<1024xf32>
    %reduce_sum3A_1189 = vector.multi_reduction <add>, %convert_element_type3A_1187, %reduce_sum3A_1188 [1] : vector<1024x1024xf32> to vector<1024xf32>
    %broadcast_in_dim3A_1190 = vector.shape_cast %reduce_sum3A_1189 : vector<1024xf32> to vector<1024x1xf32>
    %add3A_1191 = arith.addf %add3A_1179, %broadcast_in_dim3A_1190 : vector<1024x1xf32>
    %get3A_1192 = arith.constant 0 : index
    %get3A_1193 = arith.constant 4096 : index
    %get3A_1194 = vector.load %arg1[%get3A_1192, %get3A_1193] : memref<1x10240xf32, #tpu.memory_space<vmem>>, vector<1x1024xf32>
    %ge3A_1195 = vector.broadcast %get3A_1194 : vector<1x1024xf32> to vector<1024x1024xf32>
    %ge3A_1196 = vector.broadcast %get3A_1141 : vector<1024x1xf32> to vector<1024x1024xf32>
    %ge3A_1197 = arith.cmpf oge, %ge3A_1195, %ge3A_1196 : vector<1024x1024xf32>
    %convert_element_type3A_1198 = arith.extui %ge3A_1197 : vector<1024x1024xi1> to vector<1024x1024xi32>
    %convert_element_type3A_1199 = arith.sitofp %convert_element_type3A_1198 : vector<1024x1024xi32> to vector<1024x1024xf32>
    %reduce_sum3A_1200 = arith.constant dense<0.000000e+00> : vector<1024xf32>
    %reduce_sum3A_1201 = vector.multi_reduction <add>, %convert_element_type3A_1199, %reduce_sum3A_1200 [1] : vector<1024x1024xf32> to vector<1024xf32>
    %broadcast_in_dim3A_1202 = vector.shape_cast %reduce_sum3A_1201 : vector<1024xf32> to vector<1024x1xf32>
    %add3A_1203 = arith.addf %add3A_1191, %broadcast_in_dim3A_1202 : vector<1024x1xf32>
    %get3A_1204 = arith.constant 0 : index
    %get3A_1205 = arith.constant 5120 : index
    %get3A_1206 = vector.load %arg1[%get3A_1204, %get3A_1205] : memref<1x10240xf32, #tpu.memory_space<vmem>>, vector<1x1024xf32>
    %ge3A_1207 = vector.broadcast %get3A_1206 : vector<1x1024xf32> to vector<1024x1024xf32>
    %ge3A_1208 = vector.broadcast %get3A_1141 : vector<1024x1xf32> to vector<1024x1024xf32>
    %ge3A_1209 = arith.cmpf oge, %ge3A_1207, %ge3A_1208 : vector<1024x1024xf32>
    %convert_element_type3A_1210 = arith.extui %ge3A_1209 : vector<1024x1024xi1> to vector<1024x1024xi32>
    %convert_element_type3A_1211 = arith.sitofp %convert_element_type3A_1210 : vector<1024x1024xi32> to vector<1024x1024xf32>
    %reduce_sum3A_1212 = arith.constant dense<0.000000e+00> : vector<1024xf32>
    %reduce_sum3A_1213 = vector.multi_reduction <add>, %convert_element_type3A_1211, %reduce_sum3A_1212 [1] : vector<1024x1024xf32> to vector<1024xf32>
    %broadcast_in_dim3A_1214 = vector.shape_cast %reduce_sum3A_1213 : vector<1024xf32> to vector<1024x1xf32>
    %add3A_1215 = arith.addf %add3A_1203, %broadcast_in_dim3A_1214 : vector<1024x1xf32>
    %get3A_1216 = arith.constant 0 : index
    %get3A_1217 = arith.constant 6144 : index
    %get3A_1218 = vector.load %arg1[%get3A_1216, %get3A_1217] : memref<1x10240xf32, #tpu.memory_space<vmem>>, vector<1x1024xf32>
    %ge3A_1219 = vector.broadcast %get3A_1218 : vector<1x1024xf32> to vector<1024x1024xf32>
    %ge3A_1220 = vector.broadcast %get3A_1141 : vector<1024x1xf32> to vector<1024x1024xf32>
    %ge3A_1221 = arith.cmpf oge, %ge3A_1219, %ge3A_1220 : vector<1024x1024xf32>
    %convert_element_type3A_1222 = arith.extui %ge3A_1221 : vector<1024x1024xi1> to vector<1024x1024xi32>
    %convert_element_type3A_1223 = arith.sitofp %convert_element_type3A_1222 : vector<1024x1024xi32> to vector<1024x1024xf32>
    %reduce_sum3A_1224 = arith.constant dense<0.000000e+00> : vector<1024xf32>
    %reduce_sum3A_1225 = vector.multi_reduction <add>, %convert_element_type3A_1223, %reduce_sum3A_1224 [1] : vector<1024x1024xf32> to vector<1024xf32>
    %broadcast_in_dim3A_1226 = vector.shape_cast %reduce_sum3A_1225 : vector<1024xf32> to vector<1024x1xf32>
    %add3A_1227 = arith.addf %add3A_1215, %broadcast_in_dim3A_1226 : vector<1024x1xf32>
    %get3A_1228 = arith.constant 0 : index
    %get3A_1229 = arith.constant 7168 : index
    %get3A_1230 = vector.load %arg1[%get3A_1228, %get3A_1229] : memref<1x10240xf32, #tpu.memory_space<vmem>>, vector<1x1024xf32>
    %ge3A_1231 = vector.broadcast %get3A_1230 : vector<1x1024xf32> to vector<1024x1024xf32>
    %ge3A_1232 = vector.broadcast %get3A_1141 : vector<1024x1xf32> to vector<1024x1024xf32>
    %ge3A_1233 = arith.cmpf oge, %ge3A_1231, %ge3A_1232 : vector<1024x1024xf32>
    %convert_element_type3A_1234 = arith.extui %ge3A_1233 : vector<1024x1024xi1> to vector<1024x1024xi32>
    %convert_element_type3A_1235 = arith.sitofp %convert_element_type3A_1234 : vector<1024x1024xi32> to vector<1024x1024xf32>
    %reduce_sum3A_1236 = arith.constant dense<0.000000e+00> : vector<1024xf32>
    %reduce_sum3A_1237 = vector.multi_reduction <add>, %convert_element_type3A_1235, %reduce_sum3A_1236 [1] : vector<1024x1024xf32> to vector<1024xf32>
    %broadcast_in_dim3A_1238 = vector.shape_cast %reduce_sum3A_1237 : vector<1024xf32> to vector<1024x1xf32>
    %add3A_1239 = arith.addf %add3A_1227, %broadcast_in_dim3A_1238 : vector<1024x1xf32>
    %get3A_1240 = arith.constant 0 : index
    %get3A_1241 = arith.constant 8192 : index
    %get3A_1242 = vector.load %arg1[%get3A_1240, %get3A_1241] : memref<1x10240xf32, #tpu.memory_space<vmem>>, vector<1x1024xf32>
    %iota3A_1243 = tpu.iota {dimensions = array<i32: 0>} : vector<1024x1xi32>
    %add3A_1244 = arith.constant 8192 : i32
    %add3A_1245 = vector.broadcast %add3A_1244 : i32 to vector<1024x1xi32>
    %add3A_1246 = arith.addi %add3A_1245, %iota3A_1243 : vector<1024x1xi32>
    %iota3A_1247 = tpu.iota {dimensions = array<i32: 1>} : vector<1x1024xi32>
    %add3A_1248 = arith.constant 8192 : i32
    %add3A_1249 = vector.broadcast %add3A_1248 : i32 to vector<1x1024xi32>
    %add3A_1250 = arith.addi %add3A_1249, %iota3A_1247 : vector<1x1024xi32>
    %gt3A_1251 = vector.broadcast %get3A_1242 : vector<1x1024xf32> to vector<1024x1024xf32>
    %gt3A_1252 = vector.broadcast %get3A_1141 : vector<1024x1xf32> to vector<1024x1024xf32>
    %gt3A_1253 = arith.cmpf ogt, %gt3A_1251, %gt3A_1252 : vector<1024x1024xf32>
    %eq3A_1254 = vector.broadcast %get3A_1242 : vector<1x1024xf32> to vector<1024x1024xf32>
    %eq3A_1255 = vector.broadcast %get3A_1141 : vector<1024x1xf32> to vector<1024x1024xf32>
    %eq3A_1256 = arith.cmpf oeq, %eq3A_1254, %eq3A_1255 : vector<1024x1024xf32>
    %lt3A_1257 = vector.broadcast %add3A_1250 : vector<1x1024xi32> to vector<1024x1024xi32>
    %lt3A_1258 = vector.broadcast %add3A_1246 : vector<1024x1xi32> to vector<1024x1024xi32>
    %lt3A_1259 = arith.cmpi slt, %lt3A_1257, %lt3A_1258 : vector<1024x1024xi32>
    %and3A_1260 = arith.andi %eq3A_1256, %lt3A_1259 : vector<1024x1024xi1>
    %or3A_1261 = arith.ori %gt3A_1253, %and3A_1260 : vector<1024x1024xi1>
    %convert_element_type3A_1262 = arith.extui %or3A_1261 : vector<1024x1024xi1> to vector<1024x1024xi32>
    %convert_element_type3A_1263 = arith.sitofp %convert_element_type3A_1262 : vector<1024x1024xi32> to vector<1024x1024xf32>
    %reduce_sum3A_1264 = arith.constant dense<0.000000e+00> : vector<1024xf32>
    %reduce_sum3A_1265 = vector.multi_reduction <add>, %convert_element_type3A_1263, %reduce_sum3A_1264 [1] : vector<1024x1024xf32> to vector<1024xf32>
    %broadcast_in_dim3A_1266 = vector.shape_cast %reduce_sum3A_1265 : vector<1024xf32> to vector<1024x1xf32>
    %add3A_1267 = arith.addf %add3A_1239, %broadcast_in_dim3A_1266 : vector<1024x1xf32>
    %get3A_1268 = arith.constant 0 : index
    %get3A_1269 = arith.constant 9216 : index
    %get3A_1270 = vector.load %arg1[%get3A_1268, %get3A_1269] : memref<1x10240xf32, #tpu.memory_space<vmem>>, vector<1x1024xf32>
    %gt3A_1271 = vector.broadcast %get3A_1270 : vector<1x1024xf32> to vector<1024x1024xf32>
    %gt3A_1272 = vector.broadcast %get3A_1141 : vector<1024x1xf32> to vector<1024x1024xf32>
    %gt3A_1273 = arith.cmpf ogt, %gt3A_1271, %gt3A_1272 : vector<1024x1024xf32>
    %convert_element_type3A_1274 = arith.extui %gt3A_1273 : vector<1024x1024xi1> to vector<1024x1024xi32>
    %convert_element_type3A_1275 = arith.sitofp %convert_element_type3A_1274 : vector<1024x1024xi32> to vector<1024x1024xf32>
    %reduce_sum3A_1276 = arith.constant dense<0.000000e+00> : vector<1024xf32>
    %reduce_sum3A_1277 = vector.multi_reduction <add>, %convert_element_type3A_1275, %reduce_sum3A_1276 [1] : vector<1024x1024xf32> to vector<1024xf32>
    %broadcast_in_dim3A_1278 = vector.shape_cast %reduce_sum3A_1277 : vector<1024xf32> to vector<1024x1xf32>
    %add3A_1279 = arith.addf %add3A_1267, %broadcast_in_dim3A_1278 : vector<1024x1xf32>
    %swap3A_1280 = arith.constant 8192 : index
    %swap3A_1281 = arith.constant 0 : index
    %swap3A_1282 = vector.load %arg3[%swap3A_1280, %swap3A_1281] : memref<10240x1xf32, #tpu.memory_space<vmem>>, vector<1024x1xf32>
    tpu.vector_store %arg3[%swap3A_1280, %swap3A_1281], %add3A_1279 {strides = array<i32>} : memref<10240x1xf32, #tpu.memory_space<vmem>>, vector<1024x1xf32>,
    %get3A_1283 = arith.constant 9216 : index
    %get3A_1284 = arith.constant 0 : index
    %get3A_1285 = vector.load %arg2[%get3A_1283, %get3A_1284] : memref<10240x1xf32, #tpu.memory_space<vmem>>, vector<1024x1xf32>
    %broadcast_in_dim3A_1286 = arith.constant 0.000000e+00 : f32
    %broadcast_in_dim3A_1287 = vector.broadcast %broadcast_in_dim3A_1286 : f32 to vector<1024x1xf32>
    %get3A_1288 = arith.constant 0 : index
    %get3A_1289 = arith.constant 0 : index
    %get3A_1290 = vector.load %arg1[%get3A_1288, %get3A_1289] : memref<1x10240xf32, #tpu.memory_space<vmem>>, vector<1x1024xf32>
    %ge3A_1291 = vector.broadcast %get3A_1290 : vector<1x1024xf32> to vector<1024x1024xf32>
    %ge3A_1292 = vector.broadcast %get3A_1285 : vector<1024x1xf32> to vector<1024x1024xf32>
    %ge3A_1293 = arith.cmpf oge, %ge3A_1291, %ge3A_1292 : vector<1024x1024xf32>
    %convert_element_type3A_1294 = arith.extui %ge3A_1293 : vector<1024x1024xi1> to vector<1024x1024xi32>
    %convert_element_type3A_1295 = arith.sitofp %convert_element_type3A_1294 : vector<1024x1024xi32> to vector<1024x1024xf32>
    %reduce_sum3A_1296 = arith.constant dense<0.000000e+00> : vector<1024xf32>
    %reduce_sum3A_1297 = vector.multi_reduction <add>, %convert_element_type3A_1295, %reduce_sum3A_1296 [1] : vector<1024x1024xf32> to vector<1024xf32>
    %broadcast_in_dim3A_1298 = vector.shape_cast %reduce_sum3A_1297 : vector<1024xf32> to vector<1024x1xf32>
    %add3A_1299 = arith.addf %broadcast_in_dim3A_1287, %broadcast_in_dim3A_1298 : vector<1024x1xf32>
    %get3A_1300 = arith.constant 0 : index
    %get3A_1301 = arith.constant 1024 : index
    %get3A_1302 = vector.load %arg1[%get3A_1300, %get3A_1301] : memref<1x10240xf32, #tpu.memory_space<vmem>>, vector<1x1024xf32>
    %ge3A_1303 = vector.broadcast %get3A_1302 : vector<1x1024xf32> to vector<1024x1024xf32>
    %ge3A_1304 = vector.broadcast %get3A_1285 : vector<1024x1xf32> to vector<1024x1024xf32>
    %ge3A_1305 = arith.cmpf oge, %ge3A_1303, %ge3A_1304 : vector<1024x1024xf32>
    %convert_element_type3A_1306 = arith.extui %ge3A_1305 : vector<1024x1024xi1> to vector<1024x1024xi32>
    %convert_element_type3A_1307 = arith.sitofp %convert_element_type3A_1306 : vector<1024x1024xi32> to vector<1024x1024xf32>
    %reduce_sum3A_1308 = arith.constant dense<0.000000e+00> : vector<1024xf32>
    %reduce_sum3A_1309 = vector.multi_reduction <add>, %convert_element_type3A_1307, %reduce_sum3A_1308 [1] : vector<1024x1024xf32> to vector<1024xf32>
    %broadcast_in_dim3A_1310 = vector.shape_cast %reduce_sum3A_1309 : vector<1024xf32> to vector<1024x1xf32>
    %add3A_1311 = arith.addf %add3A_1299, %broadcast_in_dim3A_1310 : vector<1024x1xf32>
    %get3A_1312 = arith.constant 0 : index
    %get3A_1313 = arith.constant 2048 : index
    %get3A_1314 = vector.load %arg1[%get3A_1312, %get3A_1313] : memref<1x10240xf32, #tpu.memory_space<vmem>>, vector<1x1024xf32>
    %ge3A_1315 = vector.broadcast %get3A_1314 : vector<1x1024xf32> to vector<1024x1024xf32>
    %ge3A_1316 = vector.broadcast %get3A_1285 : vector<1024x1xf32> to vector<1024x1024xf32>
    %ge3A_1317 = arith.cmpf oge, %ge3A_1315, %ge3A_1316 : vector<1024x1024xf32>
    %convert_element_type3A_1318 = arith.extui %ge3A_1317 : vector<1024x1024xi1> to vector<1024x1024xi32>
    %convert_element_type3A_1319 = arith.sitofp %convert_element_type3A_1318 : vector<1024x1024xi32> to vector<1024x1024xf32>
    %reduce_sum3A_1320 = arith.constant dense<0.000000e+00> : vector<1024xf32>
    %reduce_sum3A_1321 = vector.multi_reduction <add>, %convert_element_type3A_1319, %reduce_sum3A_1320 [1] : vector<1024x1024xf32> to vector<1024xf32>
    %broadcast_in_dim3A_1322 = vector.shape_cast %reduce_sum3A_1321 : vector<1024xf32> to vector<1024x1xf32>
    %add3A_1323 = arith.addf %add3A_1311, %broadcast_in_dim3A_1322 : vector<1024x1xf32>
    %get3A_1324 = arith.constant 0 : index
    %get3A_1325 = arith.constant 3072 : index
    %get3A_1326 = vector.load %arg1[%get3A_1324, %get3A_1325] : memref<1x10240xf32, #tpu.memory_space<vmem>>, vector<1x1024xf32>
    %ge3A_1327 = vector.broadcast %get3A_1326 : vector<1x1024xf32> to vector<1024x1024xf32>
    %ge3A_1328 = vector.broadcast %get3A_1285 : vector<1024x1xf32> to vector<1024x1024xf32>
    %ge3A_1329 = arith.cmpf oge, %ge3A_1327, %ge3A_1328 : vector<1024x1024xf32>
    %convert_element_type3A_1330 = arith.extui %ge3A_1329 : vector<1024x1024xi1> to vector<1024x1024xi32>
    %convert_element_type3A_1331 = arith.sitofp %convert_element_type3A_1330 : vector<1024x1024xi32> to vector<1024x1024xf32>
    %reduce_sum3A_1332 = arith.constant dense<0.000000e+00> : vector<1024xf32>
    %reduce_sum3A_1333 = vector.multi_reduction <add>, %convert_element_type3A_1331, %reduce_sum3A_1332 [1] : vector<1024x1024xf32> to vector<1024xf32>
    %broadcast_in_dim3A_1334 = vector.shape_cast %reduce_sum3A_1333 : vector<1024xf32> to vector<1024x1xf32>
    %add3A_1335 = arith.addf %add3A_1323, %broadcast_in_dim3A_1334 : vector<1024x1xf32>
    %get3A_1336 = arith.constant 0 : index
    %get3A_1337 = arith.constant 4096 : index
    %get3A_1338 = vector.load %arg1[%get3A_1336, %get3A_1337] : memref<1x10240xf32, #tpu.memory_space<vmem>>, vector<1x1024xf32>
    %ge3A_1339 = vector.broadcast %get3A_1338 : vector<1x1024xf32> to vector<1024x1024xf32>
    %ge3A_1340 = vector.broadcast %get3A_1285 : vector<1024x1xf32> to vector<1024x1024xf32>
    %ge3A_1341 = arith.cmpf oge, %ge3A_1339, %ge3A_1340 : vector<1024x1024xf32>
    %convert_element_type3A_1342 = arith.extui %ge3A_1341 : vector<1024x1024xi1> to vector<1024x1024xi32>
    %convert_element_type3A_1343 = arith.sitofp %convert_element_type3A_1342 : vector<1024x1024xi32> to vector<1024x1024xf32>
    %reduce_sum3A_1344 = arith.constant dense<0.000000e+00> : vector<1024xf32>
    %reduce_sum3A_1345 = vector.multi_reduction <add>, %convert_element_type3A_1343, %reduce_sum3A_1344 [1] : vector<1024x1024xf32> to vector<1024xf32>
    %broadcast_in_dim3A_1346 = vector.shape_cast %reduce_sum3A_1345 : vector<1024xf32> to vector<1024x1xf32>
    %add3A_1347 = arith.addf %add3A_1335, %broadcast_in_dim3A_1346 : vector<1024x1xf32>
    %get3A_1348 = arith.constant 0 : index
    %get3A_1349 = arith.constant 5120 : index
    %get3A_1350 = vector.load %arg1[%get3A_1348, %get3A_1349] : memref<1x10240xf32, #tpu.memory_space<vmem>>, vector<1x1024xf32>
    %ge3A_1351 = vector.broadcast %get3A_1350 : vector<1x1024xf32> to vector<1024x1024xf32>
    %ge3A_1352 = vector.broadcast %get3A_1285 : vector<1024x1xf32> to vector<1024x1024xf32>
    %ge3A_1353 = arith.cmpf oge, %ge3A_1351, %ge3A_1352 : vector<1024x1024xf32>
    %convert_element_type3A_1354 = arith.extui %ge3A_1353 : vector<1024x1024xi1> to vector<1024x1024xi32>
    %convert_element_type3A_1355 = arith.sitofp %convert_element_type3A_1354 : vector<1024x1024xi32> to vector<1024x1024xf32>
    %reduce_sum3A_1356 = arith.constant dense<0.000000e+00> : vector<1024xf32>
    %reduce_sum3A_1357 = vector.multi_reduction <add>, %convert_element_type3A_1355, %reduce_sum3A_1356 [1] : vector<1024x1024xf32> to vector<1024xf32>
    %broadcast_in_dim3A_1358 = vector.shape_cast %reduce_sum3A_1357 : vector<1024xf32> to vector<1024x1xf32>
    %add3A_1359 = arith.addf %add3A_1347, %broadcast_in_dim3A_1358 : vector<1024x1xf32>
    %get3A_1360 = arith.constant 0 : index
    %get3A_1361 = arith.constant 6144 : index
    %get3A_1362 = vector.load %arg1[%get3A_1360, %get3A_1361] : memref<1x10240xf32, #tpu.memory_space<vmem>>, vector<1x1024xf32>
    %ge3A_1363 = vector.broadcast %get3A_1362 : vector<1x1024xf32> to vector<1024x1024xf32>
    %ge3A_1364 = vector.broadcast %get3A_1285 : vector<1024x1xf32> to vector<1024x1024xf32>
    %ge3A_1365 = arith.cmpf oge, %ge3A_1363, %ge3A_1364 : vector<1024x1024xf32>
    %convert_element_type3A_1366 = arith.extui %ge3A_1365 : vector<1024x1024xi1> to vector<1024x1024xi32>
    %convert_element_type3A_1367 = arith.sitofp %convert_element_type3A_1366 : vector<1024x1024xi32> to vector<1024x1024xf32>
    %reduce_sum3A_1368 = arith.constant dense<0.000000e+00> : vector<1024xf32>
    %reduce_sum3A_1369 = vector.multi_reduction <add>, %convert_element_type3A_1367, %reduce_sum3A_1368 [1] : vector<1024x1024xf32> to vector<1024xf32>
    %broadcast_in_dim3A_1370 = vector.shape_cast %reduce_sum3A_1369 : vector<1024xf32> to vector<1024x1xf32>
    %add3A_1371 = arith.addf %add3A_1359, %broadcast_in_dim3A_1370 : vector<1024x1xf32>
    %get3A_1372 = arith.constant 0 : index
    %get3A_1373 = arith.constant 7168 : index
    %get3A_1374 = vector.load %arg1[%get3A_1372, %get3A_1373] : memref<1x10240xf32, #tpu.memory_space<vmem>>, vector<1x1024xf32>
    %ge3A_1375 = vector.broadcast %get3A_1374 : vector<1x1024xf32> to vector<1024x1024xf32>
    %ge3A_1376 = vector.broadcast %get3A_1285 : vector<1024x1xf32> to vector<1024x1024xf32>
    %ge3A_1377 = arith.cmpf oge, %ge3A_1375, %ge3A_1376 : vector<1024x1024xf32>
    %convert_element_type3A_1378 = arith.extui %ge3A_1377 : vector<1024x1024xi1> to vector<1024x1024xi32>
    %convert_element_type3A_1379 = arith.sitofp %convert_element_type3A_1378 : vector<1024x1024xi32> to vector<1024x1024xf32>
    %reduce_sum3A_1380 = arith.constant dense<0.000000e+00> : vector<1024xf32>
    %reduce_sum3A_1381 = vector.multi_reduction <add>, %convert_element_type3A_1379, %reduce_sum3A_1380 [1] : vector<1024x1024xf32> to vector<1024xf32>
    %broadcast_in_dim3A_1382 = vector.shape_cast %reduce_sum3A_1381 : vector<1024xf32> to vector<1024x1xf32>
    %add3A_1383 = arith.addf %add3A_1371, %broadcast_in_dim3A_1382 : vector<1024x1xf32>
    %get3A_1384 = arith.constant 0 : index
    %get3A_1385 = arith.constant 8192 : index
    %get3A_1386 = vector.load %arg1[%get3A_1384, %get3A_1385] : memref<1x10240xf32, #tpu.memory_space<vmem>>, vector<1x1024xf32>
    %ge3A_1387 = vector.broadcast %get3A_1386 : vector<1x1024xf32> to vector<1024x1024xf32>
    %ge3A_1388 = vector.broadcast %get3A_1285 : vector<1024x1xf32> to vector<1024x1024xf32>
    %ge3A_1389 = arith.cmpf oge, %ge3A_1387, %ge3A_1388 : vector<1024x1024xf32>
    %convert_element_type3A_1390 = arith.extui %ge3A_1389 : vector<1024x1024xi1> to vector<1024x1024xi32>
    %convert_element_type3A_1391 = arith.sitofp %convert_element_type3A_1390 : vector<1024x1024xi32> to vector<1024x1024xf32>
    %reduce_sum3A_1392 = arith.constant dense<0.000000e+00> : vector<1024xf32>
    %reduce_sum3A_1393 = vector.multi_reduction <add>, %convert_element_type3A_1391, %reduce_sum3A_1392 [1] : vector<1024x1024xf32> to vector<1024xf32>
    %broadcast_in_dim3A_1394 = vector.shape_cast %reduce_sum3A_1393 : vector<1024xf32> to vector<1024x1xf32>
    %add3A_1395 = arith.addf %add3A_1383, %broadcast_in_dim3A_1394 : vector<1024x1xf32>
    %get3A_1396 = arith.constant 0 : index
    %get3A_1397 = arith.constant 9216 : index
    %get3A_1398 = vector.load %arg1[%get3A_1396, %get3A_1397] : memref<1x10240xf32, #tpu.memory_space<vmem>>, vector<1x1024xf32>
    %iota3A_1399 = tpu.iota {dimensions = array<i32: 0>} : vector<1024x1xi32>
    %add3A_1400 = arith.constant 9216 : i32
    %add3A_1401 = vector.broadcast %add3A_1400 : i32 to vector<1024x1xi32>
    %add3A_1402 = arith.addi %add3A_1401, %iota3A_1399 : vector<1024x1xi32>
    %iota3A_1403 = tpu.iota {dimensions = array<i32: 1>} : vector<1x1024xi32>
    %add3A_1404 = arith.constant 9216 : i32
    %add3A_1405 = vector.broadcast %add3A_1404 : i32 to vector<1x1024xi32>
    %add3A_1406 = arith.addi %add3A_1405, %iota3A_1403 : vector<1x1024xi32>
    %gt3A_1407 = vector.broadcast %get3A_1398 : vector<1x1024xf32> to vector<1024x1024xf32>
    %gt3A_1408 = vector.broadcast %get3A_1285 : vector<1024x1xf32> to vector<1024x1024xf32>
    %gt3A_1409 = arith.cmpf ogt, %gt3A_1407, %gt3A_1408 : vector<1024x1024xf32>
    %eq3A_1410 = vector.broadcast %get3A_1398 : vector<1x1024xf32> to vector<1024x1024xf32>
    %eq3A_1411 = vector.broadcast %get3A_1285 : vector<1024x1xf32> to vector<1024x1024xf32>
    %eq3A_1412 = arith.cmpf oeq, %eq3A_1410, %eq3A_1411 : vector<1024x1024xf32>
    %lt3A_1413 = vector.broadcast %add3A_1406 : vector<1x1024xi32> to vector<1024x1024xi32>
    %lt3A_1414 = vector.broadcast %add3A_1402 : vector<1024x1xi32> to vector<1024x1024xi32>
    %lt3A_1415 = arith.cmpi slt, %lt3A_1413, %lt3A_1414 : vector<1024x1024xi32>
    %and3A_1416 = arith.andi %eq3A_1412, %lt3A_1415 : vector<1024x1024xi1>
    %or3A_1417 = arith.ori %gt3A_1409, %and3A_1416 : vector<1024x1024xi1>
    %convert_element_type3A_1418 = arith.extui %or3A_1417 : vector<1024x1024xi1> to vector<1024x1024xi32>
    %convert_element_type3A_1419 = arith.sitofp %convert_element_type3A_1418 : vector<1024x1024xi32> to vector<1024x1024xf32>
    %reduce_sum3A_1420 = arith.constant dense<0.000000e+00> : vector<1024xf32>
    %reduce_sum3A_1421 = vector.multi_reduction <add>, %convert_element_type3A_1419, %reduce_sum3A_1420 [1] : vector<1024x1024xf32> to vector<1024xf32>
    %broadcast_in_dim3A_1422 = vector.shape_cast %reduce_sum3A_1421 : vector<1024xf32> to vector<1024x1xf32>
    %add3A_1423 = arith.addf %add3A_1395, %broadcast_in_dim3A_1422 : vector<1024x1xf32>
    %swap3A_1424 = arith.constant 9216 : index
    %swap3A_1425 = arith.constant 0 : index
    %swap3A_1426 = vector.load %arg3[%swap3A_1424, %swap3A_1425] : memref<10240x1xf32, #tpu.memory_space<vmem>>, vector<1024x1xf32>
    tpu.vector_store %arg3[%swap3A_1424, %swap3A_1425], %add3A_1423 {strides = array<i32>} : memref<10240x1xf32, #tpu.memory_space<vmem>>, vector<1024x1xf32>,
    return
  }
  func.func @transform_0(%arg0: i32) -> (i32, i32) {
    %c0_i32 = arith.constant 0 : i32
    %c0_i32_0 = arith.constant 0 : i32
    %c0_i32_1 = arith.constant 0 : i32
    return %c0_i32, %c0_i32_0 : i32, i32
  }
  func.func @transform_1(%arg0: i32) -> (i32, i32) {
    %c0_i32 = arith.constant 0 : i32
    %c0_i32_0 = arith.constant 0 : i32
    %c0_i32_1 = arith.constant 0 : i32
    return %c0_i32, %c0_i32_0 : i32, i32
  }
  func.func @transform_2(%arg0: i32) -> (i32, i32) {
    %c0_i32 = arith.constant 0 : i32
    %c0_i32_0 = arith.constant 0 : i32
    %c0_i32_1 = arith.constant 0 : i32
    return %c0_i32, %c0_i32_0 : i32, i32
  }
}

module attributes {stable_mosaic.version = 14 : i64} {
  func.func @_extract_body(%arg0: i32, %arg1: memref<10240x1xf32, #tpu.memory_space<vmem>>, %arg2: memref<10240x1xf32, #tpu.memory_space<vmem>>, %arg3: memref<1x5120xi32, #tpu.memory_space<vmem>>, %arg4: memref<1x5120xf32, #tpu.memory_space<vmem>>) attributes {dimension_semantics = [#tpu.dimension_semantics<arbitrary>], iteration_bounds = array<i64: 5>, scalar_prefetch = 0 : i64, scratch_operands = 0 : i64, tpu.core_type = #tpu.core_type<tc>, window_params = [{pipeline_mode = #tpu.pipeline_mode<synchronous>, transform_indices = @transform_0, window_bounds = array<i64: 10240, 1>}, {pipeline_mode = #tpu.pipeline_mode<synchronous>, transform_indices = @transform_1, window_bounds = array<i64: 10240, 1>}, {pipeline_mode = #tpu.pipeline_mode<synchronous>, transform_indices = @transform_2, window_bounds = array<i64: 1, 5120>}, {pipeline_mode = #tpu.pipeline_mode<synchronous>, transform_indices = @transform_3, window_bounds = array<i64: 1, 5120>}]} {
    %mul3A = arith.constant 1024 : i32
    %mul3A_0 = arith.muli %arg0, %mul3A : i32
    %iota3A = tpu.iota {dimensions = array<i32: 1>} : vector<1x1024xi32>
    %add3A = vector.broadcast %mul3A_0 : i32 to vector<1x1024xi32>
    %add3A_1 = arith.addi %add3A, %iota3A : vector<1x1024xi32>
    %convert_element_type3A = arith.sitofp %add3A_1 : vector<1x1024xi32> to vector<1x1024xf32>
    %broadcast_in_dim3A = arith.constant 0.000000e+00 : f32
    %broadcast_in_dim3A_2 = vector.broadcast %broadcast_in_dim3A : f32 to vector<1x1024xf32>
    %broadcast_in_dim3A_3 = arith.constant 0.000000e+00 : f32
    %broadcast_in_dim3A_4 = vector.broadcast %broadcast_in_dim3A_3 : f32 to vector<1x1024xf32>
    %get3A = arith.constant 0 : index
    %get3A_5 = arith.constant 0 : index
    %get3A_6 = vector.load %arg1[%get3A, %get3A_5] : memref<10240x1xf32, #tpu.memory_space<vmem>>, vector<1024x1xf32>
    %get3A_7 = arith.constant 0 : index
    %get3A_8 = arith.constant 0 : index
    %get3A_9 = vector.load %arg2[%get3A_7, %get3A_8] : memref<10240x1xf32, #tpu.memory_space<vmem>>, vector<1024x1xf32>
    %iota3A_10 = tpu.iota {dimensions = array<i32: 0>} : vector<1024x1xi32>
    %add3A_11 = arith.constant 0 : i32
    %add3A_12 = vector.broadcast %add3A_11 : i32 to vector<1024x1xi32>
    %add3A_13 = arith.addi %add3A_12, %iota3A_10 : vector<1024x1xi32>
    %convert_element_type3A_14 = arith.sitofp %add3A_13 : vector<1024x1xi32> to vector<1024x1xf32>
    %eq3A = vector.broadcast %get3A_6 : vector<1024x1xf32> to vector<1024x1024xf32>
    %eq3A_15 = vector.broadcast %convert_element_type3A : vector<1x1024xf32> to vector<1024x1024xf32>
    %eq3A_16 = arith.cmpf oeq, %eq3A, %eq3A_15 : vector<1024x1024xf32>
    %jit3A = arith.constant 0.000000e+00 : f32
    %broadcast_in_dim3A_17 = vector.shape_cast %convert_element_type3A_14 : vector<1024x1xf32> to vector<1024x1xf32>
    %broadcast_in_dim3A_18 = vector.broadcast %broadcast_in_dim3A_17 : vector<1024x1xf32> to vector<1024x1024xf32>
    %broadcast_in_dim3A_19 = vector.broadcast %jit3A : f32 to vector<1024x1024xf32>
    %select_n3A = arith.select %eq3A_16, %broadcast_in_dim3A_18, %broadcast_in_dim3A_19 : vector<1024x1024xi1>, vector<1024x1024xf32>
    %reduce_sum3A = arith.constant dense<0.000000e+00> : vector<1024xf32>
    %reduce_sum3A_20 = vector.multi_reduction <add>, %select_n3A, %reduce_sum3A [0] : vector<1024x1024xf32> to vector<1024xf32>
    %broadcast_in_dim3A_21 = vector.shape_cast %reduce_sum3A_20 : vector<1024xf32> to vector<1x1024xf32>
    %add3A_22 = arith.addf %broadcast_in_dim3A_2, %broadcast_in_dim3A_21 : vector<1x1024xf32>
    %jit3A_23 = arith.constant 0.000000e+00 : f32
    %broadcast_in_dim3A_24 = vector.shape_cast %get3A_9 : vector<1024x1xf32> to vector<1024x1xf32>
    %broadcast_in_dim3A_25 = vector.broadcast %broadcast_in_dim3A_24 : vector<1024x1xf32> to vector<1024x1024xf32>
    %broadcast_in_dim3A_26 = vector.broadcast %jit3A_23 : f32 to vector<1024x1024xf32>
    %select_n3A_27 = arith.select %eq3A_16, %broadcast_in_dim3A_25, %broadcast_in_dim3A_26 : vector<1024x1024xi1>, vector<1024x1024xf32>
    %reduce_sum3A_28 = arith.constant dense<0.000000e+00> : vector<1024xf32>
    %reduce_sum3A_29 = vector.multi_reduction <add>, %select_n3A_27, %reduce_sum3A_28 [0] : vector<1024x1024xf32> to vector<1024xf32>
    %broadcast_in_dim3A_30 = vector.shape_cast %reduce_sum3A_29 : vector<1024xf32> to vector<1x1024xf32>
    %add3A_31 = arith.addf %broadcast_in_dim3A_4, %broadcast_in_dim3A_30 : vector<1x1024xf32>
    %get3A_32 = arith.constant 1024 : index
    %get3A_33 = arith.constant 0 : index
    %get3A_34 = vector.load %arg1[%get3A_32, %get3A_33] : memref<10240x1xf32, #tpu.memory_space<vmem>>, vector<1024x1xf32>
    %get3A_35 = arith.constant 1024 : index
    %get3A_36 = arith.constant 0 : index
    %get3A_37 = vector.load %arg2[%get3A_35, %get3A_36] : memref<10240x1xf32, #tpu.memory_space<vmem>>, vector<1024x1xf32>
    %iota3A_38 = tpu.iota {dimensions = array<i32: 0>} : vector<1024x1xi32>
    %add3A_39 = arith.constant 1024 : i32
    %add3A_40 = vector.broadcast %add3A_39 : i32 to vector<1024x1xi32>
    %add3A_41 = arith.addi %add3A_40, %iota3A_38 : vector<1024x1xi32>
    %convert_element_type3A_42 = arith.sitofp %add3A_41 : vector<1024x1xi32> to vector<1024x1xf32>
    %eq3A_43 = vector.broadcast %get3A_34 : vector<1024x1xf32> to vector<1024x1024xf32>
    %eq3A_44 = vector.broadcast %convert_element_type3A : vector<1x1024xf32> to vector<1024x1024xf32>
    %eq3A_45 = arith.cmpf oeq, %eq3A_43, %eq3A_44 : vector<1024x1024xf32>
    %jit3A_46 = arith.constant 0.000000e+00 : f32
    %broadcast_in_dim3A_47 = vector.shape_cast %convert_element_type3A_42 : vector<1024x1xf32> to vector<1024x1xf32>
    %broadcast_in_dim3A_48 = vector.broadcast %broadcast_in_dim3A_47 : vector<1024x1xf32> to vector<1024x1024xf32>
    %broadcast_in_dim3A_49 = vector.broadcast %jit3A_46 : f32 to vector<1024x1024xf32>
    %select_n3A_50 = arith.select %eq3A_45, %broadcast_in_dim3A_48, %broadcast_in_dim3A_49 : vector<1024x1024xi1>, vector<1024x1024xf32>
    %reduce_sum3A_51 = arith.constant dense<0.000000e+00> : vector<1024xf32>
    %reduce_sum3A_52 = vector.multi_reduction <add>, %select_n3A_50, %reduce_sum3A_51 [0] : vector<1024x1024xf32> to vector<1024xf32>
    %broadcast_in_dim3A_53 = vector.shape_cast %reduce_sum3A_52 : vector<1024xf32> to vector<1x1024xf32>
    %add3A_54 = arith.addf %add3A_22, %broadcast_in_dim3A_53 : vector<1x1024xf32>
    %jit3A_55 = arith.constant 0.000000e+00 : f32
    %broadcast_in_dim3A_56 = vector.shape_cast %get3A_37 : vector<1024x1xf32> to vector<1024x1xf32>
    %broadcast_in_dim3A_57 = vector.broadcast %broadcast_in_dim3A_56 : vector<1024x1xf32> to vector<1024x1024xf32>
    %broadcast_in_dim3A_58 = vector.broadcast %jit3A_55 : f32 to vector<1024x1024xf32>
    %select_n3A_59 = arith.select %eq3A_45, %broadcast_in_dim3A_57, %broadcast_in_dim3A_58 : vector<1024x1024xi1>, vector<1024x1024xf32>
    %reduce_sum3A_60 = arith.constant dense<0.000000e+00> : vector<1024xf32>
    %reduce_sum3A_61 = vector.multi_reduction <add>, %select_n3A_59, %reduce_sum3A_60 [0] : vector<1024x1024xf32> to vector<1024xf32>
    %broadcast_in_dim3A_62 = vector.shape_cast %reduce_sum3A_61 : vector<1024xf32> to vector<1x1024xf32>
    %add3A_63 = arith.addf %add3A_31, %broadcast_in_dim3A_62 : vector<1x1024xf32>
    %get3A_64 = arith.constant 2048 : index
    %get3A_65 = arith.constant 0 : index
    %get3A_66 = vector.load %arg1[%get3A_64, %get3A_65] : memref<10240x1xf32, #tpu.memory_space<vmem>>, vector<1024x1xf32>
    %get3A_67 = arith.constant 2048 : index
    %get3A_68 = arith.constant 0 : index
    %get3A_69 = vector.load %arg2[%get3A_67, %get3A_68] : memref<10240x1xf32, #tpu.memory_space<vmem>>, vector<1024x1xf32>
    %iota3A_70 = tpu.iota {dimensions = array<i32: 0>} : vector<1024x1xi32>
    %add3A_71 = arith.constant 2048 : i32
    %add3A_72 = vector.broadcast %add3A_71 : i32 to vector<1024x1xi32>
    %add3A_73 = arith.addi %add3A_72, %iota3A_70 : vector<1024x1xi32>
    %convert_element_type3A_74 = arith.sitofp %add3A_73 : vector<1024x1xi32> to vector<1024x1xf32>
    %eq3A_75 = vector.broadcast %get3A_66 : vector<1024x1xf32> to vector<1024x1024xf32>
    %eq3A_76 = vector.broadcast %convert_element_type3A : vector<1x1024xf32> to vector<1024x1024xf32>
    %eq3A_77 = arith.cmpf oeq, %eq3A_75, %eq3A_76 : vector<1024x1024xf32>
    %jit3A_78 = arith.constant 0.000000e+00 : f32
    %broadcast_in_dim3A_79 = vector.shape_cast %convert_element_type3A_74 : vector<1024x1xf32> to vector<1024x1xf32>
    %broadcast_in_dim3A_80 = vector.broadcast %broadcast_in_dim3A_79 : vector<1024x1xf32> to vector<1024x1024xf32>
    %broadcast_in_dim3A_81 = vector.broadcast %jit3A_78 : f32 to vector<1024x1024xf32>
    %select_n3A_82 = arith.select %eq3A_77, %broadcast_in_dim3A_80, %broadcast_in_dim3A_81 : vector<1024x1024xi1>, vector<1024x1024xf32>
    %reduce_sum3A_83 = arith.constant dense<0.000000e+00> : vector<1024xf32>
    %reduce_sum3A_84 = vector.multi_reduction <add>, %select_n3A_82, %reduce_sum3A_83 [0] : vector<1024x1024xf32> to vector<1024xf32>
    %broadcast_in_dim3A_85 = vector.shape_cast %reduce_sum3A_84 : vector<1024xf32> to vector<1x1024xf32>
    %add3A_86 = arith.addf %add3A_54, %broadcast_in_dim3A_85 : vector<1x1024xf32>
    %jit3A_87 = arith.constant 0.000000e+00 : f32
    %broadcast_in_dim3A_88 = vector.shape_cast %get3A_69 : vector<1024x1xf32> to vector<1024x1xf32>
    %broadcast_in_dim3A_89 = vector.broadcast %broadcast_in_dim3A_88 : vector<1024x1xf32> to vector<1024x1024xf32>
    %broadcast_in_dim3A_90 = vector.broadcast %jit3A_87 : f32 to vector<1024x1024xf32>
    %select_n3A_91 = arith.select %eq3A_77, %broadcast_in_dim3A_89, %broadcast_in_dim3A_90 : vector<1024x1024xi1>, vector<1024x1024xf32>
    %reduce_sum3A_92 = arith.constant dense<0.000000e+00> : vector<1024xf32>
    %reduce_sum3A_93 = vector.multi_reduction <add>, %select_n3A_91, %reduce_sum3A_92 [0] : vector<1024x1024xf32> to vector<1024xf32>
    %broadcast_in_dim3A_94 = vector.shape_cast %reduce_sum3A_93 : vector<1024xf32> to vector<1x1024xf32>
    %add3A_95 = arith.addf %add3A_63, %broadcast_in_dim3A_94 : vector<1x1024xf32>
    %get3A_96 = arith.constant 3072 : index
    %get3A_97 = arith.constant 0 : index
    %get3A_98 = vector.load %arg1[%get3A_96, %get3A_97] : memref<10240x1xf32, #tpu.memory_space<vmem>>, vector<1024x1xf32>
    %get3A_99 = arith.constant 3072 : index
    %get3A_100 = arith.constant 0 : index
    %get3A_101 = vector.load %arg2[%get3A_99, %get3A_100] : memref<10240x1xf32, #tpu.memory_space<vmem>>, vector<1024x1xf32>
    %iota3A_102 = tpu.iota {dimensions = array<i32: 0>} : vector<1024x1xi32>
    %add3A_103 = arith.constant 3072 : i32
    %add3A_104 = vector.broadcast %add3A_103 : i32 to vector<1024x1xi32>
    %add3A_105 = arith.addi %add3A_104, %iota3A_102 : vector<1024x1xi32>
    %convert_element_type3A_106 = arith.sitofp %add3A_105 : vector<1024x1xi32> to vector<1024x1xf32>
    %eq3A_107 = vector.broadcast %get3A_98 : vector<1024x1xf32> to vector<1024x1024xf32>
    %eq3A_108 = vector.broadcast %convert_element_type3A : vector<1x1024xf32> to vector<1024x1024xf32>
    %eq3A_109 = arith.cmpf oeq, %eq3A_107, %eq3A_108 : vector<1024x1024xf32>
    %jit3A_110 = arith.constant 0.000000e+00 : f32
    %broadcast_in_dim3A_111 = vector.shape_cast %convert_element_type3A_106 : vector<1024x1xf32> to vector<1024x1xf32>
    %broadcast_in_dim3A_112 = vector.broadcast %broadcast_in_dim3A_111 : vector<1024x1xf32> to vector<1024x1024xf32>
    %broadcast_in_dim3A_113 = vector.broadcast %jit3A_110 : f32 to vector<1024x1024xf32>
    %select_n3A_114 = arith.select %eq3A_109, %broadcast_in_dim3A_112, %broadcast_in_dim3A_113 : vector<1024x1024xi1>, vector<1024x1024xf32>
    %reduce_sum3A_115 = arith.constant dense<0.000000e+00> : vector<1024xf32>
    %reduce_sum3A_116 = vector.multi_reduction <add>, %select_n3A_114, %reduce_sum3A_115 [0] : vector<1024x1024xf32> to vector<1024xf32>
    %broadcast_in_dim3A_117 = vector.shape_cast %reduce_sum3A_116 : vector<1024xf32> to vector<1x1024xf32>
    %add3A_118 = arith.addf %add3A_86, %broadcast_in_dim3A_117 : vector<1x1024xf32>
    %jit3A_119 = arith.constant 0.000000e+00 : f32
    %broadcast_in_dim3A_120 = vector.shape_cast %get3A_101 : vector<1024x1xf32> to vector<1024x1xf32>
    %broadcast_in_dim3A_121 = vector.broadcast %broadcast_in_dim3A_120 : vector<1024x1xf32> to vector<1024x1024xf32>
    %broadcast_in_dim3A_122 = vector.broadcast %jit3A_119 : f32 to vector<1024x1024xf32>
    %select_n3A_123 = arith.select %eq3A_109, %broadcast_in_dim3A_121, %broadcast_in_dim3A_122 : vector<1024x1024xi1>, vector<1024x1024xf32>
    %reduce_sum3A_124 = arith.constant dense<0.000000e+00> : vector<1024xf32>
    %reduce_sum3A_125 = vector.multi_reduction <add>, %select_n3A_123, %reduce_sum3A_124 [0] : vector<1024x1024xf32> to vector<1024xf32>
    %broadcast_in_dim3A_126 = vector.shape_cast %reduce_sum3A_125 : vector<1024xf32> to vector<1x1024xf32>
    %add3A_127 = arith.addf %add3A_95, %broadcast_in_dim3A_126 : vector<1x1024xf32>
    %get3A_128 = arith.constant 4096 : index
    %get3A_129 = arith.constant 0 : index
    %get3A_130 = vector.load %arg1[%get3A_128, %get3A_129] : memref<10240x1xf32, #tpu.memory_space<vmem>>, vector<1024x1xf32>
    %get3A_131 = arith.constant 4096 : index
    %get3A_132 = arith.constant 0 : index
    %get3A_133 = vector.load %arg2[%get3A_131, %get3A_132] : memref<10240x1xf32, #tpu.memory_space<vmem>>, vector<1024x1xf32>
    %iota3A_134 = tpu.iota {dimensions = array<i32: 0>} : vector<1024x1xi32>
    %add3A_135 = arith.constant 4096 : i32
    %add3A_136 = vector.broadcast %add3A_135 : i32 to vector<1024x1xi32>
    %add3A_137 = arith.addi %add3A_136, %iota3A_134 : vector<1024x1xi32>
    %convert_element_type3A_138 = arith.sitofp %add3A_137 : vector<1024x1xi32> to vector<1024x1xf32>
    %eq3A_139 = vector.broadcast %get3A_130 : vector<1024x1xf32> to vector<1024x1024xf32>
    %eq3A_140 = vector.broadcast %convert_element_type3A : vector<1x1024xf32> to vector<1024x1024xf32>
    %eq3A_141 = arith.cmpf oeq, %eq3A_139, %eq3A_140 : vector<1024x1024xf32>
    %jit3A_142 = arith.constant 0.000000e+00 : f32
    %broadcast_in_dim3A_143 = vector.shape_cast %convert_element_type3A_138 : vector<1024x1xf32> to vector<1024x1xf32>
    %broadcast_in_dim3A_144 = vector.broadcast %broadcast_in_dim3A_143 : vector<1024x1xf32> to vector<1024x1024xf32>
    %broadcast_in_dim3A_145 = vector.broadcast %jit3A_142 : f32 to vector<1024x1024xf32>
    %select_n3A_146 = arith.select %eq3A_141, %broadcast_in_dim3A_144, %broadcast_in_dim3A_145 : vector<1024x1024xi1>, vector<1024x1024xf32>
    %reduce_sum3A_147 = arith.constant dense<0.000000e+00> : vector<1024xf32>
    %reduce_sum3A_148 = vector.multi_reduction <add>, %select_n3A_146, %reduce_sum3A_147 [0] : vector<1024x1024xf32> to vector<1024xf32>
    %broadcast_in_dim3A_149 = vector.shape_cast %reduce_sum3A_148 : vector<1024xf32> to vector<1x1024xf32>
    %add3A_150 = arith.addf %add3A_118, %broadcast_in_dim3A_149 : vector<1x1024xf32>
    %jit3A_151 = arith.constant 0.000000e+00 : f32
    %broadcast_in_dim3A_152 = vector.shape_cast %get3A_133 : vector<1024x1xf32> to vector<1024x1xf32>
    %broadcast_in_dim3A_153 = vector.broadcast %broadcast_in_dim3A_152 : vector<1024x1xf32> to vector<1024x1024xf32>
    %broadcast_in_dim3A_154 = vector.broadcast %jit3A_151 : f32 to vector<1024x1024xf32>
    %select_n3A_155 = arith.select %eq3A_141, %broadcast_in_dim3A_153, %broadcast_in_dim3A_154 : vector<1024x1024xi1>, vector<1024x1024xf32>
    %reduce_sum3A_156 = arith.constant dense<0.000000e+00> : vector<1024xf32>
    %reduce_sum3A_157 = vector.multi_reduction <add>, %select_n3A_155, %reduce_sum3A_156 [0] : vector<1024x1024xf32> to vector<1024xf32>
    %broadcast_in_dim3A_158 = vector.shape_cast %reduce_sum3A_157 : vector<1024xf32> to vector<1x1024xf32>
    %add3A_159 = arith.addf %add3A_127, %broadcast_in_dim3A_158 : vector<1x1024xf32>
    %get3A_160 = arith.constant 5120 : index
    %get3A_161 = arith.constant 0 : index
    %get3A_162 = vector.load %arg1[%get3A_160, %get3A_161] : memref<10240x1xf32, #tpu.memory_space<vmem>>, vector<1024x1xf32>
    %get3A_163 = arith.constant 5120 : index
    %get3A_164 = arith.constant 0 : index
    %get3A_165 = vector.load %arg2[%get3A_163, %get3A_164] : memref<10240x1xf32, #tpu.memory_space<vmem>>, vector<1024x1xf32>
    %iota3A_166 = tpu.iota {dimensions = array<i32: 0>} : vector<1024x1xi32>
    %add3A_167 = arith.constant 5120 : i32
    %add3A_168 = vector.broadcast %add3A_167 : i32 to vector<1024x1xi32>
    %add3A_169 = arith.addi %add3A_168, %iota3A_166 : vector<1024x1xi32>
    %convert_element_type3A_170 = arith.sitofp %add3A_169 : vector<1024x1xi32> to vector<1024x1xf32>
    %eq3A_171 = vector.broadcast %get3A_162 : vector<1024x1xf32> to vector<1024x1024xf32>
    %eq3A_172 = vector.broadcast %convert_element_type3A : vector<1x1024xf32> to vector<1024x1024xf32>
    %eq3A_173 = arith.cmpf oeq, %eq3A_171, %eq3A_172 : vector<1024x1024xf32>
    %jit3A_174 = arith.constant 0.000000e+00 : f32
    %broadcast_in_dim3A_175 = vector.shape_cast %convert_element_type3A_170 : vector<1024x1xf32> to vector<1024x1xf32>
    %broadcast_in_dim3A_176 = vector.broadcast %broadcast_in_dim3A_175 : vector<1024x1xf32> to vector<1024x1024xf32>
    %broadcast_in_dim3A_177 = vector.broadcast %jit3A_174 : f32 to vector<1024x1024xf32>
    %select_n3A_178 = arith.select %eq3A_173, %broadcast_in_dim3A_176, %broadcast_in_dim3A_177 : vector<1024x1024xi1>, vector<1024x1024xf32>
    %reduce_sum3A_179 = arith.constant dense<0.000000e+00> : vector<1024xf32>
    %reduce_sum3A_180 = vector.multi_reduction <add>, %select_n3A_178, %reduce_sum3A_179 [0] : vector<1024x1024xf32> to vector<1024xf32>
    %broadcast_in_dim3A_181 = vector.shape_cast %reduce_sum3A_180 : vector<1024xf32> to vector<1x1024xf32>
    %add3A_182 = arith.addf %add3A_150, %broadcast_in_dim3A_181 : vector<1x1024xf32>
    %jit3A_183 = arith.constant 0.000000e+00 : f32
    %broadcast_in_dim3A_184 = vector.shape_cast %get3A_165 : vector<1024x1xf32> to vector<1024x1xf32>
    %broadcast_in_dim3A_185 = vector.broadcast %broadcast_in_dim3A_184 : vector<1024x1xf32> to vector<1024x1024xf32>
    %broadcast_in_dim3A_186 = vector.broadcast %jit3A_183 : f32 to vector<1024x1024xf32>
    %select_n3A_187 = arith.select %eq3A_173, %broadcast_in_dim3A_185, %broadcast_in_dim3A_186 : vector<1024x1024xi1>, vector<1024x1024xf32>
    %reduce_sum3A_188 = arith.constant dense<0.000000e+00> : vector<1024xf32>
    %reduce_sum3A_189 = vector.multi_reduction <add>, %select_n3A_187, %reduce_sum3A_188 [0] : vector<1024x1024xf32> to vector<1024xf32>
    %broadcast_in_dim3A_190 = vector.shape_cast %reduce_sum3A_189 : vector<1024xf32> to vector<1x1024xf32>
    %add3A_191 = arith.addf %add3A_159, %broadcast_in_dim3A_190 : vector<1x1024xf32>
    %get3A_192 = arith.constant 6144 : index
    %get3A_193 = arith.constant 0 : index
    %get3A_194 = vector.load %arg1[%get3A_192, %get3A_193] : memref<10240x1xf32, #tpu.memory_space<vmem>>, vector<1024x1xf32>
    %get3A_195 = arith.constant 6144 : index
    %get3A_196 = arith.constant 0 : index
    %get3A_197 = vector.load %arg2[%get3A_195, %get3A_196] : memref<10240x1xf32, #tpu.memory_space<vmem>>, vector<1024x1xf32>
    %iota3A_198 = tpu.iota {dimensions = array<i32: 0>} : vector<1024x1xi32>
    %add3A_199 = arith.constant 6144 : i32
    %add3A_200 = vector.broadcast %add3A_199 : i32 to vector<1024x1xi32>
    %add3A_201 = arith.addi %add3A_200, %iota3A_198 : vector<1024x1xi32>
    %convert_element_type3A_202 = arith.sitofp %add3A_201 : vector<1024x1xi32> to vector<1024x1xf32>
    %eq3A_203 = vector.broadcast %get3A_194 : vector<1024x1xf32> to vector<1024x1024xf32>
    %eq3A_204 = vector.broadcast %convert_element_type3A : vector<1x1024xf32> to vector<1024x1024xf32>
    %eq3A_205 = arith.cmpf oeq, %eq3A_203, %eq3A_204 : vector<1024x1024xf32>
    %jit3A_206 = arith.constant 0.000000e+00 : f32
    %broadcast_in_dim3A_207 = vector.shape_cast %convert_element_type3A_202 : vector<1024x1xf32> to vector<1024x1xf32>
    %broadcast_in_dim3A_208 = vector.broadcast %broadcast_in_dim3A_207 : vector<1024x1xf32> to vector<1024x1024xf32>
    %broadcast_in_dim3A_209 = vector.broadcast %jit3A_206 : f32 to vector<1024x1024xf32>
    %select_n3A_210 = arith.select %eq3A_205, %broadcast_in_dim3A_208, %broadcast_in_dim3A_209 : vector<1024x1024xi1>, vector<1024x1024xf32>
    %reduce_sum3A_211 = arith.constant dense<0.000000e+00> : vector<1024xf32>
    %reduce_sum3A_212 = vector.multi_reduction <add>, %select_n3A_210, %reduce_sum3A_211 [0] : vector<1024x1024xf32> to vector<1024xf32>
    %broadcast_in_dim3A_213 = vector.shape_cast %reduce_sum3A_212 : vector<1024xf32> to vector<1x1024xf32>
    %add3A_214 = arith.addf %add3A_182, %broadcast_in_dim3A_213 : vector<1x1024xf32>
    %jit3A_215 = arith.constant 0.000000e+00 : f32
    %broadcast_in_dim3A_216 = vector.shape_cast %get3A_197 : vector<1024x1xf32> to vector<1024x1xf32>
    %broadcast_in_dim3A_217 = vector.broadcast %broadcast_in_dim3A_216 : vector<1024x1xf32> to vector<1024x1024xf32>
    %broadcast_in_dim3A_218 = vector.broadcast %jit3A_215 : f32 to vector<1024x1024xf32>
    %select_n3A_219 = arith.select %eq3A_205, %broadcast_in_dim3A_217, %broadcast_in_dim3A_218 : vector<1024x1024xi1>, vector<1024x1024xf32>
    %reduce_sum3A_220 = arith.constant dense<0.000000e+00> : vector<1024xf32>
    %reduce_sum3A_221 = vector.multi_reduction <add>, %select_n3A_219, %reduce_sum3A_220 [0] : vector<1024x1024xf32> to vector<1024xf32>
    %broadcast_in_dim3A_222 = vector.shape_cast %reduce_sum3A_221 : vector<1024xf32> to vector<1x1024xf32>
    %add3A_223 = arith.addf %add3A_191, %broadcast_in_dim3A_222 : vector<1x1024xf32>
    %get3A_224 = arith.constant 7168 : index
    %get3A_225 = arith.constant 0 : index
    %get3A_226 = vector.load %arg1[%get3A_224, %get3A_225] : memref<10240x1xf32, #tpu.memory_space<vmem>>, vector<1024x1xf32>
    %get3A_227 = arith.constant 7168 : index
    %get3A_228 = arith.constant 0 : index
    %get3A_229 = vector.load %arg2[%get3A_227, %get3A_228] : memref<10240x1xf32, #tpu.memory_space<vmem>>, vector<1024x1xf32>
    %iota3A_230 = tpu.iota {dimensions = array<i32: 0>} : vector<1024x1xi32>
    %add3A_231 = arith.constant 7168 : i32
    %add3A_232 = vector.broadcast %add3A_231 : i32 to vector<1024x1xi32>
    %add3A_233 = arith.addi %add3A_232, %iota3A_230 : vector<1024x1xi32>
    %convert_element_type3A_234 = arith.sitofp %add3A_233 : vector<1024x1xi32> to vector<1024x1xf32>
    %eq3A_235 = vector.broadcast %get3A_226 : vector<1024x1xf32> to vector<1024x1024xf32>
    %eq3A_236 = vector.broadcast %convert_element_type3A : vector<1x1024xf32> to vector<1024x1024xf32>
    %eq3A_237 = arith.cmpf oeq, %eq3A_235, %eq3A_236 : vector<1024x1024xf32>
    %jit3A_238 = arith.constant 0.000000e+00 : f32
    %broadcast_in_dim3A_239 = vector.shape_cast %convert_element_type3A_234 : vector<1024x1xf32> to vector<1024x1xf32>
    %broadcast_in_dim3A_240 = vector.broadcast %broadcast_in_dim3A_239 : vector<1024x1xf32> to vector<1024x1024xf32>
    %broadcast_in_dim3A_241 = vector.broadcast %jit3A_238 : f32 to vector<1024x1024xf32>
    %select_n3A_242 = arith.select %eq3A_237, %broadcast_in_dim3A_240, %broadcast_in_dim3A_241 : vector<1024x1024xi1>, vector<1024x1024xf32>
    %reduce_sum3A_243 = arith.constant dense<0.000000e+00> : vector<1024xf32>
    %reduce_sum3A_244 = vector.multi_reduction <add>, %select_n3A_242, %reduce_sum3A_243 [0] : vector<1024x1024xf32> to vector<1024xf32>
    %broadcast_in_dim3A_245 = vector.shape_cast %reduce_sum3A_244 : vector<1024xf32> to vector<1x1024xf32>
    %add3A_246 = arith.addf %add3A_214, %broadcast_in_dim3A_245 : vector<1x1024xf32>
    %jit3A_247 = arith.constant 0.000000e+00 : f32
    %broadcast_in_dim3A_248 = vector.shape_cast %get3A_229 : vector<1024x1xf32> to vector<1024x1xf32>
    %broadcast_in_dim3A_249 = vector.broadcast %broadcast_in_dim3A_248 : vector<1024x1xf32> to vector<1024x1024xf32>
    %broadcast_in_dim3A_250 = vector.broadcast %jit3A_247 : f32 to vector<1024x1024xf32>
    %select_n3A_251 = arith.select %eq3A_237, %broadcast_in_dim3A_249, %broadcast_in_dim3A_250 : vector<1024x1024xi1>, vector<1024x1024xf32>
    %reduce_sum3A_252 = arith.constant dense<0.000000e+00> : vector<1024xf32>
    %reduce_sum3A_253 = vector.multi_reduction <add>, %select_n3A_251, %reduce_sum3A_252 [0] : vector<1024x1024xf32> to vector<1024xf32>
    %broadcast_in_dim3A_254 = vector.shape_cast %reduce_sum3A_253 : vector<1024xf32> to vector<1x1024xf32>
    %add3A_255 = arith.addf %add3A_223, %broadcast_in_dim3A_254 : vector<1x1024xf32>
    %get3A_256 = arith.constant 8192 : index
    %get3A_257 = arith.constant 0 : index
    %get3A_258 = vector.load %arg1[%get3A_256, %get3A_257] : memref<10240x1xf32, #tpu.memory_space<vmem>>, vector<1024x1xf32>
    %get3A_259 = arith.constant 8192 : index
    %get3A_260 = arith.constant 0 : index
    %get3A_261 = vector.load %arg2[%get3A_259, %get3A_260] : memref<10240x1xf32, #tpu.memory_space<vmem>>, vector<1024x1xf32>
    %iota3A_262 = tpu.iota {dimensions = array<i32: 0>} : vector<1024x1xi32>
    %add3A_263 = arith.constant 8192 : i32
    %add3A_264 = vector.broadcast %add3A_263 : i32 to vector<1024x1xi32>
    %add3A_265 = arith.addi %add3A_264, %iota3A_262 : vector<1024x1xi32>
    %convert_element_type3A_266 = arith.sitofp %add3A_265 : vector<1024x1xi32> to vector<1024x1xf32>
    %eq3A_267 = vector.broadcast %get3A_258 : vector<1024x1xf32> to vector<1024x1024xf32>
    %eq3A_268 = vector.broadcast %convert_element_type3A : vector<1x1024xf32> to vector<1024x1024xf32>
    %eq3A_269 = arith.cmpf oeq, %eq3A_267, %eq3A_268 : vector<1024x1024xf32>
    %jit3A_270 = arith.constant 0.000000e+00 : f32
    %broadcast_in_dim3A_271 = vector.shape_cast %convert_element_type3A_266 : vector<1024x1xf32> to vector<1024x1xf32>
    %broadcast_in_dim3A_272 = vector.broadcast %broadcast_in_dim3A_271 : vector<1024x1xf32> to vector<1024x1024xf32>
    %broadcast_in_dim3A_273 = vector.broadcast %jit3A_270 : f32 to vector<1024x1024xf32>
    %select_n3A_274 = arith.select %eq3A_269, %broadcast_in_dim3A_272, %broadcast_in_dim3A_273 : vector<1024x1024xi1>, vector<1024x1024xf32>
    %reduce_sum3A_275 = arith.constant dense<0.000000e+00> : vector<1024xf32>
    %reduce_sum3A_276 = vector.multi_reduction <add>, %select_n3A_274, %reduce_sum3A_275 [0] : vector<1024x1024xf32> to vector<1024xf32>
    %broadcast_in_dim3A_277 = vector.shape_cast %reduce_sum3A_276 : vector<1024xf32> to vector<1x1024xf32>
    %add3A_278 = arith.addf %add3A_246, %broadcast_in_dim3A_277 : vector<1x1024xf32>
    %jit3A_279 = arith.constant 0.000000e+00 : f32
    %broadcast_in_dim3A_280 = vector.shape_cast %get3A_261 : vector<1024x1xf32> to vector<1024x1xf32>
    %broadcast_in_dim3A_281 = vector.broadcast %broadcast_in_dim3A_280 : vector<1024x1xf32> to vector<1024x1024xf32>
    %broadcast_in_dim3A_282 = vector.broadcast %jit3A_279 : f32 to vector<1024x1024xf32>
    %select_n3A_283 = arith.select %eq3A_269, %broadcast_in_dim3A_281, %broadcast_in_dim3A_282 : vector<1024x1024xi1>, vector<1024x1024xf32>
    %reduce_sum3A_284 = arith.constant dense<0.000000e+00> : vector<1024xf32>
    %reduce_sum3A_285 = vector.multi_reduction <add>, %select_n3A_283, %reduce_sum3A_284 [0] : vector<1024x1024xf32> to vector<1024xf32>
    %broadcast_in_dim3A_286 = vector.shape_cast %reduce_sum3A_285 : vector<1024xf32> to vector<1x1024xf32>
    %add3A_287 = arith.addf %add3A_255, %broadcast_in_dim3A_286 : vector<1x1024xf32>
    %get3A_288 = arith.constant 9216 : index
    %get3A_289 = arith.constant 0 : index
    %get3A_290 = vector.load %arg1[%get3A_288, %get3A_289] : memref<10240x1xf32, #tpu.memory_space<vmem>>, vector<1024x1xf32>
    %get3A_291 = arith.constant 9216 : index
    %get3A_292 = arith.constant 0 : index
    %get3A_293 = vector.load %arg2[%get3A_291, %get3A_292] : memref<10240x1xf32, #tpu.memory_space<vmem>>, vector<1024x1xf32>
    %iota3A_294 = tpu.iota {dimensions = array<i32: 0>} : vector<1024x1xi32>
    %add3A_295 = arith.constant 9216 : i32
    %add3A_296 = vector.broadcast %add3A_295 : i32 to vector<1024x1xi32>
    %add3A_297 = arith.addi %add3A_296, %iota3A_294 : vector<1024x1xi32>
    %convert_element_type3A_298 = arith.sitofp %add3A_297 : vector<1024x1xi32> to vector<1024x1xf32>
    %eq3A_299 = vector.broadcast %get3A_290 : vector<1024x1xf32> to vector<1024x1024xf32>
    %eq3A_300 = vector.broadcast %convert_element_type3A : vector<1x1024xf32> to vector<1024x1024xf32>
    %eq3A_301 = arith.cmpf oeq, %eq3A_299, %eq3A_300 : vector<1024x1024xf32>
    %jit3A_302 = arith.constant 0.000000e+00 : f32
    %broadcast_in_dim3A_303 = vector.shape_cast %convert_element_type3A_298 : vector<1024x1xf32> to vector<1024x1xf32>
    %broadcast_in_dim3A_304 = vector.broadcast %broadcast_in_dim3A_303 : vector<1024x1xf32> to vector<1024x1024xf32>
    %broadcast_in_dim3A_305 = vector.broadcast %jit3A_302 : f32 to vector<1024x1024xf32>
    %select_n3A_306 = arith.select %eq3A_301, %broadcast_in_dim3A_304, %broadcast_in_dim3A_305 : vector<1024x1024xi1>, vector<1024x1024xf32>
    %reduce_sum3A_307 = arith.constant dense<0.000000e+00> : vector<1024xf32>
    %reduce_sum3A_308 = vector.multi_reduction <add>, %select_n3A_306, %reduce_sum3A_307 [0] : vector<1024x1024xf32> to vector<1024xf32>
    %broadcast_in_dim3A_309 = vector.shape_cast %reduce_sum3A_308 : vector<1024xf32> to vector<1x1024xf32>
    %add3A_310 = arith.addf %add3A_278, %broadcast_in_dim3A_309 : vector<1x1024xf32>
    %jit3A_311 = arith.constant 0.000000e+00 : f32
    %broadcast_in_dim3A_312 = vector.shape_cast %get3A_293 : vector<1024x1xf32> to vector<1024x1xf32>
    %broadcast_in_dim3A_313 = vector.broadcast %broadcast_in_dim3A_312 : vector<1024x1xf32> to vector<1024x1024xf32>
    %broadcast_in_dim3A_314 = vector.broadcast %jit3A_311 : f32 to vector<1024x1024xf32>
    %select_n3A_315 = arith.select %eq3A_301, %broadcast_in_dim3A_313, %broadcast_in_dim3A_314 : vector<1024x1024xi1>, vector<1024x1024xf32>
    %reduce_sum3A_316 = arith.constant dense<0.000000e+00> : vector<1024xf32>
    %reduce_sum3A_317 = vector.multi_reduction <add>, %select_n3A_315, %reduce_sum3A_316 [0] : vector<1024x1024xf32> to vector<1024xf32>
    %broadcast_in_dim3A_318 = vector.shape_cast %reduce_sum3A_317 : vector<1024xf32> to vector<1x1024xf32>
    %add3A_319 = arith.addf %add3A_287, %broadcast_in_dim3A_318 : vector<1x1024xf32>
    %convert_element_type3A_320 = arith.fptosi %add3A_310 : vector<1x1024xf32> to vector<1x1024xi32>
    %mul3A_321 = arith.constant 1024 : i32
    %mul3A_322 = arith.muli %arg0, %mul3A_321 : i32
    %swap3A = arith.constant 0 : index
    %swap3A_323 = arith.index_cast %mul3A_322 : i32 to index
    %swap3A_324 = vector.load %arg3[%swap3A, %swap3A_323] : memref<1x5120xi32, #tpu.memory_space<vmem>>, vector<1x1024xi32>
    tpu.vector_store %arg3[%swap3A, %swap3A_323], %convert_element_type3A_320 {strides = array<i32>} : memref<1x5120xi32, #tpu.memory_space<vmem>>, vector<1x1024xi32>,
    %mul3A_325 = arith.constant 1024 : i32
    %mul3A_326 = arith.muli %arg0, %mul3A_325 : i32
    %swap3A_327 = arith.constant 0 : index
    %swap3A_328 = arith.index_cast %mul3A_326 : i32 to index
    %swap3A_329 = vector.load %arg4[%swap3A_327, %swap3A_328] : memref<1x5120xf32, #tpu.memory_space<vmem>>, vector<1x1024xf32>
    tpu.vector_store %arg4[%swap3A_327, %swap3A_328], %add3A_319 {strides = array<i32>} : memref<1x5120xf32, #tpu.memory_space<vmem>>, vector<1x1024xf32>,
    return
  }
  func.func @transform_0(%arg0: i32) -> (i32, i32) {
    %c0_i32 = arith.constant 0 : i32
    %c0_i32_0 = arith.constant 0 : i32
    %c0_i32_1 = arith.constant 0 : i32
    return %c0_i32, %c0_i32_0 : i32, i32
  }
  func.func @transform_1(%arg0: i32) -> (i32, i32) {
    %c0_i32 = arith.constant 0 : i32
    %c0_i32_0 = arith.constant 0 : i32
    %c0_i32_1 = arith.constant 0 : i32
    return %c0_i32, %c0_i32_0 : i32, i32
  }
  func.func @transform_2(%arg0: i32) -> (i32, i32) {
    %c0_i32 = arith.constant 0 : i32
    %c0_i32_0 = arith.constant 0 : i32
    %c0_i32_1 = arith.constant 0 : i32
    return %c0_i32, %c0_i32_0 : i32, i32
  }
  func.func @transform_3(%arg0: i32) -> (i32, i32) {
    %c0_i32 = arith.constant 0 : i32
    %c0_i32_0 = arith.constant 0 : i32
    %c0_i32_1 = arith.constant 0 : i32
    return %c0_i32, %c0_i32_0 : i32, i32
  }
}

</mosaic_0001>

<sc_bundles>
// kernel: kernel.5.cloned.1.call-start
scs
__scs_entry_jumppad:
0x0: {  	(pc) =	sbr.rel $0x88, $3  }
0x1: {  	(tag) =	ssettag $0x0;
	lr =	simm.s32 $0x1  }
0x2: {  	[smem:$0x3F9E] =	sst lr;
	_ =	strace $0xD0000000  }
0x3: {  	_ = 	snop  }
0x4: {  	_ = 	snop  }
0x5: {  	_ = 	snop  }
0x6: {  	_ = 	snop  }
0x7: {  	_ = 	snop  }
__scs_overlays_trampoline_lowered:
0x8: {  	[smem:$0x3FAD] =	sst s0  }
0x9: {  	[smem:$0x3FAE] =	sst s1  }
0xa: {  	[smem:$0x3FAF] =	sst s2  }
0xb: {  	[smem:$0x3FB0] =	sst s3  }
0xc: {  	[smem:$0x3FB1] =	sst s4  }
0xd: {  	[smem:$0x3FB2] =	sst s5  }
0xe: {  	[smem:$0x3FB3] =	sst s6  }
0xf: {  	[smem:$0x3FB4] =	sst s7  }
0x10: {  	[smem:$0x3FB5] =	sst s8  }
0x11: {  	[smem:$0x3FB6] =	sst s9;
	s0 =	simm.s32 @!p0 $0x0  }
0x12: {  	s1 =	sld [smem:$0x3F9C];
	s0 =	simm.s32 @p0 $0x1  }
0x13: {  	[smem:$0x3FB7] =	sst s0;
	s0 =	simm.s32 @!p1 $0x0  }
0x14: {  	s2 =	sld [smem:$0x3F9B];
	s0 =	simm.s32 @p1 $0x1  }
0x15: {  	[smem:$0x3FB8] =	sst s0;
	s0 =	simm.s32 @!p2 $0x0  }
0x16: {  	s3 =	sld [smem:$0x3FDB];
	s0 =	simm.s32 @p2 $0x1  }
0x17: {  	s4 =	simm.s32 $0x1BF5;
	[smem:$0x3FBA] =	sst s0  }
0x18: {  	s0 =	sld [smem:$0x3F9D];
	_ =	swait.ge [sflag:s4], $0x0  }
0x19: {  	s7 =	sld [smem:$0x3F9E]  }
0x1a: {  	s8 =	sadd.s32 $0xFFFFE003, lr  }
0x1b: {  	s9 =	sadd.s32 $0xFFFFFEF7, lr;
	s5 =	simm.s32 $0xFFFFFFFF;
	p2 =	slt.u32 s8, $0xFFFFF086  }
0x1c: {  	p1 =	slt.u32 s9, $0xF7A;
	s5 =	simm.s32 @!p2 $0x0  }
0x1d: {  	s5 =	simm.s32 @p1 $0x1;
	p0 =	seq.s32 s7, s2  }
0x1e: {  	s7 =	smul.u32 @!p0 $0xF7A, s2;
	p2 =	seq.s32 @!p0 s5, $0x0  }
0x1f: {  	s9 =	smul.u32 $0xF7A, s1;
	s8 =	simm.s32 @!p0 $0x1BF5;
	p2 =	por !p2, p0  }
0x20: {  	[sflag:s8] =	ssyncset.s32 @!p0 $0xFFFFF086;
	s6 =	sadd.s32 @!p0 s3, s7;
	s7 =	simm.s32 @!p0 $0x108  }
0x21: {  	s3 =	sadd.s32 s3, s9;
	s6 =	sadd.s32 @!p0 $0x88, s6;
	s7 =	simm.s32 @p2 $0x1082  }
0x22: {  	[simem:s7], [sflag:s8] =	dma.local @!p0 [hbm:s6], $0xF7A  }
0x23: {  	s9 =	sor.u32 $0xD0000000, s2;
	s6 =	simm.s32 $0x108;
	_ =	swait.ge @!p0 [sflag:s8], $0x0  }
0x24: {  	s3 =	sadd.s32 $0x88, s3;
	s6 =	simm.s32 @!p1 $0x1082;
	[sflag:s4] =	ssyncset.s32 $0xFFFFF086  }
0x25: {  	[simem:s6], [sflag:s4] =	dma.local [hbm:s3], $0xF7A  }
0x26: {  	[smem:$0x3F9E] =	sst s1;
	(tag) =	ssettag s2;
	_ =	strace s9  }
0x27: {  	s1 =	sld [smem:$0x3FAE]  }
0x28: {  	s2 =	sld [smem:$0x3FAF]  }
0x29: {  	s4 =	sld [smem:$0x3FB1]  }
0x2a: {  	p0 =	seq.s32 s5, $0x0;
	s5 =	sld [smem:$0x3FB2]  }
0x2b: {  	s6 =	sld [smem:$0x3FB3]  }
0x2c: {  	s7 =	sld [smem:$0x3FB4]  }
0x2d: {  	s3 =	simm.s32 $0x108;
	s8 =	sld [smem:$0x3FB5]  }
0x2e: {  	s3 =	simm.s32 @!p0 $0x1082;
	s9 =	sld [smem:$0x3FB6]  }
0x2f: {  	lr =	sadd.s32 s0, s3;
	s0 =	sld [smem:$0x3FAD]  }
0x30: {  	s3 =	sld [smem:$0x3FB0]  }
0x31: {  	[smem:$0x3FB9] =	sst s10  }
0x32: {  	s10 =	sld [smem:$0x3FB7];
	_ =	sdelay $0x3  }
0x33: {  	p0 =	seq.s32 s10, $0x1;
	s10 =	sld [smem:$0x3FB9];
	_ =	sdelay $0x3  }
0x34: {  	[smem:$0x3FB9] =	sst s10  }
0x35: {  	s10 =	sld [smem:$0x3FB8];
	_ =	sdelay $0x3  }
0x36: {  	p1 =	seq.s32 s10, $0x1;
	s10 =	sld [smem:$0x3FB9];
	_ =	sdelay $0x3  }
0x37: {  	[smem:$0x3FB9] =	sst s10  }
0x38: {  	s10 =	sld [smem:$0x3FBA]  }
0x39: {  	_ = 	snop;
	(pc) =	sbr.ind lr, $3  }
0x3a: {  	_ = 	snop  }
0x3b: {  	_ = 	snop  }
0x3c: {  	p2 =	seq.s32 s10, $0x1;
	s10 =	sld [smem:$0x3FB9]  }
0x3d: {  	_ =	shalt  }
0x3e: {  	_ =	shalt  }
0x3f: {  	_ =	shalt  }
0x40: {  	_ =	shalt  }
0x41: {  	_ =	shalt  }
0x42: {  	_ =	shalt  }
0x43: {  	_ =	shalt  }
0x44: {  	_ =	shalt  }
0x45: {  	_ =	shalt  }
0x46: {  	_ =	shalt  }
0x47: {  	_ =	shalt  }
0x48: {  	_ =	shalt  }
0x49: {  	_ =	shalt  }
0x4a: {  	_ =	shalt  }
0x4b: {  	_ =	shalt  }
0x4c: {  	_ =	shalt  }
0x4d: {  	_ =	shalt  }
0x4e: {  	_ =	shalt  }
0x4f: {  	_ =	shalt  }
0x50: {  	_ =	shalt  }
0x51: {  	_ =	shalt  }
0x52: {  	_ =	shalt  }
0x53: {  	_ =	shalt  }
0x54: {  	_ =	shalt  }
0x55: {  	_ =	shalt  }
0x56: {  	_ =	shalt  }
0x57: {  	_ =	shalt  }
0x58: {  	_ =	shalt  }
0x59: {  	_ =	shalt  }
0x5a: {  	_ =	shalt  }
0x5b: {  	_ =	shalt  }
0x5c: {  	_ =	shalt  }
0x5d: {  	_ =	shalt  }
0x5e: {  	_ =	shalt  }
0x5f: {  	_ =	shalt  }
0x60: {  	_ =	shalt  }
0x61: {  	_ =	shalt  }
0x62: {  	_ =	shalt  }
0x63: {  	_ =	shalt  }
0x64: {  	_ =	shalt  }
0x65: {  	_ =	shalt  }
0x66: {  	_ =	shalt  }
0x67: {  	_ =	shalt  }
0x68: {  	_ =	shalt  }
0x69: {  	_ =	shalt  }
0x6a: {  	_ =	shalt  }
0x6b: {  	_ =	shalt  }
0x6c: {  	_ =	shalt  }
0x6d: {  	_ =	shalt  }
0x6e: {  	_ =	shalt  }
0x6f: {  	_ =	shalt  }
0x70: {  	_ =	shalt  }
0x71: {  	_ =	shalt  }
0x72: {  	_ =	shalt  }
0x73: {  	_ =	shalt  }
0x74: {  	_ =	shalt  }
0x75: {  	_ =	shalt  }
0x76: {  	_ =	shalt  }
0x77: {  	_ =	shalt  }
0x78: {  	_ =	shalt  }
0x79: {  	_ =	shalt  }
0x7a: {  	_ =	shalt  }
0x7b: {  	_ =	shalt  }
0x7c: {  	_ =	shalt  }
0x7d: {  	_ =	shalt  }
0x7e: {  	_ =	shalt  }
0x7f: {  	_ =	shalt  }
0x80: {  	_ =	shalt  }
0x81: {  	_ =	shalt  }
0x82: {  	_ =	shalt  }
0x83: {  	_ =	shalt  }
0x84: {  	_ =	shalt  }
0x85: {  	_ =	shalt  }
0x86: {  	_ =	shalt  }
0x87: {  	_ =	shalt  }
.Lfunc_end0:
.L_simem_size_0:
called_computation_lowered:
.L_overlay_start_0:
0x88: {  	s2 =	sld [smem:$0x3FD9]  }
0x89: {  	s3 =	sld [smem:$0x3FFE];
	_ =	sdelay $0x1  }
0x8a: {  	s1 =	srdreg.scid  }
0x8b: {  	s0 =	sand.u32 $0x1, s1  }
0x8c: {  	s14 =	sshll.u32 s0, $0xA;
	s2 =	sadd.s32 s3, s2  }
0x8d: {  	s2 =	sadd.s32 s2, s14  }
0x8e: {  	[smem:$0x3FC5] =	sst s2  }
0x8f: {  	_ = 	snop  }
0x90: {  	s2 =	sld [smem:$0x3FD0];
	_ =	sdelay $0x2  }
0x91: {  	s4 =	simm.s32 $0xA;
	s5 =	simm.s32 $0x10;
	s15 =	sld [smem:$0x3FC8]  }
0x92: {  	[smem:s5], [sflag:s4] =	dma.local [hbm:s2], $0x1  }
0x93: {  	_ =	swait.eq [sflag:s4], $0x1  }
0x94: {  	[sflag:s4] =	ssyncset.done $0x0  }
0x95: {  	s16 =	sld [smem:$0x10];
	[sflag:s4] =	ssyncadd.s32 $0xFFFFFFFF  }
0x96: {  	s17 =	sld [smem:$0x11];
	(tm) =	ssettm $0x1  }
0x97: {  	s18 =	sld [smem:$0x3FFB];
	_ =	sdelay $0x3  }
0x98: {  	_ =	strace s18  }
0x99: {  	s5 =	sld [smem:$0x3FFC];
	_ =	sdelay $0x3  }
0x9a: {  	_ =	strace s5  }
0x9b: {  	s5 =	sld [smem:$0x3FFD];
	_ =	sdelay $0x3  }
0x9c: {  	_ =	strace s5  }
0x9d: {  	_ =	strace $0x8FFFFFFF  }
0x9e: {  	s19 =	sld [smem:$0x3FDB];
	_ =	sdelay $0x1  }
0x9f: {  	s6 =	simm.s32 $_scs_section_size  }
0xa0: {  	s7 =	simm.s32 $_size__tile_overlayer_lowered;
	s8 =	simm.s32 $_tile_overlayer_lowered  }
0xa1: {  	s22 =	simm.s32 $0x1BFF;
	s21 =	sshll.u32 s8, $0x1;
	s5 =	sadd.s32 s6, s19  }
0xa2: {  	s9 =	simm.s32 $0x0;
	s20 =	sshll.u32 s7, $0x1;
	s7 =	sadd.s32 s21, s5  }
0xa3: {  	[timem:s9], [sflag:s22] =	dma.local [hbm:s7], s20  }
0xa4: {  	_ =	swait.ge [sflag:s22], s20  }
0xa5: {  	s6 =	ssub.s32 $0x0, s20;
	[sflag:s22] =	ssyncset.done $0x0  }
0xa6: {  	[sflag:s22] =	ssyncadd.s32 s6;
	_ =	sdelay $0x1  }
0xa7: {  	s23 =	simm.s32 $0x1B8B  }
0xa8: {  	_ =	swait.ge [sflag:s23], $0x1  }
0xa9: {  	[sflag:s23] =	ssyncset.done $0x0  }
0xaa: {  	s25 =	simm.s32 $0x1B8E;
	s24 =	sld [smem:$0x3FFE];
	[sflag:s23] =	ssyncadd.s32 $0xFFFFFFFF  }
0xab: {  	s26 =	simm.s32 $execute0_lowered;
	[smem:$0x3FD2] =	sst s25  }
0xac: {  	s7 =	sshll.u32 s26, $0x1;
	_ =	strace $0x80000046;
	[dreg:$0x1] =	wrdreg $0xFFFFFFFF  }
0xad: {  	s28 =	simm.s32 $_size_execute0_lowered;
	s5 =	sadd.s32 s5, s7;
	[dreg:$0x0] =	wrdreg $0x0  }
0xae: {  	s7 =	sshll.u32 s28, $0x1;
	[dreg:$0x2] =	wrdreg s5  }
0xaf: {  	[dreg:$0x3] =	wrdreg s7  }
0xb0: {  	[dreg:$0x4] =	wrdreg $0xC0  }
0xb1: {  	_ =	task [dreg:s9], $0x5FFFF  }
0xb2: {  	[dreg:$0x1] =	wrdreg $0xFFFFFFFF  }
0xb3: {  	[dreg:$0x0] =	wrdreg $0x60  }
0xb4: {  	[dreg:$0x2] =	wrdreg s24  }
0xb5: {  	[dreg:$0x3] =	wrdreg s15  }
0xb6: {  	[dreg:$0x4] =	wrdreg s16  }
0xb7: {  	[dreg:$0x5] =	wrdreg s17  }
0xb8: {  	[dreg:$0x6] =	wrdreg $0x9  }
0xb9: {  	_ =	task.clear_ibuf [dreg:s9], $0x7FFFF;
	_ =	strace $0x90000046  }
0xba: {  	s29 =	simm.s32 $0x9;
	_ =	strace $0x80000048  }
0xbb: {  	_ =	swait.ge [sflag:s29], $0x1  }
0xbc: {  	[sflag:s29] =	ssyncadd.s32 $0xFFFFFFFF  }
0xbd: {  	_ =	strace $0x90000048  }
0xbe: {  	_ =	sfence  }
0xbf: {  	s30 =	sld [smem:$0x0];
	_ =	sdelay $0x2  }
0xc0: {  	s31 =	sshll.u32 s1, $0xD;
	s1 =	sshrl.u32 s1, $0x2  }
0xc1: {  	s3 =	sand.u32 $0x4000, s31;
	s1 =	sadd.s32 s1, s30  }
0xc2: {  	s0 =	sor.u32 s3, s0;
	s1 =	sshll.u32 s1, $0x11  }
0xc3: {  	s0 =	sor.u32 s1, s0  }
0xc4: {  	s0 =	sadd.s32 $0x8F2B, s0  }
0xc5: {  	[sflag:s0] =	ssyncadd.remote.s32 $0x1  }
0xc6: {  	_ =	sfence.sel $0xFFFF  }
0xc7: {  	[dreg:$0x0] =	wrdreg $0xFFFFFFFF;
	(pc) =	sbr.abs _section_cstart, $3  }
0xc8: {  	[dreg:$0x1] =	wrdreg $0xFFFFFFFF  }
0xc9: {  	_ =	task.clear_ibuf [dreg:s9], $0x2FFFF;
	_ =	strace $0x9FFFFFFF  }
0xca: {  	(tm) =	ssettm $0x7FFFFFFF  }
0xcb: {  	_ =	shalt  }
tec
execute0_lowered:
.L_overlay_start_1:
0x0: {  	(tag) =	ssettag $0x1  }
0x1: {  	s8 =	rddreg [dreg:$0x0]  }
0x2: {  	s2 =	rddreg [dreg:$0x1]  }
0x3: {  	s0 =	rddreg [dreg:$0x2]  }
0x4: {  	s1 =	srdreg.scid;
	s11 =	stileid.u32  }
0x5: {  	s4 =	rddreg [dreg:$0x3];
	s5 =	simm.s32 $0x0;
	s14 =	simm.s32 $0x3  }
0x6: {  	s15 =	simm.s32 $0x19E50;
	s17 =	simm.s32 $0x4;
	s19 =	simm.s32 $0x1  }
0x7: {  	s20 =	simm.s32 $0x2;
	s21 =	simm.s32 $0x13C80;
	s22 =	simm.s32 $0x1A990  }
0x8: {  	s23 =	simm.s32 $0x15010;
	s24 =	simm.s32 $0x1AA10;
	s25 =	simm.s32 $0x163A0  }
0x9: {  	s28 =	simm.s32 $0x17730;
	s29 =	simm.s32 $0x1AB10;
	s30 =	simm.s32 $0x9C40  }
0xa: {  	s31 =	simm.s32 $0x0;
	s1 =	sand.u32 $0x1, s1;
	s3 =	sshll.u32 s11, $0x1  }
0xb: {  	[smem:$0x7FF] =	sst s5;
	s6 =	sadd.s32 $0xA00, s8;
	s3 =	sor.u32 s1, s3  }
0xc: {  	p0 =	seq.s32 s11, $0x0;
	s1 =	ssub.s32 $0x2, s1;
	s7 =	smul.u32 $0x28, s3  }
.Ltmp0:
0xd: {  	_ =	strace $0x80000047;
	s10 =	sshrl.u32 s1, $0x1;
	(pc) =	sbr.rel .LBB2_1-.Ltmp0, $4  }
0xe: {  	s26 =	smul.u32 $0x140, s3;
	s11 =	sshll.u32 s3, $0x2;
	s1 =	ssub.s32 s1, s10  }
0xf: {  	s9 =	sadd.s32 s7, s8;
	s7 =	sadd.s32 $0xBEC800, s8;
	s8 =	simm.s32 $0x28  }
0x10: {  	s10 =	sadd.s32 s0, s26;
	s12 =	smax.u32 s1, $0x1;
	s9 =	sadd.s32 $0x400, s9  }
0x11: {  	s26 =	simm.s32 $0x1AA90;
	s8 =	simm.s32 @!p0 $0x27;
	[dreg:$0x5] =	wrdreg s9  }
.LBB2_24:
0x12: {  	s31 =	sadd.s32 $0x1, s31  }
0x13: {  	p0 =	sne.s32 s31, s12  }
.Ltmp1:
0x14: {  	_ = 	snop;
	(pc) =	sbr.rel @!p0 .LBB2_25-.Ltmp1, $1  }
0x15: {  	_ =	sdelay $0x3  }
.LBB2_1:
0x16: {  	s0 =	rddreg [dreg:$0x0];
	s1 =	simm.s32 $0x18AC0  }
0x17: {  	[tilespmem:s1], [sflag:$0x3] =	stream.linear.gather [hbm4b:s0+s5], $0x1390, $0x38;
	[tilespmem:$0x1AB90] =	vst v63  }
0x18: {  	_ =	swait.ge [sflag:s14], $0x1390  }
0x19: {  	[sflag:s14] =	ssyncset.done $0x0  }
0x1a: {  	s13 =	rddreg [dreg:$0x5];
	[sflag:s14] =	ssyncadd.s32 $0xFFFFEC70  }
0x1b: {  	[tilespmem:s15], [sflag:$0x3] =	stream.linear.gather [hbm4b:s13+s5], $0x140, $0x38;
	[tilespmem:$0x1AB90] =	vst v63  }
0x1c: {  	_ =	swait.ge [sflag:s14], $0x140  }
0x1d: {  	[sflag:s14] =	ssyncset.done $0x0  }
0x1e: {  	s16 =	simm.s32 $0x19F90;
	[sflag:s14] =	ssyncadd.s32 $0xFFFFFEC0  }
0x1f: {  	[tilespmem:s16], [sflag:$0x3] =	stream.linear.gather [hbm4b:s10+s5], $0xA00, $0x38;
	[tilespmem:$0x1AB90] =	vst v63  }
0x20: {  	_ =	swait.ge [sflag:s14], $0xA00  }
.Ltmp2:
0x21: {  	[sflag:s14] =	ssyncset.done $0x0;
	(pc) =	sbr.rel .LBB2_2-.Ltmp2, $4  }
0x22: {  	[sflag:s14] =	ssyncadd.s32 $0xFFFFF600  }
0x23: {  	[tilespmem:s5], [sflag:$0x1] =	stream.indirect.gather [hbm4b:s6+s17], $0x2710, s15, s17, $0xb8;
	[tilespmem:$0x1AB90] =	vst v63  }
0x24: {  	s18 =	simm.s32 $0x13880;
	s3 =	simm.s32 $0x0  }
0x25: {  	[tilespmem:s18], [sflag:$0x2] =	stream.indirect.gather [hbm4b:s2+s17], $0x80, s15, s17, $0xb8;
	[tilespmem:$0x1AB90] =	vst v63  }
.LBB2_22:
0x26: {  	_ =	sdelay $0x2  }
0x27: {  	[tilespmem:s16+$0x0] =	vst v7  }
0x28: {  	[tilespmem:s16+$0xFFFFFFA0] =	vst v4;
	v1 =	vld.idx.msk [tilespmem:v1+s30+$0x0], $0xffff  }
0x29: {  	[tilespmem:s16+$0xFFFFFFB0] =	vst v5;
	v0 =	vld.idx.msk [tilespmem:v0+s30+$0x0], $0xffff  }
0x2a: {  	[tilespmem:s16+$0xFFFFFFC0] =	vst v3  }
0x2b: {  	[tilespmem:s16+$0xFFFFFFD0] =	vst v2  }
0x2c: {  	[tilespmem:s16+$0xFFFFFFE0] =	vst v6  }
0x2d: {  	[tilespmem:s16+$0xFFFFFF90] =	vst v1  }
0x2e: {  	[tilespmem:s16+$0xFFFFFFF0] =	vst v0  }
0x2f: {  	v0 =	vld [tilespmem:$0x19E40];
	_ =	sdelay $0x4  }
0x30: {  	v0 =	vadd.s32 $0x7530, v0;
	_ =	sdelay $0x4  }
0x31: {  	v0 =	vld.idx.msk [tilespmem:v0+s30+$0x0], $0xffff;
	_ =	sdelay $0x4  }
0x32: {  	v1 =	vld [tilespmem:$0x13C00];
	[tilespmem:$0x18AB0] =	vst v0  }
0x33: {  	v0 =	vld [tilespmem:s13+$0x19FC0]  }
0x34: {  	v2 =	vld [tilespmem:$0x13C10]  }
0x35: {  	v3 =	vld [tilespmem:$0x13C20]  }
0x36: {  	v4 =	vld [tilespmem:$0x13C30]  }
0x37: {  	v5 =	vld [tilespmem:$0x13C40]  }
0x38: {  	v6 =	vld [tilespmem:$0x13C50];
	v1 =	vmul.f32 v1, v0  }
0x39: {  	v7 =	vld [tilespmem:$0x13C60];
	v2 =	vmul.f32 v2, v0  }
0x3a: {  	v59 =	vld [tilespmem:$0x13C70];
	v58 =	vmul.f32 v3, v0;
	[tilespmem:$0x1AB10] =	vst v1  }
0x3b: {  	v60 =	vmul.f32 v4, v0;
	[tilespmem:$0x1AB20] =	vst v2  }
0x3c: {  	v61 =	vmul.f32 v5, v0;
	[tilespmem:$0x1AB30] =	vst v58  }
0x3d: {  	s0 =	sshll.u32 s1, $0x7;
	v62 =	vmul.f32 v6, v0;
	[tilespmem:$0x1AB40] =	vst v60  }
0x3e: {  	s0 =	sor.u32 s11, s0;
	v63 =	vmul.f32 v7, v0;
	[tilespmem:$0x1AB50] =	vst v61  }
0x3f: {  	s13 =	smul.u32 $0x271, s0;
	v0 =	vmul.f32 v59, v0;
	[tilespmem:$0x1AB60] =	vst v62  }
0x40: {  	[tilespmem:$0x1AB70] =	vst v63  }
0x41: {  	s1 =	sadd.s32 s7, s13;
	[tilespmem:$0x1AB80] =	vst v0  }
0x42: {  	[hbm4b:s1+s5] =	stream.linear.scatter [tilespmem:s21], [sflag:$0x4], $0x1388, $0x38;
	[tilespmem:$0x1AB90] =	vst v63  }
0x43: {  	s16 =	sshll.u32 s0, $0x4;
	_ =	swait.ge [sflag:s17], $0x1388  }
0x44: {  	s1 =	sand.u32 $0x1FFFFFC0, s16;
	[sflag:s17] =	ssyncset.done $0x0  }
0x45: {  	s18 =	sor.u32 $0x1, s0;
	s1 =	sadd.s32 s4, s1;
	[sflag:s17] =	ssyncadd.s32 $0xFFFFEC78  }
0x46: {  	[hbm4b:s1+s5] =	stream.linear.scatter [tilespmem:s22], [sflag:$0x4], $0x80, $0x38;
	[tilespmem:$0x1AB90] =	vst v63  }
0x47: {  	s9 =	smul.u32 $0x271, s18;
	_ =	swait.ge [sflag:s17], $0x80  }
0x48: {  	[sflag:s17] =	ssyncset.done $0x0  }
0x49: {  	s9 =	sadd.s32 s7, s9;
	[sflag:s17] =	ssyncadd.s32 $0xFFFFFF80  }
0x4a: {  	[hbm4b:s9+s5] =	stream.linear.scatter [tilespmem:s23], [sflag:$0x4], $0x1388, $0x38;
	[tilespmem:$0x1AB90] =	vst v63  }
0x4b: {  	s1 =	sshll.u32 s18, $0x4;
	_ =	swait.ge [sflag:s17], $0x1388  }
0x4c: {  	s1 =	sand.u32 $0x1FFFFFD0, s1;
	[sflag:s17] =	ssyncset.done $0x0  }
0x4d: {  	s13 =	sor.u32 $0x2, s0;
	s1 =	sadd.s32 s4, s1;
	[sflag:s17] =	ssyncadd.s32 $0xFFFFEC78  }
0x4e: {  	[hbm4b:s1+s5] =	stream.linear.scatter [tilespmem:s24], [sflag:$0x4], $0x80, $0x38;
	[tilespmem:$0x1AB90] =	vst v63  }
0x4f: {  	s16 =	smul.u32 $0x271, s13;
	_ =	swait.ge [sflag:s17], $0x80  }
0x50: {  	[sflag:s17] =	ssyncset.done $0x0  }
0x51: {  	s9 =	sadd.s32 s7, s16;
	[sflag:s17] =	ssyncadd.s32 $0xFFFFFF80  }
0x52: {  	[hbm4b:s9+s5] =	stream.linear.scatter [tilespmem:s25], [sflag:$0x4], $0x1388, $0x38;
	[tilespmem:$0x1AB90] =	vst v63  }
0x53: {  	s1 =	sshll.u32 s13, $0x4;
	_ =	swait.ge [sflag:s17], $0x1388  }
0x54: {  	s1 =	sand.u32 $0x1FFFFFE0, s1;
	[sflag:s17] =	ssyncset.done $0x0  }
0x55: {  	s0 =	sor.u32 $0x3, s0;
	s1 =	sadd.s32 s4, s1;
	[sflag:s17] =	ssyncadd.s32 $0xFFFFEC78  }
0x56: {  	[hbm4b:s1+s5] =	stream.linear.scatter [tilespmem:s26], [sflag:$0x4], $0x80, $0x38;
	[tilespmem:$0x1AB90] =	vst v63  }
0x57: {  	s18 =	smul.u32 $0x271, s0;
	_ =	swait.ge [sflag:s17], $0x80  }
0x58: {  	[sflag:s17] =	ssyncset.done $0x0  }
0x59: {  	s1 =	sadd.s32 s7, s18;
	[sflag:s17] =	ssyncadd.s32 $0xFFFFFF80  }
0x5a: {  	[hbm4b:s1+s5] =	stream.linear.scatter [tilespmem:s28], [sflag:$0x4], $0x1388, $0x38;
	[tilespmem:$0x1AB90] =	vst v63  }
0x5b: {  	s0 =	sshll.u32 s0, $0x4;
	_ =	swait.ge [sflag:s17], $0x1388  }
0x5c: {  	s0 =	sand.u32 $0x1FFFFFF0, s0;
	[sflag:s17] =	ssyncset.done $0x0  }
0x5d: {  	s0 =	sadd.s32 s4, s0;
	[sflag:s17] =	ssyncadd.s32 $0xFFFFEC78  }
0x5e: {  	[hbm4b:s0+s5] =	stream.linear.scatter [tilespmem:s29], [sflag:$0x3], $0x80, $0x38;
	[tilespmem:$0x1AB90] =	vst v63  }
0x5f: {  	_ =	swait.ge [sflag:s14], $0x80  }
0x60: {  	[sflag:s14] =	ssyncset.done $0x0  }
0x61: {  	[sflag:s14] =	ssyncadd.s32 $0xFFFFFF80  }
.LBB2_23:
0x62: {  	s3 =	sadd.s32 $0x1, s3  }
0x63: {  	p0 =	sne.s32 s3, $0x14  }
.Ltmp3:
0x64: {  	_ = 	snop;
	(pc) =	sbr.rel @!p0 .LBB2_24-.Ltmp3, $1  }
0x65: {  	_ =	sdelay $0x3  }
.LBB2_2:
0x66: {  	s13 =	sshll.u32 s3, $0x1  }
0x67: {  	p0 =	slt.u32 s13, s8  }
.Ltmp4:
0x68: {  	_ = 	snop;
	(pc) =	sbr.rel @!p0 .LBB2_3-.Ltmp4, $1  }
0x69: {  	_ =	sdelay $0x3  }
0x6a: {  	_ =	swait.ge [sflag:s19], $0x9C40  }
0x6b: {  	s1 =	sor.u32 $0x1, s13;
	[sflag:s19] =	ssyncset.done $0x0  }
0x6c: {  	p0 =	sge.u32 s1, s8;
	[sflag:s19] =	ssyncadd.s32 $0xFFFF63C0  }
0x6d: {  	s0 =	sshll.u32 @!p0 s1, $0x3;
	_ =	swait.ge [sflag:s20], $0x200  }
0x6e: {  	s9 =	simm.s32 @!p0 $0x4;
	s0 =	sand.u32 @!p0 $0x3FFFFFF8, s0;
	[sflag:s20] =	ssyncset.done $0x0  }
0x6f: {  	s16 =	simm.s32 @!p0 $0x9C40;
	s0 =	sadd.s32 @!p0 $0x19E50, s0;
	[sflag:s20] =	ssyncadd.s32 $0xFFFFFE00  }
0x70: {  	[tilespmem:s16], [sflag:$0x1] =	stream.indirect.gather @!p0 [hbm4b:s6+s9], $0x2710, s0, s9, $0xb8;
	[tilespmem:$0x1AB90] =	vst v63  }
0x71: {  	s18 =	simm.s32 $0x18B00;
	s16 =	simm.s32 @!p0 $0x13A80  }
0x72: {  	[tilespmem:s16], [sflag:$0x2] =	stream.indirect.gather @!p0 [hbm4b:s2+s9], $0x80, s0, s9, $0xb8;
	[tilespmem:$0x1AB90] =	vst v63  }
0x73: {  	v0 =	vld [tilespmem:s18+$0x30]  }
0x74: {  	v1 =	vld [tilespmem:s18+$0xFFFFFFD0]  }
0x75: {  	v2 =	vld [tilespmem:s18+$0xFFFFFFE0]  }
0x76: {  	v3 =	vld [tilespmem:s18+$0xFFFFFFF0]  }
0x77: {  	v4 =	vld [tilespmem:s18+$0x0]  }
0x78: {  	v6 =	vld [tilespmem:s18+$0x10]  }
0x79: {  	v7 =	vld [tilespmem:s18+$0x20]  }
0x7a: {  	v8 =	vld [tilespmem:s18+$0xFFFFFFC0]  }
0x7b: {  	v9 =	vld.idx.msk [tilespmem:v0+s5+$0x0], $0xffff  }
0x7c: {  	v10 =	vld.idx.msk [tilespmem:v1+s5+$0x0], $0xffff  }
0x7d: {  	v5 =	vld.idx.msk [tilespmem:v2+s5+$0x0], $0xffff  }
0x7e: {  	v3 =	vld.idx.msk [tilespmem:v3+s5+$0x0], $0xffff  }
0x7f: {  	v0 =	vld.idx.msk [tilespmem:v4+s5+$0x0], $0xffff  }
0x80: {  	s16 =	simm.s32 $0x13CC0;
	v1 =	vld.idx.msk [tilespmem:v6+s5+$0x0], $0xffff  }
0x81: {  	v2 =	vld.idx.msk [tilespmem:v7+s5+$0x0], $0xffff;
	[tilespmem:s16+$0x30] =	vst v9  }
0x82: {  	s0 =	simm.s32 $0x0;
	s9 =	simm.s32 $0x18B80;
	v4 =	vld.idx.msk [tilespmem:v8+s5+$0x0], $0xffff;
	[tilespmem:s16+$0xFFFFFFD0] =	vst v10  }
.LBB2_5:
0x83: {  	v6 =	vld [tilespmem:s9+$0x30];
	s0 =	sadd.s32 $0x8, s0;
	[tilespmem:s16+$0xFFFFFFE0] =	vst v5  }
0x84: {  	v5 =	vld [tilespmem:s9+$0xFFFFFFD0];
	p0 =	slt.u32 s0, $0x130;
	[tilespmem:s16+$0xFFFFFFF0] =	vst v3  }
0x85: {  	v3 =	vld [tilespmem:s9+$0xFFFFFFE0];
	[tilespmem:s16+$0x0] =	vst v0  }
0x86: {  	v0 =	vld [tilespmem:s9+$0xFFFFFFF0];
	[tilespmem:s16+$0x10] =	vst v1  }
0x87: {  	v1 =	vld [tilespmem:s9+$0x0];
	[tilespmem:s16+$0x20] =	vst v2  }
0x88: {  	v2 =	vld [tilespmem:s9+$0x10];
	[tilespmem:s16+$0xFFFFFFC0] =	vst v4  }
0x89: {  	v4 =	vld [tilespmem:s9+$0x20]  }
0x8a: {  	v7 =	vld [tilespmem:s9+$0xFFFFFFC0]  }
0x8b: {  	v6 =	vld.idx.msk [tilespmem:v6+s5+$0x0], $0xffff  }
0x8c: {  	v8 =	vld.idx.msk [tilespmem:v5+s5+$0x0], $0xffff  }
0x8d: {  	v5 =	vld.idx.msk [tilespmem:v3+s5+$0x0], $0xffff  }
.Ltmp5:
0x8e: {  	v3 =	vld.idx.msk [tilespmem:v0+s5+$0x0], $0xffff;
	(pc) =	sbr.rel @p0 .LBB2_5-.Ltmp5, $4  }
0x8f: {  	v0 =	vld.idx.msk [tilespmem:v1+s5+$0x0], $0xffff  }
0x90: {  	s16 =	sadd.s32 $0x80, s16;
	v1 =	vld.idx.msk [tilespmem:v2+s5+$0x0], $0xffff  }
0x91: {  	v2 =	vld.idx.msk [tilespmem:v4+s5+$0x0], $0xffff;
	[tilespmem:s16+$0x30] =	vst v6  }
0x92: {  	s9 =	sadd.s32 $0x80, s9;
	v4 =	vld.idx.msk [tilespmem:v7+s5+$0x0], $0xffff;
	[tilespmem:s16+$0xFFFFFFD0] =	vst v8  }
0x93: {  	[tilespmem:s16+$0xFFFFFFE0] =	vst v5  }
0x94: {  	[tilespmem:s16+$0xFFFFFFF0] =	vst v3  }
0x95: {  	[tilespmem:s16+$0x0] =	vst v0  }
0x96: {  	[tilespmem:s16+$0x10] =	vst v1  }
0x97: {  	[tilespmem:s16+$0x20] =	vst v2  }
0x98: {  	[tilespmem:s16+$0xFFFFFFC0] =	vst v4  }
0x99: {  	v0 =	vld [tilespmem:$0x19E40];
	_ =	sdelay $0x7  }
0x9a: {  	v0 =	vld.idx.msk [tilespmem:v0+s5+$0x0], $0xffff;
	_ =	sdelay $0x3  }
0x9b: {  	s0 =	sshll.u32 s3, $0x7  }
0x9c: {  	s16 =	sand.u32 $0x3FFFFF80, s0;
	v1 =	vld [tilespmem:$0x13880];
	[tilespmem:$0x15000] =	vst v0  }
0x9d: {  	v0 =	vld [tilespmem:s16+$0x19F90]  }
0x9e: {  	v2 =	vld [tilespmem:$0x13890]  }
0x9f: {  	v3 =	vld [tilespmem:$0x138A0]  }
0xa0: {  	v4 =	vld [tilespmem:$0x138B0]  }
0xa1: {  	v5 =	vld [tilespmem:$0x138C0]  }
0xa2: {  	v6 =	vld [tilespmem:$0x138D0];
	v1 =	vmul.f32 v1, v0  }
0xa3: {  	v7 =	vld [tilespmem:$0x138E0];
	v2 =	vmul.f32 v2, v0  }
0xa4: {  	[tilespmem:$0x1A990] =	vst v1;
	v1 =	vmul.f32 v3, v0;
	v3 =	vld [tilespmem:$0x138F0]  }
0xa5: {  	[tilespmem:$0x1A9A0] =	vst v2;
	v2 =	vmul.f32 v4, v0  }
0xa6: {  	[tilespmem:$0x1A9B0] =	vst v1;
	v1 =	vmul.f32 v5, v0  }
0xa7: {  	[tilespmem:$0x1A9C0] =	vst v2;
	v2 =	vmul.f32 v6, v0  }
0xa8: {  	[tilespmem:$0x1A9D0] =	vst v1;
	v1 =	vmul.f32 v7, v0  }
0xa9: {  	[tilespmem:$0x1A9E0] =	vst v2;
	v0 =	vmul.f32 v3, v0  }
0xaa: {  	[tilespmem:$0x1A9F0] =	vst v1  }
0xab: {  	s18 =	simm.s32 $0x18B00;
	[tilespmem:$0x1AA00] =	vst v0  }
0xac: {  	v0 =	vld [tilespmem:s18+$0x30]  }
0xad: {  	v1 =	vld [tilespmem:s18+$0xFFFFFFD0]  }
0xae: {  	v2 =	vld [tilespmem:s18+$0xFFFFFFE0]  }
0xaf: {  	v3 =	vld [tilespmem:s18+$0xFFFFFFF0]  }
0xb0: {  	v4 =	vld [tilespmem:s18+$0x0]  }
0xb1: {  	v5 =	vld [tilespmem:s18+$0x10];
	v0 =	vadd.s32 $0x2710, v0  }
0xb2: {  	v1 =	vadd.s32 $0x2710, v1  }
0xb3: {  	v2 =	vadd.s32 $0x2710, v2  }
0xb4: {  	v6 =	vld [tilespmem:s18+$0x20];
	v3 =	vadd.s32 $0x2710, v3  }
0xb5: {  	v8 =	vld [tilespmem:s18+$0xFFFFFFC0];
	v9 =	vadd.s32 $0x2710, v4  }
0xb6: {  	v10 =	vadd.s32 $0x2710, v5;
	v7 =	vld.idx.msk [tilespmem:v0+s5+$0x0], $0xffff  }
0xb7: {  	v4 =	vld.idx.msk [tilespmem:v1+s5+$0x0], $0xffff  }
0xb8: {  	v5 =	vld.idx.msk [tilespmem:v2+s5+$0x0], $0xffff  }
0xb9: {  	v3 =	vld.idx.msk [tilespmem:v3+s5+$0x0], $0xffff  }
0xba: {  	v2 =	vld.idx.msk [tilespmem:v9+s5+$0x0], $0xffff  }
0xbb: {  	s9 =	simm.s32 $0x18B80;
	s0 =	simm.s32 $0x0;
	s18 =	simm.s32 $0x15080;
	v0 =	vadd.s32 $0x2710, v6;
	v1 =	vadd.s32 $0x2710, v8;
	v6 =	vld.idx.msk [tilespmem:v10+s5+$0x0], $0xffff  }
.LBB2_7:
0xbc: {  	v8 =	vld [tilespmem:s9+$0x30];
	s0 =	sadd.s32 $0x8, s0;
	[tilespmem:s18+$0x0] =	vst v7  }
0xbd: {  	v7 =	vld [tilespmem:s9+$0xFFFFFFD0];
	p0 =	slt.u32 s0, $0x130;
	[tilespmem:s18+$0xFFFFFFA0] =	vst v4  }
0xbe: {  	v4 =	vld [tilespmem:s9+$0xFFFFFFE0];
	[tilespmem:s18+$0xFFFFFFB0] =	vst v5  }
0xbf: {  	v5 =	vld [tilespmem:s9+$0xFFFFFFF0];
	[tilespmem:s18+$0xFFFFFFC0] =	vst v3  }
0xc0: {  	v3 =	vld [tilespmem:s9+$0x0];
	[tilespmem:s18+$0xFFFFFFD0] =	vst v2  }
0xc1: {  	v2 =	vld [tilespmem:s9+$0x10];
	v8 =	vadd.s32 $0x2710, v8;
	[tilespmem:s18+$0xFFFFFFE0] =	vst v6  }
0xc2: {  	v6 =	vadd.s32 $0x2710, v7;
	v9 =	vld [tilespmem:s9+$0x20]  }
0xc3: {  	v10 =	vld [tilespmem:s9+$0xFFFFFFC0];
	v11 =	vadd.s32 $0x2710, v4  }
0xc4: {  	v12 =	vadd.s32 $0x2710, v5;
	v13 =	vld.idx.msk [tilespmem:v1+s5+$0x0], $0xffff  }
0xc5: {  	v14 =	vadd.s32 $0x2710, v3;
	v15 =	vld.idx.msk [tilespmem:v0+s5+$0x0], $0xffff  }
0xc6: {  	v16 =	vadd.s32 $0x2710, v2;
	v7 =	vld.idx.msk [tilespmem:v8+s5+$0x0], $0xffff  }
.Ltmp6:
0xc7: {  	v4 =	vld.idx.msk [tilespmem:v6+s5+$0x0], $0xffff;
	v0 =	vadd.s32 $0x2710, v9;
	(pc) =	sbr.rel @p0 .LBB2_7-.Ltmp6, $4  }
0xc8: {  	v1 =	vadd.s32 $0x2710, v10;
	v5 =	vld.idx.msk [tilespmem:v11+s5+$0x0], $0xffff  }
0xc9: {  	v3 =	vld.idx.msk [tilespmem:v12+s5+$0x0], $0xffff  }
0xca: {  	v2 =	vld.idx.msk [tilespmem:v14+s5+$0x0], $0xffff;
	[tilespmem:s18+$0xFFFFFF90] =	vst v13  }
0xcb: {  	s9 =	sadd.s32 $0x80, s9;
	v6 =	vld.idx.msk [tilespmem:v16+s5+$0x0], $0xffff;
	[tilespmem:s18+$0xFFFFFFF0] =	vst v15;
	s18 =	sadd.s32 $0x80, s18  }
0xcc: {  	_ =	sdelay $0x2  }
0xcd: {  	[tilespmem:s18+$0x0] =	vst v7  }
0xce: {  	[tilespmem:s18+$0xFFFFFFA0] =	vst v4;
	v1 =	vld.idx.msk [tilespmem:v1+s5+$0x0], $0xffff  }
0xcf: {  	v0 =	vld.idx.msk [tilespmem:v0+s5+$0x0], $0xffff;
	[tilespmem:s18+$0xFFFFFFB0] =	vst v5  }
0xd0: {  	[tilespmem:s18+$0xFFFFFFC0] =	vst v3  }
0xd1: {  	[tilespmem:s18+$0xFFFFFFD0] =	vst v2  }
0xd2: {  	[tilespmem:s18+$0xFFFFFFE0] =	vst v6  }
0xd3: {  	[tilespmem:s18+$0xFFFFFF90] =	vst v1  }
0xd4: {  	[tilespmem:s18+$0xFFFFFFF0] =	vst v0  }
0xd5: {  	v0 =	vld [tilespmem:$0x19E40];
	_ =	sdelay $0x4  }
0xd6: {  	v0 =	vadd.s32 $0x2710, v0;
	_ =	sdelay $0x4  }
0xd7: {  	v0 =	vld.idx.msk [tilespmem:v0+s5+$0x0], $0xffff;
	_ =	sdelay $0x4  }
0xd8: {  	v1 =	vld [tilespmem:$0x13900];
	[tilespmem:$0x16390] =	vst v0  }
0xd9: {  	v0 =	vld [tilespmem:s16+$0x19FA0]  }
0xda: {  	v2 =	vld [tilespmem:$0x13910]  }
0xdb: {  	v3 =	vld [tilespmem:$0x13920]  }
0xdc: {  	v4 =	vld [tilespmem:$0x13930]  }
0xdd: {  	v5 =	vld [tilespmem:$0x13940]  }
0xde: {  	v6 =	vld [tilespmem:$0x13950];
	v1 =	vmul.f32 v1, v0  }
0xdf: {  	v7 =	vld [tilespmem:$0x13960];
	v2 =	vmul.f32 v2, v0  }
0xe0: {  	[tilespmem:$0x1AA10] =	vst v1;
	v1 =	vmul.f32 v3, v0;
	v3 =	vld [tilespmem:$0x13970]  }
0xe1: {  	[tilespmem:$0x1AA20] =	vst v2;
	v2 =	vmul.f32 v4, v0  }
0xe2: {  	[tilespmem:$0x1AA30] =	vst v1;
	v1 =	vmul.f32 v5, v0  }
0xe3: {  	[tilespmem:$0x1AA40] =	vst v2;
	v2 =	vmul.f32 v6, v0  }
0xe4: {  	[tilespmem:$0x1AA50] =	vst v1;
	v1 =	vmul.f32 v7, v0  }
0xe5: {  	[tilespmem:$0x1AA60] =	vst v2;
	v0 =	vmul.f32 v3, v0  }
0xe6: {  	[tilespmem:$0x1AA70] =	vst v1  }
0xe7: {  	s0 =	simm.s32 $0x18B00;
	[tilespmem:$0x1AA80] =	vst v0  }
0xe8: {  	v0 =	vld [tilespmem:s0+$0x30]  }
0xe9: {  	v1 =	vld [tilespmem:s0+$0xFFFFFFD0]  }
0xea: {  	v2 =	vld [tilespmem:s0+$0xFFFFFFE0]  }
0xeb: {  	v3 =	vld [tilespmem:s0+$0xFFFFFFF0]  }
0xec: {  	v4 =	vld [tilespmem:s0+$0x0]  }
0xed: {  	v5 =	vld [tilespmem:s0+$0x10];
	v0 =	vadd.s32 $0x4E20, v0  }
0xee: {  	v1 =	vadd.s32 $0x4E20, v1  }
0xef: {  	v2 =	vadd.s32 $0x4E20, v2  }
0xf0: {  	v6 =	vld [tilespmem:s0+$0x20];
	v3 =	vadd.s32 $0x4E20, v3  }
0xf1: {  	v8 =	vld [tilespmem:s0+$0xFFFFFFC0];
	v9 =	vadd.s32 $0x4E20, v4  }
0xf2: {  	v10 =	vadd.s32 $0x4E20, v5;
	v7 =	vld.idx.msk [tilespmem:v0+s5+$0x0], $0xffff  }
0xf3: {  	v4 =	vld.idx.msk [tilespmem:v1+s5+$0x0], $0xffff  }
0xf4: {  	v5 =	vld.idx.msk [tilespmem:v2+s5+$0x0], $0xffff  }
0xf5: {  	v3 =	vld.idx.msk [tilespmem:v3+s5+$0x0], $0xffff  }
0xf6: {  	v2 =	vld.idx.msk [tilespmem:v9+s5+$0x0], $0xffff  }
0xf7: {  	s9 =	simm.s32 $0x18B80;
	s18 =	simm.s32 $0x16410;
	s0 =	simm.s32 $0x0;
	v0 =	vadd.s32 $0x4E20, v6;
	v1 =	vadd.s32 $0x4E20, v8;
	v6 =	vld.idx.msk [tilespmem:v10+s5+$0x0], $0xffff  }
.LBB2_9:
0xf8: {  	v8 =	vld [tilespmem:s9+$0x30];
	s0 =	sadd.s32 $0x8, s0;
	[tilespmem:s18+$0x0] =	vst v7  }
0xf9: {  	v7 =	vld [tilespmem:s9+$0xFFFFFFD0];
	p0 =	slt.u32 s0, $0x130;
	[tilespmem:s18+$0xFFFFFFA0] =	vst v4  }
0xfa: {  	v4 =	vld [tilespmem:s9+$0xFFFFFFE0];
	[tilespmem:s18+$0xFFFFFFB0] =	vst v5  }
0xfb: {  	v5 =	vld [tilespmem:s9+$0xFFFFFFF0];
	[tilespmem:s18+$0xFFFFFFC0] =	vst v3  }
0xfc: {  	v3 =	vld [tilespmem:s9+$0x0];
	[tilespmem:s18+$0xFFFFFFD0] =	vst v2  }
0xfd: {  	v2 =	vld [tilespmem:s9+$0x10];
	v8 =	vadd.s32 $0x4E20, v8;
	[tilespmem:s18+$0xFFFFFFE0] =	vst v6  }
0xfe: {  	v6 =	vadd.s32 $0x4E20, v7;
	v9 =	vld [tilespmem:s9+$0x20]  }
0xff: {  	v10 =	vld [tilespmem:s9+$0xFFFFFFC0];
	v11 =	vadd.s32 $0x4E20, v4  }
0x100: {  	v12 =	vadd.s32 $0x4E20, v5;
	v13 =	vld.idx.msk [tilespmem:v1+s5+$0x0], $0xffff  }
0x101: {  	v14 =	vadd.s32 $0x4E20, v3;
	v15 =	vld.idx.msk [tilespmem:v0+s5+$0x0], $0xffff  }
0x102: {  	v16 =	vadd.s32 $0x4E20, v2;
	v7 =	vld.idx.msk [tilespmem:v8+s5+$0x0], $0xffff  }
.Ltmp7:
0x103: {  	v4 =	vld.idx.msk [tilespmem:v6+s5+$0x0], $0xffff;
	v0 =	vadd.s32 $0x4E20, v9;
	(pc) =	sbr.rel @p0 .LBB2_9-.Ltmp7, $4  }
0x104: {  	v1 =	vadd.s32 $0x4E20, v10;
	v5 =	vld.idx.msk [tilespmem:v11+s5+$0x0], $0xffff  }
0x105: {  	v3 =	vld.idx.msk [tilespmem:v12+s5+$0x0], $0xffff  }
0x106: {  	v2 =	vld.idx.msk [tilespmem:v14+s5+$0x0], $0xffff;
	[tilespmem:s18+$0xFFFFFF90] =	vst v13  }
0x107: {  	s9 =	sadd.s32 $0x80, s9;
	v6 =	vld.idx.msk [tilespmem:v16+s5+$0x0], $0xffff;
	[tilespmem:s18+$0xFFFFFFF0] =	vst v15;
	s18 =	sadd.s32 $0x80, s18  }
0x108: {  	_ =	sdelay $0x2  }
0x109: {  	[tilespmem:s18+$0x0] =	vst v7  }
0x10a: {  	[tilespmem:s18+$0xFFFFFFA0] =	vst v4;
	v1 =	vld.idx.msk [tilespmem:v1+s5+$0x0], $0xffff  }
0x10b: {  	v0 =	vld.idx.msk [tilespmem:v0+s5+$0x0], $0xffff;
	[tilespmem:s18+$0xFFFFFFB0] =	vst v5  }
0x10c: {  	[tilespmem:s18+$0xFFFFFFC0] =	vst v3  }
0x10d: {  	[tilespmem:s18+$0xFFFFFFD0] =	vst v2  }
0x10e: {  	[tilespmem:s18+$0xFFFFFFE0] =	vst v6  }
0x10f: {  	[tilespmem:s18+$0xFFFFFF90] =	vst v1  }
0x110: {  	[tilespmem:s18+$0xFFFFFFF0] =	vst v0  }
0x111: {  	v0 =	vld [tilespmem:$0x19E40];
	_ =	sdelay $0x4  }
0x112: {  	v0 =	vadd.s32 $0x4E20, v0;
	_ =	sdelay $0x4  }
0x113: {  	v0 =	vld.idx.msk [tilespmem:v0+s5+$0x0], $0xffff;
	_ =	sdelay $0x4  }
0x114: {  	v1 =	vld [tilespmem:$0x13980];
	[tilespmem:$0x17720] =	vst v0  }
0x115: {  	v0 =	vld [tilespmem:s16+$0x19FB0]  }
0x116: {  	v2 =	vld [tilespmem:$0x13990]  }
0x117: {  	v3 =	vld [tilespmem:$0x139A0]  }
0x118: {  	v4 =	vld [tilespmem:$0x139B0]  }
0x119: {  	v5 =	vld [tilespmem:$0x139C0]  }
0x11a: {  	v6 =	vld [tilespmem:$0x139D0];
	v1 =	vmul.f32 v1, v0  }
0x11b: {  	v7 =	vld [tilespmem:$0x139E0];
	v2 =	vmul.f32 v2, v0  }
0x11c: {  	[tilespmem:$0x1AA90] =	vst v1;
	v1 =	vmul.f32 v3, v0;
	v3 =	vld [tilespmem:$0x139F0]  }
0x11d: {  	[tilespmem:$0x1AAA0] =	vst v2;
	v2 =	vmul.f32 v4, v0  }
0x11e: {  	[tilespmem:$0x1AAB0] =	vst v1;
	v1 =	vmul.f32 v5, v0  }
0x11f: {  	[tilespmem:$0x1AAC0] =	vst v2;
	v2 =	vmul.f32 v6, v0  }
0x120: {  	[tilespmem:$0x1AAD0] =	vst v1;
	v1 =	vmul.f32 v7, v0  }
0x121: {  	[tilespmem:$0x1AAE0] =	vst v2;
	v0 =	vmul.f32 v3, v0  }
0x122: {  	[tilespmem:$0x1AAF0] =	vst v1  }
0x123: {  	s0 =	simm.s32 $0x18B00;
	[tilespmem:$0x1AB00] =	vst v0  }
0x124: {  	v0 =	vld [tilespmem:s0+$0x30]  }
0x125: {  	v1 =	vld [tilespmem:s0+$0xFFFFFFD0]  }
0x126: {  	v2 =	vld [tilespmem:s0+$0xFFFFFFE0]  }
0x127: {  	v3 =	vld [tilespmem:s0+$0xFFFFFFF0]  }
0x128: {  	v4 =	vld [tilespmem:s0+$0x0]  }
0x129: {  	v5 =	vld [tilespmem:s0+$0x10];
	v0 =	vadd.s32 $0x7530, v0  }
0x12a: {  	v1 =	vadd.s32 $0x7530, v1  }
0x12b: {  	v2 =	vadd.s32 $0x7530, v2  }
0x12c: {  	v6 =	vld [tilespmem:s0+$0x20];
	v3 =	vadd.s32 $0x7530, v3  }
0x12d: {  	v8 =	vld [tilespmem:s0+$0xFFFFFFC0];
	v9 =	vadd.s32 $0x7530, v4  }
0x12e: {  	v10 =	vadd.s32 $0x7530, v5;
	v7 =	vld.idx.msk [tilespmem:v0+s5+$0x0], $0xffff  }
0x12f: {  	v4 =	vld.idx.msk [tilespmem:v1+s5+$0x0], $0xffff  }
0x130: {  	v5 =	vld.idx.msk [tilespmem:v2+s5+$0x0], $0xffff  }
0x131: {  	v3 =	vld.idx.msk [tilespmem:v3+s5+$0x0], $0xffff  }
0x132: {  	v2 =	vld.idx.msk [tilespmem:v9+s5+$0x0], $0xffff  }
0x133: {  	s9 =	simm.s32 $0x18B80;
	s18 =	simm.s32 $0x177A0;
	s0 =	simm.s32 $0x0;
	v0 =	vadd.s32 $0x7530, v6;
	v1 =	vadd.s32 $0x7530, v8;
	v6 =	vld.idx.msk [tilespmem:v10+s5+$0x0], $0xffff  }
.LBB2_11:
0x134: {  	v8 =	vld [tilespmem:s9+$0x30];
	s0 =	sadd.s32 $0x8, s0;
	[tilespmem:s18+$0x0] =	vst v7  }
0x135: {  	v7 =	vld [tilespmem:s9+$0xFFFFFFD0];
	p0 =	slt.u32 s0, $0x130;
	[tilespmem:s18+$0xFFFFFFA0] =	vst v4  }
0x136: {  	v4 =	vld [tilespmem:s9+$0xFFFFFFE0];
	[tilespmem:s18+$0xFFFFFFB0] =	vst v5  }
0x137: {  	v5 =	vld [tilespmem:s9+$0xFFFFFFF0];
	[tilespmem:s18+$0xFFFFFFC0] =	vst v3  }
0x138: {  	v3 =	vld [tilespmem:s9+$0x0];
	[tilespmem:s18+$0xFFFFFFD0] =	vst v2  }
0x139: {  	v2 =	vld [tilespmem:s9+$0x10];
	v8 =	vadd.s32 $0x7530, v8;
	[tilespmem:s18+$0xFFFFFFE0] =	vst v6  }
0x13a: {  	v6 =	vadd.s32 $0x7530, v7;
	v9 =	vld [tilespmem:s9+$0x20]  }
0x13b: {  	v10 =	vld [tilespmem:s9+$0xFFFFFFC0];
	v11 =	vadd.s32 $0x7530, v4  }
0x13c: {  	v12 =	vadd.s32 $0x7530, v5;
	v13 =	vld.idx.msk [tilespmem:v1+s5+$0x0], $0xffff  }
0x13d: {  	v14 =	vadd.s32 $0x7530, v3;
	v15 =	vld.idx.msk [tilespmem:v0+s5+$0x0], $0xffff  }
0x13e: {  	v16 =	vadd.s32 $0x7530, v2;
	v7 =	vld.idx.msk [tilespmem:v8+s5+$0x0], $0xffff  }
.Ltmp8:
0x13f: {  	v4 =	vld.idx.msk [tilespmem:v6+s5+$0x0], $0xffff;
	v0 =	vadd.s32 $0x7530, v9;
	(pc) =	sbr.rel @p0 .LBB2_11-.Ltmp8, $4  }
0x140: {  	v1 =	vadd.s32 $0x7530, v10;
	v5 =	vld.idx.msk [tilespmem:v11+s5+$0x0], $0xffff  }
0x141: {  	v3 =	vld.idx.msk [tilespmem:v12+s5+$0x0], $0xffff  }
0x142: {  	v2 =	vld.idx.msk [tilespmem:v14+s5+$0x0], $0xffff;
	[tilespmem:s18+$0xFFFFFF90] =	vst v13  }
0x143: {  	s9 =	sadd.s32 $0x80, s9;
	v6 =	vld.idx.msk [tilespmem:v16+s5+$0x0], $0xffff;
	[tilespmem:s18+$0xFFFFFFF0] =	vst v15;
	s18 =	sadd.s32 $0x80, s18  }
0x144: {  	_ =	sdelay $0x2  }
0x145: {  	[tilespmem:s18+$0x0] =	vst v7  }
0x146: {  	[tilespmem:s18+$0xFFFFFFA0] =	vst v4;
	v1 =	vld.idx.msk [tilespmem:v1+s5+$0x0], $0xffff  }
0x147: {  	v0 =	vld.idx.msk [tilespmem:v0+s5+$0x0], $0xffff;
	[tilespmem:s18+$0xFFFFFFB0] =	vst v5  }
0x148: {  	[tilespmem:s18+$0xFFFFFFC0] =	vst v3  }
0x149: {  	[tilespmem:s18+$0xFFFFFFD0] =	vst v2  }
0x14a: {  	[tilespmem:s18+$0xFFFFFFE0] =	vst v6  }
0x14b: {  	[tilespmem:s18+$0xFFFFFF90] =	vst v1  }
0x14c: {  	[tilespmem:s18+$0xFFFFFFF0] =	vst v0  }
0x14d: {  	v0 =	vld [tilespmem:$0x19E40];
	_ =	sdelay $0x4  }
0x14e: {  	v0 =	vadd.s32 $0x7530, v0;
	_ =	sdelay $0x4  }
0x14f: {  	v0 =	vld.idx.msk [tilespmem:v0+s5+$0x0], $0xffff;
	_ =	sdelay $0x4  }
0x150: {  	v1 =	vld [tilespmem:$0x13A00];
	[tilespmem:$0x18AB0] =	vst v0  }
0x151: {  	v0 =	vld [tilespmem:s16+$0x19FC0]  }
0x152: {  	v2 =	vld [tilespmem:$0x13A10]  }
0x153: {  	v3 =	vld [tilespmem:$0x13A20]  }
0x154: {  	v4 =	vld [tilespmem:$0x13A30]  }
0x155: {  	v5 =	vld [tilespmem:$0x13A40]  }
0x156: {  	v6 =	vld [tilespmem:$0x13A50];
	v1 =	vmul.f32 v1, v0  }
0x157: {  	v7 =	vld [tilespmem:$0x13A60];
	v2 =	vmul.f32 v2, v0  }
0x158: {  	v59 =	vld [tilespmem:$0x13A70];
	v58 =	vmul.f32 v3, v0;
	[tilespmem:$0x1AB10] =	vst v1  }
0x159: {  	v60 =	vmul.f32 v4, v0;
	[tilespmem:$0x1AB20] =	vst v2  }
0x15a: {  	v61 =	vmul.f32 v5, v0;
	[tilespmem:$0x1AB30] =	vst v58  }
0x15b: {  	s0 =	sshll.u32 s3, $0x8;
	v62 =	vmul.f32 v6, v0;
	[tilespmem:$0x1AB40] =	vst v60  }
0x15c: {  	s0 =	sor.u32 s11, s0;
	v63 =	vmul.f32 v7, v0;
	[tilespmem:$0x1AB50] =	vst v61  }
0x15d: {  	s9 =	smul.u32 $0x271, s0;
	v0 =	vmul.f32 v59, v0;
	[tilespmem:$0x1AB60] =	vst v62  }
0x15e: {  	[tilespmem:$0x1AB70] =	vst v63  }
0x15f: {  	s9 =	sadd.s32 s7, s9;
	[tilespmem:$0x1AB80] =	vst v0  }
0x160: {  	[hbm4b:s9+s5] =	stream.linear.scatter [tilespmem:s21], [sflag:$0x4], $0x1388, $0x38;
	[tilespmem:$0x1AB90] =	vst v63  }
0x161: {  	_ =	swait.ge [sflag:s17], $0x1388  }
0x162: {  	s16 =	sshll.u32 s0, $0x4;
	[sflag:s17] =	ssyncset.done $0x0  }
0x163: {  	s9 =	sadd.s32 s4, s16;
	[sflag:s17] =	ssyncadd.s32 $0xFFFFEC78  }
0x164: {  	[hbm4b:s9+s5] =	stream.linear.scatter [tilespmem:s22], [sflag:$0x4], $0x80, $0x38;
	[tilespmem:$0x1AB90] =	vst v63  }
0x165: {  	s9 =	sor.u32 $0x1, s0  }
0x166: {  	_ =	swait.ge [sflag:s17], $0x80;
	s18 =	smul.u32 $0x271, s9  }
0x167: {  	[sflag:s17] =	ssyncset.done $0x0  }
0x168: {  	[sflag:s17] =	ssyncadd.s32 $0xFFFFFF80;
	s16 =	sadd.s32 s7, s18  }
0x169: {  	[hbm4b:s16+s5] =	stream.linear.scatter [tilespmem:s23], [sflag:$0x4], $0x1388, $0x38;
	[tilespmem:$0x1AB90] =	vst v63  }
0x16a: {  	s9 =	sshll.u32 s9, $0x4;
	_ =	swait.ge [sflag:s17], $0x1388  }
0x16b: {  	s9 =	sand.u32 $0x1FFFF7D0, s9;
	[sflag:s17] =	ssyncset.done $0x0  }
0x16c: {  	s9 =	sadd.s32 s4, s9;
	[sflag:s17] =	ssyncadd.s32 $0xFFFFEC78  }
0x16d: {  	[hbm4b:s9+s5] =	stream.linear.scatter [tilespmem:s24], [sflag:$0x4], $0x80, $0x38;
	[tilespmem:$0x1AB90] =	vst v63  }
0x16e: {  	s9 =	sor.u32 $0x2, s0  }
0x16f: {  	_ =	swait.ge [sflag:s17], $0x80;
	s18 =	smul.u32 $0x271, s9  }
0x170: {  	[sflag:s17] =	ssyncset.done $0x0  }
0x171: {  	[sflag:s17] =	ssyncadd.s32 $0xFFFFFF80;
	s16 =	sadd.s32 s7, s18  }
0x172: {  	[hbm4b:s16+s5] =	stream.linear.scatter [tilespmem:s25], [sflag:$0x4], $0x1388, $0x38;
	[tilespmem:$0x1AB90] =	vst v63  }
0x173: {  	s9 =	sshll.u32 s9, $0x4;
	_ =	swait.ge [sflag:s17], $0x1388  }
0x174: {  	s9 =	sand.u32 $0x1FFFF7E0, s9;
	[sflag:s17] =	ssyncset.done $0x0  }
0x175: {  	s0 =	sor.u32 $0x3, s0;
	s9 =	sadd.s32 s4, s9;
	[sflag:s17] =	ssyncadd.s32 $0xFFFFEC78  }
0x176: {  	[hbm4b:s9+s5] =	stream.linear.scatter [tilespmem:s26], [sflag:$0x4], $0x80, $0x38;
	[tilespmem:$0x1AB90] =	vst v63  }
0x177: {  	s18 =	smul.u32 $0x271, s0;
	_ =	swait.ge [sflag:s17], $0x80  }
0x178: {  	[sflag:s17] =	ssyncset.done $0x0  }
0x179: {  	s9 =	sadd.s32 s7, s18;
	[sflag:s17] =	ssyncadd.s32 $0xFFFFFF80  }
0x17a: {  	[hbm4b:s9+s5] =	stream.linear.scatter [tilespmem:s28], [sflag:$0x4], $0x1388, $0x38;
	[tilespmem:$0x1AB90] =	vst v63  }
0x17b: {  	s0 =	sshll.u32 s0, $0x4;
	_ =	swait.ge [sflag:s17], $0x1388  }
0x17c: {  	s0 =	sand.u32 $0x1FFFF7F0, s0;
	[sflag:s17] =	ssyncset.done $0x0  }
.Ltmp9:
0x17d: {  	s0 =	sadd.s32 s4, s0;
	[sflag:s17] =	ssyncadd.s32 $0xFFFFEC78;
	(pc) =	sbr.rel .LBB2_13-.Ltmp9, $4  }
0x17e: {  	[hbm4b:s0+s5] =	stream.linear.scatter [tilespmem:s29], [sflag:$0x4], $0x80, $0x38;
	[tilespmem:$0x1AB90] =	vst v63  }
0x17f: {  	_ =	swait.ge [sflag:s17], $0x80  }
0x180: {  	[sflag:s17] =	ssyncset.done $0x0  }
0x181: {  	[sflag:s17] =	ssyncadd.s32 $0xFFFFFF80  }
.LBB2_3:
0x182: {  	s1 =	sor.u32 $0x1, s13  }
.LBB2_13:
0x183: {  	p0 =	sge.u32 s1, s8  }
.Ltmp10:
0x184: {  	_ = 	snop;
	(pc) =	sbr.rel @p0 .LBB2_23-.Ltmp10, $1  }
0x185: {  	_ =	sdelay $0x3  }
0x186: {  	_ =	swait.ge [sflag:s19], $0x9C40  }
0x187: {  	s0 =	sadd.s32 $0x2, s13;
	[sflag:s19] =	ssyncset.done $0x0  }
0x188: {  	p0 =	sge.u32 s0, s8;
	[sflag:s19] =	ssyncadd.s32 $0xFFFF63C0  }
0x189: {  	s0 =	sshll.u32 @!p0 s0, $0x3;
	_ =	swait.ge [sflag:s20], $0x200  }
0x18a: {  	s9 =	simm.s32 @!p0 $0x4;
	s0 =	sand.u32 @!p0 $0x3FFFFFF8, s0;
	[sflag:s20] =	ssyncset.done $0x0  }
0x18b: {  	s13 =	simm.s32 @!p0 $0x0;
	s0 =	sadd.s32 @!p0 $0x19E50, s0;
	[sflag:s20] =	ssyncadd.s32 $0xFFFFFE00  }
0x18c: {  	[tilespmem:s13], [sflag:$0x1] =	stream.indirect.gather @!p0 [hbm4b:s6+s9], $0x2710, s0, s9, $0xb8;
	[tilespmem:$0x1AB90] =	vst v63  }
0x18d: {  	s18 =	simm.s32 $0x18B00;
	s13 =	simm.s32 @!p0 $0x13880  }
0x18e: {  	[tilespmem:s13], [sflag:$0x2] =	stream.indirect.gather @!p0 [hbm4b:s2+s9], $0x80, s0, s9, $0xb8;
	[tilespmem:$0x1AB90] =	vst v63  }
0x18f: {  	v0 =	vld [tilespmem:s18+$0x30]  }
0x190: {  	v1 =	vld [tilespmem:s18+$0xFFFFFFD0]  }
0x191: {  	v2 =	vld [tilespmem:s18+$0xFFFFFFE0]  }
0x192: {  	v3 =	vld [tilespmem:s18+$0xFFFFFFF0]  }
0x193: {  	v4 =	vld [tilespmem:s18+$0x0]  }
0x194: {  	v6 =	vld [tilespmem:s18+$0x10]  }
0x195: {  	v7 =	vld [tilespmem:s18+$0x20]  }
0x196: {  	v8 =	vld [tilespmem:s18+$0xFFFFFFC0]  }
0x197: {  	v9 =	vld.idx.msk [tilespmem:v0+s30+$0x0], $0xffff  }
0x198: {  	v10 =	vld.idx.msk [tilespmem:v1+s30+$0x0], $0xffff  }
0x199: {  	v5 =	vld.idx.msk [tilespmem:v2+s30+$0x0], $0xffff  }
0x19a: {  	v3 =	vld.idx.msk [tilespmem:v3+s30+$0x0], $0xffff  }
0x19b: {  	v0 =	vld.idx.msk [tilespmem:v4+s30+$0x0], $0xffff  }
0x19c: {  	s13 =	simm.s32 $0x13CC0;
	v1 =	vld.idx.msk [tilespmem:v6+s30+$0x0], $0xffff  }
0x19d: {  	v2 =	vld.idx.msk [tilespmem:v7+s30+$0x0], $0xffff;
	[tilespmem:s13+$0x30] =	vst v9  }
0x19e: {  	s0 =	simm.s32 $0x0;
	s9 =	simm.s32 $0x18B80;
	v4 =	vld.idx.msk [tilespmem:v8+s30+$0x0], $0xffff;
	[tilespmem:s13+$0xFFFFFFD0] =	vst v10  }
.LBB2_15:
0x19f: {  	v6 =	vld [tilespmem:s9+$0x30];
	s0 =	sadd.s32 $0x8, s0;
	[tilespmem:s13+$0xFFFFFFE0] =	vst v5  }
0x1a0: {  	v5 =	vld [tilespmem:s9+$0xFFFFFFD0];
	p0 =	slt.u32 s0, $0x130;
	[tilespmem:s13+$0xFFFFFFF0] =	vst v3  }
0x1a1: {  	v3 =	vld [tilespmem:s9+$0xFFFFFFE0];
	[tilespmem:s13+$0x0] =	vst v0  }
0x1a2: {  	v0 =	vld [tilespmem:s9+$0xFFFFFFF0];
	[tilespmem:s13+$0x10] =	vst v1  }
0x1a3: {  	v1 =	vld [tilespmem:s9+$0x0];
	[tilespmem:s13+$0x20] =	vst v2  }
0x1a4: {  	v2 =	vld [tilespmem:s9+$0x10];
	[tilespmem:s13+$0xFFFFFFC0] =	vst v4  }
0x1a5: {  	v4 =	vld [tilespmem:s9+$0x20]  }
0x1a6: {  	v7 =	vld [tilespmem:s9+$0xFFFFFFC0]  }
0x1a7: {  	v6 =	vld.idx.msk [tilespmem:v6+s30+$0x0], $0xffff  }
0x1a8: {  	v8 =	vld.idx.msk [tilespmem:v5+s30+$0x0], $0xffff  }
0x1a9: {  	v5 =	vld.idx.msk [tilespmem:v3+s30+$0x0], $0xffff  }
.Ltmp11:
0x1aa: {  	v3 =	vld.idx.msk [tilespmem:v0+s30+$0x0], $0xffff;
	(pc) =	sbr.rel @p0 .LBB2_15-.Ltmp11, $4  }
0x1ab: {  	v0 =	vld.idx.msk [tilespmem:v1+s30+$0x0], $0xffff  }
0x1ac: {  	s13 =	sadd.s32 $0x80, s13;
	v1 =	vld.idx.msk [tilespmem:v2+s30+$0x0], $0xffff  }
0x1ad: {  	v2 =	vld.idx.msk [tilespmem:v4+s30+$0x0], $0xffff;
	[tilespmem:s13+$0x30] =	vst v6  }
0x1ae: {  	s9 =	sadd.s32 $0x80, s9;
	v4 =	vld.idx.msk [tilespmem:v7+s30+$0x0], $0xffff;
	[tilespmem:s13+$0xFFFFFFD0] =	vst v8  }
0x1af: {  	[tilespmem:s13+$0xFFFFFFE0] =	vst v5  }
0x1b0: {  	[tilespmem:s13+$0xFFFFFFF0] =	vst v3  }
0x1b1: {  	[tilespmem:s13+$0x0] =	vst v0  }
0x1b2: {  	[tilespmem:s13+$0x10] =	vst v1  }
0x1b3: {  	[tilespmem:s13+$0x20] =	vst v2  }
0x1b4: {  	[tilespmem:s13+$0xFFFFFFC0] =	vst v4  }
0x1b5: {  	v0 =	vld [tilespmem:$0x19E40];
	_ =	sdelay $0x7  }
0x1b6: {  	v0 =	vld.idx.msk [tilespmem:v0+s30+$0x0], $0xffff;
	_ =	sdelay $0x3  }
0x1b7: {  	s0 =	sshll.u32 s1, $0x6  }
0x1b8: {  	s13 =	sand.u32 $0x3FFFFFC0, s0;
	v1 =	vld [tilespmem:$0x13A80];
	[tilespmem:$0x15000] =	vst v0  }
0x1b9: {  	v0 =	vld [tilespmem:s13+$0x19F90]  }
0x1ba: {  	v2 =	vld [tilespmem:$0x13A90]  }
0x1bb: {  	v3 =	vld [tilespmem:$0x13AA0]  }
0x1bc: {  	v4 =	vld [tilespmem:$0x13AB0]  }
0x1bd: {  	v5 =	vld [tilespmem:$0x13AC0]  }
0x1be: {  	v6 =	vld [tilespmem:$0x13AD0];
	v1 =	vmul.f32 v1, v0  }
0x1bf: {  	v7 =	vld [tilespmem:$0x13AE0];
	v2 =	vmul.f32 v2, v0  }
0x1c0: {  	[tilespmem:$0x1A990] =	vst v1;
	v1 =	vmul.f32 v3, v0;
	v3 =	vld [tilespmem:$0x13AF0]  }
0x1c1: {  	[tilespmem:$0x1A9A0] =	vst v2;
	v2 =	vmul.f32 v4, v0  }
0x1c2: {  	[tilespmem:$0x1A9B0] =	vst v1;
	v1 =	vmul.f32 v5, v0  }
0x1c3: {  	[tilespmem:$0x1A9C0] =	vst v2;
	v2 =	vmul.f32 v6, v0  }
0x1c4: {  	[tilespmem:$0x1A9D0] =	vst v1;
	v1 =	vmul.f32 v7, v0  }
0x1c5: {  	[tilespmem:$0x1A9E0] =	vst v2;
	v0 =	vmul.f32 v3, v0  }
0x1c6: {  	[tilespmem:$0x1A9F0] =	vst v1  }
0x1c7: {  	s18 =	simm.s32 $0x18B00;
	[tilespmem:$0x1AA00] =	vst v0  }
0x1c8: {  	v0 =	vld [tilespmem:s18+$0x30]  }
0x1c9: {  	v1 =	vld [tilespmem:s18+$0xFFFFFFD0]  }
0x1ca: {  	v2 =	vld [tilespmem:s18+$0xFFFFFFE0]  }
0x1cb: {  	v3 =	vld [tilespmem:s18+$0xFFFFFFF0]  }
0x1cc: {  	v4 =	vld [tilespmem:s18+$0x0]  }
0x1cd: {  	v5 =	vld [tilespmem:s18+$0x10];
	v0 =	vadd.s32 $0x2710, v0  }
0x1ce: {  	v1 =	vadd.s32 $0x2710, v1  }
0x1cf: {  	v2 =	vadd.s32 $0x2710, v2  }
0x1d0: {  	v6 =	vld [tilespmem:s18+$0x20];
	v3 =	vadd.s32 $0x2710, v3  }
0x1d1: {  	v8 =	vld [tilespmem:s18+$0xFFFFFFC0];
	v9 =	vadd.s32 $0x2710, v4  }
0x1d2: {  	v10 =	vadd.s32 $0x2710, v5;
	v7 =	vld.idx.msk [tilespmem:v0+s30+$0x0], $0xffff  }
0x1d3: {  	v4 =	vld.idx.msk [tilespmem:v1+s30+$0x0], $0xffff  }
0x1d4: {  	v5 =	vld.idx.msk [tilespmem:v2+s30+$0x0], $0xffff  }
0x1d5: {  	v3 =	vld.idx.msk [tilespmem:v3+s30+$0x0], $0xffff  }
0x1d6: {  	v2 =	vld.idx.msk [tilespmem:v9+s30+$0x0], $0xffff  }
0x1d7: {  	s16 =	simm.s32 $0x15080;
	s9 =	simm.s32 $0x18B80;
	s0 =	simm.s32 $0x0;
	v0 =	vadd.s32 $0x2710, v6;
	v1 =	vadd.s32 $0x2710, v8;
	v6 =	vld.idx.msk [tilespmem:v10+s30+$0x0], $0xffff  }
.LBB2_17:
0x1d8: {  	v8 =	vld [tilespmem:s9+$0x30];
	s0 =	sadd.s32 $0x8, s0;
	[tilespmem:s16+$0x0] =	vst v7  }
0x1d9: {  	v7 =	vld [tilespmem:s9+$0xFFFFFFD0];
	p0 =	slt.u32 s0, $0x130;
	[tilespmem:s16+$0xFFFFFFA0] =	vst v4  }
0x1da: {  	v4 =	vld [tilespmem:s9+$0xFFFFFFE0];
	[tilespmem:s16+$0xFFFFFFB0] =	vst v5  }
0x1db: {  	v5 =	vld [tilespmem:s9+$0xFFFFFFF0];
	[tilespmem:s16+$0xFFFFFFC0] =	vst v3  }
0x1dc: {  	v3 =	vld [tilespmem:s9+$0x0];
	[tilespmem:s16+$0xFFFFFFD0] =	vst v2  }
0x1dd: {  	v2 =	vld [tilespmem:s9+$0x10];
	v8 =	vadd.s32 $0x2710, v8;
	[tilespmem:s16+$0xFFFFFFE0] =	vst v6  }
0x1de: {  	v6 =	vadd.s32 $0x2710, v7;
	v9 =	vld [tilespmem:s9+$0x20]  }
0x1df: {  	v10 =	vld [tilespmem:s9+$0xFFFFFFC0];
	v11 =	vadd.s32 $0x2710, v4  }
0x1e0: {  	v12 =	vadd.s32 $0x2710, v5;
	v13 =	vld.idx.msk [tilespmem:v1+s30+$0x0], $0xffff  }
0x1e1: {  	v14 =	vadd.s32 $0x2710, v3;
	v15 =	vld.idx.msk [tilespmem:v0+s30+$0x0], $0xffff  }
0x1e2: {  	v16 =	vadd.s32 $0x2710, v2;
	v7 =	vld.idx.msk [tilespmem:v8+s30+$0x0], $0xffff  }
.Ltmp12:
0x1e3: {  	v4 =	vld.idx.msk [tilespmem:v6+s30+$0x0], $0xffff;
	v0 =	vadd.s32 $0x2710, v9;
	(pc) =	sbr.rel @p0 .LBB2_17-.Ltmp12, $4  }
0x1e4: {  	v1 =	vadd.s32 $0x2710, v10;
	v5 =	vld.idx.msk [tilespmem:v11+s30+$0x0], $0xffff  }
0x1e5: {  	v3 =	vld.idx.msk [tilespmem:v12+s30+$0x0], $0xffff  }
0x1e6: {  	v2 =	vld.idx.msk [tilespmem:v14+s30+$0x0], $0xffff;
	[tilespmem:s16+$0xFFFFFF90] =	vst v13  }
0x1e7: {  	s9 =	sadd.s32 $0x80, s9;
	v6 =	vld.idx.msk [tilespmem:v16+s30+$0x0], $0xffff;
	[tilespmem:s16+$0xFFFFFFF0] =	vst v15;
	s16 =	sadd.s32 $0x80, s16  }
0x1e8: {  	_ =	sdelay $0x2  }
0x1e9: {  	[tilespmem:s16+$0x0] =	vst v7  }
0x1ea: {  	[tilespmem:s16+$0xFFFFFFA0] =	vst v4;
	v1 =	vld.idx.msk [tilespmem:v1+s30+$0x0], $0xffff  }
0x1eb: {  	v0 =	vld.idx.msk [tilespmem:v0+s30+$0x0], $0xffff;
	[tilespmem:s16+$0xFFFFFFB0] =	vst v5  }
0x1ec: {  	[tilespmem:s16+$0xFFFFFFC0] =	vst v3  }
0x1ed: {  	[tilespmem:s16+$0xFFFFFFD0] =	vst v2  }
0x1ee: {  	[tilespmem:s16+$0xFFFFFFE0] =	vst v6  }
0x1ef: {  	[tilespmem:s16+$0xFFFFFF90] =	vst v1  }
0x1f0: {  	[tilespmem:s16+$0xFFFFFFF0] =	vst v0  }
0x1f1: {  	v0 =	vld [tilespmem:$0x19E40];
	_ =	sdelay $0x4  }
0x1f2: {  	v0 =	vadd.s32 $0x2710, v0;
	_ =	sdelay $0x4  }
0x1f3: {  	v0 =	vld.idx.msk [tilespmem:v0+s30+$0x0], $0xffff;
	_ =	sdelay $0x4  }
0x1f4: {  	v1 =	vld [tilespmem:$0x13B00];
	[tilespmem:$0x16390] =	vst v0  }
0x1f5: {  	v0 =	vld [tilespmem:s13+$0x19FA0]  }
0x1f6: {  	v2 =	vld [tilespmem:$0x13B10]  }
0x1f7: {  	v3 =	vld [tilespmem:$0x13B20]  }
0x1f8: {  	v4 =	vld [tilespmem:$0x13B30]  }
0x1f9: {  	v5 =	vld [tilespmem:$0x13B40]  }
0x1fa: {  	v6 =	vld [tilespmem:$0x13B50];
	v1 =	vmul.f32 v1, v0  }
0x1fb: {  	v7 =	vld [tilespmem:$0x13B60];
	v2 =	vmul.f32 v2, v0  }
0x1fc: {  	[tilespmem:$0x1AA10] =	vst v1;
	v1 =	vmul.f32 v3, v0;
	v3 =	vld [tilespmem:$0x13B70]  }
0x1fd: {  	[tilespmem:$0x1AA20] =	vst v2;
	v2 =	vmul.f32 v4, v0  }
0x1fe: {  	[tilespmem:$0x1AA30] =	vst v1;
	v1 =	vmul.f32 v5, v0  }
0x1ff: {  	[tilespmem:$0x1AA40] =	vst v2;
	v2 =	vmul.f32 v6, v0  }
0x200: {  	[tilespmem:$0x1AA50] =	vst v1;
	v1 =	vmul.f32 v7, v0  }
0x201: {  	[tilespmem:$0x1AA60] =	vst v2;
	v0 =	vmul.f32 v3, v0  }
0x202: {  	[tilespmem:$0x1AA70] =	vst v1  }
0x203: {  	s0 =	simm.s32 $0x18B00;
	[tilespmem:$0x1AA80] =	vst v0  }
0x204: {  	v0 =	vld [tilespmem:s0+$0x30]  }
0x205: {  	v1 =	vld [tilespmem:s0+$0xFFFFFFD0]  }
0x206: {  	v2 =	vld [tilespmem:s0+$0xFFFFFFE0]  }
0x207: {  	v3 =	vld [tilespmem:s0+$0xFFFFFFF0]  }
0x208: {  	v4 =	vld [tilespmem:s0+$0x0]  }
0x209: {  	v5 =	vld [tilespmem:s0+$0x10];
	v0 =	vadd.s32 $0x4E20, v0  }
0x20a: {  	v1 =	vadd.s32 $0x4E20, v1  }
0x20b: {  	v2 =	vadd.s32 $0x4E20, v2  }
0x20c: {  	v6 =	vld [tilespmem:s0+$0x20];
	v3 =	vadd.s32 $0x4E20, v3  }
0x20d: {  	v8 =	vld [tilespmem:s0+$0xFFFFFFC0];
	v9 =	vadd.s32 $0x4E20, v4  }
0x20e: {  	v10 =	vadd.s32 $0x4E20, v5;
	v7 =	vld.idx.msk [tilespmem:v0+s30+$0x0], $0xffff  }
0x20f: {  	v4 =	vld.idx.msk [tilespmem:v1+s30+$0x0], $0xffff  }
0x210: {  	v5 =	vld.idx.msk [tilespmem:v2+s30+$0x0], $0xffff  }
0x211: {  	v3 =	vld.idx.msk [tilespmem:v3+s30+$0x0], $0xffff  }
0x212: {  	v2 =	vld.idx.msk [tilespmem:v9+s30+$0x0], $0xffff  }
0x213: {  	s9 =	simm.s32 $0x18B80;
	s16 =	simm.s32 $0x16410;
	s0 =	simm.s32 $0x0;
	v0 =	vadd.s32 $0x4E20, v6;
	v1 =	vadd.s32 $0x4E20, v8;
	v6 =	vld.idx.msk [tilespmem:v10+s30+$0x0], $0xffff  }
.LBB2_19:
0x214: {  	v8 =	vld [tilespmem:s9+$0x30];
	s0 =	sadd.s32 $0x8, s0;
	[tilespmem:s16+$0x0] =	vst v7  }
0x215: {  	v7 =	vld [tilespmem:s9+$0xFFFFFFD0];
	p0 =	slt.u32 s0, $0x130;
	[tilespmem:s16+$0xFFFFFFA0] =	vst v4  }
0x216: {  	v4 =	vld [tilespmem:s9+$0xFFFFFFE0];
	[tilespmem:s16+$0xFFFFFFB0] =	vst v5  }
0x217: {  	v5 =	vld [tilespmem:s9+$0xFFFFFFF0];
	[tilespmem:s16+$0xFFFFFFC0] =	vst v3  }
0x218: {  	v3 =	vld [tilespmem:s9+$0x0];
	[tilespmem:s16+$0xFFFFFFD0] =	vst v2  }
0x219: {  	v2 =	vld [tilespmem:s9+$0x10];
	v8 =	vadd.s32 $0x4E20, v8;
	[tilespmem:s16+$0xFFFFFFE0] =	vst v6  }
0x21a: {  	v6 =	vadd.s32 $0x4E20, v7;
	v9 =	vld [tilespmem:s9+$0x20]  }
0x21b: {  	v10 =	vld [tilespmem:s9+$0xFFFFFFC0];
	v11 =	vadd.s32 $0x4E20, v4  }
0x21c: {  	v12 =	vadd.s32 $0x4E20, v5;
	v13 =	vld.idx.msk [tilespmem:v1+s30+$0x0], $0xffff  }
0x21d: {  	v14 =	vadd.s32 $0x4E20, v3;
	v15 =	vld.idx.msk [tilespmem:v0+s30+$0x0], $0xffff  }
0x21e: {  	v16 =	vadd.s32 $0x4E20, v2;
	v7 =	vld.idx.msk [tilespmem:v8+s30+$0x0], $0xffff  }
.Ltmp13:
0x21f: {  	v4 =	vld.idx.msk [tilespmem:v6+s30+$0x0], $0xffff;
	v0 =	vadd.s32 $0x4E20, v9;
	(pc) =	sbr.rel @p0 .LBB2_19-.Ltmp13, $4  }
0x220: {  	v1 =	vadd.s32 $0x4E20, v10;
	v5 =	vld.idx.msk [tilespmem:v11+s30+$0x0], $0xffff  }
0x221: {  	v3 =	vld.idx.msk [tilespmem:v12+s30+$0x0], $0xffff  }
0x222: {  	v2 =	vld.idx.msk [tilespmem:v14+s30+$0x0], $0xffff;
	[tilespmem:s16+$0xFFFFFF90] =	vst v13  }
0x223: {  	s9 =	sadd.s32 $0x80, s9;
	v6 =	vld.idx.msk [tilespmem:v16+s30+$0x0], $0xffff;
	[tilespmem:s16+$0xFFFFFFF0] =	vst v15;
	s16 =	sadd.s32 $0x80, s16  }
0x224: {  	_ =	sdelay $0x2  }
0x225: {  	[tilespmem:s16+$0x0] =	vst v7  }
0x226: {  	[tilespmem:s16+$0xFFFFFFA0] =	vst v4;
	v1 =	vld.idx.msk [tilespmem:v1+s30+$0x0], $0xffff  }
0x227: {  	v0 =	vld.idx.msk [tilespmem:v0+s30+$0x0], $0xffff;
	[tilespmem:s16+$0xFFFFFFB0] =	vst v5  }
0x228: {  	[tilespmem:s16+$0xFFFFFFC0] =	vst v3  }
0x229: {  	[tilespmem:s16+$0xFFFFFFD0] =	vst v2  }
0x22a: {  	[tilespmem:s16+$0xFFFFFFE0] =	vst v6  }
0x22b: {  	[tilespmem:s16+$0xFFFFFF90] =	vst v1  }
0x22c: {  	[tilespmem:s16+$0xFFFFFFF0] =	vst v0  }
0x22d: {  	v0 =	vld [tilespmem:$0x19E40];
	_ =	sdelay $0x4  }
0x22e: {  	v0 =	vadd.s32 $0x4E20, v0;
	_ =	sdelay $0x4  }
0x22f: {  	v0 =	vld.idx.msk [tilespmem:v0+s30+$0x0], $0xffff;
	_ =	sdelay $0x4  }
0x230: {  	v1 =	vld [tilespmem:$0x13B80];
	[tilespmem:$0x17720] =	vst v0  }
0x231: {  	v0 =	vld [tilespmem:s13+$0x19FB0]  }
0x232: {  	v2 =	vld [tilespmem:$0x13B90]  }
0x233: {  	v3 =	vld [tilespmem:$0x13BA0]  }
0x234: {  	v4 =	vld [tilespmem:$0x13BB0]  }
0x235: {  	v5 =	vld [tilespmem:$0x13BC0]  }
0x236: {  	v6 =	vld [tilespmem:$0x13BD0];
	v1 =	vmul.f32 v1, v0  }
0x237: {  	v7 =	vld [tilespmem:$0x13BE0];
	v2 =	vmul.f32 v2, v0  }
0x238: {  	[tilespmem:$0x1AA90] =	vst v1;
	v1 =	vmul.f32 v3, v0;
	v3 =	vld [tilespmem:$0x13BF0]  }
0x239: {  	[tilespmem:$0x1AAA0] =	vst v2;
	v2 =	vmul.f32 v4, v0  }
0x23a: {  	[tilespmem:$0x1AAB0] =	vst v1;
	v1 =	vmul.f32 v5, v0  }
0x23b: {  	[tilespmem:$0x1AAC0] =	vst v2;
	v2 =	vmul.f32 v6, v0  }
0x23c: {  	[tilespmem:$0x1AAD0] =	vst v1;
	v1 =	vmul.f32 v7, v0  }
0x23d: {  	[tilespmem:$0x1AAE0] =	vst v2;
	v0 =	vmul.f32 v3, v0  }
0x23e: {  	[tilespmem:$0x1AAF0] =	vst v1  }
0x23f: {  	s0 =	simm.s32 $0x18B00;
	[tilespmem:$0x1AB00] =	vst v0  }
0x240: {  	v0 =	vld [tilespmem:s0+$0x30]  }
0x241: {  	v1 =	vld [tilespmem:s0+$0xFFFFFFD0]  }
0x242: {  	v2 =	vld [tilespmem:s0+$0xFFFFFFE0]  }
0x243: {  	v3 =	vld [tilespmem:s0+$0xFFFFFFF0]  }
0x244: {  	v4 =	vld [tilespmem:s0+$0x0]  }
0x245: {  	v5 =	vld [tilespmem:s0+$0x10];
	v0 =	vadd.s32 $0x7530, v0  }
0x246: {  	v1 =	vadd.s32 $0x7530, v1  }
0x247: {  	v2 =	vadd.s32 $0x7530, v2  }
0x248: {  	v6 =	vld [tilespmem:s0+$0x20];
	v3 =	vadd.s32 $0x7530, v3  }
0x249: {  	v8 =	vld [tilespmem:s0+$0xFFFFFFC0];
	v9 =	vadd.s32 $0x7530, v4  }
0x24a: {  	v10 =	vadd.s32 $0x7530, v5;
	v7 =	vld.idx.msk [tilespmem:v0+s30+$0x0], $0xffff  }
0x24b: {  	v4 =	vld.idx.msk [tilespmem:v1+s30+$0x0], $0xffff  }
0x24c: {  	v5 =	vld.idx.msk [tilespmem:v2+s30+$0x0], $0xffff  }
0x24d: {  	v3 =	vld.idx.msk [tilespmem:v3+s30+$0x0], $0xffff  }
0x24e: {  	v2 =	vld.idx.msk [tilespmem:v9+s30+$0x0], $0xffff  }
0x24f: {  	s9 =	simm.s32 $0x18B80;
	s16 =	simm.s32 $0x177A0;
	s0 =	simm.s32 $0x0;
	v0 =	vadd.s32 $0x7530, v6;
	v1 =	vadd.s32 $0x7530, v8;
	v6 =	vld.idx.msk [tilespmem:v10+s30+$0x0], $0xffff  }
.LBB2_21:
0x250: {  	v8 =	vld [tilespmem:s9+$0x30];
	s0 =	sadd.s32 $0x8, s0;
	[tilespmem:s16+$0x0] =	vst v7  }
0x251: {  	v7 =	vld [tilespmem:s9+$0xFFFFFFD0];
	p0 =	slt.u32 s0, $0x130;
	[tilespmem:s16+$0xFFFFFFA0] =	vst v4  }
0x252: {  	v4 =	vld [tilespmem:s9+$0xFFFFFFE0];
	[tilespmem:s16+$0xFFFFFFB0] =	vst v5  }
0x253: {  	v5 =	vld [tilespmem:s9+$0xFFFFFFF0];
	[tilespmem:s16+$0xFFFFFFC0] =	vst v3  }
0x254: {  	v3 =	vld [tilespmem:s9+$0x0];
	[tilespmem:s16+$0xFFFFFFD0] =	vst v2  }
0x255: {  	v2 =	vld [tilespmem:s9+$0x10];
	v8 =	vadd.s32 $0x7530, v8;
	[tilespmem:s16+$0xFFFFFFE0] =	vst v6  }
0x256: {  	v6 =	vadd.s32 $0x7530, v7;
	v9 =	vld [tilespmem:s9+$0x20]  }
0x257: {  	v10 =	vld [tilespmem:s9+$0xFFFFFFC0];
	v11 =	vadd.s32 $0x7530, v4  }
0x258: {  	v12 =	vadd.s32 $0x7530, v5;
	v13 =	vld.idx.msk [tilespmem:v1+s30+$0x0], $0xffff  }
0x259: {  	v14 =	vadd.s32 $0x7530, v3;
	v15 =	vld.idx.msk [tilespmem:v0+s30+$0x0], $0xffff  }
0x25a: {  	v16 =	vadd.s32 $0x7530, v2;
	v7 =	vld.idx.msk [tilespmem:v8+s30+$0x0], $0xffff  }
.Ltmp14:
0x25b: {  	v4 =	vld.idx.msk [tilespmem:v6+s30+$0x0], $0xffff;
	v0 =	vadd.s32 $0x7530, v9;
	(pc) =	sbr.rel @p0 .LBB2_21-.Ltmp14, $4  }
0x25c: {  	v1 =	vadd.s32 $0x7530, v10;
	v5 =	vld.idx.msk [tilespmem:v11+s30+$0x0], $0xffff  }
0x25d: {  	v3 =	vld.idx.msk [tilespmem:v12+s30+$0x0], $0xffff  }
0x25e: {  	v2 =	vld.idx.msk [tilespmem:v14+s30+$0x0], $0xffff;
	[tilespmem:s16+$0xFFFFFF90] =	vst v13  }
0x25f: {  	s9 =	sadd.s32 $0x80, s9;
	v6 =	vld.idx.msk [tilespmem:v16+s30+$0x0], $0xffff;
	[tilespmem:s16+$0xFFFFFFF0] =	vst v15;
	s16 =	sadd.s32 $0x80, s16  }
.Ltmp15:
0x260: {  	_ = 	snop;
	(pc) =	sbr.rel .LBB2_22-.Ltmp15, $1  }
0x261: {  	_ =	sdelay $0x3  }
.LBB2_25:
0x262: {  	_ =	sfence.sel $0x180000  }
0x263: {  	[bflag:$0x0] =	sbarrier.arrive $0xFFFF  }
0x264: {  	_ =	strace $0x90000047  }
0x265: {  	s0 =	stileid.u32;
	[bflag:$0x2] =	sbarrier.arrive $0xFFFF  }
0x266: {  	p0 =	sne.s32 s0, $0x0;
	s0 =	rddreg [dreg:$0x4]  }
0x267: {  	s0 =	sadd.s32 @!p0 $0x100000, s0  }
0x268: {  	[sflag:s0] =	ssyncadd.tile.s32 @!p0 $0x1;
	_ =	shalt  }
.Lfunc_end2:
_tile_overlayer_lowered:
.L_overlay_start_2:
0x269: {  	(tag) =	ssettag $0x2  }
0x26a: {  	s0 =	rddreg [dreg:$0x0];
	s2 =	stileid.u32  }
0x26b: {  	s1 =	rddreg [dreg:$0x1];
	p0 =	sne.s32 s2, $0x0  }
0x26c: {  	s3 =	rddreg [dreg:$0x2];
	[bflag:$0x3] =	sbarrier.arrive $0xFFFF;
	s2 =	simm.s32 @!p0 $0x1C03  }
0x26d: {  	[timem:s3], [sflag:s2] =	dma.local @!p0 [hbm:s0], s1  }
0x26e: {  	s0 =	simm.s32 @!p0 $0x3  }
0x26f: {  	_ =	swait.ge @!p0 [sflag:s0], s1  }
0x270: {  	s1 =	ssub.s32 @!p0 $0x0, s1;
	[sflag:s0] =	ssyncset.done @!p0 $0x0  }
0x271: {  	[sflag:s0] =	ssyncadd.s32 @!p0 s1  }
0x272: {  	[bflag:$0x3] =	sbarrier.arrive $0xFFFF  }
0x273: {  	_ =	shalt  }

</sc_bundles>
